<compile_context>
chip_gen: v7x
topology: tpu7x:2x2x1
jax: 0.10.2.dev20260603
libtpu: 0.0.44.dev20260713+nightly
codegen_flags: <defaults>
</compile_context>

<pallas_src>
import functools

import jax
import jax.numpy as jnp
from jax import lax
from jax.experimental import pallas as pl
from jax.experimental.pallas import tpu as pltpu
from jax.experimental.pallas import tpu_sc as plsc

TB = 64
CB = 1024
L = 16


def _make_route_gather(T, D, E, P):
    NC, NS = 2, 16
    TPW = T // NS
    HPW = TPW // 2
    mesh = plsc.VectorSubcoreMesh(core_axis_name="c", subcore_axis_name="s")

    @functools.partial(
        pl.kernel, mesh=mesh,
        out_type=[
            jax.ShapeDtypeStruct((P, D), jnp.float32),
            jax.ShapeDtypeStruct((T,), jnp.int32),
            jax.ShapeDtypeStruct((3 * L,), jnp.int32),
        ],
        scratch_types=[
            pltpu.VMEM((TPW,), jnp.int32),
            pltpu.VMEM((HPW,), jnp.int32),
            pltpu.VMEM((HPW,), jnp.int32),
            pltpu.VMEM((HPW, D), jnp.float32),
            pltpu.VMEM((L,), jnp.int32),
            pltpu.VMEM((NS * L,), jnp.int32),
            pltpu.VMEM((3 * L,), jnp.int32),
            pltpu.VMEM_SHARED((NS * L,), jnp.int32),
            pltpu.SemaphoreType.DMA,
        ],
    )
    def route_gather(idx_hbm, x_hbm, xs_hbm, pos_hbm, bex_hbm,
                     idx_v, posva, posvb, rows, cntbuf, cmatv, bexbuf,
                     cnt_sh, sem):
        c = lax.axis_index("c")
        s = lax.axis_index("s")
        lanes = lax.iota(jnp.int32, L)
        sbase = pl.multiple_of(s * TPW, TPW)
        pltpu.sync_copy(idx_hbm.at[pl.ds(sbase, TPW)], idx_v)

        def lane_gather(v, idx):
            return lax.gather(
                v, idx[:, None],
                dimension_numbers=lax.GatherDimensionNumbers(
                    offset_dims=(), collapsed_slice_dims=(0,),
                    start_index_map=(0,)),
                slice_sizes=(1,),
                mode=lax.GatherScatterMode.PROMISE_IN_BOUNDS)

        def splat(v, k):
            return lane_gather(v, jnp.full((L,), k, jnp.int32))

        def prefix_incl(v):
            for k in (1, 2, 4, 8):
                shifted = lane_gather(v, jnp.maximum(lanes - k, 0))
                v = v + jnp.where(lanes >= k, shifted, 0)
            return v

        def chunk_ranks(v, rstart):
            vals = jnp.zeros((L,), jnp.int32)
            add = jnp.zeros((L,), jnp.int32)
            for e in range(E):
                m = v == e
                mi = jnp.where(m, jnp.int32(1), jnp.int32(0))
                pres = prefix_incl(mi)
                tot = splat(pres, L - 1)
                vals = jnp.where(m, splat(rstart, e) + pres - 1, vals)
                add = add + jnp.where(lanes == e, tot, 0)
            return vals, rstart + add

        def cnt_body(i, rs):
            v = idx_v[pl.ds(i * L, L)]
            _, rs = chunk_ranks(v, rs)
            return rs

        mycnt = lax.fori_loop(0, TPW // L, cnt_body,
                              jnp.zeros((L,), jnp.int32))
        cntbuf[...] = mycnt
        pltpu.sync_copy(cntbuf,
                        cnt_sh.at[pl.ds(pl.multiple_of(s * L, L), L)])
        plsc.subcore_barrier()
        pltpu.sync_copy(cnt_sh, cmatv)

        total = jnp.zeros((L,), jnp.int32)
        mypre = jnp.zeros((L,), jnp.int32)
        for s2 in range(NS):
            row = cmatv[pl.ds(s2 * L, L)]
            total = total + row
            mypre = mypre + jnp.where(s2 < s, row, 0)
        seg = jnp.bitwise_and(total + (TB - 1), -TB)
        segend = prefix_incl(seg)
        off = segend - seg
        rstart0 = off + mypre

        def pos_body(tref, base_ci):
            def body(i, rs):
                v = idx_v[pl.ds(pl.multiple_of((base_ci + i) * L, L), L)]
                vals, rs = chunk_ranks(v, rs)
                tref[pl.ds(i * L, L)] = vals
                return rs

            return body

        rs1 = lax.fori_loop(0, HPW // L, pos_body(posva, 0), rstart0)
        lax.fori_loop(0, HPW // L, pos_body(posvb, HPW // L), rs1)

        @pl.when(c == 0)
        def _wpos():
            pltpu.sync_copy(posva, pos_hbm.at[pl.ds(sbase, HPW)])
            pltpu.sync_copy(posvb, pos_hbm.at[pl.ds(sbase + HPW, HPW)])

        @pl.when((c == 0) & (s == 0))
        def _bex():
            for k in range(3):
                bk = jnp.zeros((L,), jnp.int32)
                for e in range(E):
                    sev = splat(segend, e)
                    bk = bk + jnp.where((lanes + k * L) * TB >= sev,
                                        1, 0).astype(jnp.int32)
                bexbuf[pl.ds(k * L, L)] = jnp.minimum(bk, E - 1)
            pltpu.sync_copy(bexbuf, bex_hbm)

        @pl.when(c == 0)
        def _sc0():
            pltpu.sync_copy(x_hbm.at[pl.ds(sbase, HPW)], rows)
            pltpu.async_copy(rows, xs_hbm.at[posva], sem).wait()

        @pl.when(c == 1)
        def _sc1():
            pltpu.sync_copy(x_hbm.at[pl.ds(sbase + HPW, HPW)], rows)
            pltpu.async_copy(rows, xs_hbm.at[posvb], sem).wait()

    return route_gather


def _make_out_gather(T, OUT, P):
    NC, NS = 2, 16
    NW = NC * NS
    RPW = T // NW
    HC = RPW // 4
    mesh = plsc.VectorSubcoreMesh(core_axis_name="c", subcore_axis_name="s")

    @functools.partial(
        pl.kernel, mesh=mesh,
        out_type=jax.ShapeDtypeStruct((T, OUT), jnp.float32),
        scratch_types=[
            pltpu.VMEM((HC,), jnp.int32),
            pltpu.VMEM((HC,), jnp.int32),
            pltpu.VMEM((HC, OUT), jnp.float32),
            pltpu.VMEM((HC, OUT), jnp.float32),
            pltpu.SemaphoreType.DMA,
            pltpu.SemaphoreType.DMA,
        ],
    )
    def out_gather(outs_hbm, pos_hbm, out_hbm, posa, posb, rowsa, rowsb,
                   sema, semb):
        c = lax.axis_index("c")
        s = lax.axis_index("s")
        wid = s * NC + c
        base = pl.multiple_of(RPW * wid, RPW)
        pltpu.sync_copy(pos_hbm.at[pl.ds(base, HC)], posa)
        cps = [None, None]
        bufs = [rowsa, rowsb]
        sems = [sema, semb]
        cps[0] = pltpu.async_copy(outs_hbm.at[posa], rowsa, sema)
        for h in range(1, 4):
            pbuf = posa if (h % 2 == 0) else posb
            pltpu.sync_copy(pos_hbm.at[pl.ds(base + h * HC, HC)], pbuf)
            cps[h % 2] = pltpu.async_copy(outs_hbm.at[pbuf], bufs[h % 2],
                                          sems[h % 2])
            cps[(h - 1) % 2].wait()
            pltpu.sync_copy(bufs[(h - 1) % 2],
                            out_hbm.at[pl.ds(base + (h - 1) * HC, HC)])
        cps[1].wait()
        pltpu.sync_copy(bufs[1], out_hbm.at[pl.ds(base + 3 * HC, HC)])

    return out_gather


def _gmm_body(bex_ref, xs_ref, w_ref, a_ref, b_ref, dw_ref, metas_ref, ss_ref,
              out_ref):
    xs32 = xs_ref[...]
    xb = xs32.astype(jnp.bfloat16)
    base = jax.lax.dot_general(
        xb, w_ref[...].astype(jnp.bfloat16), (((1,), (1,)), ((), ())),
        preferred_element_type=jnp.float32)
    mid = jnp.dot(xb, a_ref[0],
                  preferred_element_type=jnp.float32)
    lora = jnp.dot(mid.astype(jnp.bfloat16), b_ref[0],
                   preferred_element_type=jnp.float32)
    dmm = jnp.dot(xb, dw_ref[0].astype(jnp.bfloat16),
                  preferred_element_type=jnp.float32)
    rs = jnp.sum(xs32, axis=1, keepdims=True)
    out_ref[...] = base + lora + dmm * ss_ref[0] + rs * metas_ref[0]


def _grouped_matmul(bex, xs, W, A, B, DW, metas, ss, P):
    E, D, R2 = A.shape
    OUT = B.shape[2]
    ntb = P // TB

    def emap(tb, bex_ref):
        return (bex_ref[tb], 0, 0)

    grid_spec = pltpu.PrefetchScalarGridSpec(
        num_scalar_prefetch=1,
        grid=(ntb,),
        in_specs=[
            pl.BlockSpec((TB, D), lambda tb, bex_ref: (tb, 0)),
            pl.BlockSpec((OUT, D), lambda tb, bex_ref: (0, 0)),
            pl.BlockSpec((1, D, R2), emap),
            pl.BlockSpec((1, R2, OUT), emap),
            pl.BlockSpec((1, D, OUT), emap),
            pl.BlockSpec((1, 1, OUT), emap),
            pl.BlockSpec((1, 1, OUT), emap),
        ],
        out_specs=pl.BlockSpec((TB, OUT), lambda tb, bex_ref: (tb, 0)),
    )
    return pl.pallas_call(
        _gmm_body,
        grid_spec=grid_spec,
        out_shape=jax.ShapeDtypeStruct((P, OUT), jnp.float32),
        compiler_params=pltpu.CompilerParams(
            dimension_semantics=("arbitrary",)),
    )(bex, xs, W, A, B, DW, metas, ss)


def kernel(input_, weight_indices, W, A_buffer, B_buffer, DeltaW_buffer,
           metas_buffer, ss_buffer):
    T, D = input_.shape
    E = A_buffer.shape[0]
    OUT = B_buffer.shape[2]
    P = T + E * TB
    idx = weight_indices.astype(jnp.int32)

    R = A_buffer.shape[2] // 2
    bd = B_buffer.shape[2] // 2
    Bp = jnp.zeros((E, 2 * R, 2 * bd), jnp.bfloat16)
    Bp = Bp.at[:, :R, :bd].set(B_buffer[:, :, :bd].astype(jnp.bfloat16))
    Bp = Bp.at[:, R:, bd:].set(B_buffer[:, :, bd:].astype(jnp.bfloat16))
    Ab = A_buffer.astype(jnp.bfloat16)

    xs, pos, bex = _make_route_gather(T, D, E, P)(idx, input_)

    out_sorted = _grouped_matmul(
        bex, xs, W, Ab, Bp, DeltaW_buffer,
        metas_buffer, ss_buffer, P)

    return _make_out_gather(T, OUT, P)(out_sorted, pos)

# --- scband reference (transcript-rebuilt; emitter-appended) ---
"""Pipeline reference for scband-merged-column-parallel-linear-with-topping-63926293234283 (READ-ONLY COPY).

The authoritative reference and input builder live on the scoring server;
editing this copy changes nothing except your own understanding.
"""

import jax, jax.numpy as jnp
import numpy as np


def ldmm(indices, x, LwA, LwB, DeltaW, metas, ss):
    # Per-token multi-adapter low-rank + dequantized-delta matmul.
    # LoRA part: gather per-token adapter factors and apply x @ A_i @ B_i.
    A = jnp.take(LwA, indices, axis=0)          # [T, d, r]
    B = jnp.take(LwB, indices, axis=0)          # [T, r, o]
    lora_mid = jnp.einsum('td,tdr->tr', x, A)   # [T, r]
    lora = jnp.einsum('tr,tro->to', lora_mid, B)  # [T, o]
    # Delta part: dequantize per-adapter delta weights with scales (ss) and
    # metadata offsets (metas), then apply grouped by adapter to avoid
    # materializing per-token full weight matrices.
    E = DeltaW.shape[0]
    Wd = DeltaW * ss + metas                     # [E, d, o]
    onehot = jax.nn.one_hot(indices, E, dtype=x.dtype)  # [T, E]
    delta = jnp.zeros((x.shape[0], DeltaW.shape[2]), dtype=x.dtype)
    for e in range(E):
        delta = delta + (onehot[:, e:e + 1] * x) @ Wd[e]
    return lora + delta


def setup_inputs(seed: int = 0) -> dict:
    key = jax.random.key(seed)
    ks = jax.random.split(key, 8)
    T, d_model, b_dim, rank, E = 2048, 1024, 1024, 16, 8
    input_ = jax.random.normal(ks[0], (T, d_model), dtype=jnp.float32)
    weight_indices = jax.random.randint(ks[1], (T,), 0, E)
    # base MergedColumnParallelLinear weight: [sum(output_sizes), in] = [2*b_dim, d_model]
    W = jax.random.normal(ks[2], (2 * b_dim, d_model), dtype=jnp.float32) * 0.02
    A_buffer = jax.random.normal(ks[3], (E, d_model, 2 * rank), dtype=jnp.float32) * 0.02
    B_buffer = jax.random.normal(ks[4], (E, rank, 2 * b_dim), dtype=jnp.float32) * 0.02
    DeltaW_buffer = jax.random.normal(ks[5], (E, d_model, 2 * b_dim), dtype=jnp.float32) * 0.02
    metas_buffer = jax.random.normal(ks[6], (E, 1, 2 * b_dim), dtype=jnp.float32) * 0.001
    ss_buffer = jax.random.uniform(ks[7], (E, 1, 2 * b_dim), dtype=jnp.float32)
    return {
        'input_': input_,
        'weight_indices': weight_indices,
        'W': W,
        'A_buffer': A_buffer,
        'B_buffer': B_buffer,
        'DeltaW_buffer': DeltaW_buffer,
        'metas_buffer': metas_buffer,
        'ss_buffer': ss_buffer,
    }


def reference(input_, weight_indices, W, A_buffer, B_buffer, DeltaW_buffer, metas_buffer, ss_buffer):
    # base layer: merged column-parallel linear (no bias)
    base_output = input_ @ W.T                   # [T, 2*b_dim]
    rank = A_buffer.shape[2] // 2
    b_dim = B_buffer.shape[2] // 2
    delta_dim = DeltaW_buffer.shape[2] // 2
    metas_dim = metas_buffer.shape[2] // 2
    ss_dim = ss_buffer.shape[2] // 2
    for i in range(2):
        out = ldmm(
            weight_indices,
            input_,
            A_buffer[:, :, i * rank:(i + 1) * rank],
            B_buffer[:, :, i * b_dim:(i + 1) * b_dim],
            DeltaW_buffer[:, :, i * delta_dim:(i + 1) * delta_dim],
            metas_buffer[:, :, i * metas_dim:(i + 1) * metas_dim],
            ss_buffer[:, :, i * ss_dim:(i + 1) * ss_dim],
        )
        base_output = base_output.at[:, i * b_dim:(i + 1) * b_dim].add(out)
    return base_output

if __name__ == "__main__":
    import jax
    _d = setup_inputs()
    print(jax.jit(kernel)(*tuple(_d.values())))

</pallas_src>

<mosaic_0001>
#map = affine_map<(d0, d1) -> (0)>
#map1 = affine_map<(d0, d1) -> (0, 0)>
module attributes {stable_mosaic.version = 14 : i64} {
  func.func @route_gather(%arg0: i32, %arg1: i32, %arg2: memref<2048xi32, #tpu.memory_space<hbm>>, %arg3: memref<2048x1024xf32, #tpu.memory_space<hbm>>, %arg4: memref<2560x1024xf32, #tpu.memory_space<hbm>>, %arg5: memref<2048xi32, #tpu.memory_space<hbm>>, %arg6: memref<48xi32, #tpu.memory_space<hbm>>, %arg7: memref<128xi32, #tpu.memory_space<vmem>>, %arg8: memref<64xi32, #tpu.memory_space<vmem>>, %arg9: memref<64xi32, #tpu.memory_space<vmem>>, %arg10: memref<64x1024xf32, #tpu.memory_space<vmem>>, %arg11: memref<16xi32, #tpu.memory_space<vmem>>, %arg12: memref<256xi32, #tpu.memory_space<vmem>>, %arg13: memref<48xi32, #tpu.memory_space<vmem>>, %arg14: memref<256xi32, #tpu.memory_space<vmem_shared>>, %arg15: memref<!tpu.dma_semaphore, #tpu.memory_space<semaphore_mem>>) attributes {dimension_semantics = [#tpu.dimension_semantics<core_parallel>, #tpu.dimension_semantics<subcore_parallel>], iteration_bounds = array<i64: 2, 16>, scalar_prefetch = 0 : i64, scratch_operands = 9 : i64, tpu.core_type = #tpu.core_type<sc_vector_subcore>, window_params = [{transform_indices = #map}, {transform_indices = #map1}, {transform_indices = #map1}, {transform_indices = #map}, {transform_indices = #map}]} {
    %iota3A = tpu.iota {dimensions = array<i32: 0>} : vector<16xi32>
    %mul3A = arith.constant 128 : i32
    %mul3A_0 = arith.muli %arg1, %mul3A : i32
    %multiple_of3A = tpu.assume_multiple %mul3A_0, 128 : i32
    "tpu.region"() ({
      %run_scoped3A = tpu.sem_alloc : memref<!tpu.dma_semaphore, #tpu.memory_space<semaphore_mem>>
      %dma_start3A = tpu.memref_slice %arg2[%multiple_of3A] : memref<2048xi32, #tpu.memory_space<hbm>> -> memref<128xi32, #tpu.memory_space<hbm>>
      %dma_start3A_271 = tpu.memref_slice %arg2[%multiple_of3A] : memref<2048xi32, #tpu.memory_space<hbm>> -> memref<128xi32, #tpu.memory_space<hbm>>
      tpu.enqueue_dma source(%dma_start3A_271 : memref<128xi32, #tpu.memory_space<hbm>>) target(%arg7 : memref<128xi32, #tpu.memory_space<vmem>>) target_semaphore(%run_scoped3A : memref<!tpu.dma_semaphore, #tpu.memory_space<semaphore_mem>>)
      %dma_wait3A = tpu.memref_slice %arg2[%multiple_of3A] : memref<2048xi32, #tpu.memory_space<hbm>> -> memref<128xi32, #tpu.memory_space<hbm>>
      %dma_wait3A_272 = tpu.memref_slice %arg2[%multiple_of3A] : memref<2048xi32, #tpu.memory_space<hbm>> -> memref<128xi32, #tpu.memory_space<hbm>>
      tpu.wait_dma2 semaphore(%run_scoped3A : memref<!tpu.dma_semaphore, #tpu.memory_space<semaphore_mem>>) src(%dma_wait3A_272 : memref<128xi32, #tpu.memory_space<hbm>>) dst(%arg7 : memref<128xi32, #tpu.memory_space<vmem>>)
      tpu.yield
    }) : () -> ()
    %broadcast_in_dim3A = arith.constant 0 : i32
    %broadcast_in_dim3A_1 = vector.broadcast %broadcast_in_dim3A : i32 to vector<16xi32>
    %scan3A = arith.constant 0 : i32
    %scan3A_2 = arith.constant 8 : i32
    %scan3A_3 = arith.addi %scan3A, %scan3A_2 : i32
    %scan3A_4 = arith.constant 1 : i32
    %scan3A_5 = scf.for %scan3A_271 = %scan3A to %scan3A_3 step %scan3A_4 iter_args(%scan3A_272 = %broadcast_in_dim3A_1) -> (vector<16xi32>)  : i32 {
      %mul3A_273 = arith.constant 16 : i32
      %mul3A_274 = arith.muli %scan3A_271, %mul3A_273 : i32
      %get3A_275 = arith.index_cast %mul3A_274 : i32 to index
      %get3A_276 = tpu.vector_load %arg7[%get3A_275] {strides = array<i32>} : memref<128xi32, #tpu.memory_space<vmem>>, vector<16xi32>,
      %get3A_277 = vector.shape_cast %get3A_276 : vector<16xi32> to vector<16xi32>
      %broadcast_in_dim3A_278 = arith.constant 0 : i32
      %broadcast_in_dim3A_279 = vector.broadcast %broadcast_in_dim3A_278 : i32 to vector<16xi32>
      %broadcast_in_dim3A_280 = arith.constant 0 : i32
      %broadcast_in_dim3A_281 = vector.broadcast %broadcast_in_dim3A_280 : i32 to vector<16xi32>
      %eq3A_282 = arith.constant 0 : i32
      %eq3A_283 = vector.broadcast %eq3A_282 : i32 to vector<16xi32>
      %eq3A_284 = arith.cmpi eq, %get3A_277, %eq3A_283 : vector<16xi32>
      %jit3A_285 = arith.constant 1 : i32
      %jit3A_286 = arith.constant 0 : i32
      %broadcast_in_dim3A_287 = vector.broadcast %jit3A_285 : i32 to vector<16xi32>
      %broadcast_in_dim3A_288 = vector.broadcast %jit3A_286 : i32 to vector<16xi32>
      %select_n3A_289 = arith.select %eq3A_284, %broadcast_in_dim3A_287, %broadcast_in_dim3A_288 : vector<16xi1>, vector<16xi32>
      %sub3A_290 = arith.constant 1 : i32
      %sub3A_291 = vector.broadcast %sub3A_290 : i32 to vector<16xi32>
      %sub3A_292 = arith.subi %iota3A, %sub3A_291 : vector<16xi32>
      %max3A_293 = arith.constant 0 : i32
      %max3A_294 = vector.broadcast %max3A_293 : i32 to vector<16xi32>
      %max3A_295 = arith.maxsi %sub3A_292, %max3A_294 : vector<16xi32>
      %broadcast_in_dim3A_296 = vector.shape_cast %max3A_295 : vector<16xi32> to vector<16x1xi32>
      %gather3A_297 = vector.shape_cast %broadcast_in_dim3A_296 : vector<16x1xi32> to vector<16xi32>
      %gather3A_298 = tpu.dynamic_gather %select_n3A_289[%gather3A_297] in [0] : vector<16xi32>, vector<16xi32> -> vector<16xi32>
      %ge3A_299 = arith.constant 1 : i32
      %ge3A_300 = vector.broadcast %ge3A_299 : i32 to vector<16xi32>
      %ge3A_301 = arith.cmpi sge, %iota3A, %ge3A_300 : vector<16xi32>
      %jit3A_302 = arith.constant 0 : i32
      %broadcast_in_dim3A_303 = vector.broadcast %jit3A_302 : i32 to vector<16xi32>
      %select_n3A_304 = arith.select %ge3A_301, %gather3A_298, %broadcast_in_dim3A_303 : vector<16xi1>, vector<16xi32>
      %add3A_305 = arith.addi %select_n3A_289, %select_n3A_304 : vector<16xi32>
      %sub3A_306 = arith.constant 2 : i32
      %sub3A_307 = vector.broadcast %sub3A_306 : i32 to vector<16xi32>
      %sub3A_308 = arith.subi %iota3A, %sub3A_307 : vector<16xi32>
      %max3A_309 = arith.constant 0 : i32
      %max3A_310 = vector.broadcast %max3A_309 : i32 to vector<16xi32>
      %max3A_311 = arith.maxsi %sub3A_308, %max3A_310 : vector<16xi32>
      %broadcast_in_dim3A_312 = vector.shape_cast %max3A_311 : vector<16xi32> to vector<16x1xi32>
      %gather3A_313 = vector.shape_cast %broadcast_in_dim3A_312 : vector<16x1xi32> to vector<16xi32>
      %gather3A_314 = tpu.dynamic_gather %add3A_305[%gather3A_313] in [0] : vector<16xi32>, vector<16xi32> -> vector<16xi32>
      %ge3A_315 = arith.constant 2 : i32
      %ge3A_316 = vector.broadcast %ge3A_315 : i32 to vector<16xi32>
      %ge3A_317 = arith.cmpi sge, %iota3A, %ge3A_316 : vector<16xi32>
      %jit3A_318 = arith.constant 0 : i32
      %broadcast_in_dim3A_319 = vector.broadcast %jit3A_318 : i32 to vector<16xi32>
      %select_n3A_320 = arith.select %ge3A_317, %gather3A_314, %broadcast_in_dim3A_319 : vector<16xi1>, vector<16xi32>
      %add3A_321 = arith.addi %add3A_305, %select_n3A_320 : vector<16xi32>
      %sub3A_322 = arith.constant 4 : i32
      %sub3A_323 = vector.broadcast %sub3A_322 : i32 to vector<16xi32>
      %sub3A_324 = arith.subi %iota3A, %sub3A_323 : vector<16xi32>
      %max3A_325 = arith.constant 0 : i32
      %max3A_326 = vector.broadcast %max3A_325 : i32 to vector<16xi32>
      %max3A_327 = arith.maxsi %sub3A_324, %max3A_326 : vector<16xi32>
      %broadcast_in_dim3A_328 = vector.shape_cast %max3A_327 : vector<16xi32> to vector<16x1xi32>
      %gather3A_329 = vector.shape_cast %broadcast_in_dim3A_328 : vector<16x1xi32> to vector<16xi32>
      %gather3A_330 = tpu.dynamic_gather %add3A_321[%gather3A_329] in [0] : vector<16xi32>, vector<16xi32> -> vector<16xi32>
      %ge3A_331 = arith.constant 4 : i32
      %ge3A_332 = vector.broadcast %ge3A_331 : i32 to vector<16xi32>
      %ge3A_333 = arith.cmpi sge, %iota3A, %ge3A_332 : vector<16xi32>
      %jit3A_334 = arith.constant 0 : i32
      %broadcast_in_dim3A_335 = vector.broadcast %jit3A_334 : i32 to vector<16xi32>
      %select_n3A_336 = arith.select %ge3A_333, %gather3A_330, %broadcast_in_dim3A_335 : vector<16xi1>, vector<16xi32>
      %add3A_337 = arith.addi %add3A_321, %select_n3A_336 : vector<16xi32>
      %sub3A_338 = arith.constant 8 : i32
      %sub3A_339 = vector.broadcast %sub3A_338 : i32 to vector<16xi32>
      %sub3A_340 = arith.subi %iota3A, %sub3A_339 : vector<16xi32>
      %max3A_341 = arith.constant 0 : i32
      %max3A_342 = vector.broadcast %max3A_341 : i32 to vector<16xi32>
      %max3A_343 = arith.maxsi %sub3A_340, %max3A_342 : vector<16xi32>
      %broadcast_in_dim3A_344 = vector.shape_cast %max3A_343 : vector<16xi32> to vector<16x1xi32>
      %gather3A_345 = vector.shape_cast %broadcast_in_dim3A_344 : vector<16x1xi32> to vector<16xi32>
      %gather3A_346 = tpu.dynamic_gather %add3A_337[%gather3A_345] in [0] : vector<16xi32>, vector<16xi32> -> vector<16xi32>
      %ge3A_347 = arith.constant 8 : i32
      %ge3A_348 = vector.broadcast %ge3A_347 : i32 to vector<16xi32>
      %ge3A_349 = arith.cmpi sge, %iota3A, %ge3A_348 : vector<16xi32>
      %jit3A_350 = arith.constant 0 : i32
      %broadcast_in_dim3A_351 = vector.broadcast %jit3A_350 : i32 to vector<16xi32>
      %select_n3A_352 = arith.select %ge3A_349, %gather3A_346, %broadcast_in_dim3A_351 : vector<16xi1>, vector<16xi32>
      %add3A_353 = arith.addi %add3A_337, %select_n3A_352 : vector<16xi32>
      %broadcast_in_dim3A_354 = arith.constant 15 : i32
      %broadcast_in_dim3A_355 = vector.broadcast %broadcast_in_dim3A_354 : i32 to vector<16xi32>
      %broadcast_in_dim3A_356 = vector.shape_cast %broadcast_in_dim3A_355 : vector<16xi32> to vector<16x1xi32>
      %gather3A_357 = vector.shape_cast %broadcast_in_dim3A_356 : vector<16x1xi32> to vector<16xi32>
      %gather3A_358 = tpu.dynamic_gather %add3A_353[%gather3A_357] in [0] : vector<16xi32>, vector<16xi32> -> vector<16xi32>
      %broadcast_in_dim3A_359 = arith.constant 0 : i32
      %broadcast_in_dim3A_360 = vector.broadcast %broadcast_in_dim3A_359 : i32 to vector<16xi32>
      %broadcast_in_dim3A_361 = vector.shape_cast %broadcast_in_dim3A_360 : vector<16xi32> to vector<16x1xi32>
      %gather3A_362 = vector.shape_cast %broadcast_in_dim3A_361 : vector<16x1xi32> to vector<16xi32>
      %gather3A_363 = tpu.dynamic_gather %scan3A_272[%gather3A_362] in [0] : vector<16xi32>, vector<16xi32> -> vector<16xi32>
      %add3A_364 = arith.addi %gather3A_363, %add3A_353 : vector<16xi32>
      %sub3A_365 = arith.constant 1 : i32
      %sub3A_366 = vector.broadcast %sub3A_365 : i32 to vector<16xi32>
      %sub3A_367 = arith.subi %add3A_364, %sub3A_366 : vector<16xi32>
      %select_n3A_368 = arith.select %eq3A_284, %sub3A_367, %broadcast_in_dim3A_279 : vector<16xi1>, vector<16xi32>
      %eq3A_369 = arith.constant 0 : i32
      %eq3A_370 = vector.broadcast %eq3A_369 : i32 to vector<16xi32>
      %eq3A_371 = arith.cmpi eq, %iota3A, %eq3A_370 : vector<16xi32>
      %jit3A_372 = arith.constant 0 : i32
      %broadcast_in_dim3A_373 = vector.broadcast %jit3A_372 : i32 to vector<16xi32>
      %select_n3A_374 = arith.select %eq3A_371, %gather3A_358, %broadcast_in_dim3A_373 : vector<16xi1>, vector<16xi32>
      %add3A_375 = arith.addi %broadcast_in_dim3A_281, %select_n3A_374 : vector<16xi32>
      %eq3A_376 = arith.constant 1 : i32
      %eq3A_377 = vector.broadcast %eq3A_376 : i32 to vector<16xi32>
      %eq3A_378 = arith.cmpi eq, %get3A_277, %eq3A_377 : vector<16xi32>
      %jit3A_379 = arith.constant 1 : i32
      %jit3A_380 = arith.constant 0 : i32
      %broadcast_in_dim3A_381 = vector.broadcast %jit3A_379 : i32 to vector<16xi32>
      %broadcast_in_dim3A_382 = vector.broadcast %jit3A_380 : i32 to vector<16xi32>
      %select_n3A_383 = arith.select %eq3A_378, %broadcast_in_dim3A_381, %broadcast_in_dim3A_382 : vector<16xi1>, vector<16xi32>
      %sub3A_384 = arith.constant 1 : i32
      %sub3A_385 = vector.broadcast %sub3A_384 : i32 to vector<16xi32>
      %sub3A_386 = arith.subi %iota3A, %sub3A_385 : vector<16xi32>
      %max3A_387 = arith.constant 0 : i32
      %max3A_388 = vector.broadcast %max3A_387 : i32 to vector<16xi32>
      %max3A_389 = arith.maxsi %sub3A_386, %max3A_388 : vector<16xi32>
      %broadcast_in_dim3A_390 = vector.shape_cast %max3A_389 : vector<16xi32> to vector<16x1xi32>
      %gather3A_391 = vector.shape_cast %broadcast_in_dim3A_390 : vector<16x1xi32> to vector<16xi32>
      %gather3A_392 = tpu.dynamic_gather %select_n3A_383[%gather3A_391] in [0] : vector<16xi32>, vector<16xi32> -> vector<16xi32>
      %ge3A_393 = arith.constant 1 : i32
      %ge3A_394 = vector.broadcast %ge3A_393 : i32 to vector<16xi32>
      %ge3A_395 = arith.cmpi sge, %iota3A, %ge3A_394 : vector<16xi32>
      %jit3A_396 = arith.constant 0 : i32
      %broadcast_in_dim3A_397 = vector.broadcast %jit3A_396 : i32 to vector<16xi32>
      %select_n3A_398 = arith.select %ge3A_395, %gather3A_392, %broadcast_in_dim3A_397 : vector<16xi1>, vector<16xi32>
      %add3A_399 = arith.addi %select_n3A_383, %select_n3A_398 : vector<16xi32>
      %sub3A_400 = arith.constant 2 : i32
      %sub3A_401 = vector.broadcast %sub3A_400 : i32 to vector<16xi32>
      %sub3A_402 = arith.subi %iota3A, %sub3A_401 : vector<16xi32>
      %max3A_403 = arith.constant 0 : i32
      %max3A_404 = vector.broadcast %max3A_403 : i32 to vector<16xi32>
      %max3A_405 = arith.maxsi %sub3A_402, %max3A_404 : vector<16xi32>
      %broadcast_in_dim3A_406 = vector.shape_cast %max3A_405 : vector<16xi32> to vector<16x1xi32>
      %gather3A_407 = vector.shape_cast %broadcast_in_dim3A_406 : vector<16x1xi32> to vector<16xi32>
      %gather3A_408 = tpu.dynamic_gather %add3A_399[%gather3A_407] in [0] : vector<16xi32>, vector<16xi32> -> vector<16xi32>
      %ge3A_409 = arith.constant 2 : i32
      %ge3A_410 = vector.broadcast %ge3A_409 : i32 to vector<16xi32>
      %ge3A_411 = arith.cmpi sge, %iota3A, %ge3A_410 : vector<16xi32>
      %jit3A_412 = arith.constant 0 : i32
      %broadcast_in_dim3A_413 = vector.broadcast %jit3A_412 : i32 to vector<16xi32>
      %select_n3A_414 = arith.select %ge3A_411, %gather3A_408, %broadcast_in_dim3A_413 : vector<16xi1>, vector<16xi32>
      %add3A_415 = arith.addi %add3A_399, %select_n3A_414 : vector<16xi32>
      %sub3A_416 = arith.constant 4 : i32
      %sub3A_417 = vector.broadcast %sub3A_416 : i32 to vector<16xi32>
      %sub3A_418 = arith.subi %iota3A, %sub3A_417 : vector<16xi32>
      %max3A_419 = arith.constant 0 : i32
      %max3A_420 = vector.broadcast %max3A_419 : i32 to vector<16xi32>
      %max3A_421 = arith.maxsi %sub3A_418, %max3A_420 : vector<16xi32>
      %broadcast_in_dim3A_422 = vector.shape_cast %max3A_421 : vector<16xi32> to vector<16x1xi32>
      %gather3A_423 = vector.shape_cast %broadcast_in_dim3A_422 : vector<16x1xi32> to vector<16xi32>
      %gather3A_424 = tpu.dynamic_gather %add3A_415[%gather3A_423] in [0] : vector<16xi32>, vector<16xi32> -> vector<16xi32>
      %ge3A_425 = arith.constant 4 : i32
      %ge3A_426 = vector.broadcast %ge3A_425 : i32 to vector<16xi32>
      %ge3A_427 = arith.cmpi sge, %iota3A, %ge3A_426 : vector<16xi32>
      %jit3A_428 = arith.constant 0 : i32
      %broadcast_in_dim3A_429 = vector.broadcast %jit3A_428 : i32 to vector<16xi32>
      %select_n3A_430 = arith.select %ge3A_427, %gather3A_424, %broadcast_in_dim3A_429 : vector<16xi1>, vector<16xi32>
      %add3A_431 = arith.addi %add3A_415, %select_n3A_430 : vector<16xi32>
      %sub3A_432 = arith.constant 8 : i32
      %sub3A_433 = vector.broadcast %sub3A_432 : i32 to vector<16xi32>
      %sub3A_434 = arith.subi %iota3A, %sub3A_433 : vector<16xi32>
      %max3A_435 = arith.constant 0 : i32
      %max3A_436 = vector.broadcast %max3A_435 : i32 to vector<16xi32>
      %max3A_437 = arith.maxsi %sub3A_434, %max3A_436 : vector<16xi32>
      %broadcast_in_dim3A_438 = vector.shape_cast %max3A_437 : vector<16xi32> to vector<16x1xi32>
      %gather3A_439 = vector.shape_cast %broadcast_in_dim3A_438 : vector<16x1xi32> to vector<16xi32>
      %gather3A_440 = tpu.dynamic_gather %add3A_431[%gather3A_439] in [0] : vector<16xi32>, vector<16xi32> -> vector<16xi32>
      %ge3A_441 = arith.constant 8 : i32
      %ge3A_442 = vector.broadcast %ge3A_441 : i32 to vector<16xi32>
      %ge3A_443 = arith.cmpi sge, %iota3A, %ge3A_442 : vector<16xi32>
      %jit3A_444 = arith.constant 0 : i32
      %broadcast_in_dim3A_445 = vector.broadcast %jit3A_444 : i32 to vector<16xi32>
      %select_n3A_446 = arith.select %ge3A_443, %gather3A_440, %broadcast_in_dim3A_445 : vector<16xi1>, vector<16xi32>
      %add3A_447 = arith.addi %add3A_431, %select_n3A_446 : vector<16xi32>
      %broadcast_in_dim3A_448 = arith.constant 15 : i32
      %broadcast_in_dim3A_449 = vector.broadcast %broadcast_in_dim3A_448 : i32 to vector<16xi32>
      %broadcast_in_dim3A_450 = vector.shape_cast %broadcast_in_dim3A_449 : vector<16xi32> to vector<16x1xi32>
      %gather3A_451 = vector.shape_cast %broadcast_in_dim3A_450 : vector<16x1xi32> to vector<16xi32>
      %gather3A_452 = tpu.dynamic_gather %add3A_447[%gather3A_451] in [0] : vector<16xi32>, vector<16xi32> -> vector<16xi32>
      %broadcast_in_dim3A_453 = arith.constant 1 : i32
      %broadcast_in_dim3A_454 = vector.broadcast %broadcast_in_dim3A_453 : i32 to vector<16xi32>
      %broadcast_in_dim3A_455 = vector.shape_cast %broadcast_in_dim3A_454 : vector<16xi32> to vector<16x1xi32>
      %gather3A_456 = vector.shape_cast %broadcast_in_dim3A_455 : vector<16x1xi32> to vector<16xi32>
      %gather3A_457 = tpu.dynamic_gather %scan3A_272[%gather3A_456] in [0] : vector<16xi32>, vector<16xi32> -> vector<16xi32>
      %add3A_458 = arith.addi %gather3A_457, %add3A_447 : vector<16xi32>
      %sub3A_459 = arith.constant 1 : i32
      %sub3A_460 = vector.broadcast %sub3A_459 : i32 to vector<16xi32>
      %sub3A_461 = arith.subi %add3A_458, %sub3A_460 : vector<16xi32>
      %select_n3A_462 = arith.select %eq3A_378, %sub3A_461, %select_n3A_368 : vector<16xi1>, vector<16xi32>
      %eq3A_463 = arith.constant 1 : i32
      %eq3A_464 = vector.broadcast %eq3A_463 : i32 to vector<16xi32>
      %eq3A_465 = arith.cmpi eq, %iota3A, %eq3A_464 : vector<16xi32>
      %jit3A_466 = arith.constant 0 : i32
      %broadcast_in_dim3A_467 = vector.broadcast %jit3A_466 : i32 to vector<16xi32>
      %select_n3A_468 = arith.select %eq3A_465, %gather3A_452, %broadcast_in_dim3A_467 : vector<16xi1>, vector<16xi32>
      %add3A_469 = arith.addi %add3A_375, %select_n3A_468 : vector<16xi32>
      %eq3A_470 = arith.constant 2 : i32
      %eq3A_471 = vector.broadcast %eq3A_470 : i32 to vector<16xi32>
      %eq3A_472 = arith.cmpi eq, %get3A_277, %eq3A_471 : vector<16xi32>
      %jit3A_473 = arith.constant 1 : i32
      %jit3A_474 = arith.constant 0 : i32
      %broadcast_in_dim3A_475 = vector.broadcast %jit3A_473 : i32 to vector<16xi32>
      %broadcast_in_dim3A_476 = vector.broadcast %jit3A_474 : i32 to vector<16xi32>
      %select_n3A_477 = arith.select %eq3A_472, %broadcast_in_dim3A_475, %broadcast_in_dim3A_476 : vector<16xi1>, vector<16xi32>
      %sub3A_478 = arith.constant 1 : i32
      %sub3A_479 = vector.broadcast %sub3A_478 : i32 to vector<16xi32>
      %sub3A_480 = arith.subi %iota3A, %sub3A_479 : vector<16xi32>
      %max3A_481 = arith.constant 0 : i32
      %max3A_482 = vector.broadcast %max3A_481 : i32 to vector<16xi32>
      %max3A_483 = arith.maxsi %sub3A_480, %max3A_482 : vector<16xi32>
      %broadcast_in_dim3A_484 = vector.shape_cast %max3A_483 : vector<16xi32> to vector<16x1xi32>
      %gather3A_485 = vector.shape_cast %broadcast_in_dim3A_484 : vector<16x1xi32> to vector<16xi32>
      %gather3A_486 = tpu.dynamic_gather %select_n3A_477[%gather3A_485] in [0] : vector<16xi32>, vector<16xi32> -> vector<16xi32>
      %ge3A_487 = arith.constant 1 : i32
      %ge3A_488 = vector.broadcast %ge3A_487 : i32 to vector<16xi32>
      %ge3A_489 = arith.cmpi sge, %iota3A, %ge3A_488 : vector<16xi32>
      %jit3A_490 = arith.constant 0 : i32
      %broadcast_in_dim3A_491 = vector.broadcast %jit3A_490 : i32 to vector<16xi32>
      %select_n3A_492 = arith.select %ge3A_489, %gather3A_486, %broadcast_in_dim3A_491 : vector<16xi1>, vector<16xi32>
      %add3A_493 = arith.addi %select_n3A_477, %select_n3A_492 : vector<16xi32>
      %sub3A_494 = arith.constant 2 : i32
      %sub3A_495 = vector.broadcast %sub3A_494 : i32 to vector<16xi32>
      %sub3A_496 = arith.subi %iota3A, %sub3A_495 : vector<16xi32>
      %max3A_497 = arith.constant 0 : i32
      %max3A_498 = vector.broadcast %max3A_497 : i32 to vector<16xi32>
      %max3A_499 = arith.maxsi %sub3A_496, %max3A_498 : vector<16xi32>
      %broadcast_in_dim3A_500 = vector.shape_cast %max3A_499 : vector<16xi32> to vector<16x1xi32>
      %gather3A_501 = vector.shape_cast %broadcast_in_dim3A_500 : vector<16x1xi32> to vector<16xi32>
      %gather3A_502 = tpu.dynamic_gather %add3A_493[%gather3A_501] in [0] : vector<16xi32>, vector<16xi32> -> vector<16xi32>
      %ge3A_503 = arith.constant 2 : i32
      %ge3A_504 = vector.broadcast %ge3A_503 : i32 to vector<16xi32>
      %ge3A_505 = arith.cmpi sge, %iota3A, %ge3A_504 : vector<16xi32>
      %jit3A_506 = arith.constant 0 : i32
      %broadcast_in_dim3A_507 = vector.broadcast %jit3A_506 : i32 to vector<16xi32>
      %select_n3A_508 = arith.select %ge3A_505, %gather3A_502, %broadcast_in_dim3A_507 : vector<16xi1>, vector<16xi32>
      %add3A_509 = arith.addi %add3A_493, %select_n3A_508 : vector<16xi32>
      %sub3A_510 = arith.constant 4 : i32
      %sub3A_511 = vector.broadcast %sub3A_510 : i32 to vector<16xi32>
      %sub3A_512 = arith.subi %iota3A, %sub3A_511 : vector<16xi32>
      %max3A_513 = arith.constant 0 : i32
      %max3A_514 = vector.broadcast %max3A_513 : i32 to vector<16xi32>
      %max3A_515 = arith.maxsi %sub3A_512, %max3A_514 : vector<16xi32>
      %broadcast_in_dim3A_516 = vector.shape_cast %max3A_515 : vector<16xi32> to vector<16x1xi32>
      %gather3A_517 = vector.shape_cast %broadcast_in_dim3A_516 : vector<16x1xi32> to vector<16xi32>
      %gather3A_518 = tpu.dynamic_gather %add3A_509[%gather3A_517] in [0] : vector<16xi32>, vector<16xi32> -> vector<16xi32>
      %ge3A_519 = arith.constant 4 : i32
      %ge3A_520 = vector.broadcast %ge3A_519 : i32 to vector<16xi32>
      %ge3A_521 = arith.cmpi sge, %iota3A, %ge3A_520 : vector<16xi32>
      %jit3A_522 = arith.constant 0 : i32
      %broadcast_in_dim3A_523 = vector.broadcast %jit3A_522 : i32 to vector<16xi32>
      %select_n3A_524 = arith.select %ge3A_521, %gather3A_518, %broadcast_in_dim3A_523 : vector<16xi1>, vector<16xi32>
      %add3A_525 = arith.addi %add3A_509, %select_n3A_524 : vector<16xi32>
      %sub3A_526 = arith.constant 8 : i32
      %sub3A_527 = vector.broadcast %sub3A_526 : i32 to vector<16xi32>
      %sub3A_528 = arith.subi %iota3A, %sub3A_527 : vector<16xi32>
      %max3A_529 = arith.constant 0 : i32
      %max3A_530 = vector.broadcast %max3A_529 : i32 to vector<16xi32>
      %max3A_531 = arith.maxsi %sub3A_528, %max3A_530 : vector<16xi32>
      %broadcast_in_dim3A_532 = vector.shape_cast %max3A_531 : vector<16xi32> to vector<16x1xi32>
      %gather3A_533 = vector.shape_cast %broadcast_in_dim3A_532 : vector<16x1xi32> to vector<16xi32>
      %gather3A_534 = tpu.dynamic_gather %add3A_525[%gather3A_533] in [0] : vector<16xi32>, vector<16xi32> -> vector<16xi32>
      %ge3A_535 = arith.constant 8 : i32
      %ge3A_536 = vector.broadcast %ge3A_535 : i32 to vector<16xi32>
      %ge3A_537 = arith.cmpi sge, %iota3A, %ge3A_536 : vector<16xi32>
      %jit3A_538 = arith.constant 0 : i32
      %broadcast_in_dim3A_539 = vector.broadcast %jit3A_538 : i32 to vector<16xi32>
      %select_n3A_540 = arith.select %ge3A_537, %gather3A_534, %broadcast_in_dim3A_539 : vector<16xi1>, vector<16xi32>
      %add3A_541 = arith.addi %add3A_525, %select_n3A_540 : vector<16xi32>
      %broadcast_in_dim3A_542 = arith.constant 15 : i32
      %broadcast_in_dim3A_543 = vector.broadcast %broadcast_in_dim3A_542 : i32 to vector<16xi32>
      %broadcast_in_dim3A_544 = vector.shape_cast %broadcast_in_dim3A_543 : vector<16xi32> to vector<16x1xi32>
      %gather3A_545 = vector.shape_cast %broadcast_in_dim3A_544 : vector<16x1xi32> to vector<16xi32>
      %gather3A_546 = tpu.dynamic_gather %add3A_541[%gather3A_545] in [0] : vector<16xi32>, vector<16xi32> -> vector<16xi32>
      %broadcast_in_dim3A_547 = arith.constant 2 : i32
      %broadcast_in_dim3A_548 = vector.broadcast %broadcast_in_dim3A_547 : i32 to vector<16xi32>
      %broadcast_in_dim3A_549 = vector.shape_cast %broadcast_in_dim3A_548 : vector<16xi32> to vector<16x1xi32>
      %gather3A_550 = vector.shape_cast %broadcast_in_dim3A_549 : vector<16x1xi32> to vector<16xi32>
      %gather3A_551 = tpu.dynamic_gather %scan3A_272[%gather3A_550] in [0] : vector<16xi32>, vector<16xi32> -> vector<16xi32>
      %add3A_552 = arith.addi %gather3A_551, %add3A_541 : vector<16xi32>
      %sub3A_553 = arith.constant 1 : i32
      %sub3A_554 = vector.broadcast %sub3A_553 : i32 to vector<16xi32>
      %sub3A_555 = arith.subi %add3A_552, %sub3A_554 : vector<16xi32>
      %select_n3A_556 = arith.select %eq3A_472, %sub3A_555, %select_n3A_462 : vector<16xi1>, vector<16xi32>
      %eq3A_557 = arith.constant 2 : i32
      %eq3A_558 = vector.broadcast %eq3A_557 : i32 to vector<16xi32>
      %eq3A_559 = arith.cmpi eq, %iota3A, %eq3A_558 : vector<16xi32>
      %jit3A_560 = arith.constant 0 : i32
      %broadcast_in_dim3A_561 = vector.broadcast %jit3A_560 : i32 to vector<16xi32>
      %select_n3A_562 = arith.select %eq3A_559, %gather3A_546, %broadcast_in_dim3A_561 : vector<16xi1>, vector<16xi32>
      %add3A_563 = arith.addi %add3A_469, %select_n3A_562 : vector<16xi32>
      %eq3A_564 = arith.constant 3 : i32
      %eq3A_565 = vector.broadcast %eq3A_564 : i32 to vector<16xi32>
      %eq3A_566 = arith.cmpi eq, %get3A_277, %eq3A_565 : vector<16xi32>
      %jit3A_567 = arith.constant 1 : i32
      %jit3A_568 = arith.constant 0 : i32
      %broadcast_in_dim3A_569 = vector.broadcast %jit3A_567 : i32 to vector<16xi32>
      %broadcast_in_dim3A_570 = vector.broadcast %jit3A_568 : i32 to vector<16xi32>
      %select_n3A_571 = arith.select %eq3A_566, %broadcast_in_dim3A_569, %broadcast_in_dim3A_570 : vector<16xi1>, vector<16xi32>
      %sub3A_572 = arith.constant 1 : i32
      %sub3A_573 = vector.broadcast %sub3A_572 : i32 to vector<16xi32>
      %sub3A_574 = arith.subi %iota3A, %sub3A_573 : vector<16xi32>
      %max3A_575 = arith.constant 0 : i32
      %max3A_576 = vector.broadcast %max3A_575 : i32 to vector<16xi32>
      %max3A_577 = arith.maxsi %sub3A_574, %max3A_576 : vector<16xi32>
      %broadcast_in_dim3A_578 = vector.shape_cast %max3A_577 : vector<16xi32> to vector<16x1xi32>
      %gather3A_579 = vector.shape_cast %broadcast_in_dim3A_578 : vector<16x1xi32> to vector<16xi32>
      %gather3A_580 = tpu.dynamic_gather %select_n3A_571[%gather3A_579] in [0] : vector<16xi32>, vector<16xi32> -> vector<16xi32>
      %ge3A_581 = arith.constant 1 : i32
      %ge3A_582 = vector.broadcast %ge3A_581 : i32 to vector<16xi32>
      %ge3A_583 = arith.cmpi sge, %iota3A, %ge3A_582 : vector<16xi32>
      %jit3A_584 = arith.constant 0 : i32
      %broadcast_in_dim3A_585 = vector.broadcast %jit3A_584 : i32 to vector<16xi32>
      %select_n3A_586 = arith.select %ge3A_583, %gather3A_580, %broadcast_in_dim3A_585 : vector<16xi1>, vector<16xi32>
      %add3A_587 = arith.addi %select_n3A_571, %select_n3A_586 : vector<16xi32>
      %sub3A_588 = arith.constant 2 : i32
      %sub3A_589 = vector.broadcast %sub3A_588 : i32 to vector<16xi32>
      %sub3A_590 = arith.subi %iota3A, %sub3A_589 : vector<16xi32>
      %max3A_591 = arith.constant 0 : i32
      %max3A_592 = vector.broadcast %max3A_591 : i32 to vector<16xi32>
      %max3A_593 = arith.maxsi %sub3A_590, %max3A_592 : vector<16xi32>
      %broadcast_in_dim3A_594 = vector.shape_cast %max3A_593 : vector<16xi32> to vector<16x1xi32>
      %gather3A_595 = vector.shape_cast %broadcast_in_dim3A_594 : vector<16x1xi32> to vector<16xi32>
      %gather3A_596 = tpu.dynamic_gather %add3A_587[%gather3A_595] in [0] : vector<16xi32>, vector<16xi32> -> vector<16xi32>
      %ge3A_597 = arith.constant 2 : i32
      %ge3A_598 = vector.broadcast %ge3A_597 : i32 to vector<16xi32>
      %ge3A_599 = arith.cmpi sge, %iota3A, %ge3A_598 : vector<16xi32>
      %jit3A_600 = arith.constant 0 : i32
      %broadcast_in_dim3A_601 = vector.broadcast %jit3A_600 : i32 to vector<16xi32>
      %select_n3A_602 = arith.select %ge3A_599, %gather3A_596, %broadcast_in_dim3A_601 : vector<16xi1>, vector<16xi32>
      %add3A_603 = arith.addi %add3A_587, %select_n3A_602 : vector<16xi32>
      %sub3A_604 = arith.constant 4 : i32
      %sub3A_605 = vector.broadcast %sub3A_604 : i32 to vector<16xi32>
      %sub3A_606 = arith.subi %iota3A, %sub3A_605 : vector<16xi32>
      %max3A_607 = arith.constant 0 : i32
      %max3A_608 = vector.broadcast %max3A_607 : i32 to vector<16xi32>
      %max3A_609 = arith.maxsi %sub3A_606, %max3A_608 : vector<16xi32>
      %broadcast_in_dim3A_610 = vector.shape_cast %max3A_609 : vector<16xi32> to vector<16x1xi32>
      %gather3A_611 = vector.shape_cast %broadcast_in_dim3A_610 : vector<16x1xi32> to vector<16xi32>
      %gather3A_612 = tpu.dynamic_gather %add3A_603[%gather3A_611] in [0] : vector<16xi32>, vector<16xi32> -> vector<16xi32>
      %ge3A_613 = arith.constant 4 : i32
      %ge3A_614 = vector.broadcast %ge3A_613 : i32 to vector<16xi32>
      %ge3A_615 = arith.cmpi sge, %iota3A, %ge3A_614 : vector<16xi32>
      %jit3A_616 = arith.constant 0 : i32
      %broadcast_in_dim3A_617 = vector.broadcast %jit3A_616 : i32 to vector<16xi32>
      %select_n3A_618 = arith.select %ge3A_615, %gather3A_612, %broadcast_in_dim3A_617 : vector<16xi1>, vector<16xi32>
      %add3A_619 = arith.addi %add3A_603, %select_n3A_618 : vector<16xi32>
      %sub3A_620 = arith.constant 8 : i32
      %sub3A_621 = vector.broadcast %sub3A_620 : i32 to vector<16xi32>
      %sub3A_622 = arith.subi %iota3A, %sub3A_621 : vector<16xi32>
      %max3A_623 = arith.constant 0 : i32
      %max3A_624 = vector.broadcast %max3A_623 : i32 to vector<16xi32>
      %max3A_625 = arith.maxsi %sub3A_622, %max3A_624 : vector<16xi32>
      %broadcast_in_dim3A_626 = vector.shape_cast %max3A_625 : vector<16xi32> to vector<16x1xi32>
      %gather3A_627 = vector.shape_cast %broadcast_in_dim3A_626 : vector<16x1xi32> to vector<16xi32>
      %gather3A_628 = tpu.dynamic_gather %add3A_619[%gather3A_627] in [0] : vector<16xi32>, vector<16xi32> -> vector<16xi32>
      %ge3A_629 = arith.constant 8 : i32
      %ge3A_630 = vector.broadcast %ge3A_629 : i32 to vector<16xi32>
      %ge3A_631 = arith.cmpi sge, %iota3A, %ge3A_630 : vector<16xi32>
      %jit3A_632 = arith.constant 0 : i32
      %broadcast_in_dim3A_633 = vector.broadcast %jit3A_632 : i32 to vector<16xi32>
      %select_n3A_634 = arith.select %ge3A_631, %gather3A_628, %broadcast_in_dim3A_633 : vector<16xi1>, vector<16xi32>
      %add3A_635 = arith.addi %add3A_619, %select_n3A_634 : vector<16xi32>
      %broadcast_in_dim3A_636 = arith.constant 15 : i32
      %broadcast_in_dim3A_637 = vector.broadcast %broadcast_in_dim3A_636 : i32 to vector<16xi32>
      %broadcast_in_dim3A_638 = vector.shape_cast %broadcast_in_dim3A_637 : vector<16xi32> to vector<16x1xi32>
      %gather3A_639 = vector.shape_cast %broadcast_in_dim3A_638 : vector<16x1xi32> to vector<16xi32>
      %gather3A_640 = tpu.dynamic_gather %add3A_635[%gather3A_639] in [0] : vector<16xi32>, vector<16xi32> -> vector<16xi32>
      %broadcast_in_dim3A_641 = arith.constant 3 : i32
      %broadcast_in_dim3A_642 = vector.broadcast %broadcast_in_dim3A_641 : i32 to vector<16xi32>
      %broadcast_in_dim3A_643 = vector.shape_cast %broadcast_in_dim3A_642 : vector<16xi32> to vector<16x1xi32>
      %gather3A_644 = vector.shape_cast %broadcast_in_dim3A_643 : vector<16x1xi32> to vector<16xi32>
      %gather3A_645 = tpu.dynamic_gather %scan3A_272[%gather3A_644] in [0] : vector<16xi32>, vector<16xi32> -> vector<16xi32>
      %add3A_646 = arith.addi %gather3A_645, %add3A_635 : vector<16xi32>
      %sub3A_647 = arith.constant 1 : i32
      %sub3A_648 = vector.broadcast %sub3A_647 : i32 to vector<16xi32>
      %sub3A_649 = arith.subi %add3A_646, %sub3A_648 : vector<16xi32>
      %select_n3A_650 = arith.select %eq3A_566, %sub3A_649, %select_n3A_556 : vector<16xi1>, vector<16xi32>
      %eq3A_651 = arith.constant 3 : i32
      %eq3A_652 = vector.broadcast %eq3A_651 : i32 to vector<16xi32>
      %eq3A_653 = arith.cmpi eq, %iota3A, %eq3A_652 : vector<16xi32>
      %jit3A_654 = arith.constant 0 : i32
      %broadcast_in_dim3A_655 = vector.broadcast %jit3A_654 : i32 to vector<16xi32>
      %select_n3A_656 = arith.select %eq3A_653, %gather3A_640, %broadcast_in_dim3A_655 : vector<16xi1>, vector<16xi32>
      %add3A_657 = arith.addi %add3A_563, %select_n3A_656 : vector<16xi32>
      %eq3A_658 = arith.constant 4 : i32
      %eq3A_659 = vector.broadcast %eq3A_658 : i32 to vector<16xi32>
      %eq3A_660 = arith.cmpi eq, %get3A_277, %eq3A_659 : vector<16xi32>
      %jit3A_661 = arith.constant 1 : i32
      %jit3A_662 = arith.constant 0 : i32
      %broadcast_in_dim3A_663 = vector.broadcast %jit3A_661 : i32 to vector<16xi32>
      %broadcast_in_dim3A_664 = vector.broadcast %jit3A_662 : i32 to vector<16xi32>
      %select_n3A_665 = arith.select %eq3A_660, %broadcast_in_dim3A_663, %broadcast_in_dim3A_664 : vector<16xi1>, vector<16xi32>
      %sub3A_666 = arith.constant 1 : i32
      %sub3A_667 = vector.broadcast %sub3A_666 : i32 to vector<16xi32>
      %sub3A_668 = arith.subi %iota3A, %sub3A_667 : vector<16xi32>
      %max3A_669 = arith.constant 0 : i32
      %max3A_670 = vector.broadcast %max3A_669 : i32 to vector<16xi32>
      %max3A_671 = arith.maxsi %sub3A_668, %max3A_670 : vector<16xi32>
      %broadcast_in_dim3A_672 = vector.shape_cast %max3A_671 : vector<16xi32> to vector<16x1xi32>
      %gather3A_673 = vector.shape_cast %broadcast_in_dim3A_672 : vector<16x1xi32> to vector<16xi32>
      %gather3A_674 = tpu.dynamic_gather %select_n3A_665[%gather3A_673] in [0] : vector<16xi32>, vector<16xi32> -> vector<16xi32>
      %ge3A_675 = arith.constant 1 : i32
      %ge3A_676 = vector.broadcast %ge3A_675 : i32 to vector<16xi32>
      %ge3A_677 = arith.cmpi sge, %iota3A, %ge3A_676 : vector<16xi32>
      %jit3A_678 = arith.constant 0 : i32
      %broadcast_in_dim3A_679 = vector.broadcast %jit3A_678 : i32 to vector<16xi32>
      %select_n3A_680 = arith.select %ge3A_677, %gather3A_674, %broadcast_in_dim3A_679 : vector<16xi1>, vector<16xi32>
      %add3A_681 = arith.addi %select_n3A_665, %select_n3A_680 : vector<16xi32>
      %sub3A_682 = arith.constant 2 : i32
      %sub3A_683 = vector.broadcast %sub3A_682 : i32 to vector<16xi32>
      %sub3A_684 = arith.subi %iota3A, %sub3A_683 : vector<16xi32>
      %max3A_685 = arith.constant 0 : i32
      %max3A_686 = vector.broadcast %max3A_685 : i32 to vector<16xi32>
      %max3A_687 = arith.maxsi %sub3A_684, %max3A_686 : vector<16xi32>
      %broadcast_in_dim3A_688 = vector.shape_cast %max3A_687 : vector<16xi32> to vector<16x1xi32>
      %gather3A_689 = vector.shape_cast %broadcast_in_dim3A_688 : vector<16x1xi32> to vector<16xi32>
      %gather3A_690 = tpu.dynamic_gather %add3A_681[%gather3A_689] in [0] : vector<16xi32>, vector<16xi32> -> vector<16xi32>
      %ge3A_691 = arith.constant 2 : i32
      %ge3A_692 = vector.broadcast %ge3A_691 : i32 to vector<16xi32>
      %ge3A_693 = arith.cmpi sge, %iota3A, %ge3A_692 : vector<16xi32>
      %jit3A_694 = arith.constant 0 : i32
      %broadcast_in_dim3A_695 = vector.broadcast %jit3A_694 : i32 to vector<16xi32>
      %select_n3A_696 = arith.select %ge3A_693, %gather3A_690, %broadcast_in_dim3A_695 : vector<16xi1>, vector<16xi32>
      %add3A_697 = arith.addi %add3A_681, %select_n3A_696 : vector<16xi32>
      %sub3A_698 = arith.constant 4 : i32
      %sub3A_699 = vector.broadcast %sub3A_698 : i32 to vector<16xi32>
      %sub3A_700 = arith.subi %iota3A, %sub3A_699 : vector<16xi32>
      %max3A_701 = arith.constant 0 : i32
      %max3A_702 = vector.broadcast %max3A_701 : i32 to vector<16xi32>
      %max3A_703 = arith.maxsi %sub3A_700, %max3A_702 : vector<16xi32>
      %broadcast_in_dim3A_704 = vector.shape_cast %max3A_703 : vector<16xi32> to vector<16x1xi32>
      %gather3A_705 = vector.shape_cast %broadcast_in_dim3A_704 : vector<16x1xi32> to vector<16xi32>
      %gather3A_706 = tpu.dynamic_gather %add3A_697[%gather3A_705] in [0] : vector<16xi32>, vector<16xi32> -> vector<16xi32>
      %ge3A_707 = arith.constant 4 : i32
      %ge3A_708 = vector.broadcast %ge3A_707 : i32 to vector<16xi32>
      %ge3A_709 = arith.cmpi sge, %iota3A, %ge3A_708 : vector<16xi32>
      %jit3A_710 = arith.constant 0 : i32
      %broadcast_in_dim3A_711 = vector.broadcast %jit3A_710 : i32 to vector<16xi32>
      %select_n3A_712 = arith.select %ge3A_709, %gather3A_706, %broadcast_in_dim3A_711 : vector<16xi1>, vector<16xi32>
      %add3A_713 = arith.addi %add3A_697, %select_n3A_712 : vector<16xi32>
      %sub3A_714 = arith.constant 8 : i32
      %sub3A_715 = vector.broadcast %sub3A_714 : i32 to vector<16xi32>
      %sub3A_716 = arith.subi %iota3A, %sub3A_715 : vector<16xi32>
      %max3A_717 = arith.constant 0 : i32
      %max3A_718 = vector.broadcast %max3A_717 : i32 to vector<16xi32>
      %max3A_719 = arith.maxsi %sub3A_716, %max3A_718 : vector<16xi32>
      %broadcast_in_dim3A_720 = vector.shape_cast %max3A_719 : vector<16xi32> to vector<16x1xi32>
      %gather3A_721 = vector.shape_cast %broadcast_in_dim3A_720 : vector<16x1xi32> to vector<16xi32>
      %gather3A_722 = tpu.dynamic_gather %add3A_713[%gather3A_721] in [0] : vector<16xi32>, vector<16xi32> -> vector<16xi32>
      %ge3A_723 = arith.constant 8 : i32
      %ge3A_724 = vector.broadcast %ge3A_723 : i32 to vector<16xi32>
      %ge3A_725 = arith.cmpi sge, %iota3A, %ge3A_724 : vector<16xi32>
      %jit3A_726 = arith.constant 0 : i32
      %broadcast_in_dim3A_727 = vector.broadcast %jit3A_726 : i32 to vector<16xi32>
      %select_n3A_728 = arith.select %ge3A_725, %gather3A_722, %broadcast_in_dim3A_727 : vector<16xi1>, vector<16xi32>
      %add3A_729 = arith.addi %add3A_713, %select_n3A_728 : vector<16xi32>
      %broadcast_in_dim3A_730 = arith.constant 15 : i32
      %broadcast_in_dim3A_731 = vector.broadcast %broadcast_in_dim3A_730 : i32 to vector<16xi32>
      %broadcast_in_dim3A_732 = vector.shape_cast %broadcast_in_dim3A_731 : vector<16xi32> to vector<16x1xi32>
      %gather3A_733 = vector.shape_cast %broadcast_in_dim3A_732 : vector<16x1xi32> to vector<16xi32>
      %gather3A_734 = tpu.dynamic_gather %add3A_729[%gather3A_733] in [0] : vector<16xi32>, vector<16xi32> -> vector<16xi32>
      %broadcast_in_dim3A_735 = arith.constant 4 : i32
      %broadcast_in_dim3A_736 = vector.broadcast %broadcast_in_dim3A_735 : i32 to vector<16xi32>
      %broadcast_in_dim3A_737 = vector.shape_cast %broadcast_in_dim3A_736 : vector<16xi32> to vector<16x1xi32>
      %gather3A_738 = vector.shape_cast %broadcast_in_dim3A_737 : vector<16x1xi32> to vector<16xi32>
      %gather3A_739 = tpu.dynamic_gather %scan3A_272[%gather3A_738] in [0] : vector<16xi32>, vector<16xi32> -> vector<16xi32>
      %add3A_740 = arith.addi %gather3A_739, %add3A_729 : vector<16xi32>
      %sub3A_741 = arith.constant 1 : i32
      %sub3A_742 = vector.broadcast %sub3A_741 : i32 to vector<16xi32>
      %sub3A_743 = arith.subi %add3A_740, %sub3A_742 : vector<16xi32>
      %select_n3A_744 = arith.select %eq3A_660, %sub3A_743, %select_n3A_650 : vector<16xi1>, vector<16xi32>
      %eq3A_745 = arith.constant 4 : i32
      %eq3A_746 = vector.broadcast %eq3A_745 : i32 to vector<16xi32>
      %eq3A_747 = arith.cmpi eq, %iota3A, %eq3A_746 : vector<16xi32>
      %jit3A_748 = arith.constant 0 : i32
      %broadcast_in_dim3A_749 = vector.broadcast %jit3A_748 : i32 to vector<16xi32>
      %select_n3A_750 = arith.select %eq3A_747, %gather3A_734, %broadcast_in_dim3A_749 : vector<16xi1>, vector<16xi32>
      %add3A_751 = arith.addi %add3A_657, %select_n3A_750 : vector<16xi32>
      %eq3A_752 = arith.constant 5 : i32
      %eq3A_753 = vector.broadcast %eq3A_752 : i32 to vector<16xi32>
      %eq3A_754 = arith.cmpi eq, %get3A_277, %eq3A_753 : vector<16xi32>
      %jit3A_755 = arith.constant 1 : i32
      %jit3A_756 = arith.constant 0 : i32
      %broadcast_in_dim3A_757 = vector.broadcast %jit3A_755 : i32 to vector<16xi32>
      %broadcast_in_dim3A_758 = vector.broadcast %jit3A_756 : i32 to vector<16xi32>
      %select_n3A_759 = arith.select %eq3A_754, %broadcast_in_dim3A_757, %broadcast_in_dim3A_758 : vector<16xi1>, vector<16xi32>
      %sub3A_760 = arith.constant 1 : i32
      %sub3A_761 = vector.broadcast %sub3A_760 : i32 to vector<16xi32>
      %sub3A_762 = arith.subi %iota3A, %sub3A_761 : vector<16xi32>
      %max3A_763 = arith.constant 0 : i32
      %max3A_764 = vector.broadcast %max3A_763 : i32 to vector<16xi32>
      %max3A_765 = arith.maxsi %sub3A_762, %max3A_764 : vector<16xi32>
      %broadcast_in_dim3A_766 = vector.shape_cast %max3A_765 : vector<16xi32> to vector<16x1xi32>
      %gather3A_767 = vector.shape_cast %broadcast_in_dim3A_766 : vector<16x1xi32> to vector<16xi32>
      %gather3A_768 = tpu.dynamic_gather %select_n3A_759[%gather3A_767] in [0] : vector<16xi32>, vector<16xi32> -> vector<16xi32>
      %ge3A_769 = arith.constant 1 : i32
      %ge3A_770 = vector.broadcast %ge3A_769 : i32 to vector<16xi32>
      %ge3A_771 = arith.cmpi sge, %iota3A, %ge3A_770 : vector<16xi32>
      %jit3A_772 = arith.constant 0 : i32
      %broadcast_in_dim3A_773 = vector.broadcast %jit3A_772 : i32 to vector<16xi32>
      %select_n3A_774 = arith.select %ge3A_771, %gather3A_768, %broadcast_in_dim3A_773 : vector<16xi1>, vector<16xi32>
      %add3A_775 = arith.addi %select_n3A_759, %select_n3A_774 : vector<16xi32>
      %sub3A_776 = arith.constant 2 : i32
      %sub3A_777 = vector.broadcast %sub3A_776 : i32 to vector<16xi32>
      %sub3A_778 = arith.subi %iota3A, %sub3A_777 : vector<16xi32>
      %max3A_779 = arith.constant 0 : i32
      %max3A_780 = vector.broadcast %max3A_779 : i32 to vector<16xi32>
      %max3A_781 = arith.maxsi %sub3A_778, %max3A_780 : vector<16xi32>
      %broadcast_in_dim3A_782 = vector.shape_cast %max3A_781 : vector<16xi32> to vector<16x1xi32>
      %gather3A_783 = vector.shape_cast %broadcast_in_dim3A_782 : vector<16x1xi32> to vector<16xi32>
      %gather3A_784 = tpu.dynamic_gather %add3A_775[%gather3A_783] in [0] : vector<16xi32>, vector<16xi32> -> vector<16xi32>
      %ge3A_785 = arith.constant 2 : i32
      %ge3A_786 = vector.broadcast %ge3A_785 : i32 to vector<16xi32>
      %ge3A_787 = arith.cmpi sge, %iota3A, %ge3A_786 : vector<16xi32>
      %jit3A_788 = arith.constant 0 : i32
      %broadcast_in_dim3A_789 = vector.broadcast %jit3A_788 : i32 to vector<16xi32>
      %select_n3A_790 = arith.select %ge3A_787, %gather3A_784, %broadcast_in_dim3A_789 : vector<16xi1>, vector<16xi32>
      %add3A_791 = arith.addi %add3A_775, %select_n3A_790 : vector<16xi32>
      %sub3A_792 = arith.constant 4 : i32
      %sub3A_793 = vector.broadcast %sub3A_792 : i32 to vector<16xi32>
      %sub3A_794 = arith.subi %iota3A, %sub3A_793 : vector<16xi32>
      %max3A_795 = arith.constant 0 : i32
      %max3A_796 = vector.broadcast %max3A_795 : i32 to vector<16xi32>
      %max3A_797 = arith.maxsi %sub3A_794, %max3A_796 : vector<16xi32>
      %broadcast_in_dim3A_798 = vector.shape_cast %max3A_797 : vector<16xi32> to vector<16x1xi32>
      %gather3A_799 = vector.shape_cast %broadcast_in_dim3A_798 : vector<16x1xi32> to vector<16xi32>
      %gather3A_800 = tpu.dynamic_gather %add3A_791[%gather3A_799] in [0] : vector<16xi32>, vector<16xi32> -> vector<16xi32>
      %ge3A_801 = arith.constant 4 : i32
      %ge3A_802 = vector.broadcast %ge3A_801 : i32 to vector<16xi32>
      %ge3A_803 = arith.cmpi sge, %iota3A, %ge3A_802 : vector<16xi32>
      %jit3A_804 = arith.constant 0 : i32
      %broadcast_in_dim3A_805 = vector.broadcast %jit3A_804 : i32 to vector<16xi32>
      %select_n3A_806 = arith.select %ge3A_803, %gather3A_800, %broadcast_in_dim3A_805 : vector<16xi1>, vector<16xi32>
      %add3A_807 = arith.addi %add3A_791, %select_n3A_806 : vector<16xi32>
      %sub3A_808 = arith.constant 8 : i32
      %sub3A_809 = vector.broadcast %sub3A_808 : i32 to vector<16xi32>
      %sub3A_810 = arith.subi %iota3A, %sub3A_809 : vector<16xi32>
      %max3A_811 = arith.constant 0 : i32
      %max3A_812 = vector.broadcast %max3A_811 : i32 to vector<16xi32>
      %max3A_813 = arith.maxsi %sub3A_810, %max3A_812 : vector<16xi32>
      %broadcast_in_dim3A_814 = vector.shape_cast %max3A_813 : vector<16xi32> to vector<16x1xi32>
      %gather3A_815 = vector.shape_cast %broadcast_in_dim3A_814 : vector<16x1xi32> to vector<16xi32>
      %gather3A_816 = tpu.dynamic_gather %add3A_807[%gather3A_815] in [0] : vector<16xi32>, vector<16xi32> -> vector<16xi32>
      %ge3A_817 = arith.constant 8 : i32
      %ge3A_818 = vector.broadcast %ge3A_817 : i32 to vector<16xi32>
      %ge3A_819 = arith.cmpi sge, %iota3A, %ge3A_818 : vector<16xi32>
      %jit3A_820 = arith.constant 0 : i32
      %broadcast_in_dim3A_821 = vector.broadcast %jit3A_820 : i32 to vector<16xi32>
      %select_n3A_822 = arith.select %ge3A_819, %gather3A_816, %broadcast_in_dim3A_821 : vector<16xi1>, vector<16xi32>
      %add3A_823 = arith.addi %add3A_807, %select_n3A_822 : vector<16xi32>
      %broadcast_in_dim3A_824 = arith.constant 15 : i32
      %broadcast_in_dim3A_825 = vector.broadcast %broadcast_in_dim3A_824 : i32 to vector<16xi32>
      %broadcast_in_dim3A_826 = vector.shape_cast %broadcast_in_dim3A_825 : vector<16xi32> to vector<16x1xi32>
      %gather3A_827 = vector.shape_cast %broadcast_in_dim3A_826 : vector<16x1xi32> to vector<16xi32>
      %gather3A_828 = tpu.dynamic_gather %add3A_823[%gather3A_827] in [0] : vector<16xi32>, vector<16xi32> -> vector<16xi32>
      %broadcast_in_dim3A_829 = arith.constant 5 : i32
      %broadcast_in_dim3A_830 = vector.broadcast %broadcast_in_dim3A_829 : i32 to vector<16xi32>
      %broadcast_in_dim3A_831 = vector.shape_cast %broadcast_in_dim3A_830 : vector<16xi32> to vector<16x1xi32>
      %gather3A_832 = vector.shape_cast %broadcast_in_dim3A_831 : vector<16x1xi32> to vector<16xi32>
      %gather3A_833 = tpu.dynamic_gather %scan3A_272[%gather3A_832] in [0] : vector<16xi32>, vector<16xi32> -> vector<16xi32>
      %add3A_834 = arith.addi %gather3A_833, %add3A_823 : vector<16xi32>
      %sub3A_835 = arith.constant 1 : i32
      %sub3A_836 = vector.broadcast %sub3A_835 : i32 to vector<16xi32>
      %sub3A_837 = arith.subi %add3A_834, %sub3A_836 : vector<16xi32>
      %select_n3A_838 = arith.select %eq3A_754, %sub3A_837, %select_n3A_744 : vector<16xi1>, vector<16xi32>
      %eq3A_839 = arith.constant 5 : i32
      %eq3A_840 = vector.broadcast %eq3A_839 : i32 to vector<16xi32>
      %eq3A_841 = arith.cmpi eq, %iota3A, %eq3A_840 : vector<16xi32>
      %jit3A_842 = arith.constant 0 : i32
      %broadcast_in_dim3A_843 = vector.broadcast %jit3A_842 : i32 to vector<16xi32>
      %select_n3A_844 = arith.select %eq3A_841, %gather3A_828, %broadcast_in_dim3A_843 : vector<16xi1>, vector<16xi32>
      %add3A_845 = arith.addi %add3A_751, %select_n3A_844 : vector<16xi32>
      %eq3A_846 = arith.constant 6 : i32
      %eq3A_847 = vector.broadcast %eq3A_846 : i32 to vector<16xi32>
      %eq3A_848 = arith.cmpi eq, %get3A_277, %eq3A_847 : vector<16xi32>
      %jit3A_849 = arith.constant 1 : i32
      %jit3A_850 = arith.constant 0 : i32
      %broadcast_in_dim3A_851 = vector.broadcast %jit3A_849 : i32 to vector<16xi32>
      %broadcast_in_dim3A_852 = vector.broadcast %jit3A_850 : i32 to vector<16xi32>
      %select_n3A_853 = arith.select %eq3A_848, %broadcast_in_dim3A_851, %broadcast_in_dim3A_852 : vector<16xi1>, vector<16xi32>
      %sub3A_854 = arith.constant 1 : i32
      %sub3A_855 = vector.broadcast %sub3A_854 : i32 to vector<16xi32>
      %sub3A_856 = arith.subi %iota3A, %sub3A_855 : vector<16xi32>
      %max3A_857 = arith.constant 0 : i32
      %max3A_858 = vector.broadcast %max3A_857 : i32 to vector<16xi32>
      %max3A_859 = arith.maxsi %sub3A_856, %max3A_858 : vector<16xi32>
      %broadcast_in_dim3A_860 = vector.shape_cast %max3A_859 : vector<16xi32> to vector<16x1xi32>
      %gather3A_861 = vector.shape_cast %broadcast_in_dim3A_860 : vector<16x1xi32> to vector<16xi32>
      %gather3A_862 = tpu.dynamic_gather %select_n3A_853[%gather3A_861] in [0] : vector<16xi32>, vector<16xi32> -> vector<16xi32>
      %ge3A_863 = arith.constant 1 : i32
      %ge3A_864 = vector.broadcast %ge3A_863 : i32 to vector<16xi32>
      %ge3A_865 = arith.cmpi sge, %iota3A, %ge3A_864 : vector<16xi32>
      %jit3A_866 = arith.constant 0 : i32
      %broadcast_in_dim3A_867 = vector.broadcast %jit3A_866 : i32 to vector<16xi32>
      %select_n3A_868 = arith.select %ge3A_865, %gather3A_862, %broadcast_in_dim3A_867 : vector<16xi1>, vector<16xi32>
      %add3A_869 = arith.addi %select_n3A_853, %select_n3A_868 : vector<16xi32>
      %sub3A_870 = arith.constant 2 : i32
      %sub3A_871 = vector.broadcast %sub3A_870 : i32 to vector<16xi32>
      %sub3A_872 = arith.subi %iota3A, %sub3A_871 : vector<16xi32>
      %max3A_873 = arith.constant 0 : i32
      %max3A_874 = vector.broadcast %max3A_873 : i32 to vector<16xi32>
      %max3A_875 = arith.maxsi %sub3A_872, %max3A_874 : vector<16xi32>
      %broadcast_in_dim3A_876 = vector.shape_cast %max3A_875 : vector<16xi32> to vector<16x1xi32>
      %gather3A_877 = vector.shape_cast %broadcast_in_dim3A_876 : vector<16x1xi32> to vector<16xi32>
      %gather3A_878 = tpu.dynamic_gather %add3A_869[%gather3A_877] in [0] : vector<16xi32>, vector<16xi32> -> vector<16xi32>
      %ge3A_879 = arith.constant 2 : i32
      %ge3A_880 = vector.broadcast %ge3A_879 : i32 to vector<16xi32>
      %ge3A_881 = arith.cmpi sge, %iota3A, %ge3A_880 : vector<16xi32>
      %jit3A_882 = arith.constant 0 : i32
      %broadcast_in_dim3A_883 = vector.broadcast %jit3A_882 : i32 to vector<16xi32>
      %select_n3A_884 = arith.select %ge3A_881, %gather3A_878, %broadcast_in_dim3A_883 : vector<16xi1>, vector<16xi32>
      %add3A_885 = arith.addi %add3A_869, %select_n3A_884 : vector<16xi32>
      %sub3A_886 = arith.constant 4 : i32
      %sub3A_887 = vector.broadcast %sub3A_886 : i32 to vector<16xi32>
      %sub3A_888 = arith.subi %iota3A, %sub3A_887 : vector<16xi32>
      %max3A_889 = arith.constant 0 : i32
      %max3A_890 = vector.broadcast %max3A_889 : i32 to vector<16xi32>
      %max3A_891 = arith.maxsi %sub3A_888, %max3A_890 : vector<16xi32>
      %broadcast_in_dim3A_892 = vector.shape_cast %max3A_891 : vector<16xi32> to vector<16x1xi32>
      %gather3A_893 = vector.shape_cast %broadcast_in_dim3A_892 : vector<16x1xi32> to vector<16xi32>
      %gather3A_894 = tpu.dynamic_gather %add3A_885[%gather3A_893] in [0] : vector<16xi32>, vector<16xi32> -> vector<16xi32>
      %ge3A_895 = arith.constant 4 : i32
      %ge3A_896 = vector.broadcast %ge3A_895 : i32 to vector<16xi32>
      %ge3A_897 = arith.cmpi sge, %iota3A, %ge3A_896 : vector<16xi32>
      %jit3A_898 = arith.constant 0 : i32
      %broadcast_in_dim3A_899 = vector.broadcast %jit3A_898 : i32 to vector<16xi32>
      %select_n3A_900 = arith.select %ge3A_897, %gather3A_894, %broadcast_in_dim3A_899 : vector<16xi1>, vector<16xi32>
      %add3A_901 = arith.addi %add3A_885, %select_n3A_900 : vector<16xi32>
      %sub3A_902 = arith.constant 8 : i32
      %sub3A_903 = vector.broadcast %sub3A_902 : i32 to vector<16xi32>
      %sub3A_904 = arith.subi %iota3A, %sub3A_903 : vector<16xi32>
      %max3A_905 = arith.constant 0 : i32
      %max3A_906 = vector.broadcast %max3A_905 : i32 to vector<16xi32>
      %max3A_907 = arith.maxsi %sub3A_904, %max3A_906 : vector<16xi32>
      %broadcast_in_dim3A_908 = vector.shape_cast %max3A_907 : vector<16xi32> to vector<16x1xi32>
      %gather3A_909 = vector.shape_cast %broadcast_in_dim3A_908 : vector<16x1xi32> to vector<16xi32>
      %gather3A_910 = tpu.dynamic_gather %add3A_901[%gather3A_909] in [0] : vector<16xi32>, vector<16xi32> -> vector<16xi32>
      %ge3A_911 = arith.constant 8 : i32
      %ge3A_912 = vector.broadcast %ge3A_911 : i32 to vector<16xi32>
      %ge3A_913 = arith.cmpi sge, %iota3A, %ge3A_912 : vector<16xi32>
      %jit3A_914 = arith.constant 0 : i32
      %broadcast_in_dim3A_915 = vector.broadcast %jit3A_914 : i32 to vector<16xi32>
      %select_n3A_916 = arith.select %ge3A_913, %gather3A_910, %broadcast_in_dim3A_915 : vector<16xi1>, vector<16xi32>
      %add3A_917 = arith.addi %add3A_901, %select_n3A_916 : vector<16xi32>
      %broadcast_in_dim3A_918 = arith.constant 15 : i32
      %broadcast_in_dim3A_919 = vector.broadcast %broadcast_in_dim3A_918 : i32 to vector<16xi32>
      %broadcast_in_dim3A_920 = vector.shape_cast %broadcast_in_dim3A_919 : vector<16xi32> to vector<16x1xi32>
      %gather3A_921 = vector.shape_cast %broadcast_in_dim3A_920 : vector<16x1xi32> to vector<16xi32>
      %gather3A_922 = tpu.dynamic_gather %add3A_917[%gather3A_921] in [0] : vector<16xi32>, vector<16xi32> -> vector<16xi32>
      %broadcast_in_dim3A_923 = arith.constant 6 : i32
      %broadcast_in_dim3A_924 = vector.broadcast %broadcast_in_dim3A_923 : i32 to vector<16xi32>
      %broadcast_in_dim3A_925 = vector.shape_cast %broadcast_in_dim3A_924 : vector<16xi32> to vector<16x1xi32>
      %gather3A_926 = vector.shape_cast %broadcast_in_dim3A_925 : vector<16x1xi32> to vector<16xi32>
      %gather3A_927 = tpu.dynamic_gather %scan3A_272[%gather3A_926] in [0] : vector<16xi32>, vector<16xi32> -> vector<16xi32>
      %add3A_928 = arith.addi %gather3A_927, %add3A_917 : vector<16xi32>
      %sub3A_929 = arith.constant 1 : i32
      %sub3A_930 = vector.broadcast %sub3A_929 : i32 to vector<16xi32>
      %sub3A_931 = arith.subi %add3A_928, %sub3A_930 : vector<16xi32>
      %select_n3A_932 = arith.select %eq3A_848, %sub3A_931, %select_n3A_838 : vector<16xi1>, vector<16xi32>
      %eq3A_933 = arith.constant 6 : i32
      %eq3A_934 = vector.broadcast %eq3A_933 : i32 to vector<16xi32>
      %eq3A_935 = arith.cmpi eq, %iota3A, %eq3A_934 : vector<16xi32>
      %jit3A_936 = arith.constant 0 : i32
      %broadcast_in_dim3A_937 = vector.broadcast %jit3A_936 : i32 to vector<16xi32>
      %select_n3A_938 = arith.select %eq3A_935, %gather3A_922, %broadcast_in_dim3A_937 : vector<16xi1>, vector<16xi32>
      %add3A_939 = arith.addi %add3A_845, %select_n3A_938 : vector<16xi32>
      %eq3A_940 = arith.constant 7 : i32
      %eq3A_941 = vector.broadcast %eq3A_940 : i32 to vector<16xi32>
      %eq3A_942 = arith.cmpi eq, %get3A_277, %eq3A_941 : vector<16xi32>
      %jit3A_943 = arith.constant 1 : i32
      %jit3A_944 = arith.constant 0 : i32
      %broadcast_in_dim3A_945 = vector.broadcast %jit3A_943 : i32 to vector<16xi32>
      %broadcast_in_dim3A_946 = vector.broadcast %jit3A_944 : i32 to vector<16xi32>
      %select_n3A_947 = arith.select %eq3A_942, %broadcast_in_dim3A_945, %broadcast_in_dim3A_946 : vector<16xi1>, vector<16xi32>
      %sub3A_948 = arith.constant 1 : i32
      %sub3A_949 = vector.broadcast %sub3A_948 : i32 to vector<16xi32>
      %sub3A_950 = arith.subi %iota3A, %sub3A_949 : vector<16xi32>
      %max3A_951 = arith.constant 0 : i32
      %max3A_952 = vector.broadcast %max3A_951 : i32 to vector<16xi32>
      %max3A_953 = arith.maxsi %sub3A_950, %max3A_952 : vector<16xi32>
      %broadcast_in_dim3A_954 = vector.shape_cast %max3A_953 : vector<16xi32> to vector<16x1xi32>
      %gather3A_955 = vector.shape_cast %broadcast_in_dim3A_954 : vector<16x1xi32> to vector<16xi32>
      %gather3A_956 = tpu.dynamic_gather %select_n3A_947[%gather3A_955] in [0] : vector<16xi32>, vector<16xi32> -> vector<16xi32>
      %ge3A_957 = arith.constant 1 : i32
      %ge3A_958 = vector.broadcast %ge3A_957 : i32 to vector<16xi32>
      %ge3A_959 = arith.cmpi sge, %iota3A, %ge3A_958 : vector<16xi32>
      %jit3A_960 = arith.constant 0 : i32
      %broadcast_in_dim3A_961 = vector.broadcast %jit3A_960 : i32 to vector<16xi32>
      %select_n3A_962 = arith.select %ge3A_959, %gather3A_956, %broadcast_in_dim3A_961 : vector<16xi1>, vector<16xi32>
      %add3A_963 = arith.addi %select_n3A_947, %select_n3A_962 : vector<16xi32>
      %sub3A_964 = arith.constant 2 : i32
      %sub3A_965 = vector.broadcast %sub3A_964 : i32 to vector<16xi32>
      %sub3A_966 = arith.subi %iota3A, %sub3A_965 : vector<16xi32>
      %max3A_967 = arith.constant 0 : i32
      %max3A_968 = vector.broadcast %max3A_967 : i32 to vector<16xi32>
      %max3A_969 = arith.maxsi %sub3A_966, %max3A_968 : vector<16xi32>
      %broadcast_in_dim3A_970 = vector.shape_cast %max3A_969 : vector<16xi32> to vector<16x1xi32>
      %gather3A_971 = vector.shape_cast %broadcast_in_dim3A_970 : vector<16x1xi32> to vector<16xi32>
      %gather3A_972 = tpu.dynamic_gather %add3A_963[%gather3A_971] in [0] : vector<16xi32>, vector<16xi32> -> vector<16xi32>
      %ge3A_973 = arith.constant 2 : i32
      %ge3A_974 = vector.broadcast %ge3A_973 : i32 to vector<16xi32>
      %ge3A_975 = arith.cmpi sge, %iota3A, %ge3A_974 : vector<16xi32>
      %jit3A_976 = arith.constant 0 : i32
      %broadcast_in_dim3A_977 = vector.broadcast %jit3A_976 : i32 to vector<16xi32>
      %select_n3A_978 = arith.select %ge3A_975, %gather3A_972, %broadcast_in_dim3A_977 : vector<16xi1>, vector<16xi32>
      %add3A_979 = arith.addi %add3A_963, %select_n3A_978 : vector<16xi32>
      %sub3A_980 = arith.constant 4 : i32
      %sub3A_981 = vector.broadcast %sub3A_980 : i32 to vector<16xi32>
      %sub3A_982 = arith.subi %iota3A, %sub3A_981 : vector<16xi32>
      %max3A_983 = arith.constant 0 : i32
      %max3A_984 = vector.broadcast %max3A_983 : i32 to vector<16xi32>
      %max3A_985 = arith.maxsi %sub3A_982, %max3A_984 : vector<16xi32>
      %broadcast_in_dim3A_986 = vector.shape_cast %max3A_985 : vector<16xi32> to vector<16x1xi32>
      %gather3A_987 = vector.shape_cast %broadcast_in_dim3A_986 : vector<16x1xi32> to vector<16xi32>
      %gather3A_988 = tpu.dynamic_gather %add3A_979[%gather3A_987] in [0] : vector<16xi32>, vector<16xi32> -> vector<16xi32>
      %ge3A_989 = arith.constant 4 : i32
      %ge3A_990 = vector.broadcast %ge3A_989 : i32 to vector<16xi32>
      %ge3A_991 = arith.cmpi sge, %iota3A, %ge3A_990 : vector<16xi32>
      %jit3A_992 = arith.constant 0 : i32
      %broadcast_in_dim3A_993 = vector.broadcast %jit3A_992 : i32 to vector<16xi32>
      %select_n3A_994 = arith.select %ge3A_991, %gather3A_988, %broadcast_in_dim3A_993 : vector<16xi1>, vector<16xi32>
      %add3A_995 = arith.addi %add3A_979, %select_n3A_994 : vector<16xi32>
      %sub3A_996 = arith.constant 8 : i32
      %sub3A_997 = vector.broadcast %sub3A_996 : i32 to vector<16xi32>
      %sub3A_998 = arith.subi %iota3A, %sub3A_997 : vector<16xi32>
      %max3A_999 = arith.constant 0 : i32
      %max3A_1000 = vector.broadcast %max3A_999 : i32 to vector<16xi32>
      %max3A_1001 = arith.maxsi %sub3A_998, %max3A_1000 : vector<16xi32>
      %broadcast_in_dim3A_1002 = vector.shape_cast %max3A_1001 : vector<16xi32> to vector<16x1xi32>
      %gather3A_1003 = vector.shape_cast %broadcast_in_dim3A_1002 : vector<16x1xi32> to vector<16xi32>
      %gather3A_1004 = tpu.dynamic_gather %add3A_995[%gather3A_1003] in [0] : vector<16xi32>, vector<16xi32> -> vector<16xi32>
      %ge3A_1005 = arith.constant 8 : i32
      %ge3A_1006 = vector.broadcast %ge3A_1005 : i32 to vector<16xi32>
      %ge3A_1007 = arith.cmpi sge, %iota3A, %ge3A_1006 : vector<16xi32>
      %jit3A_1008 = arith.constant 0 : i32
      %broadcast_in_dim3A_1009 = vector.broadcast %jit3A_1008 : i32 to vector<16xi32>
      %select_n3A_1010 = arith.select %ge3A_1007, %gather3A_1004, %broadcast_in_dim3A_1009 : vector<16xi1>, vector<16xi32>
      %add3A_1011 = arith.addi %add3A_995, %select_n3A_1010 : vector<16xi32>
      %broadcast_in_dim3A_1012 = arith.constant 15 : i32
      %broadcast_in_dim3A_1013 = vector.broadcast %broadcast_in_dim3A_1012 : i32 to vector<16xi32>
      %broadcast_in_dim3A_1014 = vector.shape_cast %broadcast_in_dim3A_1013 : vector<16xi32> to vector<16x1xi32>
      %gather3A_1015 = vector.shape_cast %broadcast_in_dim3A_1014 : vector<16x1xi32> to vector<16xi32>
      %gather3A_1016 = tpu.dynamic_gather %add3A_1011[%gather3A_1015] in [0] : vector<16xi32>, vector<16xi32> -> vector<16xi32>
      %broadcast_in_dim3A_1017 = arith.constant 7 : i32
      %broadcast_in_dim3A_1018 = vector.broadcast %broadcast_in_dim3A_1017 : i32 to vector<16xi32>
      %broadcast_in_dim3A_1019 = vector.shape_cast %broadcast_in_dim3A_1018 : vector<16xi32> to vector<16x1xi32>
      %gather3A_1020 = vector.shape_cast %broadcast_in_dim3A_1019 : vector<16x1xi32> to vector<16xi32>
      %gather3A_1021 = tpu.dynamic_gather %scan3A_272[%gather3A_1020] in [0] : vector<16xi32>, vector<16xi32> -> vector<16xi32>
      %add3A_1022 = arith.addi %gather3A_1021, %add3A_1011 : vector<16xi32>
      %sub3A_1023 = arith.constant 1 : i32
      %sub3A_1024 = vector.broadcast %sub3A_1023 : i32 to vector<16xi32>
      %sub3A_1025 = arith.subi %add3A_1022, %sub3A_1024 : vector<16xi32>
      %select_n3A_1026 = arith.select %eq3A_942, %sub3A_1025, %select_n3A_932 : vector<16xi1>, vector<16xi32>
      %eq3A_1027 = arith.constant 7 : i32
      %eq3A_1028 = vector.broadcast %eq3A_1027 : i32 to vector<16xi32>
      %eq3A_1029 = arith.cmpi eq, %iota3A, %eq3A_1028 : vector<16xi32>
      %jit3A_1030 = arith.constant 0 : i32
      %broadcast_in_dim3A_1031 = vector.broadcast %jit3A_1030 : i32 to vector<16xi32>
      %select_n3A_1032 = arith.select %eq3A_1029, %gather3A_1016, %broadcast_in_dim3A_1031 : vector<16xi1>, vector<16xi32>
      %add3A_1033 = arith.addi %add3A_939, %select_n3A_1032 : vector<16xi32>
      %add3A_1034 = arith.addi %scan3A_272, %add3A_1033 : vector<16xi32>
      scf.yield %add3A_1034 : vector<16xi32>
    }
    %scan3A_6 = arith.constant 8 : i32
    %swap3A = arith.constant 0 : index
    %swap3A_7 = tpu.vector_load %arg11[%swap3A] {strides = array<i32>} : memref<16xi32, #tpu.memory_space<vmem>>, vector<16xi32>,
    %swap3A_8 = vector.shape_cast %swap3A_7 : vector<16xi32> to vector<16xi32>
    %swap3A_9 = vector.shape_cast %scan3A_5 : vector<16xi32> to vector<16xi32>
    tpu.vector_store %arg11[%swap3A], %swap3A_9 {strides = array<i32>} : memref<16xi32, #tpu.memory_space<vmem>>, vector<16xi32>,
    %mul3A_10 = arith.constant 16 : i32
    %mul3A_11 = arith.muli %arg1, %mul3A_10 : i32
    %multiple_of3A_12 = tpu.assume_multiple %mul3A_11, 16 : i32
    "tpu.region"() ({
      %run_scoped3A = tpu.sem_alloc : memref<!tpu.dma_semaphore, #tpu.memory_space<semaphore_mem>>
      %dma_start3A = tpu.memref_slice %arg14[%multiple_of3A_12] : memref<256xi32, #tpu.memory_space<vmem_shared>> -> memref<16xi32, #tpu.memory_space<vmem_shared>>
      %dma_start3A_271 = tpu.memref_slice %arg14[%multiple_of3A_12] : memref<256xi32, #tpu.memory_space<vmem_shared>> -> memref<16xi32, #tpu.memory_space<vmem_shared>>
      tpu.enqueue_dma source(%arg11 : memref<16xi32, #tpu.memory_space<vmem>>) target(%dma_start3A_271 : memref<16xi32, #tpu.memory_space<vmem_shared>>) target_semaphore(%run_scoped3A : memref<!tpu.dma_semaphore, #tpu.memory_space<semaphore_mem>>)
      %dma_wait3A = tpu.memref_slice %arg14[%multiple_of3A_12] : memref<256xi32, #tpu.memory_space<vmem_shared>> -> memref<16xi32, #tpu.memory_space<vmem_shared>>
      %dma_wait3A_272 = tpu.memref_slice %arg14[%multiple_of3A_12] : memref<256xi32, #tpu.memory_space<vmem_shared>> -> memref<16xi32, #tpu.memory_space<vmem_shared>>
      tpu.wait_dma2 semaphore(%run_scoped3A : memref<!tpu.dma_semaphore, #tpu.memory_space<semaphore_mem>>) src(%arg11 : memref<16xi32, #tpu.memory_space<vmem>>) dst(%dma_wait3A_272 : memref<16xi32, #tpu.memory_space<vmem_shared>>)
      tpu.yield
    }) : () -> ()
    %barrier3A = arith.constant 0 : index
    tpu.barrier barrier_id(%barrier3A)
    "tpu.region"() ({
      %run_scoped3A = tpu.sem_alloc : memref<!tpu.dma_semaphore, #tpu.memory_space<semaphore_mem>>
      tpu.enqueue_dma source(%arg14 : memref<256xi32, #tpu.memory_space<vmem_shared>>) target(%arg12 : memref<256xi32, #tpu.memory_space<vmem>>) target_semaphore(%run_scoped3A : memref<!tpu.dma_semaphore, #tpu.memory_space<semaphore_mem>>)
      tpu.wait_dma2 semaphore(%run_scoped3A : memref<!tpu.dma_semaphore, #tpu.memory_space<semaphore_mem>>) src(%arg14 : memref<256xi32, #tpu.memory_space<vmem_shared>>) dst(%arg12 : memref<256xi32, #tpu.memory_space<vmem>>)
      tpu.yield
    }) : () -> ()
    %broadcast_in_dim3A_13 = arith.constant 0 : i32
    %broadcast_in_dim3A_14 = vector.broadcast %broadcast_in_dim3A_13 : i32 to vector<16xi32>
    %broadcast_in_dim3A_15 = arith.constant 0 : i32
    %broadcast_in_dim3A_16 = vector.broadcast %broadcast_in_dim3A_15 : i32 to vector<16xi32>
    %get3A = arith.constant 0 : index
    %get3A_17 = tpu.vector_load %arg12[%get3A] {strides = array<i32>} : memref<256xi32, #tpu.memory_space<vmem>>, vector<16xi32>,
    %get3A_18 = vector.shape_cast %get3A_17 : vector<16xi32> to vector<16xi32>
    %add3A = arith.addi %broadcast_in_dim3A_14, %get3A_18 : vector<16xi32>
    %gt3A = arith.constant 0 : i32
    %gt3A_19 = arith.cmpi sgt, %arg1, %gt3A : i32
    %jit3A = arith.constant 0 : i32
    %broadcast_in_dim3A_20 = vector.broadcast %jit3A : i32 to vector<16xi32>
    %select_n3A = arith.select %gt3A_19, %get3A_18, %broadcast_in_dim3A_20 : vector<16xi32>
    %add3A_21 = arith.addi %broadcast_in_dim3A_16, %select_n3A : vector<16xi32>
    %get3A_22 = arith.constant 16 : index
    %get3A_23 = tpu.vector_load %arg12[%get3A_22] {strides = array<i32>} : memref<256xi32, #tpu.memory_space<vmem>>, vector<16xi32>,
    %get3A_24 = vector.shape_cast %get3A_23 : vector<16xi32> to vector<16xi32>
    %add3A_25 = arith.addi %add3A, %get3A_24 : vector<16xi32>
    %gt3A_26 = arith.constant 1 : i32
    %gt3A_27 = arith.cmpi sgt, %arg1, %gt3A_26 : i32
    %jit3A_28 = arith.constant 0 : i32
    %broadcast_in_dim3A_29 = vector.broadcast %jit3A_28 : i32 to vector<16xi32>
    %select_n3A_30 = arith.select %gt3A_27, %get3A_24, %broadcast_in_dim3A_29 : vector<16xi32>
    %add3A_31 = arith.addi %add3A_21, %select_n3A_30 : vector<16xi32>
    %get3A_32 = arith.constant 32 : index
    %get3A_33 = tpu.vector_load %arg12[%get3A_32] {strides = array<i32>} : memref<256xi32, #tpu.memory_space<vmem>>, vector<16xi32>,
    %get3A_34 = vector.shape_cast %get3A_33 : vector<16xi32> to vector<16xi32>
    %add3A_35 = arith.addi %add3A_25, %get3A_34 : vector<16xi32>
    %gt3A_36 = arith.constant 2 : i32
    %gt3A_37 = arith.cmpi sgt, %arg1, %gt3A_36 : i32
    %jit3A_38 = arith.constant 0 : i32
    %broadcast_in_dim3A_39 = vector.broadcast %jit3A_38 : i32 to vector<16xi32>
    %select_n3A_40 = arith.select %gt3A_37, %get3A_34, %broadcast_in_dim3A_39 : vector<16xi32>
    %add3A_41 = arith.addi %add3A_31, %select_n3A_40 : vector<16xi32>
    %get3A_42 = arith.constant 48 : index
    %get3A_43 = tpu.vector_load %arg12[%get3A_42] {strides = array<i32>} : memref<256xi32, #tpu.memory_space<vmem>>, vector<16xi32>,
    %get3A_44 = vector.shape_cast %get3A_43 : vector<16xi32> to vector<16xi32>
    %add3A_45 = arith.addi %add3A_35, %get3A_44 : vector<16xi32>
    %gt3A_46 = arith.constant 3 : i32
    %gt3A_47 = arith.cmpi sgt, %arg1, %gt3A_46 : i32
    %jit3A_48 = arith.constant 0 : i32
    %broadcast_in_dim3A_49 = vector.broadcast %jit3A_48 : i32 to vector<16xi32>
    %select_n3A_50 = arith.select %gt3A_47, %get3A_44, %broadcast_in_dim3A_49 : vector<16xi32>
    %add3A_51 = arith.addi %add3A_41, %select_n3A_50 : vector<16xi32>
    %get3A_52 = arith.constant 64 : index
    %get3A_53 = tpu.vector_load %arg12[%get3A_52] {strides = array<i32>} : memref<256xi32, #tpu.memory_space<vmem>>, vector<16xi32>,
    %get3A_54 = vector.shape_cast %get3A_53 : vector<16xi32> to vector<16xi32>
    %add3A_55 = arith.addi %add3A_45, %get3A_54 : vector<16xi32>
    %gt3A_56 = arith.constant 4 : i32
    %gt3A_57 = arith.cmpi sgt, %arg1, %gt3A_56 : i32
    %jit3A_58 = arith.constant 0 : i32
    %broadcast_in_dim3A_59 = vector.broadcast %jit3A_58 : i32 to vector<16xi32>
    %select_n3A_60 = arith.select %gt3A_57, %get3A_54, %broadcast_in_dim3A_59 : vector<16xi32>
    %add3A_61 = arith.addi %add3A_51, %select_n3A_60 : vector<16xi32>
    %get3A_62 = arith.constant 80 : index
    %get3A_63 = tpu.vector_load %arg12[%get3A_62] {strides = array<i32>} : memref<256xi32, #tpu.memory_space<vmem>>, vector<16xi32>,
    %get3A_64 = vector.shape_cast %get3A_63 : vector<16xi32> to vector<16xi32>
    %add3A_65 = arith.addi %add3A_55, %get3A_64 : vector<16xi32>
    %gt3A_66 = arith.constant 5 : i32
    %gt3A_67 = arith.cmpi sgt, %arg1, %gt3A_66 : i32
    %jit3A_68 = arith.constant 0 : i32
    %broadcast_in_dim3A_69 = vector.broadcast %jit3A_68 : i32 to vector<16xi32>
    %select_n3A_70 = arith.select %gt3A_67, %get3A_64, %broadcast_in_dim3A_69 : vector<16xi32>
    %add3A_71 = arith.addi %add3A_61, %select_n3A_70 : vector<16xi32>
    %get3A_72 = arith.constant 96 : index
    %get3A_73 = tpu.vector_load %arg12[%get3A_72] {strides = array<i32>} : memref<256xi32, #tpu.memory_space<vmem>>, vector<16xi32>,
    %get3A_74 = vector.shape_cast %get3A_73 : vector<16xi32> to vector<16xi32>
    %add3A_75 = arith.addi %add3A_65, %get3A_74 : vector<16xi32>
    %gt3A_76 = arith.constant 6 : i32
    %gt3A_77 = arith.cmpi sgt, %arg1, %gt3A_76 : i32
    %jit3A_78 = arith.constant 0 : i32
    %broadcast_in_dim3A_79 = vector.broadcast %jit3A_78 : i32 to vector<16xi32>
    %select_n3A_80 = arith.select %gt3A_77, %get3A_74, %broadcast_in_dim3A_79 : vector<16xi32>
    %add3A_81 = arith.addi %add3A_71, %select_n3A_80 : vector<16xi32>
    %get3A_82 = arith.constant 112 : index
    %get3A_83 = tpu.vector_load %arg12[%get3A_82] {strides = array<i32>} : memref<256xi32, #tpu.memory_space<vmem>>, vector<16xi32>,
    %get3A_84 = vector.shape_cast %get3A_83 : vector<16xi32> to vector<16xi32>
    %add3A_85 = arith.addi %add3A_75, %get3A_84 : vector<16xi32>
    %gt3A_86 = arith.constant 7 : i32
    %gt3A_87 = arith.cmpi sgt, %arg1, %gt3A_86 : i32
    %jit3A_88 = arith.constant 0 : i32
    %broadcast_in_dim3A_89 = vector.broadcast %jit3A_88 : i32 to vector<16xi32>
    %select_n3A_90 = arith.select %gt3A_87, %get3A_84, %broadcast_in_dim3A_89 : vector<16xi32>
    %add3A_91 = arith.addi %add3A_81, %select_n3A_90 : vector<16xi32>
    %get3A_92 = arith.constant 128 : index
    %get3A_93 = tpu.vector_load %arg12[%get3A_92] {strides = array<i32>} : memref<256xi32, #tpu.memory_space<vmem>>, vector<16xi32>,
    %get3A_94 = vector.shape_cast %get3A_93 : vector<16xi32> to vector<16xi32>
    %add3A_95 = arith.addi %add3A_85, %get3A_94 : vector<16xi32>
    %gt3A_96 = arith.constant 8 : i32
    %gt3A_97 = arith.cmpi sgt, %arg1, %gt3A_96 : i32
    %jit3A_98 = arith.constant 0 : i32
    %broadcast_in_dim3A_99 = vector.broadcast %jit3A_98 : i32 to vector<16xi32>
    %select_n3A_100 = arith.select %gt3A_97, %get3A_94, %broadcast_in_dim3A_99 : vector<16xi32>
    %add3A_101 = arith.addi %add3A_91, %select_n3A_100 : vector<16xi32>
    %get3A_102 = arith.constant 144 : index
    %get3A_103 = tpu.vector_load %arg12[%get3A_102] {strides = array<i32>} : memref<256xi32, #tpu.memory_space<vmem>>, vector<16xi32>,
    %get3A_104 = vector.shape_cast %get3A_103 : vector<16xi32> to vector<16xi32>
    %add3A_105 = arith.addi %add3A_95, %get3A_104 : vector<16xi32>
    %gt3A_106 = arith.constant 9 : i32
    %gt3A_107 = arith.cmpi sgt, %arg1, %gt3A_106 : i32
    %jit3A_108 = arith.constant 0 : i32
    %broadcast_in_dim3A_109 = vector.broadcast %jit3A_108 : i32 to vector<16xi32>
    %select_n3A_110 = arith.select %gt3A_107, %get3A_104, %broadcast_in_dim3A_109 : vector<16xi32>
    %add3A_111 = arith.addi %add3A_101, %select_n3A_110 : vector<16xi32>
    %get3A_112 = arith.constant 160 : index
    %get3A_113 = tpu.vector_load %arg12[%get3A_112] {strides = array<i32>} : memref<256xi32, #tpu.memory_space<vmem>>, vector<16xi32>,
    %get3A_114 = vector.shape_cast %get3A_113 : vector<16xi32> to vector<16xi32>
    %add3A_115 = arith.addi %add3A_105, %get3A_114 : vector<16xi32>
    %gt3A_116 = arith.constant 10 : i32
    %gt3A_117 = arith.cmpi sgt, %arg1, %gt3A_116 : i32
    %jit3A_118 = arith.constant 0 : i32
    %broadcast_in_dim3A_119 = vector.broadcast %jit3A_118 : i32 to vector<16xi32>
    %select_n3A_120 = arith.select %gt3A_117, %get3A_114, %broadcast_in_dim3A_119 : vector<16xi32>
    %add3A_121 = arith.addi %add3A_111, %select_n3A_120 : vector<16xi32>
    %get3A_122 = arith.constant 176 : index
    %get3A_123 = tpu.vector_load %arg12[%get3A_122] {strides = array<i32>} : memref<256xi32, #tpu.memory_space<vmem>>, vector<16xi32>,
    %get3A_124 = vector.shape_cast %get3A_123 : vector<16xi32> to vector<16xi32>
    %add3A_125 = arith.addi %add3A_115, %get3A_124 : vector<16xi32>
    %gt3A_126 = arith.constant 11 : i32
    %gt3A_127 = arith.cmpi sgt, %arg1, %gt3A_126 : i32
    %jit3A_128 = arith.constant 0 : i32
    %broadcast_in_dim3A_129 = vector.broadcast %jit3A_128 : i32 to vector<16xi32>
    %select_n3A_130 = arith.select %gt3A_127, %get3A_124, %broadcast_in_dim3A_129 : vector<16xi32>
    %add3A_131 = arith.addi %add3A_121, %select_n3A_130 : vector<16xi32>
    %get3A_132 = arith.constant 192 : index
    %get3A_133 = tpu.vector_load %arg12[%get3A_132] {strides = array<i32>} : memref<256xi32, #tpu.memory_space<vmem>>, vector<16xi32>,
    %get3A_134 = vector.shape_cast %get3A_133 : vector<16xi32> to vector<16xi32>
    %add3A_135 = arith.addi %add3A_125, %get3A_134 : vector<16xi32>
    %gt3A_136 = arith.constant 12 : i32
    %gt3A_137 = arith.cmpi sgt, %arg1, %gt3A_136 : i32
    %jit3A_138 = arith.constant 0 : i32
    %broadcast_in_dim3A_139 = vector.broadcast %jit3A_138 : i32 to vector<16xi32>
    %select_n3A_140 = arith.select %gt3A_137, %get3A_134, %broadcast_in_dim3A_139 : vector<16xi32>
    %add3A_141 = arith.addi %add3A_131, %select_n3A_140 : vector<16xi32>
    %get3A_142 = arith.constant 208 : index
    %get3A_143 = tpu.vector_load %arg12[%get3A_142] {strides = array<i32>} : memref<256xi32, #tpu.memory_space<vmem>>, vector<16xi32>,
    %get3A_144 = vector.shape_cast %get3A_143 : vector<16xi32> to vector<16xi32>
    %add3A_145 = arith.addi %add3A_135, %get3A_144 : vector<16xi32>
    %gt3A_146 = arith.constant 13 : i32
    %gt3A_147 = arith.cmpi sgt, %arg1, %gt3A_146 : i32
    %jit3A_148 = arith.constant 0 : i32
    %broadcast_in_dim3A_149 = vector.broadcast %jit3A_148 : i32 to vector<16xi32>
    %select_n3A_150 = arith.select %gt3A_147, %get3A_144, %broadcast_in_dim3A_149 : vector<16xi32>
    %add3A_151 = arith.addi %add3A_141, %select_n3A_150 : vector<16xi32>
    %get3A_152 = arith.constant 224 : index
    %get3A_153 = tpu.vector_load %arg12[%get3A_152] {strides = array<i32>} : memref<256xi32, #tpu.memory_space<vmem>>, vector<16xi32>,
    %get3A_154 = vector.shape_cast %get3A_153 : vector<16xi32> to vector<16xi32>
    %add3A_155 = arith.addi %add3A_145, %get3A_154 : vector<16xi32>
    %gt3A_156 = arith.constant 14 : i32
    %gt3A_157 = arith.cmpi sgt, %arg1, %gt3A_156 : i32
    %jit3A_158 = arith.constant 0 : i32
    %broadcast_in_dim3A_159 = vector.broadcast %jit3A_158 : i32 to vector<16xi32>
    %select_n3A_160 = arith.select %gt3A_157, %get3A_154, %broadcast_in_dim3A_159 : vector<16xi32>
    %add3A_161 = arith.addi %add3A_151, %select_n3A_160 : vector<16xi32>
    %get3A_162 = arith.constant 240 : index
    %get3A_163 = tpu.vector_load %arg12[%get3A_162] {strides = array<i32>} : memref<256xi32, #tpu.memory_space<vmem>>, vector<16xi32>,
    %get3A_164 = vector.shape_cast %get3A_163 : vector<16xi32> to vector<16xi32>
    %add3A_165 = arith.addi %add3A_155, %get3A_164 : vector<16xi32>
    %gt3A_166 = arith.constant 15 : i32
    %gt3A_167 = arith.cmpi sgt, %arg1, %gt3A_166 : i32
    %jit3A_168 = arith.constant 0 : i32
    %broadcast_in_dim3A_169 = vector.broadcast %jit3A_168 : i32 to vector<16xi32>
    %select_n3A_170 = arith.select %gt3A_167, %get3A_164, %broadcast_in_dim3A_169 : vector<16xi32>
    %add3A_171 = arith.addi %add3A_161, %select_n3A_170 : vector<16xi32>
    %add3A_172 = arith.constant 63 : i32
    %add3A_173 = vector.broadcast %add3A_172 : i32 to vector<16xi32>
    %add3A_174 = arith.addi %add3A_165, %add3A_173 : vector<16xi32>
    %and3A = arith.constant -64 : i32
    %and3A_175 = vector.broadcast %and3A : i32 to vector<16xi32>
    %and3A_176 = arith.andi %add3A_174, %and3A_175 : vector<16xi32>
    %sub3A = arith.constant 1 : i32
    %sub3A_177 = vector.broadcast %sub3A : i32 to vector<16xi32>
    %sub3A_178 = arith.subi %iota3A, %sub3A_177 : vector<16xi32>
    %max3A = arith.constant 0 : i32
    %max3A_179 = vector.broadcast %max3A : i32 to vector<16xi32>
    %max3A_180 = arith.maxsi %sub3A_178, %max3A_179 : vector<16xi32>
    %broadcast_in_dim3A_181 = vector.shape_cast %max3A_180 : vector<16xi32> to vector<16x1xi32>
    %gather3A = vector.shape_cast %broadcast_in_dim3A_181 : vector<16x1xi32> to vector<16xi32>
    %gather3A_182 = tpu.dynamic_gather %and3A_176[%gather3A] in [0] : vector<16xi32>, vector<16xi32> -> vector<16xi32>
    %ge3A = arith.constant 1 : i32
    %ge3A_183 = vector.broadcast %ge3A : i32 to vector<16xi32>
    %ge3A_184 = arith.cmpi sge, %iota3A, %ge3A_183 : vector<16xi32>
    %jit3A_185 = arith.constant 0 : i32
    %broadcast_in_dim3A_186 = vector.broadcast %jit3A_185 : i32 to vector<16xi32>
    %select_n3A_187 = arith.select %ge3A_184, %gather3A_182, %broadcast_in_dim3A_186 : vector<16xi1>, vector<16xi32>
    %add3A_188 = arith.addi %and3A_176, %select_n3A_187 : vector<16xi32>
    %sub3A_189 = arith.constant 2 : i32
    %sub3A_190 = vector.broadcast %sub3A_189 : i32 to vector<16xi32>
    %sub3A_191 = arith.subi %iota3A, %sub3A_190 : vector<16xi32>
    %max3A_192 = arith.constant 0 : i32
    %max3A_193 = vector.broadcast %max3A_192 : i32 to vector<16xi32>
    %max3A_194 = arith.maxsi %sub3A_191, %max3A_193 : vector<16xi32>
    %broadcast_in_dim3A_195 = vector.shape_cast %max3A_194 : vector<16xi32> to vector<16x1xi32>
    %gather3A_196 = vector.shape_cast %broadcast_in_dim3A_195 : vector<16x1xi32> to vector<16xi32>
    %gather3A_197 = tpu.dynamic_gather %add3A_188[%gather3A_196] in [0] : vector<16xi32>, vector<16xi32> -> vector<16xi32>
    %ge3A_198 = arith.constant 2 : i32
    %ge3A_199 = vector.broadcast %ge3A_198 : i32 to vector<16xi32>
    %ge3A_200 = arith.cmpi sge, %iota3A, %ge3A_199 : vector<16xi32>
    %jit3A_201 = arith.constant 0 : i32
    %broadcast_in_dim3A_202 = vector.broadcast %jit3A_201 : i32 to vector<16xi32>
    %select_n3A_203 = arith.select %ge3A_200, %gather3A_197, %broadcast_in_dim3A_202 : vector<16xi1>, vector<16xi32>
    %add3A_204 = arith.addi %add3A_188, %select_n3A_203 : vector<16xi32>
    %sub3A_205 = arith.constant 4 : i32
    %sub3A_206 = vector.broadcast %sub3A_205 : i32 to vector<16xi32>
    %sub3A_207 = arith.subi %iota3A, %sub3A_206 : vector<16xi32>
    %max3A_208 = arith.constant 0 : i32
    %max3A_209 = vector.broadcast %max3A_208 : i32 to vector<16xi32>
    %max3A_210 = arith.maxsi %sub3A_207, %max3A_209 : vector<16xi32>
    %broadcast_in_dim3A_211 = vector.shape_cast %max3A_210 : vector<16xi32> to vector<16x1xi32>
    %gather3A_212 = vector.shape_cast %broadcast_in_dim3A_211 : vector<16x1xi32> to vector<16xi32>
    %gather3A_213 = tpu.dynamic_gather %add3A_204[%gather3A_212] in [0] : vector<16xi32>, vector<16xi32> -> vector<16xi32>
    %ge3A_214 = arith.constant 4 : i32
    %ge3A_215 = vector.broadcast %ge3A_214 : i32 to vector<16xi32>
    %ge3A_216 = arith.cmpi sge, %iota3A, %ge3A_215 : vector<16xi32>
    %jit3A_217 = arith.constant 0 : i32
    %broadcast_in_dim3A_218 = vector.broadcast %jit3A_217 : i32 to vector<16xi32>
    %select_n3A_219 = arith.select %ge3A_216, %gather3A_213, %broadcast_in_dim3A_218 : vector<16xi1>, vector<16xi32>
    %add3A_220 = arith.addi %add3A_204, %select_n3A_219 : vector<16xi32>
    %sub3A_221 = arith.constant 8 : i32
    %sub3A_222 = vector.broadcast %sub3A_221 : i32 to vector<16xi32>
    %sub3A_223 = arith.subi %iota3A, %sub3A_222 : vector<16xi32>
    %max3A_224 = arith.constant 0 : i32
    %max3A_225 = vector.broadcast %max3A_224 : i32 to vector<16xi32>
    %max3A_226 = arith.maxsi %sub3A_223, %max3A_225 : vector<16xi32>
    %broadcast_in_dim3A_227 = vector.shape_cast %max3A_226 : vector<16xi32> to vector<16x1xi32>
    %gather3A_228 = vector.shape_cast %broadcast_in_dim3A_227 : vector<16x1xi32> to vector<16xi32>
    %gather3A_229 = tpu.dynamic_gather %add3A_220[%gather3A_228] in [0] : vector<16xi32>, vector<16xi32> -> vector<16xi32>
    %ge3A_230 = arith.constant 8 : i32
    %ge3A_231 = vector.broadcast %ge3A_230 : i32 to vector<16xi32>
    %ge3A_232 = arith.cmpi sge, %iota3A, %ge3A_231 : vector<16xi32>
    %jit3A_233 = arith.constant 0 : i32
    %broadcast_in_dim3A_234 = vector.broadcast %jit3A_233 : i32 to vector<16xi32>
    %select_n3A_235 = arith.select %ge3A_232, %gather3A_229, %broadcast_in_dim3A_234 : vector<16xi1>, vector<16xi32>
    %add3A_236 = arith.addi %add3A_220, %select_n3A_235 : vector<16xi32>
    %sub3A_237 = arith.subi %add3A_236, %and3A_176 : vector<16xi32>
    %add3A_238 = arith.addi %sub3A_237, %add3A_171 : vector<16xi32>
    %scan3A_239 = arith.constant 0 : i32
    %scan3A_240 = arith.constant 4 : i32
    %scan3A_241 = arith.addi %scan3A_239, %scan3A_240 : i32
    %scan3A_242 = arith.constant 1 : i32
    %scan3A_243 = scf.for %scan3A_271 = %scan3A_239 to %scan3A_241 step %scan3A_242 iter_args(%scan3A_272 = %add3A_238) -> (vector<16xi32>)  : i32 {
      %add3A_273 = arith.constant 0 : i32
      %add3A_274 = arith.addi %add3A_273, %scan3A_271 : i32
      %mul3A_275 = arith.constant 16 : i32
      %mul3A_276 = arith.muli %add3A_274, %mul3A_275 : i32
      %multiple_of3A_277 = tpu.assume_multiple %mul3A_276, 16 : i32
      %get3A_278 = arith.index_cast %multiple_of3A_277 : i32 to index
      %get3A_279 = tpu.vector_load %arg7[%get3A_278] {strides = array<i32>} : memref<128xi32, #tpu.memory_space<vmem>>, vector<16xi32>,
      %get3A_280 = vector.shape_cast %get3A_279 : vector<16xi32> to vector<16xi32>
      %broadcast_in_dim3A_281 = arith.constant 0 : i32
      %broadcast_in_dim3A_282 = vector.broadcast %broadcast_in_dim3A_281 : i32 to vector<16xi32>
      %broadcast_in_dim3A_283 = arith.constant 0 : i32
      %broadcast_in_dim3A_284 = vector.broadcast %broadcast_in_dim3A_283 : i32 to vector<16xi32>
      %eq3A_285 = arith.constant 0 : i32
      %eq3A_286 = vector.broadcast %eq3A_285 : i32 to vector<16xi32>
      %eq3A_287 = arith.cmpi eq, %get3A_280, %eq3A_286 : vector<16xi32>
      %jit3A_288 = arith.constant 1 : i32
      %jit3A_289 = arith.constant 0 : i32
      %broadcast_in_dim3A_290 = vector.broadcast %jit3A_288 : i32 to vector<16xi32>
      %broadcast_in_dim3A_291 = vector.broadcast %jit3A_289 : i32 to vector<16xi32>
      %select_n3A_292 = arith.select %eq3A_287, %broadcast_in_dim3A_290, %broadcast_in_dim3A_291 : vector<16xi1>, vector<16xi32>
      %sub3A_293 = arith.constant 1 : i32
      %sub3A_294 = vector.broadcast %sub3A_293 : i32 to vector<16xi32>
      %sub3A_295 = arith.subi %iota3A, %sub3A_294 : vector<16xi32>
      %max3A_296 = arith.constant 0 : i32
      %max3A_297 = vector.broadcast %max3A_296 : i32 to vector<16xi32>
      %max3A_298 = arith.maxsi %sub3A_295, %max3A_297 : vector<16xi32>
      %broadcast_in_dim3A_299 = vector.shape_cast %max3A_298 : vector<16xi32> to vector<16x1xi32>
      %gather3A_300 = vector.shape_cast %broadcast_in_dim3A_299 : vector<16x1xi32> to vector<16xi32>
      %gather3A_301 = tpu.dynamic_gather %select_n3A_292[%gather3A_300] in [0] : vector<16xi32>, vector<16xi32> -> vector<16xi32>
      %ge3A_302 = arith.constant 1 : i32
      %ge3A_303 = vector.broadcast %ge3A_302 : i32 to vector<16xi32>
      %ge3A_304 = arith.cmpi sge, %iota3A, %ge3A_303 : vector<16xi32>
      %jit3A_305 = arith.constant 0 : i32
      %broadcast_in_dim3A_306 = vector.broadcast %jit3A_305 : i32 to vector<16xi32>
      %select_n3A_307 = arith.select %ge3A_304, %gather3A_301, %broadcast_in_dim3A_306 : vector<16xi1>, vector<16xi32>
      %add3A_308 = arith.addi %select_n3A_292, %select_n3A_307 : vector<16xi32>
      %sub3A_309 = arith.constant 2 : i32
      %sub3A_310 = vector.broadcast %sub3A_309 : i32 to vector<16xi32>
      %sub3A_311 = arith.subi %iota3A, %sub3A_310 : vector<16xi32>
      %max3A_312 = arith.constant 0 : i32
      %max3A_313 = vector.broadcast %max3A_312 : i32 to vector<16xi32>
      %max3A_314 = arith.maxsi %sub3A_311, %max3A_313 : vector<16xi32>
      %broadcast_in_dim3A_315 = vector.shape_cast %max3A_314 : vector<16xi32> to vector<16x1xi32>
      %gather3A_316 = vector.shape_cast %broadcast_in_dim3A_315 : vector<16x1xi32> to vector<16xi32>
      %gather3A_317 = tpu.dynamic_gather %add3A_308[%gather3A_316] in [0] : vector<16xi32>, vector<16xi32> -> vector<16xi32>
      %ge3A_318 = arith.constant 2 : i32
      %ge3A_319 = vector.broadcast %ge3A_318 : i32 to vector<16xi32>
      %ge3A_320 = arith.cmpi sge, %iota3A, %ge3A_319 : vector<16xi32>
      %jit3A_321 = arith.constant 0 : i32
      %broadcast_in_dim3A_322 = vector.broadcast %jit3A_321 : i32 to vector<16xi32>
      %select_n3A_323 = arith.select %ge3A_320, %gather3A_317, %broadcast_in_dim3A_322 : vector<16xi1>, vector<16xi32>
      %add3A_324 = arith.addi %add3A_308, %select_n3A_323 : vector<16xi32>
      %sub3A_325 = arith.constant 4 : i32
      %sub3A_326 = vector.broadcast %sub3A_325 : i32 to vector<16xi32>
      %sub3A_327 = arith.subi %iota3A, %sub3A_326 : vector<16xi32>
      %max3A_328 = arith.constant 0 : i32
      %max3A_329 = vector.broadcast %max3A_328 : i32 to vector<16xi32>
      %max3A_330 = arith.maxsi %sub3A_327, %max3A_329 : vector<16xi32>
      %broadcast_in_dim3A_331 = vector.shape_cast %max3A_330 : vector<16xi32> to vector<16x1xi32>
      %gather3A_332 = vector.shape_cast %broadcast_in_dim3A_331 : vector<16x1xi32> to vector<16xi32>
      %gather3A_333 = tpu.dynamic_gather %add3A_324[%gather3A_332] in [0] : vector<16xi32>, vector<16xi32> -> vector<16xi32>
      %ge3A_334 = arith.constant 4 : i32
      %ge3A_335 = vector.broadcast %ge3A_334 : i32 to vector<16xi32>
      %ge3A_336 = arith.cmpi sge, %iota3A, %ge3A_335 : vector<16xi32>
      %jit3A_337 = arith.constant 0 : i32
      %broadcast_in_dim3A_338 = vector.broadcast %jit3A_337 : i32 to vector<16xi32>
      %select_n3A_339 = arith.select %ge3A_336, %gather3A_333, %broadcast_in_dim3A_338 : vector<16xi1>, vector<16xi32>
      %add3A_340 = arith.addi %add3A_324, %select_n3A_339 : vector<16xi32>
      %sub3A_341 = arith.constant 8 : i32
      %sub3A_342 = vector.broadcast %sub3A_341 : i32 to vector<16xi32>
      %sub3A_343 = arith.subi %iota3A, %sub3A_342 : vector<16xi32>
      %max3A_344 = arith.constant 0 : i32
      %max3A_345 = vector.broadcast %max3A_344 : i32 to vector<16xi32>
      %max3A_346 = arith.maxsi %sub3A_343, %max3A_345 : vector<16xi32>
      %broadcast_in_dim3A_347 = vector.shape_cast %max3A_346 : vector<16xi32> to vector<16x1xi32>
      %gather3A_348 = vector.shape_cast %broadcast_in_dim3A_347 : vector<16x1xi32> to vector<16xi32>
      %gather3A_349 = tpu.dynamic_gather %add3A_340[%gather3A_348] in [0] : vector<16xi32>, vector<16xi32> -> vector<16xi32>
      %ge3A_350 = arith.constant 8 : i32
      %ge3A_351 = vector.broadcast %ge3A_350 : i32 to vector<16xi32>
      %ge3A_352 = arith.cmpi sge, %iota3A, %ge3A_351 : vector<16xi32>
      %jit3A_353 = arith.constant 0 : i32
      %broadcast_in_dim3A_354 = vector.broadcast %jit3A_353 : i32 to vector<16xi32>
      %select_n3A_355 = arith.select %ge3A_352, %gather3A_349, %broadcast_in_dim3A_354 : vector<16xi1>, vector<16xi32>
      %add3A_356 = arith.addi %add3A_340, %select_n3A_355 : vector<16xi32>
      %broadcast_in_dim3A_357 = arith.constant 15 : i32
      %broadcast_in_dim3A_358 = vector.broadcast %broadcast_in_dim3A_357 : i32 to vector<16xi32>
      %broadcast_in_dim3A_359 = vector.shape_cast %broadcast_in_dim3A_358 : vector<16xi32> to vector<16x1xi32>
      %gather3A_360 = vector.shape_cast %broadcast_in_dim3A_359 : vector<16x1xi32> to vector<16xi32>
      %gather3A_361 = tpu.dynamic_gather %add3A_356[%gather3A_360] in [0] : vector<16xi32>, vector<16xi32> -> vector<16xi32>
      %broadcast_in_dim3A_362 = arith.constant 0 : i32
      %broadcast_in_dim3A_363 = vector.broadcast %broadcast_in_dim3A_362 : i32 to vector<16xi32>
      %broadcast_in_dim3A_364 = vector.shape_cast %broadcast_in_dim3A_363 : vector<16xi32> to vector<16x1xi32>
      %gather3A_365 = vector.shape_cast %broadcast_in_dim3A_364 : vector<16x1xi32> to vector<16xi32>
      %gather3A_366 = tpu.dynamic_gather %scan3A_272[%gather3A_365] in [0] : vector<16xi32>, vector<16xi32> -> vector<16xi32>
      %add3A_367 = arith.addi %gather3A_366, %add3A_356 : vector<16xi32>
      %sub3A_368 = arith.constant 1 : i32
      %sub3A_369 = vector.broadcast %sub3A_368 : i32 to vector<16xi32>
      %sub3A_370 = arith.subi %add3A_367, %sub3A_369 : vector<16xi32>
      %select_n3A_371 = arith.select %eq3A_287, %sub3A_370, %broadcast_in_dim3A_282 : vector<16xi1>, vector<16xi32>
      %eq3A_372 = arith.constant 0 : i32
      %eq3A_373 = vector.broadcast %eq3A_372 : i32 to vector<16xi32>
      %eq3A_374 = arith.cmpi eq, %iota3A, %eq3A_373 : vector<16xi32>
      %jit3A_375 = arith.constant 0 : i32
      %broadcast_in_dim3A_376 = vector.broadcast %jit3A_375 : i32 to vector<16xi32>
      %select_n3A_377 = arith.select %eq3A_374, %gather3A_361, %broadcast_in_dim3A_376 : vector<16xi1>, vector<16xi32>
      %add3A_378 = arith.addi %broadcast_in_dim3A_284, %select_n3A_377 : vector<16xi32>
      %eq3A_379 = arith.constant 1 : i32
      %eq3A_380 = vector.broadcast %eq3A_379 : i32 to vector<16xi32>
      %eq3A_381 = arith.cmpi eq, %get3A_280, %eq3A_380 : vector<16xi32>
      %jit3A_382 = arith.constant 1 : i32
      %jit3A_383 = arith.constant 0 : i32
      %broadcast_in_dim3A_384 = vector.broadcast %jit3A_382 : i32 to vector<16xi32>
      %broadcast_in_dim3A_385 = vector.broadcast %jit3A_383 : i32 to vector<16xi32>
      %select_n3A_386 = arith.select %eq3A_381, %broadcast_in_dim3A_384, %broadcast_in_dim3A_385 : vector<16xi1>, vector<16xi32>
      %sub3A_387 = arith.constant 1 : i32
      %sub3A_388 = vector.broadcast %sub3A_387 : i32 to vector<16xi32>
      %sub3A_389 = arith.subi %iota3A, %sub3A_388 : vector<16xi32>
      %max3A_390 = arith.constant 0 : i32
      %max3A_391 = vector.broadcast %max3A_390 : i32 to vector<16xi32>
      %max3A_392 = arith.maxsi %sub3A_389, %max3A_391 : vector<16xi32>
      %broadcast_in_dim3A_393 = vector.shape_cast %max3A_392 : vector<16xi32> to vector<16x1xi32>
      %gather3A_394 = vector.shape_cast %broadcast_in_dim3A_393 : vector<16x1xi32> to vector<16xi32>
      %gather3A_395 = tpu.dynamic_gather %select_n3A_386[%gather3A_394] in [0] : vector<16xi32>, vector<16xi32> -> vector<16xi32>
      %ge3A_396 = arith.constant 1 : i32
      %ge3A_397 = vector.broadcast %ge3A_396 : i32 to vector<16xi32>
      %ge3A_398 = arith.cmpi sge, %iota3A, %ge3A_397 : vector<16xi32>
      %jit3A_399 = arith.constant 0 : i32
      %broadcast_in_dim3A_400 = vector.broadcast %jit3A_399 : i32 to vector<16xi32>
      %select_n3A_401 = arith.select %ge3A_398, %gather3A_395, %broadcast_in_dim3A_400 : vector<16xi1>, vector<16xi32>
      %add3A_402 = arith.addi %select_n3A_386, %select_n3A_401 : vector<16xi32>
      %sub3A_403 = arith.constant 2 : i32
      %sub3A_404 = vector.broadcast %sub3A_403 : i32 to vector<16xi32>
      %sub3A_405 = arith.subi %iota3A, %sub3A_404 : vector<16xi32>
      %max3A_406 = arith.constant 0 : i32
      %max3A_407 = vector.broadcast %max3A_406 : i32 to vector<16xi32>
      %max3A_408 = arith.maxsi %sub3A_405, %max3A_407 : vector<16xi32>
      %broadcast_in_dim3A_409 = vector.shape_cast %max3A_408 : vector<16xi32> to vector<16x1xi32>
      %gather3A_410 = vector.shape_cast %broadcast_in_dim3A_409 : vector<16x1xi32> to vector<16xi32>
      %gather3A_411 = tpu.dynamic_gather %add3A_402[%gather3A_410] in [0] : vector<16xi32>, vector<16xi32> -> vector<16xi32>
      %ge3A_412 = arith.constant 2 : i32
      %ge3A_413 = vector.broadcast %ge3A_412 : i32 to vector<16xi32>
      %ge3A_414 = arith.cmpi sge, %iota3A, %ge3A_413 : vector<16xi32>
      %jit3A_415 = arith.constant 0 : i32
      %broadcast_in_dim3A_416 = vector.broadcast %jit3A_415 : i32 to vector<16xi32>
      %select_n3A_417 = arith.select %ge3A_414, %gather3A_411, %broadcast_in_dim3A_416 : vector<16xi1>, vector<16xi32>
      %add3A_418 = arith.addi %add3A_402, %select_n3A_417 : vector<16xi32>
      %sub3A_419 = arith.constant 4 : i32
      %sub3A_420 = vector.broadcast %sub3A_419 : i32 to vector<16xi32>
      %sub3A_421 = arith.subi %iota3A, %sub3A_420 : vector<16xi32>
      %max3A_422 = arith.constant 0 : i32
      %max3A_423 = vector.broadcast %max3A_422 : i32 to vector<16xi32>
      %max3A_424 = arith.maxsi %sub3A_421, %max3A_423 : vector<16xi32>
      %broadcast_in_dim3A_425 = vector.shape_cast %max3A_424 : vector<16xi32> to vector<16x1xi32>
      %gather3A_426 = vector.shape_cast %broadcast_in_dim3A_425 : vector<16x1xi32> to vector<16xi32>
      %gather3A_427 = tpu.dynamic_gather %add3A_418[%gather3A_426] in [0] : vector<16xi32>, vector<16xi32> -> vector<16xi32>
      %ge3A_428 = arith.constant 4 : i32
      %ge3A_429 = vector.broadcast %ge3A_428 : i32 to vector<16xi32>
      %ge3A_430 = arith.cmpi sge, %iota3A, %ge3A_429 : vector<16xi32>
      %jit3A_431 = arith.constant 0 : i32
      %broadcast_in_dim3A_432 = vector.broadcast %jit3A_431 : i32 to vector<16xi32>
      %select_n3A_433 = arith.select %ge3A_430, %gather3A_427, %broadcast_in_dim3A_432 : vector<16xi1>, vector<16xi32>
      %add3A_434 = arith.addi %add3A_418, %select_n3A_433 : vector<16xi32>
      %sub3A_435 = arith.constant 8 : i32
      %sub3A_436 = vector.broadcast %sub3A_435 : i32 to vector<16xi32>
      %sub3A_437 = arith.subi %iota3A, %sub3A_436 : vector<16xi32>
      %max3A_438 = arith.constant 0 : i32
      %max3A_439 = vector.broadcast %max3A_438 : i32 to vector<16xi32>
      %max3A_440 = arith.maxsi %sub3A_437, %max3A_439 : vector<16xi32>
      %broadcast_in_dim3A_441 = vector.shape_cast %max3A_440 : vector<16xi32> to vector<16x1xi32>
      %gather3A_442 = vector.shape_cast %broadcast_in_dim3A_441 : vector<16x1xi32> to vector<16xi32>
      %gather3A_443 = tpu.dynamic_gather %add3A_434[%gather3A_442] in [0] : vector<16xi32>, vector<16xi32> -> vector<16xi32>
      %ge3A_444 = arith.constant 8 : i32
      %ge3A_445 = vector.broadcast %ge3A_444 : i32 to vector<16xi32>
      %ge3A_446 = arith.cmpi sge, %iota3A, %ge3A_445 : vector<16xi32>
      %jit3A_447 = arith.constant 0 : i32
      %broadcast_in_dim3A_448 = vector.broadcast %jit3A_447 : i32 to vector<16xi32>
      %select_n3A_449 = arith.select %ge3A_446, %gather3A_443, %broadcast_in_dim3A_448 : vector<16xi1>, vector<16xi32>
      %add3A_450 = arith.addi %add3A_434, %select_n3A_449 : vector<16xi32>
      %broadcast_in_dim3A_451 = arith.constant 15 : i32
      %broadcast_in_dim3A_452 = vector.broadcast %broadcast_in_dim3A_451 : i32 to vector<16xi32>
      %broadcast_in_dim3A_453 = vector.shape_cast %broadcast_in_dim3A_452 : vector<16xi32> to vector<16x1xi32>
      %gather3A_454 = vector.shape_cast %broadcast_in_dim3A_453 : vector<16x1xi32> to vector<16xi32>
      %gather3A_455 = tpu.dynamic_gather %add3A_450[%gather3A_454] in [0] : vector<16xi32>, vector<16xi32> -> vector<16xi32>
      %broadcast_in_dim3A_456 = arith.constant 1 : i32
      %broadcast_in_dim3A_457 = vector.broadcast %broadcast_in_dim3A_456 : i32 to vector<16xi32>
      %broadcast_in_dim3A_458 = vector.shape_cast %broadcast_in_dim3A_457 : vector<16xi32> to vector<16x1xi32>
      %gather3A_459 = vector.shape_cast %broadcast_in_dim3A_458 : vector<16x1xi32> to vector<16xi32>
      %gather3A_460 = tpu.dynamic_gather %scan3A_272[%gather3A_459] in [0] : vector<16xi32>, vector<16xi32> -> vector<16xi32>
      %add3A_461 = arith.addi %gather3A_460, %add3A_450 : vector<16xi32>
      %sub3A_462 = arith.constant 1 : i32
      %sub3A_463 = vector.broadcast %sub3A_462 : i32 to vector<16xi32>
      %sub3A_464 = arith.subi %add3A_461, %sub3A_463 : vector<16xi32>
      %select_n3A_465 = arith.select %eq3A_381, %sub3A_464, %select_n3A_371 : vector<16xi1>, vector<16xi32>
      %eq3A_466 = arith.constant 1 : i32
      %eq3A_467 = vector.broadcast %eq3A_466 : i32 to vector<16xi32>
      %eq3A_468 = arith.cmpi eq, %iota3A, %eq3A_467 : vector<16xi32>
      %jit3A_469 = arith.constant 0 : i32
      %broadcast_in_dim3A_470 = vector.broadcast %jit3A_469 : i32 to vector<16xi32>
      %select_n3A_471 = arith.select %eq3A_468, %gather3A_455, %broadcast_in_dim3A_470 : vector<16xi1>, vector<16xi32>
      %add3A_472 = arith.addi %add3A_378, %select_n3A_471 : vector<16xi32>
      %eq3A_473 = arith.constant 2 : i32
      %eq3A_474 = vector.broadcast %eq3A_473 : i32 to vector<16xi32>
      %eq3A_475 = arith.cmpi eq, %get3A_280, %eq3A_474 : vector<16xi32>
      %jit3A_476 = arith.constant 1 : i32
      %jit3A_477 = arith.constant 0 : i32
      %broadcast_in_dim3A_478 = vector.broadcast %jit3A_476 : i32 to vector<16xi32>
      %broadcast_in_dim3A_479 = vector.broadcast %jit3A_477 : i32 to vector<16xi32>
      %select_n3A_480 = arith.select %eq3A_475, %broadcast_in_dim3A_478, %broadcast_in_dim3A_479 : vector<16xi1>, vector<16xi32>
      %sub3A_481 = arith.constant 1 : i32
      %sub3A_482 = vector.broadcast %sub3A_481 : i32 to vector<16xi32>
      %sub3A_483 = arith.subi %iota3A, %sub3A_482 : vector<16xi32>
      %max3A_484 = arith.constant 0 : i32
      %max3A_485 = vector.broadcast %max3A_484 : i32 to vector<16xi32>
      %max3A_486 = arith.maxsi %sub3A_483, %max3A_485 : vector<16xi32>
      %broadcast_in_dim3A_487 = vector.shape_cast %max3A_486 : vector<16xi32> to vector<16x1xi32>
      %gather3A_488 = vector.shape_cast %broadcast_in_dim3A_487 : vector<16x1xi32> to vector<16xi32>
      %gather3A_489 = tpu.dynamic_gather %select_n3A_480[%gather3A_488] in [0] : vector<16xi32>, vector<16xi32> -> vector<16xi32>
      %ge3A_490 = arith.constant 1 : i32
      %ge3A_491 = vector.broadcast %ge3A_490 : i32 to vector<16xi32>
      %ge3A_492 = arith.cmpi sge, %iota3A, %ge3A_491 : vector<16xi32>
      %jit3A_493 = arith.constant 0 : i32
      %broadcast_in_dim3A_494 = vector.broadcast %jit3A_493 : i32 to vector<16xi32>
      %select_n3A_495 = arith.select %ge3A_492, %gather3A_489, %broadcast_in_dim3A_494 : vector<16xi1>, vector<16xi32>
      %add3A_496 = arith.addi %select_n3A_480, %select_n3A_495 : vector<16xi32>
      %sub3A_497 = arith.constant 2 : i32
      %sub3A_498 = vector.broadcast %sub3A_497 : i32 to vector<16xi32>
      %sub3A_499 = arith.subi %iota3A, %sub3A_498 : vector<16xi32>
      %max3A_500 = arith.constant 0 : i32
      %max3A_501 = vector.broadcast %max3A_500 : i32 to vector<16xi32>
      %max3A_502 = arith.maxsi %sub3A_499, %max3A_501 : vector<16xi32>
      %broadcast_in_dim3A_503 = vector.shape_cast %max3A_502 : vector<16xi32> to vector<16x1xi32>
      %gather3A_504 = vector.shape_cast %broadcast_in_dim3A_503 : vector<16x1xi32> to vector<16xi32>
      %gather3A_505 = tpu.dynamic_gather %add3A_496[%gather3A_504] in [0] : vector<16xi32>, vector<16xi32> -> vector<16xi32>
      %ge3A_506 = arith.constant 2 : i32
      %ge3A_507 = vector.broadcast %ge3A_506 : i32 to vector<16xi32>
      %ge3A_508 = arith.cmpi sge, %iota3A, %ge3A_507 : vector<16xi32>
      %jit3A_509 = arith.constant 0 : i32
      %broadcast_in_dim3A_510 = vector.broadcast %jit3A_509 : i32 to vector<16xi32>
      %select_n3A_511 = arith.select %ge3A_508, %gather3A_505, %broadcast_in_dim3A_510 : vector<16xi1>, vector<16xi32>
      %add3A_512 = arith.addi %add3A_496, %select_n3A_511 : vector<16xi32>
      %sub3A_513 = arith.constant 4 : i32
      %sub3A_514 = vector.broadcast %sub3A_513 : i32 to vector<16xi32>
      %sub3A_515 = arith.subi %iota3A, %sub3A_514 : vector<16xi32>
      %max3A_516 = arith.constant 0 : i32
      %max3A_517 = vector.broadcast %max3A_516 : i32 to vector<16xi32>
      %max3A_518 = arith.maxsi %sub3A_515, %max3A_517 : vector<16xi32>
      %broadcast_in_dim3A_519 = vector.shape_cast %max3A_518 : vector<16xi32> to vector<16x1xi32>
      %gather3A_520 = vector.shape_cast %broadcast_in_dim3A_519 : vector<16x1xi32> to vector<16xi32>
      %gather3A_521 = tpu.dynamic_gather %add3A_512[%gather3A_520] in [0] : vector<16xi32>, vector<16xi32> -> vector<16xi32>
      %ge3A_522 = arith.constant 4 : i32
      %ge3A_523 = vector.broadcast %ge3A_522 : i32 to vector<16xi32>
      %ge3A_524 = arith.cmpi sge, %iota3A, %ge3A_523 : vector<16xi32>
      %jit3A_525 = arith.constant 0 : i32
      %broadcast_in_dim3A_526 = vector.broadcast %jit3A_525 : i32 to vector<16xi32>
      %select_n3A_527 = arith.select %ge3A_524, %gather3A_521, %broadcast_in_dim3A_526 : vector<16xi1>, vector<16xi32>
      %add3A_528 = arith.addi %add3A_512, %select_n3A_527 : vector<16xi32>
      %sub3A_529 = arith.constant 8 : i32
      %sub3A_530 = vector.broadcast %sub3A_529 : i32 to vector<16xi32>
      %sub3A_531 = arith.subi %iota3A, %sub3A_530 : vector<16xi32>
      %max3A_532 = arith.constant 0 : i32
      %max3A_533 = vector.broadcast %max3A_532 : i32 to vector<16xi32>
      %max3A_534 = arith.maxsi %sub3A_531, %max3A_533 : vector<16xi32>
      %broadcast_in_dim3A_535 = vector.shape_cast %max3A_534 : vector<16xi32> to vector<16x1xi32>
      %gather3A_536 = vector.shape_cast %broadcast_in_dim3A_535 : vector<16x1xi32> to vector<16xi32>
      %gather3A_537 = tpu.dynamic_gather %add3A_528[%gather3A_536] in [0] : vector<16xi32>, vector<16xi32> -> vector<16xi32>
      %ge3A_538 = arith.constant 8 : i32
      %ge3A_539 = vector.broadcast %ge3A_538 : i32 to vector<16xi32>
      %ge3A_540 = arith.cmpi sge, %iota3A, %ge3A_539 : vector<16xi32>
      %jit3A_541 = arith.constant 0 : i32
      %broadcast_in_dim3A_542 = vector.broadcast %jit3A_541 : i32 to vector<16xi32>
      %select_n3A_543 = arith.select %ge3A_540, %gather3A_537, %broadcast_in_dim3A_542 : vector<16xi1>, vector<16xi32>
      %add3A_544 = arith.addi %add3A_528, %select_n3A_543 : vector<16xi32>
      %broadcast_in_dim3A_545 = arith.constant 15 : i32
      %broadcast_in_dim3A_546 = vector.broadcast %broadcast_in_dim3A_545 : i32 to vector<16xi32>
      %broadcast_in_dim3A_547 = vector.shape_cast %broadcast_in_dim3A_546 : vector<16xi32> to vector<16x1xi32>
      %gather3A_548 = vector.shape_cast %broadcast_in_dim3A_547 : vector<16x1xi32> to vector<16xi32>
      %gather3A_549 = tpu.dynamic_gather %add3A_544[%gather3A_548] in [0] : vector<16xi32>, vector<16xi32> -> vector<16xi32>
      %broadcast_in_dim3A_550 = arith.constant 2 : i32
      %broadcast_in_dim3A_551 = vector.broadcast %broadcast_in_dim3A_550 : i32 to vector<16xi32>
      %broadcast_in_dim3A_552 = vector.shape_cast %broadcast_in_dim3A_551 : vector<16xi32> to vector<16x1xi32>
      %gather3A_553 = vector.shape_cast %broadcast_in_dim3A_552 : vector<16x1xi32> to vector<16xi32>
      %gather3A_554 = tpu.dynamic_gather %scan3A_272[%gather3A_553] in [0] : vector<16xi32>, vector<16xi32> -> vector<16xi32>
      %add3A_555 = arith.addi %gather3A_554, %add3A_544 : vector<16xi32>
      %sub3A_556 = arith.constant 1 : i32
      %sub3A_557 = vector.broadcast %sub3A_556 : i32 to vector<16xi32>
      %sub3A_558 = arith.subi %add3A_555, %sub3A_557 : vector<16xi32>
      %select_n3A_559 = arith.select %eq3A_475, %sub3A_558, %select_n3A_465 : vector<16xi1>, vector<16xi32>
      %eq3A_560 = arith.constant 2 : i32
      %eq3A_561 = vector.broadcast %eq3A_560 : i32 to vector<16xi32>
      %eq3A_562 = arith.cmpi eq, %iota3A, %eq3A_561 : vector<16xi32>
      %jit3A_563 = arith.constant 0 : i32
      %broadcast_in_dim3A_564 = vector.broadcast %jit3A_563 : i32 to vector<16xi32>
      %select_n3A_565 = arith.select %eq3A_562, %gather3A_549, %broadcast_in_dim3A_564 : vector<16xi1>, vector<16xi32>
      %add3A_566 = arith.addi %add3A_472, %select_n3A_565 : vector<16xi32>
      %eq3A_567 = arith.constant 3 : i32
      %eq3A_568 = vector.broadcast %eq3A_567 : i32 to vector<16xi32>
      %eq3A_569 = arith.cmpi eq, %get3A_280, %eq3A_568 : vector<16xi32>
      %jit3A_570 = arith.constant 1 : i32
      %jit3A_571 = arith.constant 0 : i32
      %broadcast_in_dim3A_572 = vector.broadcast %jit3A_570 : i32 to vector<16xi32>
      %broadcast_in_dim3A_573 = vector.broadcast %jit3A_571 : i32 to vector<16xi32>
      %select_n3A_574 = arith.select %eq3A_569, %broadcast_in_dim3A_572, %broadcast_in_dim3A_573 : vector<16xi1>, vector<16xi32>
      %sub3A_575 = arith.constant 1 : i32
      %sub3A_576 = vector.broadcast %sub3A_575 : i32 to vector<16xi32>
      %sub3A_577 = arith.subi %iota3A, %sub3A_576 : vector<16xi32>
      %max3A_578 = arith.constant 0 : i32
      %max3A_579 = vector.broadcast %max3A_578 : i32 to vector<16xi32>
      %max3A_580 = arith.maxsi %sub3A_577, %max3A_579 : vector<16xi32>
      %broadcast_in_dim3A_581 = vector.shape_cast %max3A_580 : vector<16xi32> to vector<16x1xi32>
      %gather3A_582 = vector.shape_cast %broadcast_in_dim3A_581 : vector<16x1xi32> to vector<16xi32>
      %gather3A_583 = tpu.dynamic_gather %select_n3A_574[%gather3A_582] in [0] : vector<16xi32>, vector<16xi32> -> vector<16xi32>
      %ge3A_584 = arith.constant 1 : i32
      %ge3A_585 = vector.broadcast %ge3A_584 : i32 to vector<16xi32>
      %ge3A_586 = arith.cmpi sge, %iota3A, %ge3A_585 : vector<16xi32>
      %jit3A_587 = arith.constant 0 : i32
      %broadcast_in_dim3A_588 = vector.broadcast %jit3A_587 : i32 to vector<16xi32>
      %select_n3A_589 = arith.select %ge3A_586, %gather3A_583, %broadcast_in_dim3A_588 : vector<16xi1>, vector<16xi32>
      %add3A_590 = arith.addi %select_n3A_574, %select_n3A_589 : vector<16xi32>
      %sub3A_591 = arith.constant 2 : i32
      %sub3A_592 = vector.broadcast %sub3A_591 : i32 to vector<16xi32>
      %sub3A_593 = arith.subi %iota3A, %sub3A_592 : vector<16xi32>
      %max3A_594 = arith.constant 0 : i32
      %max3A_595 = vector.broadcast %max3A_594 : i32 to vector<16xi32>
      %max3A_596 = arith.maxsi %sub3A_593, %max3A_595 : vector<16xi32>
      %broadcast_in_dim3A_597 = vector.shape_cast %max3A_596 : vector<16xi32> to vector<16x1xi32>
      %gather3A_598 = vector.shape_cast %broadcast_in_dim3A_597 : vector<16x1xi32> to vector<16xi32>
      %gather3A_599 = tpu.dynamic_gather %add3A_590[%gather3A_598] in [0] : vector<16xi32>, vector<16xi32> -> vector<16xi32>
      %ge3A_600 = arith.constant 2 : i32
      %ge3A_601 = vector.broadcast %ge3A_600 : i32 to vector<16xi32>
      %ge3A_602 = arith.cmpi sge, %iota3A, %ge3A_601 : vector<16xi32>
      %jit3A_603 = arith.constant 0 : i32
      %broadcast_in_dim3A_604 = vector.broadcast %jit3A_603 : i32 to vector<16xi32>
      %select_n3A_605 = arith.select %ge3A_602, %gather3A_599, %broadcast_in_dim3A_604 : vector<16xi1>, vector<16xi32>
      %add3A_606 = arith.addi %add3A_590, %select_n3A_605 : vector<16xi32>
      %sub3A_607 = arith.constant 4 : i32
      %sub3A_608 = vector.broadcast %sub3A_607 : i32 to vector<16xi32>
      %sub3A_609 = arith.subi %iota3A, %sub3A_608 : vector<16xi32>
      %max3A_610 = arith.constant 0 : i32
      %max3A_611 = vector.broadcast %max3A_610 : i32 to vector<16xi32>
      %max3A_612 = arith.maxsi %sub3A_609, %max3A_611 : vector<16xi32>
      %broadcast_in_dim3A_613 = vector.shape_cast %max3A_612 : vector<16xi32> to vector<16x1xi32>
      %gather3A_614 = vector.shape_cast %broadcast_in_dim3A_613 : vector<16x1xi32> to vector<16xi32>
      %gather3A_615 = tpu.dynamic_gather %add3A_606[%gather3A_614] in [0] : vector<16xi32>, vector<16xi32> -> vector<16xi32>
      %ge3A_616 = arith.constant 4 : i32
      %ge3A_617 = vector.broadcast %ge3A_616 : i32 to vector<16xi32>
      %ge3A_618 = arith.cmpi sge, %iota3A, %ge3A_617 : vector<16xi32>
      %jit3A_619 = arith.constant 0 : i32
      %broadcast_in_dim3A_620 = vector.broadcast %jit3A_619 : i32 to vector<16xi32>
      %select_n3A_621 = arith.select %ge3A_618, %gather3A_615, %broadcast_in_dim3A_620 : vector<16xi1>, vector<16xi32>
      %add3A_622 = arith.addi %add3A_606, %select_n3A_621 : vector<16xi32>
      %sub3A_623 = arith.constant 8 : i32
      %sub3A_624 = vector.broadcast %sub3A_623 : i32 to vector<16xi32>
      %sub3A_625 = arith.subi %iota3A, %sub3A_624 : vector<16xi32>
      %max3A_626 = arith.constant 0 : i32
      %max3A_627 = vector.broadcast %max3A_626 : i32 to vector<16xi32>
      %max3A_628 = arith.maxsi %sub3A_625, %max3A_627 : vector<16xi32>
      %broadcast_in_dim3A_629 = vector.shape_cast %max3A_628 : vector<16xi32> to vector<16x1xi32>
      %gather3A_630 = vector.shape_cast %broadcast_in_dim3A_629 : vector<16x1xi32> to vector<16xi32>
      %gather3A_631 = tpu.dynamic_gather %add3A_622[%gather3A_630] in [0] : vector<16xi32>, vector<16xi32> -> vector<16xi32>
      %ge3A_632 = arith.constant 8 : i32
      %ge3A_633 = vector.broadcast %ge3A_632 : i32 to vector<16xi32>
      %ge3A_634 = arith.cmpi sge, %iota3A, %ge3A_633 : vector<16xi32>
      %jit3A_635 = arith.constant 0 : i32
      %broadcast_in_dim3A_636 = vector.broadcast %jit3A_635 : i32 to vector<16xi32>
      %select_n3A_637 = arith.select %ge3A_634, %gather3A_631, %broadcast_in_dim3A_636 : vector<16xi1>, vector<16xi32>
      %add3A_638 = arith.addi %add3A_622, %select_n3A_637 : vector<16xi32>
      %broadcast_in_dim3A_639 = arith.constant 15 : i32
      %broadcast_in_dim3A_640 = vector.broadcast %broadcast_in_dim3A_639 : i32 to vector<16xi32>
      %broadcast_in_dim3A_641 = vector.shape_cast %broadcast_in_dim3A_640 : vector<16xi32> to vector<16x1xi32>
      %gather3A_642 = vector.shape_cast %broadcast_in_dim3A_641 : vector<16x1xi32> to vector<16xi32>
      %gather3A_643 = tpu.dynamic_gather %add3A_638[%gather3A_642] in [0] : vector<16xi32>, vector<16xi32> -> vector<16xi32>
      %broadcast_in_dim3A_644 = arith.constant 3 : i32
      %broadcast_in_dim3A_645 = vector.broadcast %broadcast_in_dim3A_644 : i32 to vector<16xi32>
      %broadcast_in_dim3A_646 = vector.shape_cast %broadcast_in_dim3A_645 : vector<16xi32> to vector<16x1xi32>
      %gather3A_647 = vector.shape_cast %broadcast_in_dim3A_646 : vector<16x1xi32> to vector<16xi32>
      %gather3A_648 = tpu.dynamic_gather %scan3A_272[%gather3A_647] in [0] : vector<16xi32>, vector<16xi32> -> vector<16xi32>
      %add3A_649 = arith.addi %gather3A_648, %add3A_638 : vector<16xi32>
      %sub3A_650 = arith.constant 1 : i32
      %sub3A_651 = vector.broadcast %sub3A_650 : i32 to vector<16xi32>
      %sub3A_652 = arith.subi %add3A_649, %sub3A_651 : vector<16xi32>
      %select_n3A_653 = arith.select %eq3A_569, %sub3A_652, %select_n3A_559 : vector<16xi1>, vector<16xi32>
      %eq3A_654 = arith.constant 3 : i32
      %eq3A_655 = vector.broadcast %eq3A_654 : i32 to vector<16xi32>
      %eq3A_656 = arith.cmpi eq, %iota3A, %eq3A_655 : vector<16xi32>
      %jit3A_657 = arith.constant 0 : i32
      %broadcast_in_dim3A_658 = vector.broadcast %jit3A_657 : i32 to vector<16xi32>
      %select_n3A_659 = arith.select %eq3A_656, %gather3A_643, %broadcast_in_dim3A_658 : vector<16xi1>, vector<16xi32>
      %add3A_660 = arith.addi %add3A_566, %select_n3A_659 : vector<16xi32>
      %eq3A_661 = arith.constant 4 : i32
      %eq3A_662 = vector.broadcast %eq3A_661 : i32 to vector<16xi32>
      %eq3A_663 = arith.cmpi eq, %get3A_280, %eq3A_662 : vector<16xi32>
      %jit3A_664 = arith.constant 1 : i32
      %jit3A_665 = arith.constant 0 : i32
      %broadcast_in_dim3A_666 = vector.broadcast %jit3A_664 : i32 to vector<16xi32>
      %broadcast_in_dim3A_667 = vector.broadcast %jit3A_665 : i32 to vector<16xi32>
      %select_n3A_668 = arith.select %eq3A_663, %broadcast_in_dim3A_666, %broadcast_in_dim3A_667 : vector<16xi1>, vector<16xi32>
      %sub3A_669 = arith.constant 1 : i32
      %sub3A_670 = vector.broadcast %sub3A_669 : i32 to vector<16xi32>
      %sub3A_671 = arith.subi %iota3A, %sub3A_670 : vector<16xi32>
      %max3A_672 = arith.constant 0 : i32
      %max3A_673 = vector.broadcast %max3A_672 : i32 to vector<16xi32>
      %max3A_674 = arith.maxsi %sub3A_671, %max3A_673 : vector<16xi32>
      %broadcast_in_dim3A_675 = vector.shape_cast %max3A_674 : vector<16xi32> to vector<16x1xi32>
      %gather3A_676 = vector.shape_cast %broadcast_in_dim3A_675 : vector<16x1xi32> to vector<16xi32>
      %gather3A_677 = tpu.dynamic_gather %select_n3A_668[%gather3A_676] in [0] : vector<16xi32>, vector<16xi32> -> vector<16xi32>
      %ge3A_678 = arith.constant 1 : i32
      %ge3A_679 = vector.broadcast %ge3A_678 : i32 to vector<16xi32>
      %ge3A_680 = arith.cmpi sge, %iota3A, %ge3A_679 : vector<16xi32>
      %jit3A_681 = arith.constant 0 : i32
      %broadcast_in_dim3A_682 = vector.broadcast %jit3A_681 : i32 to vector<16xi32>
      %select_n3A_683 = arith.select %ge3A_680, %gather3A_677, %broadcast_in_dim3A_682 : vector<16xi1>, vector<16xi32>
      %add3A_684 = arith.addi %select_n3A_668, %select_n3A_683 : vector<16xi32>
      %sub3A_685 = arith.constant 2 : i32
      %sub3A_686 = vector.broadcast %sub3A_685 : i32 to vector<16xi32>
      %sub3A_687 = arith.subi %iota3A, %sub3A_686 : vector<16xi32>
      %max3A_688 = arith.constant 0 : i32
      %max3A_689 = vector.broadcast %max3A_688 : i32 to vector<16xi32>
      %max3A_690 = arith.maxsi %sub3A_687, %max3A_689 : vector<16xi32>
      %broadcast_in_dim3A_691 = vector.shape_cast %max3A_690 : vector<16xi32> to vector<16x1xi32>
      %gather3A_692 = vector.shape_cast %broadcast_in_dim3A_691 : vector<16x1xi32> to vector<16xi32>
      %gather3A_693 = tpu.dynamic_gather %add3A_684[%gather3A_692] in [0] : vector<16xi32>, vector<16xi32> -> vector<16xi32>
      %ge3A_694 = arith.constant 2 : i32
      %ge3A_695 = vector.broadcast %ge3A_694 : i32 to vector<16xi32>
      %ge3A_696 = arith.cmpi sge, %iota3A, %ge3A_695 : vector<16xi32>
      %jit3A_697 = arith.constant 0 : i32
      %broadcast_in_dim3A_698 = vector.broadcast %jit3A_697 : i32 to vector<16xi32>
      %select_n3A_699 = arith.select %ge3A_696, %gather3A_693, %broadcast_in_dim3A_698 : vector<16xi1>, vector<16xi32>
      %add3A_700 = arith.addi %add3A_684, %select_n3A_699 : vector<16xi32>
      %sub3A_701 = arith.constant 4 : i32
      %sub3A_702 = vector.broadcast %sub3A_701 : i32 to vector<16xi32>
      %sub3A_703 = arith.subi %iota3A, %sub3A_702 : vector<16xi32>
      %max3A_704 = arith.constant 0 : i32
      %max3A_705 = vector.broadcast %max3A_704 : i32 to vector<16xi32>
      %max3A_706 = arith.maxsi %sub3A_703, %max3A_705 : vector<16xi32>
      %broadcast_in_dim3A_707 = vector.shape_cast %max3A_706 : vector<16xi32> to vector<16x1xi32>
      %gather3A_708 = vector.shape_cast %broadcast_in_dim3A_707 : vector<16x1xi32> to vector<16xi32>
      %gather3A_709 = tpu.dynamic_gather %add3A_700[%gather3A_708] in [0] : vector<16xi32>, vector<16xi32> -> vector<16xi32>
      %ge3A_710 = arith.constant 4 : i32
      %ge3A_711 = vector.broadcast %ge3A_710 : i32 to vector<16xi32>
      %ge3A_712 = arith.cmpi sge, %iota3A, %ge3A_711 : vector<16xi32>
      %jit3A_713 = arith.constant 0 : i32
      %broadcast_in_dim3A_714 = vector.broadcast %jit3A_713 : i32 to vector<16xi32>
      %select_n3A_715 = arith.select %ge3A_712, %gather3A_709, %broadcast_in_dim3A_714 : vector<16xi1>, vector<16xi32>
      %add3A_716 = arith.addi %add3A_700, %select_n3A_715 : vector<16xi32>
      %sub3A_717 = arith.constant 8 : i32
      %sub3A_718 = vector.broadcast %sub3A_717 : i32 to vector<16xi32>
      %sub3A_719 = arith.subi %iota3A, %sub3A_718 : vector<16xi32>
      %max3A_720 = arith.constant 0 : i32
      %max3A_721 = vector.broadcast %max3A_720 : i32 to vector<16xi32>
      %max3A_722 = arith.maxsi %sub3A_719, %max3A_721 : vector<16xi32>
      %broadcast_in_dim3A_723 = vector.shape_cast %max3A_722 : vector<16xi32> to vector<16x1xi32>
      %gather3A_724 = vector.shape_cast %broadcast_in_dim3A_723 : vector<16x1xi32> to vector<16xi32>
      %gather3A_725 = tpu.dynamic_gather %add3A_716[%gather3A_724] in [0] : vector<16xi32>, vector<16xi32> -> vector<16xi32>
      %ge3A_726 = arith.constant 8 : i32
      %ge3A_727 = vector.broadcast %ge3A_726 : i32 to vector<16xi32>
      %ge3A_728 = arith.cmpi sge, %iota3A, %ge3A_727 : vector<16xi32>
      %jit3A_729 = arith.constant 0 : i32
      %broadcast_in_dim3A_730 = vector.broadcast %jit3A_729 : i32 to vector<16xi32>
      %select_n3A_731 = arith.select %ge3A_728, %gather3A_725, %broadcast_in_dim3A_730 : vector<16xi1>, vector<16xi32>
      %add3A_732 = arith.addi %add3A_716, %select_n3A_731 : vector<16xi32>
      %broadcast_in_dim3A_733 = arith.constant 15 : i32
      %broadcast_in_dim3A_734 = vector.broadcast %broadcast_in_dim3A_733 : i32 to vector<16xi32>
      %broadcast_in_dim3A_735 = vector.shape_cast %broadcast_in_dim3A_734 : vector<16xi32> to vector<16x1xi32>
      %gather3A_736 = vector.shape_cast %broadcast_in_dim3A_735 : vector<16x1xi32> to vector<16xi32>
      %gather3A_737 = tpu.dynamic_gather %add3A_732[%gather3A_736] in [0] : vector<16xi32>, vector<16xi32> -> vector<16xi32>
      %broadcast_in_dim3A_738 = arith.constant 4 : i32
      %broadcast_in_dim3A_739 = vector.broadcast %broadcast_in_dim3A_738 : i32 to vector<16xi32>
      %broadcast_in_dim3A_740 = vector.shape_cast %broadcast_in_dim3A_739 : vector<16xi32> to vector<16x1xi32>
      %gather3A_741 = vector.shape_cast %broadcast_in_dim3A_740 : vector<16x1xi32> to vector<16xi32>
      %gather3A_742 = tpu.dynamic_gather %scan3A_272[%gather3A_741] in [0] : vector<16xi32>, vector<16xi32> -> vector<16xi32>
      %add3A_743 = arith.addi %gather3A_742, %add3A_732 : vector<16xi32>
      %sub3A_744 = arith.constant 1 : i32
      %sub3A_745 = vector.broadcast %sub3A_744 : i32 to vector<16xi32>
      %sub3A_746 = arith.subi %add3A_743, %sub3A_745 : vector<16xi32>
      %select_n3A_747 = arith.select %eq3A_663, %sub3A_746, %select_n3A_653 : vector<16xi1>, vector<16xi32>
      %eq3A_748 = arith.constant 4 : i32
      %eq3A_749 = vector.broadcast %eq3A_748 : i32 to vector<16xi32>
      %eq3A_750 = arith.cmpi eq, %iota3A, %eq3A_749 : vector<16xi32>
      %jit3A_751 = arith.constant 0 : i32
      %broadcast_in_dim3A_752 = vector.broadcast %jit3A_751 : i32 to vector<16xi32>
      %select_n3A_753 = arith.select %eq3A_750, %gather3A_737, %broadcast_in_dim3A_752 : vector<16xi1>, vector<16xi32>
      %add3A_754 = arith.addi %add3A_660, %select_n3A_753 : vector<16xi32>
      %eq3A_755 = arith.constant 5 : i32
      %eq3A_756 = vector.broadcast %eq3A_755 : i32 to vector<16xi32>
      %eq3A_757 = arith.cmpi eq, %get3A_280, %eq3A_756 : vector<16xi32>
      %jit3A_758 = arith.constant 1 : i32
      %jit3A_759 = arith.constant 0 : i32
      %broadcast_in_dim3A_760 = vector.broadcast %jit3A_758 : i32 to vector<16xi32>
      %broadcast_in_dim3A_761 = vector.broadcast %jit3A_759 : i32 to vector<16xi32>
      %select_n3A_762 = arith.select %eq3A_757, %broadcast_in_dim3A_760, %broadcast_in_dim3A_761 : vector<16xi1>, vector<16xi32>
      %sub3A_763 = arith.constant 1 : i32
      %sub3A_764 = vector.broadcast %sub3A_763 : i32 to vector<16xi32>
      %sub3A_765 = arith.subi %iota3A, %sub3A_764 : vector<16xi32>
      %max3A_766 = arith.constant 0 : i32
      %max3A_767 = vector.broadcast %max3A_766 : i32 to vector<16xi32>
      %max3A_768 = arith.maxsi %sub3A_765, %max3A_767 : vector<16xi32>
      %broadcast_in_dim3A_769 = vector.shape_cast %max3A_768 : vector<16xi32> to vector<16x1xi32>
      %gather3A_770 = vector.shape_cast %broadcast_in_dim3A_769 : vector<16x1xi32> to vector<16xi32>
      %gather3A_771 = tpu.dynamic_gather %select_n3A_762[%gather3A_770] in [0] : vector<16xi32>, vector<16xi32> -> vector<16xi32>
      %ge3A_772 = arith.constant 1 : i32
      %ge3A_773 = vector.broadcast %ge3A_772 : i32 to vector<16xi32>
      %ge3A_774 = arith.cmpi sge, %iota3A, %ge3A_773 : vector<16xi32>
      %jit3A_775 = arith.constant 0 : i32
      %broadcast_in_dim3A_776 = vector.broadcast %jit3A_775 : i32 to vector<16xi32>
      %select_n3A_777 = arith.select %ge3A_774, %gather3A_771, %broadcast_in_dim3A_776 : vector<16xi1>, vector<16xi32>
      %add3A_778 = arith.addi %select_n3A_762, %select_n3A_777 : vector<16xi32>
      %sub3A_779 = arith.constant 2 : i32
      %sub3A_780 = vector.broadcast %sub3A_779 : i32 to vector<16xi32>
      %sub3A_781 = arith.subi %iota3A, %sub3A_780 : vector<16xi32>
      %max3A_782 = arith.constant 0 : i32
      %max3A_783 = vector.broadcast %max3A_782 : i32 to vector<16xi32>
      %max3A_784 = arith.maxsi %sub3A_781, %max3A_783 : vector<16xi32>
      %broadcast_in_dim3A_785 = vector.shape_cast %max3A_784 : vector<16xi32> to vector<16x1xi32>
      %gather3A_786 = vector.shape_cast %broadcast_in_dim3A_785 : vector<16x1xi32> to vector<16xi32>
      %gather3A_787 = tpu.dynamic_gather %add3A_778[%gather3A_786] in [0] : vector<16xi32>, vector<16xi32> -> vector<16xi32>
      %ge3A_788 = arith.constant 2 : i32
      %ge3A_789 = vector.broadcast %ge3A_788 : i32 to vector<16xi32>
      %ge3A_790 = arith.cmpi sge, %iota3A, %ge3A_789 : vector<16xi32>
      %jit3A_791 = arith.constant 0 : i32
      %broadcast_in_dim3A_792 = vector.broadcast %jit3A_791 : i32 to vector<16xi32>
      %select_n3A_793 = arith.select %ge3A_790, %gather3A_787, %broadcast_in_dim3A_792 : vector<16xi1>, vector<16xi32>
      %add3A_794 = arith.addi %add3A_778, %select_n3A_793 : vector<16xi32>
      %sub3A_795 = arith.constant 4 : i32
      %sub3A_796 = vector.broadcast %sub3A_795 : i32 to vector<16xi32>
      %sub3A_797 = arith.subi %iota3A, %sub3A_796 : vector<16xi32>
      %max3A_798 = arith.constant 0 : i32
      %max3A_799 = vector.broadcast %max3A_798 : i32 to vector<16xi32>
      %max3A_800 = arith.maxsi %sub3A_797, %max3A_799 : vector<16xi32>
      %broadcast_in_dim3A_801 = vector.shape_cast %max3A_800 : vector<16xi32> to vector<16x1xi32>
      %gather3A_802 = vector.shape_cast %broadcast_in_dim3A_801 : vector<16x1xi32> to vector<16xi32>
      %gather3A_803 = tpu.dynamic_gather %add3A_794[%gather3A_802] in [0] : vector<16xi32>, vector<16xi32> -> vector<16xi32>
      %ge3A_804 = arith.constant 4 : i32
      %ge3A_805 = vector.broadcast %ge3A_804 : i32 to vector<16xi32>
      %ge3A_806 = arith.cmpi sge, %iota3A, %ge3A_805 : vector<16xi32>
      %jit3A_807 = arith.constant 0 : i32
      %broadcast_in_dim3A_808 = vector.broadcast %jit3A_807 : i32 to vector<16xi32>
      %select_n3A_809 = arith.select %ge3A_806, %gather3A_803, %broadcast_in_dim3A_808 : vector<16xi1>, vector<16xi32>
      %add3A_810 = arith.addi %add3A_794, %select_n3A_809 : vector<16xi32>
      %sub3A_811 = arith.constant 8 : i32
      %sub3A_812 = vector.broadcast %sub3A_811 : i32 to vector<16xi32>
      %sub3A_813 = arith.subi %iota3A, %sub3A_812 : vector<16xi32>
      %max3A_814 = arith.constant 0 : i32
      %max3A_815 = vector.broadcast %max3A_814 : i32 to vector<16xi32>
      %max3A_816 = arith.maxsi %sub3A_813, %max3A_815 : vector<16xi32>
      %broadcast_in_dim3A_817 = vector.shape_cast %max3A_816 : vector<16xi32> to vector<16x1xi32>
      %gather3A_818 = vector.shape_cast %broadcast_in_dim3A_817 : vector<16x1xi32> to vector<16xi32>
      %gather3A_819 = tpu.dynamic_gather %add3A_810[%gather3A_818] in [0] : vector<16xi32>, vector<16xi32> -> vector<16xi32>
      %ge3A_820 = arith.constant 8 : i32
      %ge3A_821 = vector.broadcast %ge3A_820 : i32 to vector<16xi32>
      %ge3A_822 = arith.cmpi sge, %iota3A, %ge3A_821 : vector<16xi32>
      %jit3A_823 = arith.constant 0 : i32
      %broadcast_in_dim3A_824 = vector.broadcast %jit3A_823 : i32 to vector<16xi32>
      %select_n3A_825 = arith.select %ge3A_822, %gather3A_819, %broadcast_in_dim3A_824 : vector<16xi1>, vector<16xi32>
      %add3A_826 = arith.addi %add3A_810, %select_n3A_825 : vector<16xi32>
      %broadcast_in_dim3A_827 = arith.constant 15 : i32
      %broadcast_in_dim3A_828 = vector.broadcast %broadcast_in_dim3A_827 : i32 to vector<16xi32>
      %broadcast_in_dim3A_829 = vector.shape_cast %broadcast_in_dim3A_828 : vector<16xi32> to vector<16x1xi32>
      %gather3A_830 = vector.shape_cast %broadcast_in_dim3A_829 : vector<16x1xi32> to vector<16xi32>
      %gather3A_831 = tpu.dynamic_gather %add3A_826[%gather3A_830] in [0] : vector<16xi32>, vector<16xi32> -> vector<16xi32>
      %broadcast_in_dim3A_832 = arith.constant 5 : i32
      %broadcast_in_dim3A_833 = vector.broadcast %broadcast_in_dim3A_832 : i32 to vector<16xi32>
      %broadcast_in_dim3A_834 = vector.shape_cast %broadcast_in_dim3A_833 : vector<16xi32> to vector<16x1xi32>
      %gather3A_835 = vector.shape_cast %broadcast_in_dim3A_834 : vector<16x1xi32> to vector<16xi32>
      %gather3A_836 = tpu.dynamic_gather %scan3A_272[%gather3A_835] in [0] : vector<16xi32>, vector<16xi32> -> vector<16xi32>
      %add3A_837 = arith.addi %gather3A_836, %add3A_826 : vector<16xi32>
      %sub3A_838 = arith.constant 1 : i32
      %sub3A_839 = vector.broadcast %sub3A_838 : i32 to vector<16xi32>
      %sub3A_840 = arith.subi %add3A_837, %sub3A_839 : vector<16xi32>
      %select_n3A_841 = arith.select %eq3A_757, %sub3A_840, %select_n3A_747 : vector<16xi1>, vector<16xi32>
      %eq3A_842 = arith.constant 5 : i32
      %eq3A_843 = vector.broadcast %eq3A_842 : i32 to vector<16xi32>
      %eq3A_844 = arith.cmpi eq, %iota3A, %eq3A_843 : vector<16xi32>
      %jit3A_845 = arith.constant 0 : i32
      %broadcast_in_dim3A_846 = vector.broadcast %jit3A_845 : i32 to vector<16xi32>
      %select_n3A_847 = arith.select %eq3A_844, %gather3A_831, %broadcast_in_dim3A_846 : vector<16xi1>, vector<16xi32>
      %add3A_848 = arith.addi %add3A_754, %select_n3A_847 : vector<16xi32>
      %eq3A_849 = arith.constant 6 : i32
      %eq3A_850 = vector.broadcast %eq3A_849 : i32 to vector<16xi32>
      %eq3A_851 = arith.cmpi eq, %get3A_280, %eq3A_850 : vector<16xi32>
      %jit3A_852 = arith.constant 1 : i32
      %jit3A_853 = arith.constant 0 : i32
      %broadcast_in_dim3A_854 = vector.broadcast %jit3A_852 : i32 to vector<16xi32>
      %broadcast_in_dim3A_855 = vector.broadcast %jit3A_853 : i32 to vector<16xi32>
      %select_n3A_856 = arith.select %eq3A_851, %broadcast_in_dim3A_854, %broadcast_in_dim3A_855 : vector<16xi1>, vector<16xi32>
      %sub3A_857 = arith.constant 1 : i32
      %sub3A_858 = vector.broadcast %sub3A_857 : i32 to vector<16xi32>
      %sub3A_859 = arith.subi %iota3A, %sub3A_858 : vector<16xi32>
      %max3A_860 = arith.constant 0 : i32
      %max3A_861 = vector.broadcast %max3A_860 : i32 to vector<16xi32>
      %max3A_862 = arith.maxsi %sub3A_859, %max3A_861 : vector<16xi32>
      %broadcast_in_dim3A_863 = vector.shape_cast %max3A_862 : vector<16xi32> to vector<16x1xi32>
      %gather3A_864 = vector.shape_cast %broadcast_in_dim3A_863 : vector<16x1xi32> to vector<16xi32>
      %gather3A_865 = tpu.dynamic_gather %select_n3A_856[%gather3A_864] in [0] : vector<16xi32>, vector<16xi32> -> vector<16xi32>
      %ge3A_866 = arith.constant 1 : i32
      %ge3A_867 = vector.broadcast %ge3A_866 : i32 to vector<16xi32>
      %ge3A_868 = arith.cmpi sge, %iota3A, %ge3A_867 : vector<16xi32>
      %jit3A_869 = arith.constant 0 : i32
      %broadcast_in_dim3A_870 = vector.broadcast %jit3A_869 : i32 to vector<16xi32>
      %select_n3A_871 = arith.select %ge3A_868, %gather3A_865, %broadcast_in_dim3A_870 : vector<16xi1>, vector<16xi32>
      %add3A_872 = arith.addi %select_n3A_856, %select_n3A_871 : vector<16xi32>
      %sub3A_873 = arith.constant 2 : i32
      %sub3A_874 = vector.broadcast %sub3A_873 : i32 to vector<16xi32>
      %sub3A_875 = arith.subi %iota3A, %sub3A_874 : vector<16xi32>
      %max3A_876 = arith.constant 0 : i32
      %max3A_877 = vector.broadcast %max3A_876 : i32 to vector<16xi32>
      %max3A_878 = arith.maxsi %sub3A_875, %max3A_877 : vector<16xi32>
      %broadcast_in_dim3A_879 = vector.shape_cast %max3A_878 : vector<16xi32> to vector<16x1xi32>
      %gather3A_880 = vector.shape_cast %broadcast_in_dim3A_879 : vector<16x1xi32> to vector<16xi32>
      %gather3A_881 = tpu.dynamic_gather %add3A_872[%gather3A_880] in [0] : vector<16xi32>, vector<16xi32> -> vector<16xi32>
      %ge3A_882 = arith.constant 2 : i32
      %ge3A_883 = vector.broadcast %ge3A_882 : i32 to vector<16xi32>
      %ge3A_884 = arith.cmpi sge, %iota3A, %ge3A_883 : vector<16xi32>
      %jit3A_885 = arith.constant 0 : i32
      %broadcast_in_dim3A_886 = vector.broadcast %jit3A_885 : i32 to vector<16xi32>
      %select_n3A_887 = arith.select %ge3A_884, %gather3A_881, %broadcast_in_dim3A_886 : vector<16xi1>, vector<16xi32>
      %add3A_888 = arith.addi %add3A_872, %select_n3A_887 : vector<16xi32>
      %sub3A_889 = arith.constant 4 : i32
      %sub3A_890 = vector.broadcast %sub3A_889 : i32 to vector<16xi32>
      %sub3A_891 = arith.subi %iota3A, %sub3A_890 : vector<16xi32>
      %max3A_892 = arith.constant 0 : i32
      %max3A_893 = vector.broadcast %max3A_892 : i32 to vector<16xi32>
      %max3A_894 = arith.maxsi %sub3A_891, %max3A_893 : vector<16xi32>
      %broadcast_in_dim3A_895 = vector.shape_cast %max3A_894 : vector<16xi32> to vector<16x1xi32>
      %gather3A_896 = vector.shape_cast %broadcast_in_dim3A_895 : vector<16x1xi32> to vector<16xi32>
      %gather3A_897 = tpu.dynamic_gather %add3A_888[%gather3A_896] in [0] : vector<16xi32>, vector<16xi32> -> vector<16xi32>
      %ge3A_898 = arith.constant 4 : i32
      %ge3A_899 = vector.broadcast %ge3A_898 : i32 to vector<16xi32>
      %ge3A_900 = arith.cmpi sge, %iota3A, %ge3A_899 : vector<16xi32>
      %jit3A_901 = arith.constant 0 : i32
      %broadcast_in_dim3A_902 = vector.broadcast %jit3A_901 : i32 to vector<16xi32>
      %select_n3A_903 = arith.select %ge3A_900, %gather3A_897, %broadcast_in_dim3A_902 : vector<16xi1>, vector<16xi32>
      %add3A_904 = arith.addi %add3A_888, %select_n3A_903 : vector<16xi32>
      %sub3A_905 = arith.constant 8 : i32
      %sub3A_906 = vector.broadcast %sub3A_905 : i32 to vector<16xi32>
      %sub3A_907 = arith.subi %iota3A, %sub3A_906 : vector<16xi32>
      %max3A_908 = arith.constant 0 : i32
      %max3A_909 = vector.broadcast %max3A_908 : i32 to vector<16xi32>
      %max3A_910 = arith.maxsi %sub3A_907, %max3A_909 : vector<16xi32>
      %broadcast_in_dim3A_911 = vector.shape_cast %max3A_910 : vector<16xi32> to vector<16x1xi32>
      %gather3A_912 = vector.shape_cast %broadcast_in_dim3A_911 : vector<16x1xi32> to vector<16xi32>
      %gather3A_913 = tpu.dynamic_gather %add3A_904[%gather3A_912] in [0] : vector<16xi32>, vector<16xi32> -> vector<16xi32>
      %ge3A_914 = arith.constant 8 : i32
      %ge3A_915 = vector.broadcast %ge3A_914 : i32 to vector<16xi32>
      %ge3A_916 = arith.cmpi sge, %iota3A, %ge3A_915 : vector<16xi32>
      %jit3A_917 = arith.constant 0 : i32
      %broadcast_in_dim3A_918 = vector.broadcast %jit3A_917 : i32 to vector<16xi32>
      %select_n3A_919 = arith.select %ge3A_916, %gather3A_913, %broadcast_in_dim3A_918 : vector<16xi1>, vector<16xi32>
      %add3A_920 = arith.addi %add3A_904, %select_n3A_919 : vector<16xi32>
      %broadcast_in_dim3A_921 = arith.constant 15 : i32
      %broadcast_in_dim3A_922 = vector.broadcast %broadcast_in_dim3A_921 : i32 to vector<16xi32>
      %broadcast_in_dim3A_923 = vector.shape_cast %broadcast_in_dim3A_922 : vector<16xi32> to vector<16x1xi32>
      %gather3A_924 = vector.shape_cast %broadcast_in_dim3A_923 : vector<16x1xi32> to vector<16xi32>
      %gather3A_925 = tpu.dynamic_gather %add3A_920[%gather3A_924] in [0] : vector<16xi32>, vector<16xi32> -> vector<16xi32>
      %broadcast_in_dim3A_926 = arith.constant 6 : i32
      %broadcast_in_dim3A_927 = vector.broadcast %broadcast_in_dim3A_926 : i32 to vector<16xi32>
      %broadcast_in_dim3A_928 = vector.shape_cast %broadcast_in_dim3A_927 : vector<16xi32> to vector<16x1xi32>
      %gather3A_929 = vector.shape_cast %broadcast_in_dim3A_928 : vector<16x1xi32> to vector<16xi32>
      %gather3A_930 = tpu.dynamic_gather %scan3A_272[%gather3A_929] in [0] : vector<16xi32>, vector<16xi32> -> vector<16xi32>
      %add3A_931 = arith.addi %gather3A_930, %add3A_920 : vector<16xi32>
      %sub3A_932 = arith.constant 1 : i32
      %sub3A_933 = vector.broadcast %sub3A_932 : i32 to vector<16xi32>
      %sub3A_934 = arith.subi %add3A_931, %sub3A_933 : vector<16xi32>
      %select_n3A_935 = arith.select %eq3A_851, %sub3A_934, %select_n3A_841 : vector<16xi1>, vector<16xi32>
      %eq3A_936 = arith.constant 6 : i32
      %eq3A_937 = vector.broadcast %eq3A_936 : i32 to vector<16xi32>
      %eq3A_938 = arith.cmpi eq, %iota3A, %eq3A_937 : vector<16xi32>
      %jit3A_939 = arith.constant 0 : i32
      %broadcast_in_dim3A_940 = vector.broadcast %jit3A_939 : i32 to vector<16xi32>
      %select_n3A_941 = arith.select %eq3A_938, %gather3A_925, %broadcast_in_dim3A_940 : vector<16xi1>, vector<16xi32>
      %add3A_942 = arith.addi %add3A_848, %select_n3A_941 : vector<16xi32>
      %eq3A_943 = arith.constant 7 : i32
      %eq3A_944 = vector.broadcast %eq3A_943 : i32 to vector<16xi32>
      %eq3A_945 = arith.cmpi eq, %get3A_280, %eq3A_944 : vector<16xi32>
      %jit3A_946 = arith.constant 1 : i32
      %jit3A_947 = arith.constant 0 : i32
      %broadcast_in_dim3A_948 = vector.broadcast %jit3A_946 : i32 to vector<16xi32>
      %broadcast_in_dim3A_949 = vector.broadcast %jit3A_947 : i32 to vector<16xi32>
      %select_n3A_950 = arith.select %eq3A_945, %broadcast_in_dim3A_948, %broadcast_in_dim3A_949 : vector<16xi1>, vector<16xi32>
      %sub3A_951 = arith.constant 1 : i32
      %sub3A_952 = vector.broadcast %sub3A_951 : i32 to vector<16xi32>
      %sub3A_953 = arith.subi %iota3A, %sub3A_952 : vector<16xi32>
      %max3A_954 = arith.constant 0 : i32
      %max3A_955 = vector.broadcast %max3A_954 : i32 to vector<16xi32>
      %max3A_956 = arith.maxsi %sub3A_953, %max3A_955 : vector<16xi32>
      %broadcast_in_dim3A_957 = vector.shape_cast %max3A_956 : vector<16xi32> to vector<16x1xi32>
      %gather3A_958 = vector.shape_cast %broadcast_in_dim3A_957 : vector<16x1xi32> to vector<16xi32>
      %gather3A_959 = tpu.dynamic_gather %select_n3A_950[%gather3A_958] in [0] : vector<16xi32>, vector<16xi32> -> vector<16xi32>
      %ge3A_960 = arith.constant 1 : i32
      %ge3A_961 = vector.broadcast %ge3A_960 : i32 to vector<16xi32>
      %ge3A_962 = arith.cmpi sge, %iota3A, %ge3A_961 : vector<16xi32>
      %jit3A_963 = arith.constant 0 : i32
      %broadcast_in_dim3A_964 = vector.broadcast %jit3A_963 : i32 to vector<16xi32>
      %select_n3A_965 = arith.select %ge3A_962, %gather3A_959, %broadcast_in_dim3A_964 : vector<16xi1>, vector<16xi32>
      %add3A_966 = arith.addi %select_n3A_950, %select_n3A_965 : vector<16xi32>
      %sub3A_967 = arith.constant 2 : i32
      %sub3A_968 = vector.broadcast %sub3A_967 : i32 to vector<16xi32>
      %sub3A_969 = arith.subi %iota3A, %sub3A_968 : vector<16xi32>
      %max3A_970 = arith.constant 0 : i32
      %max3A_971 = vector.broadcast %max3A_970 : i32 to vector<16xi32>
      %max3A_972 = arith.maxsi %sub3A_969, %max3A_971 : vector<16xi32>
      %broadcast_in_dim3A_973 = vector.shape_cast %max3A_972 : vector<16xi32> to vector<16x1xi32>
      %gather3A_974 = vector.shape_cast %broadcast_in_dim3A_973 : vector<16x1xi32> to vector<16xi32>
      %gather3A_975 = tpu.dynamic_gather %add3A_966[%gather3A_974] in [0] : vector<16xi32>, vector<16xi32> -> vector<16xi32>
      %ge3A_976 = arith.constant 2 : i32
      %ge3A_977 = vector.broadcast %ge3A_976 : i32 to vector<16xi32>
      %ge3A_978 = arith.cmpi sge, %iota3A, %ge3A_977 : vector<16xi32>
      %jit3A_979 = arith.constant 0 : i32
      %broadcast_in_dim3A_980 = vector.broadcast %jit3A_979 : i32 to vector<16xi32>
      %select_n3A_981 = arith.select %ge3A_978, %gather3A_975, %broadcast_in_dim3A_980 : vector<16xi1>, vector<16xi32>
      %add3A_982 = arith.addi %add3A_966, %select_n3A_981 : vector<16xi32>
      %sub3A_983 = arith.constant 4 : i32
      %sub3A_984 = vector.broadcast %sub3A_983 : i32 to vector<16xi32>
      %sub3A_985 = arith.subi %iota3A, %sub3A_984 : vector<16xi32>
      %max3A_986 = arith.constant 0 : i32
      %max3A_987 = vector.broadcast %max3A_986 : i32 to vector<16xi32>
      %max3A_988 = arith.maxsi %sub3A_985, %max3A_987 : vector<16xi32>
      %broadcast_in_dim3A_989 = vector.shape_cast %max3A_988 : vector<16xi32> to vector<16x1xi32>
      %gather3A_990 = vector.shape_cast %broadcast_in_dim3A_989 : vector<16x1xi32> to vector<16xi32>
      %gather3A_991 = tpu.dynamic_gather %add3A_982[%gather3A_990] in [0] : vector<16xi32>, vector<16xi32> -> vector<16xi32>
      %ge3A_992 = arith.constant 4 : i32
      %ge3A_993 = vector.broadcast %ge3A_992 : i32 to vector<16xi32>
      %ge3A_994 = arith.cmpi sge, %iota3A, %ge3A_993 : vector<16xi32>
      %jit3A_995 = arith.constant 0 : i32
      %broadcast_in_dim3A_996 = vector.broadcast %jit3A_995 : i32 to vector<16xi32>
      %select_n3A_997 = arith.select %ge3A_994, %gather3A_991, %broadcast_in_dim3A_996 : vector<16xi1>, vector<16xi32>
      %add3A_998 = arith.addi %add3A_982, %select_n3A_997 : vector<16xi32>
      %sub3A_999 = arith.constant 8 : i32
      %sub3A_1000 = vector.broadcast %sub3A_999 : i32 to vector<16xi32>
      %sub3A_1001 = arith.subi %iota3A, %sub3A_1000 : vector<16xi32>
      %max3A_1002 = arith.constant 0 : i32
      %max3A_1003 = vector.broadcast %max3A_1002 : i32 to vector<16xi32>
      %max3A_1004 = arith.maxsi %sub3A_1001, %max3A_1003 : vector<16xi32>
      %broadcast_in_dim3A_1005 = vector.shape_cast %max3A_1004 : vector<16xi32> to vector<16x1xi32>
      %gather3A_1006 = vector.shape_cast %broadcast_in_dim3A_1005 : vector<16x1xi32> to vector<16xi32>
      %gather3A_1007 = tpu.dynamic_gather %add3A_998[%gather3A_1006] in [0] : vector<16xi32>, vector<16xi32> -> vector<16xi32>
      %ge3A_1008 = arith.constant 8 : i32
      %ge3A_1009 = vector.broadcast %ge3A_1008 : i32 to vector<16xi32>
      %ge3A_1010 = arith.cmpi sge, %iota3A, %ge3A_1009 : vector<16xi32>
      %jit3A_1011 = arith.constant 0 : i32
      %broadcast_in_dim3A_1012 = vector.broadcast %jit3A_1011 : i32 to vector<16xi32>
      %select_n3A_1013 = arith.select %ge3A_1010, %gather3A_1007, %broadcast_in_dim3A_1012 : vector<16xi1>, vector<16xi32>
      %add3A_1014 = arith.addi %add3A_998, %select_n3A_1013 : vector<16xi32>
      %broadcast_in_dim3A_1015 = arith.constant 15 : i32
      %broadcast_in_dim3A_1016 = vector.broadcast %broadcast_in_dim3A_1015 : i32 to vector<16xi32>
      %broadcast_in_dim3A_1017 = vector.shape_cast %broadcast_in_dim3A_1016 : vector<16xi32> to vector<16x1xi32>
      %gather3A_1018 = vector.shape_cast %broadcast_in_dim3A_1017 : vector<16x1xi32> to vector<16xi32>
      %gather3A_1019 = tpu.dynamic_gather %add3A_1014[%gather3A_1018] in [0] : vector<16xi32>, vector<16xi32> -> vector<16xi32>
      %broadcast_in_dim3A_1020 = arith.constant 7 : i32
      %broadcast_in_dim3A_1021 = vector.broadcast %broadcast_in_dim3A_1020 : i32 to vector<16xi32>
      %broadcast_in_dim3A_1022 = vector.shape_cast %broadcast_in_dim3A_1021 : vector<16xi32> to vector<16x1xi32>
      %gather3A_1023 = vector.shape_cast %broadcast_in_dim3A_1022 : vector<16x1xi32> to vector<16xi32>
      %gather3A_1024 = tpu.dynamic_gather %scan3A_272[%gather3A_1023] in [0] : vector<16xi32>, vector<16xi32> -> vector<16xi32>
      %add3A_1025 = arith.addi %gather3A_1024, %add3A_1014 : vector<16xi32>
      %sub3A_1026 = arith.constant 1 : i32
      %sub3A_1027 = vector.broadcast %sub3A_1026 : i32 to vector<16xi32>
      %sub3A_1028 = arith.subi %add3A_1025, %sub3A_1027 : vector<16xi32>
      %select_n3A_1029 = arith.select %eq3A_945, %sub3A_1028, %select_n3A_935 : vector<16xi1>, vector<16xi32>
      %eq3A_1030 = arith.constant 7 : i32
      %eq3A_1031 = vector.broadcast %eq3A_1030 : i32 to vector<16xi32>
      %eq3A_1032 = arith.cmpi eq, %iota3A, %eq3A_1031 : vector<16xi32>
      %jit3A_1033 = arith.constant 0 : i32
      %broadcast_in_dim3A_1034 = vector.broadcast %jit3A_1033 : i32 to vector<16xi32>
      %select_n3A_1035 = arith.select %eq3A_1032, %gather3A_1019, %broadcast_in_dim3A_1034 : vector<16xi1>, vector<16xi32>
      %add3A_1036 = arith.addi %add3A_942, %select_n3A_1035 : vector<16xi32>
      %add3A_1037 = arith.addi %scan3A_272, %add3A_1036 : vector<16xi32>
      %mul3A_1038 = arith.constant 16 : i32
      %mul3A_1039 = arith.muli %scan3A_271, %mul3A_1038 : i32
      %swap3A_1040 = arith.index_cast %mul3A_1039 : i32 to index
      %swap3A_1041 = tpu.vector_load %arg8[%swap3A_1040] {strides = array<i32>} : memref<64xi32, #tpu.memory_space<vmem>>, vector<16xi32>,
      %swap3A_1042 = vector.shape_cast %swap3A_1041 : vector<16xi32> to vector<16xi32>
      %swap3A_1043 = vector.shape_cast %select_n3A_1029 : vector<16xi32> to vector<16xi32>
      tpu.vector_store %arg8[%swap3A_1040], %swap3A_1043 {strides = array<i32>} : memref<64xi32, #tpu.memory_space<vmem>>, vector<16xi32>,
      scf.yield %add3A_1037 : vector<16xi32>
    }
    %scan3A_244 = arith.constant 4 : i32
    %scan3A_245 = arith.constant 0 : i32
    %scan3A_246 = arith.constant 4 : i32
    %scan3A_247 = arith.addi %scan3A_245, %scan3A_246 : i32
    %scan3A_248 = arith.constant 1 : i32
    %scan3A_249 = scf.for %scan3A_271 = %scan3A_245 to %scan3A_247 step %scan3A_248 iter_args(%scan3A_272 = %scan3A_243) -> (vector<16xi32>)  : i32 {
      %add3A_273 = arith.constant 4 : i32
      %add3A_274 = arith.addi %add3A_273, %scan3A_271 : i32
      %mul3A_275 = arith.constant 16 : i32
      %mul3A_276 = arith.muli %add3A_274, %mul3A_275 : i32
      %multiple_of3A_277 = tpu.assume_multiple %mul3A_276, 16 : i32
      %get3A_278 = arith.index_cast %multiple_of3A_277 : i32 to index
      %get3A_279 = tpu.vector_load %arg7[%get3A_278] {strides = array<i32>} : memref<128xi32, #tpu.memory_space<vmem>>, vector<16xi32>,
      %get3A_280 = vector.shape_cast %get3A_279 : vector<16xi32> to vector<16xi32>
      %broadcast_in_dim3A_281 = arith.constant 0 : i32
      %broadcast_in_dim3A_282 = vector.broadcast %broadcast_in_dim3A_281 : i32 to vector<16xi32>
      %broadcast_in_dim3A_283 = arith.constant 0 : i32
      %broadcast_in_dim3A_284 = vector.broadcast %broadcast_in_dim3A_283 : i32 to vector<16xi32>
      %eq3A_285 = arith.constant 0 : i32
      %eq3A_286 = vector.broadcast %eq3A_285 : i32 to vector<16xi32>
      %eq3A_287 = arith.cmpi eq, %get3A_280, %eq3A_286 : vector<16xi32>
      %jit3A_288 = arith.constant 1 : i32
      %jit3A_289 = arith.constant 0 : i32
      %broadcast_in_dim3A_290 = vector.broadcast %jit3A_288 : i32 to vector<16xi32>
      %broadcast_in_dim3A_291 = vector.broadcast %jit3A_289 : i32 to vector<16xi32>
      %select_n3A_292 = arith.select %eq3A_287, %broadcast_in_dim3A_290, %broadcast_in_dim3A_291 : vector<16xi1>, vector<16xi32>
      %sub3A_293 = arith.constant 1 : i32
      %sub3A_294 = vector.broadcast %sub3A_293 : i32 to vector<16xi32>
      %sub3A_295 = arith.subi %iota3A, %sub3A_294 : vector<16xi32>
      %max3A_296 = arith.constant 0 : i32
      %max3A_297 = vector.broadcast %max3A_296 : i32 to vector<16xi32>
      %max3A_298 = arith.maxsi %sub3A_295, %max3A_297 : vector<16xi32>
      %broadcast_in_dim3A_299 = vector.shape_cast %max3A_298 : vector<16xi32> to vector<16x1xi32>
      %gather3A_300 = vector.shape_cast %broadcast_in_dim3A_299 : vector<16x1xi32> to vector<16xi32>
      %gather3A_301 = tpu.dynamic_gather %select_n3A_292[%gather3A_300] in [0] : vector<16xi32>, vector<16xi32> -> vector<16xi32>
      %ge3A_302 = arith.constant 1 : i32
      %ge3A_303 = vector.broadcast %ge3A_302 : i32 to vector<16xi32>
      %ge3A_304 = arith.cmpi sge, %iota3A, %ge3A_303 : vector<16xi32>
      %jit3A_305 = arith.constant 0 : i32
      %broadcast_in_dim3A_306 = vector.broadcast %jit3A_305 : i32 to vector<16xi32>
      %select_n3A_307 = arith.select %ge3A_304, %gather3A_301, %broadcast_in_dim3A_306 : vector<16xi1>, vector<16xi32>
      %add3A_308 = arith.addi %select_n3A_292, %select_n3A_307 : vector<16xi32>
      %sub3A_309 = arith.constant 2 : i32
      %sub3A_310 = vector.broadcast %sub3A_309 : i32 to vector<16xi32>
      %sub3A_311 = arith.subi %iota3A, %sub3A_310 : vector<16xi32>
      %max3A_312 = arith.constant 0 : i32
      %max3A_313 = vector.broadcast %max3A_312 : i32 to vector<16xi32>
      %max3A_314 = arith.maxsi %sub3A_311, %max3A_313 : vector<16xi32>
      %broadcast_in_dim3A_315 = vector.shape_cast %max3A_314 : vector<16xi32> to vector<16x1xi32>
      %gather3A_316 = vector.shape_cast %broadcast_in_dim3A_315 : vector<16x1xi32> to vector<16xi32>
      %gather3A_317 = tpu.dynamic_gather %add3A_308[%gather3A_316] in [0] : vector<16xi32>, vector<16xi32> -> vector<16xi32>
      %ge3A_318 = arith.constant 2 : i32
      %ge3A_319 = vector.broadcast %ge3A_318 : i32 to vector<16xi32>
      %ge3A_320 = arith.cmpi sge, %iota3A, %ge3A_319 : vector<16xi32>
      %jit3A_321 = arith.constant 0 : i32
      %broadcast_in_dim3A_322 = vector.broadcast %jit3A_321 : i32 to vector<16xi32>
      %select_n3A_323 = arith.select %ge3A_320, %gather3A_317, %broadcast_in_dim3A_322 : vector<16xi1>, vector<16xi32>
      %add3A_324 = arith.addi %add3A_308, %select_n3A_323 : vector<16xi32>
      %sub3A_325 = arith.constant 4 : i32
      %sub3A_326 = vector.broadcast %sub3A_325 : i32 to vector<16xi32>
      %sub3A_327 = arith.subi %iota3A, %sub3A_326 : vector<16xi32>
      %max3A_328 = arith.constant 0 : i32
      %max3A_329 = vector.broadcast %max3A_328 : i32 to vector<16xi32>
      %max3A_330 = arith.maxsi %sub3A_327, %max3A_329 : vector<16xi32>
      %broadcast_in_dim3A_331 = vector.shape_cast %max3A_330 : vector<16xi32> to vector<16x1xi32>
      %gather3A_332 = vector.shape_cast %broadcast_in_dim3A_331 : vector<16x1xi32> to vector<16xi32>
      %gather3A_333 = tpu.dynamic_gather %add3A_324[%gather3A_332] in [0] : vector<16xi32>, vector<16xi32> -> vector<16xi32>
      %ge3A_334 = arith.constant 4 : i32
      %ge3A_335 = vector.broadcast %ge3A_334 : i32 to vector<16xi32>
      %ge3A_336 = arith.cmpi sge, %iota3A, %ge3A_335 : vector<16xi32>
      %jit3A_337 = arith.constant 0 : i32
      %broadcast_in_dim3A_338 = vector.broadcast %jit3A_337 : i32 to vector<16xi32>
      %select_n3A_339 = arith.select %ge3A_336, %gather3A_333, %broadcast_in_dim3A_338 : vector<16xi1>, vector<16xi32>
      %add3A_340 = arith.addi %add3A_324, %select_n3A_339 : vector<16xi32>
      %sub3A_341 = arith.constant 8 : i32
      %sub3A_342 = vector.broadcast %sub3A_341 : i32 to vector<16xi32>
      %sub3A_343 = arith.subi %iota3A, %sub3A_342 : vector<16xi32>
      %max3A_344 = arith.constant 0 : i32
      %max3A_345 = vector.broadcast %max3A_344 : i32 to vector<16xi32>
      %max3A_346 = arith.maxsi %sub3A_343, %max3A_345 : vector<16xi32>
      %broadcast_in_dim3A_347 = vector.shape_cast %max3A_346 : vector<16xi32> to vector<16x1xi32>
      %gather3A_348 = vector.shape_cast %broadcast_in_dim3A_347 : vector<16x1xi32> to vector<16xi32>
      %gather3A_349 = tpu.dynamic_gather %add3A_340[%gather3A_348] in [0] : vector<16xi32>, vector<16xi32> -> vector<16xi32>
      %ge3A_350 = arith.constant 8 : i32
      %ge3A_351 = vector.broadcast %ge3A_350 : i32 to vector<16xi32>
      %ge3A_352 = arith.cmpi sge, %iota3A, %ge3A_351 : vector<16xi32>
      %jit3A_353 = arith.constant 0 : i32
      %broadcast_in_dim3A_354 = vector.broadcast %jit3A_353 : i32 to vector<16xi32>
      %select_n3A_355 = arith.select %ge3A_352, %gather3A_349, %broadcast_in_dim3A_354 : vector<16xi1>, vector<16xi32>
      %add3A_356 = arith.addi %add3A_340, %select_n3A_355 : vector<16xi32>
      %broadcast_in_dim3A_357 = arith.constant 15 : i32
      %broadcast_in_dim3A_358 = vector.broadcast %broadcast_in_dim3A_357 : i32 to vector<16xi32>
      %broadcast_in_dim3A_359 = vector.shape_cast %broadcast_in_dim3A_358 : vector<16xi32> to vector<16x1xi32>
      %gather3A_360 = vector.shape_cast %broadcast_in_dim3A_359 : vector<16x1xi32> to vector<16xi32>
      %gather3A_361 = tpu.dynamic_gather %add3A_356[%gather3A_360] in [0] : vector<16xi32>, vector<16xi32> -> vector<16xi32>
      %broadcast_in_dim3A_362 = arith.constant 0 : i32
      %broadcast_in_dim3A_363 = vector.broadcast %broadcast_in_dim3A_362 : i32 to vector<16xi32>
      %broadcast_in_dim3A_364 = vector.shape_cast %broadcast_in_dim3A_363 : vector<16xi32> to vector<16x1xi32>
      %gather3A_365 = vector.shape_cast %broadcast_in_dim3A_364 : vector<16x1xi32> to vector<16xi32>
      %gather3A_366 = tpu.dynamic_gather %scan3A_272[%gather3A_365] in [0] : vector<16xi32>, vector<16xi32> -> vector<16xi32>
      %add3A_367 = arith.addi %gather3A_366, %add3A_356 : vector<16xi32>
      %sub3A_368 = arith.constant 1 : i32
      %sub3A_369 = vector.broadcast %sub3A_368 : i32 to vector<16xi32>
      %sub3A_370 = arith.subi %add3A_367, %sub3A_369 : vector<16xi32>
      %select_n3A_371 = arith.select %eq3A_287, %sub3A_370, %broadcast_in_dim3A_282 : vector<16xi1>, vector<16xi32>
      %eq3A_372 = arith.constant 0 : i32
      %eq3A_373 = vector.broadcast %eq3A_372 : i32 to vector<16xi32>
      %eq3A_374 = arith.cmpi eq, %iota3A, %eq3A_373 : vector<16xi32>
      %jit3A_375 = arith.constant 0 : i32
      %broadcast_in_dim3A_376 = vector.broadcast %jit3A_375 : i32 to vector<16xi32>
      %select_n3A_377 = arith.select %eq3A_374, %gather3A_361, %broadcast_in_dim3A_376 : vector<16xi1>, vector<16xi32>
      %add3A_378 = arith.addi %broadcast_in_dim3A_284, %select_n3A_377 : vector<16xi32>
      %eq3A_379 = arith.constant 1 : i32
      %eq3A_380 = vector.broadcast %eq3A_379 : i32 to vector<16xi32>
      %eq3A_381 = arith.cmpi eq, %get3A_280, %eq3A_380 : vector<16xi32>
      %jit3A_382 = arith.constant 1 : i32
      %jit3A_383 = arith.constant 0 : i32
      %broadcast_in_dim3A_384 = vector.broadcast %jit3A_382 : i32 to vector<16xi32>
      %broadcast_in_dim3A_385 = vector.broadcast %jit3A_383 : i32 to vector<16xi32>
      %select_n3A_386 = arith.select %eq3A_381, %broadcast_in_dim3A_384, %broadcast_in_dim3A_385 : vector<16xi1>, vector<16xi32>
      %sub3A_387 = arith.constant 1 : i32
      %sub3A_388 = vector.broadcast %sub3A_387 : i32 to vector<16xi32>
      %sub3A_389 = arith.subi %iota3A, %sub3A_388 : vector<16xi32>
      %max3A_390 = arith.constant 0 : i32
      %max3A_391 = vector.broadcast %max3A_390 : i32 to vector<16xi32>
      %max3A_392 = arith.maxsi %sub3A_389, %max3A_391 : vector<16xi32>
      %broadcast_in_dim3A_393 = vector.shape_cast %max3A_392 : vector<16xi32> to vector<16x1xi32>
      %gather3A_394 = vector.shape_cast %broadcast_in_dim3A_393 : vector<16x1xi32> to vector<16xi32>
      %gather3A_395 = tpu.dynamic_gather %select_n3A_386[%gather3A_394] in [0] : vector<16xi32>, vector<16xi32> -> vector<16xi32>
      %ge3A_396 = arith.constant 1 : i32
      %ge3A_397 = vector.broadcast %ge3A_396 : i32 to vector<16xi32>
      %ge3A_398 = arith.cmpi sge, %iota3A, %ge3A_397 : vector<16xi32>
      %jit3A_399 = arith.constant 0 : i32
      %broadcast_in_dim3A_400 = vector.broadcast %jit3A_399 : i32 to vector<16xi32>
      %select_n3A_401 = arith.select %ge3A_398, %gather3A_395, %broadcast_in_dim3A_400 : vector<16xi1>, vector<16xi32>
      %add3A_402 = arith.addi %select_n3A_386, %select_n3A_401 : vector<16xi32>
      %sub3A_403 = arith.constant 2 : i32
      %sub3A_404 = vector.broadcast %sub3A_403 : i32 to vector<16xi32>
      %sub3A_405 = arith.subi %iota3A, %sub3A_404 : vector<16xi32>
      %max3A_406 = arith.constant 0 : i32
      %max3A_407 = vector.broadcast %max3A_406 : i32 to vector<16xi32>
      %max3A_408 = arith.maxsi %sub3A_405, %max3A_407 : vector<16xi32>
      %broadcast_in_dim3A_409 = vector.shape_cast %max3A_408 : vector<16xi32> to vector<16x1xi32>
      %gather3A_410 = vector.shape_cast %broadcast_in_dim3A_409 : vector<16x1xi32> to vector<16xi32>
      %gather3A_411 = tpu.dynamic_gather %add3A_402[%gather3A_410] in [0] : vector<16xi32>, vector<16xi32> -> vector<16xi32>
      %ge3A_412 = arith.constant 2 : i32
      %ge3A_413 = vector.broadcast %ge3A_412 : i32 to vector<16xi32>
      %ge3A_414 = arith.cmpi sge, %iota3A, %ge3A_413 : vector<16xi32>
      %jit3A_415 = arith.constant 0 : i32
      %broadcast_in_dim3A_416 = vector.broadcast %jit3A_415 : i32 to vector<16xi32>
      %select_n3A_417 = arith.select %ge3A_414, %gather3A_411, %broadcast_in_dim3A_416 : vector<16xi1>, vector<16xi32>
      %add3A_418 = arith.addi %add3A_402, %select_n3A_417 : vector<16xi32>
      %sub3A_419 = arith.constant 4 : i32
      %sub3A_420 = vector.broadcast %sub3A_419 : i32 to vector<16xi32>
      %sub3A_421 = arith.subi %iota3A, %sub3A_420 : vector<16xi32>
      %max3A_422 = arith.constant 0 : i32
      %max3A_423 = vector.broadcast %max3A_422 : i32 to vector<16xi32>
      %max3A_424 = arith.maxsi %sub3A_421, %max3A_423 : vector<16xi32>
      %broadcast_in_dim3A_425 = vector.shape_cast %max3A_424 : vector<16xi32> to vector<16x1xi32>
      %gather3A_426 = vector.shape_cast %broadcast_in_dim3A_425 : vector<16x1xi32> to vector<16xi32>
      %gather3A_427 = tpu.dynamic_gather %add3A_418[%gather3A_426] in [0] : vector<16xi32>, vector<16xi32> -> vector<16xi32>
      %ge3A_428 = arith.constant 4 : i32
      %ge3A_429 = vector.broadcast %ge3A_428 : i32 to vector<16xi32>
      %ge3A_430 = arith.cmpi sge, %iota3A, %ge3A_429 : vector<16xi32>
      %jit3A_431 = arith.constant 0 : i32
      %broadcast_in_dim3A_432 = vector.broadcast %jit3A_431 : i32 to vector<16xi32>
      %select_n3A_433 = arith.select %ge3A_430, %gather3A_427, %broadcast_in_dim3A_432 : vector<16xi1>, vector<16xi32>
      %add3A_434 = arith.addi %add3A_418, %select_n3A_433 : vector<16xi32>
      %sub3A_435 = arith.constant 8 : i32
      %sub3A_436 = vector.broadcast %sub3A_435 : i32 to vector<16xi32>
      %sub3A_437 = arith.subi %iota3A, %sub3A_436 : vector<16xi32>
      %max3A_438 = arith.constant 0 : i32
      %max3A_439 = vector.broadcast %max3A_438 : i32 to vector<16xi32>
      %max3A_440 = arith.maxsi %sub3A_437, %max3A_439 : vector<16xi32>
      %broadcast_in_dim3A_441 = vector.shape_cast %max3A_440 : vector<16xi32> to vector<16x1xi32>
      %gather3A_442 = vector.shape_cast %broadcast_in_dim3A_441 : vector<16x1xi32> to vector<16xi32>
      %gather3A_443 = tpu.dynamic_gather %add3A_434[%gather3A_442] in [0] : vector<16xi32>, vector<16xi32> -> vector<16xi32>
      %ge3A_444 = arith.constant 8 : i32
      %ge3A_445 = vector.broadcast %ge3A_444 : i32 to vector<16xi32>
      %ge3A_446 = arith.cmpi sge, %iota3A, %ge3A_445 : vector<16xi32>
      %jit3A_447 = arith.constant 0 : i32
      %broadcast_in_dim3A_448 = vector.broadcast %jit3A_447 : i32 to vector<16xi32>
      %select_n3A_449 = arith.select %ge3A_446, %gather3A_443, %broadcast_in_dim3A_448 : vector<16xi1>, vector<16xi32>
      %add3A_450 = arith.addi %add3A_434, %select_n3A_449 : vector<16xi32>
      %broadcast_in_dim3A_451 = arith.constant 15 : i32
      %broadcast_in_dim3A_452 = vector.broadcast %broadcast_in_dim3A_451 : i32 to vector<16xi32>
      %broadcast_in_dim3A_453 = vector.shape_cast %broadcast_in_dim3A_452 : vector<16xi32> to vector<16x1xi32>
      %gather3A_454 = vector.shape_cast %broadcast_in_dim3A_453 : vector<16x1xi32> to vector<16xi32>
      %gather3A_455 = tpu.dynamic_gather %add3A_450[%gather3A_454] in [0] : vector<16xi32>, vector<16xi32> -> vector<16xi32>
      %broadcast_in_dim3A_456 = arith.constant 1 : i32
      %broadcast_in_dim3A_457 = vector.broadcast %broadcast_in_dim3A_456 : i32 to vector<16xi32>
      %broadcast_in_dim3A_458 = vector.shape_cast %broadcast_in_dim3A_457 : vector<16xi32> to vector<16x1xi32>
      %gather3A_459 = vector.shape_cast %broadcast_in_dim3A_458 : vector<16x1xi32> to vector<16xi32>
      %gather3A_460 = tpu.dynamic_gather %scan3A_272[%gather3A_459] in [0] : vector<16xi32>, vector<16xi32> -> vector<16xi32>
      %add3A_461 = arith.addi %gather3A_460, %add3A_450 : vector<16xi32>
      %sub3A_462 = arith.constant 1 : i32
      %sub3A_463 = vector.broadcast %sub3A_462 : i32 to vector<16xi32>
      %sub3A_464 = arith.subi %add3A_461, %sub3A_463 : vector<16xi32>
      %select_n3A_465 = arith.select %eq3A_381, %sub3A_464, %select_n3A_371 : vector<16xi1>, vector<16xi32>
      %eq3A_466 = arith.constant 1 : i32
      %eq3A_467 = vector.broadcast %eq3A_466 : i32 to vector<16xi32>
      %eq3A_468 = arith.cmpi eq, %iota3A, %eq3A_467 : vector<16xi32>
      %jit3A_469 = arith.constant 0 : i32
      %broadcast_in_dim3A_470 = vector.broadcast %jit3A_469 : i32 to vector<16xi32>
      %select_n3A_471 = arith.select %eq3A_468, %gather3A_455, %broadcast_in_dim3A_470 : vector<16xi1>, vector<16xi32>
      %add3A_472 = arith.addi %add3A_378, %select_n3A_471 : vector<16xi32>
      %eq3A_473 = arith.constant 2 : i32
      %eq3A_474 = vector.broadcast %eq3A_473 : i32 to vector<16xi32>
      %eq3A_475 = arith.cmpi eq, %get3A_280, %eq3A_474 : vector<16xi32>
      %jit3A_476 = arith.constant 1 : i32
      %jit3A_477 = arith.constant 0 : i32
      %broadcast_in_dim3A_478 = vector.broadcast %jit3A_476 : i32 to vector<16xi32>
      %broadcast_in_dim3A_479 = vector.broadcast %jit3A_477 : i32 to vector<16xi32>
      %select_n3A_480 = arith.select %eq3A_475, %broadcast_in_dim3A_478, %broadcast_in_dim3A_479 : vector<16xi1>, vector<16xi32>
      %sub3A_481 = arith.constant 1 : i32
      %sub3A_482 = vector.broadcast %sub3A_481 : i32 to vector<16xi32>
      %sub3A_483 = arith.subi %iota3A, %sub3A_482 : vector<16xi32>
      %max3A_484 = arith.constant 0 : i32
      %max3A_485 = vector.broadcast %max3A_484 : i32 to vector<16xi32>
      %max3A_486 = arith.maxsi %sub3A_483, %max3A_485 : vector<16xi32>
      %broadcast_in_dim3A_487 = vector.shape_cast %max3A_486 : vector<16xi32> to vector<16x1xi32>
      %gather3A_488 = vector.shape_cast %broadcast_in_dim3A_487 : vector<16x1xi32> to vector<16xi32>
      %gather3A_489 = tpu.dynamic_gather %select_n3A_480[%gather3A_488] in [0] : vector<16xi32>, vector<16xi32> -> vector<16xi32>
      %ge3A_490 = arith.constant 1 : i32
      %ge3A_491 = vector.broadcast %ge3A_490 : i32 to vector<16xi32>
      %ge3A_492 = arith.cmpi sge, %iota3A, %ge3A_491 : vector<16xi32>
      %jit3A_493 = arith.constant 0 : i32
      %broadcast_in_dim3A_494 = vector.broadcast %jit3A_493 : i32 to vector<16xi32>
      %select_n3A_495 = arith.select %ge3A_492, %gather3A_489, %broadcast_in_dim3A_494 : vector<16xi1>, vector<16xi32>
      %add3A_496 = arith.addi %select_n3A_480, %select_n3A_495 : vector<16xi32>
      %sub3A_497 = arith.constant 2 : i32
      %sub3A_498 = vector.broadcast %sub3A_497 : i32 to vector<16xi32>
      %sub3A_499 = arith.subi %iota3A, %sub3A_498 : vector<16xi32>
      %max3A_500 = arith.constant 0 : i32
      %max3A_501 = vector.broadcast %max3A_500 : i32 to vector<16xi32>
      %max3A_502 = arith.maxsi %sub3A_499, %max3A_501 : vector<16xi32>
      %broadcast_in_dim3A_503 = vector.shape_cast %max3A_502 : vector<16xi32> to vector<16x1xi32>
      %gather3A_504 = vector.shape_cast %broadcast_in_dim3A_503 : vector<16x1xi32> to vector<16xi32>
      %gather3A_505 = tpu.dynamic_gather %add3A_496[%gather3A_504] in [0] : vector<16xi32>, vector<16xi32> -> vector<16xi32>
      %ge3A_506 = arith.constant 2 : i32
      %ge3A_507 = vector.broadcast %ge3A_506 : i32 to vector<16xi32>
      %ge3A_508 = arith.cmpi sge, %iota3A, %ge3A_507 : vector<16xi32>
      %jit3A_509 = arith.constant 0 : i32
      %broadcast_in_dim3A_510 = vector.broadcast %jit3A_509 : i32 to vector<16xi32>
      %select_n3A_511 = arith.select %ge3A_508, %gather3A_505, %broadcast_in_dim3A_510 : vector<16xi1>, vector<16xi32>
      %add3A_512 = arith.addi %add3A_496, %select_n3A_511 : vector<16xi32>
      %sub3A_513 = arith.constant 4 : i32
      %sub3A_514 = vector.broadcast %sub3A_513 : i32 to vector<16xi32>
      %sub3A_515 = arith.subi %iota3A, %sub3A_514 : vector<16xi32>
      %max3A_516 = arith.constant 0 : i32
      %max3A_517 = vector.broadcast %max3A_516 : i32 to vector<16xi32>
      %max3A_518 = arith.maxsi %sub3A_515, %max3A_517 : vector<16xi32>
      %broadcast_in_dim3A_519 = vector.shape_cast %max3A_518 : vector<16xi32> to vector<16x1xi32>
      %gather3A_520 = vector.shape_cast %broadcast_in_dim3A_519 : vector<16x1xi32> to vector<16xi32>
      %gather3A_521 = tpu.dynamic_gather %add3A_512[%gather3A_520] in [0] : vector<16xi32>, vector<16xi32> -> vector<16xi32>
      %ge3A_522 = arith.constant 4 : i32
      %ge3A_523 = vector.broadcast %ge3A_522 : i32 to vector<16xi32>
      %ge3A_524 = arith.cmpi sge, %iota3A, %ge3A_523 : vector<16xi32>
      %jit3A_525 = arith.constant 0 : i32
      %broadcast_in_dim3A_526 = vector.broadcast %jit3A_525 : i32 to vector<16xi32>
      %select_n3A_527 = arith.select %ge3A_524, %gather3A_521, %broadcast_in_dim3A_526 : vector<16xi1>, vector<16xi32>
      %add3A_528 = arith.addi %add3A_512, %select_n3A_527 : vector<16xi32>
      %sub3A_529 = arith.constant 8 : i32
      %sub3A_530 = vector.broadcast %sub3A_529 : i32 to vector<16xi32>
      %sub3A_531 = arith.subi %iota3A, %sub3A_530 : vector<16xi32>
      %max3A_532 = arith.constant 0 : i32
      %max3A_533 = vector.broadcast %max3A_532 : i32 to vector<16xi32>
      %max3A_534 = arith.maxsi %sub3A_531, %max3A_533 : vector<16xi32>
      %broadcast_in_dim3A_535 = vector.shape_cast %max3A_534 : vector<16xi32> to vector<16x1xi32>
      %gather3A_536 = vector.shape_cast %broadcast_in_dim3A_535 : vector<16x1xi32> to vector<16xi32>
      %gather3A_537 = tpu.dynamic_gather %add3A_528[%gather3A_536] in [0] : vector<16xi32>, vector<16xi32> -> vector<16xi32>
      %ge3A_538 = arith.constant 8 : i32
      %ge3A_539 = vector.broadcast %ge3A_538 : i32 to vector<16xi32>
      %ge3A_540 = arith.cmpi sge, %iota3A, %ge3A_539 : vector<16xi32>
      %jit3A_541 = arith.constant 0 : i32
      %broadcast_in_dim3A_542 = vector.broadcast %jit3A_541 : i32 to vector<16xi32>
      %select_n3A_543 = arith.select %ge3A_540, %gather3A_537, %broadcast_in_dim3A_542 : vector<16xi1>, vector<16xi32>
      %add3A_544 = arith.addi %add3A_528, %select_n3A_543 : vector<16xi32>
      %broadcast_in_dim3A_545 = arith.constant 15 : i32
      %broadcast_in_dim3A_546 = vector.broadcast %broadcast_in_dim3A_545 : i32 to vector<16xi32>
      %broadcast_in_dim3A_547 = vector.shape_cast %broadcast_in_dim3A_546 : vector<16xi32> to vector<16x1xi32>
      %gather3A_548 = vector.shape_cast %broadcast_in_dim3A_547 : vector<16x1xi32> to vector<16xi32>
      %gather3A_549 = tpu.dynamic_gather %add3A_544[%gather3A_548] in [0] : vector<16xi32>, vector<16xi32> -> vector<16xi32>
      %broadcast_in_dim3A_550 = arith.constant 2 : i32
      %broadcast_in_dim3A_551 = vector.broadcast %broadcast_in_dim3A_550 : i32 to vector<16xi32>
      %broadcast_in_dim3A_552 = vector.shape_cast %broadcast_in_dim3A_551 : vector<16xi32> to vector<16x1xi32>
      %gather3A_553 = vector.shape_cast %broadcast_in_dim3A_552 : vector<16x1xi32> to vector<16xi32>
      %gather3A_554 = tpu.dynamic_gather %scan3A_272[%gather3A_553] in [0] : vector<16xi32>, vector<16xi32> -> vector<16xi32>
      %add3A_555 = arith.addi %gather3A_554, %add3A_544 : vector<16xi32>
      %sub3A_556 = arith.constant 1 : i32
      %sub3A_557 = vector.broadcast %sub3A_556 : i32 to vector<16xi32>
      %sub3A_558 = arith.subi %add3A_555, %sub3A_557 : vector<16xi32>
      %select_n3A_559 = arith.select %eq3A_475, %sub3A_558, %select_n3A_465 : vector<16xi1>, vector<16xi32>
      %eq3A_560 = arith.constant 2 : i32
      %eq3A_561 = vector.broadcast %eq3A_560 : i32 to vector<16xi32>
      %eq3A_562 = arith.cmpi eq, %iota3A, %eq3A_561 : vector<16xi32>
      %jit3A_563 = arith.constant 0 : i32
      %broadcast_in_dim3A_564 = vector.broadcast %jit3A_563 : i32 to vector<16xi32>
      %select_n3A_565 = arith.select %eq3A_562, %gather3A_549, %broadcast_in_dim3A_564 : vector<16xi1>, vector<16xi32>
      %add3A_566 = arith.addi %add3A_472, %select_n3A_565 : vector<16xi32>
      %eq3A_567 = arith.constant 3 : i32
      %eq3A_568 = vector.broadcast %eq3A_567 : i32 to vector<16xi32>
      %eq3A_569 = arith.cmpi eq, %get3A_280, %eq3A_568 : vector<16xi32>
      %jit3A_570 = arith.constant 1 : i32
      %jit3A_571 = arith.constant 0 : i32
      %broadcast_in_dim3A_572 = vector.broadcast %jit3A_570 : i32 to vector<16xi32>
      %broadcast_in_dim3A_573 = vector.broadcast %jit3A_571 : i32 to vector<16xi32>
      %select_n3A_574 = arith.select %eq3A_569, %broadcast_in_dim3A_572, %broadcast_in_dim3A_573 : vector<16xi1>, vector<16xi32>
      %sub3A_575 = arith.constant 1 : i32
      %sub3A_576 = vector.broadcast %sub3A_575 : i32 to vector<16xi32>
      %sub3A_577 = arith.subi %iota3A, %sub3A_576 : vector<16xi32>
      %max3A_578 = arith.constant 0 : i32
      %max3A_579 = vector.broadcast %max3A_578 : i32 to vector<16xi32>
      %max3A_580 = arith.maxsi %sub3A_577, %max3A_579 : vector<16xi32>
      %broadcast_in_dim3A_581 = vector.shape_cast %max3A_580 : vector<16xi32> to vector<16x1xi32>
      %gather3A_582 = vector.shape_cast %broadcast_in_dim3A_581 : vector<16x1xi32> to vector<16xi32>
      %gather3A_583 = tpu.dynamic_gather %select_n3A_574[%gather3A_582] in [0] : vector<16xi32>, vector<16xi32> -> vector<16xi32>
      %ge3A_584 = arith.constant 1 : i32
      %ge3A_585 = vector.broadcast %ge3A_584 : i32 to vector<16xi32>
      %ge3A_586 = arith.cmpi sge, %iota3A, %ge3A_585 : vector<16xi32>
      %jit3A_587 = arith.constant 0 : i32
      %broadcast_in_dim3A_588 = vector.broadcast %jit3A_587 : i32 to vector<16xi32>
      %select_n3A_589 = arith.select %ge3A_586, %gather3A_583, %broadcast_in_dim3A_588 : vector<16xi1>, vector<16xi32>
      %add3A_590 = arith.addi %select_n3A_574, %select_n3A_589 : vector<16xi32>
      %sub3A_591 = arith.constant 2 : i32
      %sub3A_592 = vector.broadcast %sub3A_591 : i32 to vector<16xi32>
      %sub3A_593 = arith.subi %iota3A, %sub3A_592 : vector<16xi32>
      %max3A_594 = arith.constant 0 : i32
      %max3A_595 = vector.broadcast %max3A_594 : i32 to vector<16xi32>
      %max3A_596 = arith.maxsi %sub3A_593, %max3A_595 : vector<16xi32>
      %broadcast_in_dim3A_597 = vector.shape_cast %max3A_596 : vector<16xi32> to vector<16x1xi32>
      %gather3A_598 = vector.shape_cast %broadcast_in_dim3A_597 : vector<16x1xi32> to vector<16xi32>
      %gather3A_599 = tpu.dynamic_gather %add3A_590[%gather3A_598] in [0] : vector<16xi32>, vector<16xi32> -> vector<16xi32>
      %ge3A_600 = arith.constant 2 : i32
      %ge3A_601 = vector.broadcast %ge3A_600 : i32 to vector<16xi32>
      %ge3A_602 = arith.cmpi sge, %iota3A, %ge3A_601 : vector<16xi32>
      %jit3A_603 = arith.constant 0 : i32
      %broadcast_in_dim3A_604 = vector.broadcast %jit3A_603 : i32 to vector<16xi32>
      %select_n3A_605 = arith.select %ge3A_602, %gather3A_599, %broadcast_in_dim3A_604 : vector<16xi1>, vector<16xi32>
      %add3A_606 = arith.addi %add3A_590, %select_n3A_605 : vector<16xi32>
      %sub3A_607 = arith.constant 4 : i32
      %sub3A_608 = vector.broadcast %sub3A_607 : i32 to vector<16xi32>
      %sub3A_609 = arith.subi %iota3A, %sub3A_608 : vector<16xi32>
      %max3A_610 = arith.constant 0 : i32
      %max3A_611 = vector.broadcast %max3A_610 : i32 to vector<16xi32>
      %max3A_612 = arith.maxsi %sub3A_609, %max3A_611 : vector<16xi32>
      %broadcast_in_dim3A_613 = vector.shape_cast %max3A_612 : vector<16xi32> to vector<16x1xi32>
      %gather3A_614 = vector.shape_cast %broadcast_in_dim3A_613 : vector<16x1xi32> to vector<16xi32>
      %gather3A_615 = tpu.dynamic_gather %add3A_606[%gather3A_614] in [0] : vector<16xi32>, vector<16xi32> -> vector<16xi32>
      %ge3A_616 = arith.constant 4 : i32
      %ge3A_617 = vector.broadcast %ge3A_616 : i32 to vector<16xi32>
      %ge3A_618 = arith.cmpi sge, %iota3A, %ge3A_617 : vector<16xi32>
      %jit3A_619 = arith.constant 0 : i32
      %broadcast_in_dim3A_620 = vector.broadcast %jit3A_619 : i32 to vector<16xi32>
      %select_n3A_621 = arith.select %ge3A_618, %gather3A_615, %broadcast_in_dim3A_620 : vector<16xi1>, vector<16xi32>
      %add3A_622 = arith.addi %add3A_606, %select_n3A_621 : vector<16xi32>
      %sub3A_623 = arith.constant 8 : i32
      %sub3A_624 = vector.broadcast %sub3A_623 : i32 to vector<16xi32>
      %sub3A_625 = arith.subi %iota3A, %sub3A_624 : vector<16xi32>
      %max3A_626 = arith.constant 0 : i32
      %max3A_627 = vector.broadcast %max3A_626 : i32 to vector<16xi32>
      %max3A_628 = arith.maxsi %sub3A_625, %max3A_627 : vector<16xi32>
      %broadcast_in_dim3A_629 = vector.shape_cast %max3A_628 : vector<16xi32> to vector<16x1xi32>
      %gather3A_630 = vector.shape_cast %broadcast_in_dim3A_629 : vector<16x1xi32> to vector<16xi32>
      %gather3A_631 = tpu.dynamic_gather %add3A_622[%gather3A_630] in [0] : vector<16xi32>, vector<16xi32> -> vector<16xi32>
      %ge3A_632 = arith.constant 8 : i32
      %ge3A_633 = vector.broadcast %ge3A_632 : i32 to vector<16xi32>
      %ge3A_634 = arith.cmpi sge, %iota3A, %ge3A_633 : vector<16xi32>
      %jit3A_635 = arith.constant 0 : i32
      %broadcast_in_dim3A_636 = vector.broadcast %jit3A_635 : i32 to vector<16xi32>
      %select_n3A_637 = arith.select %ge3A_634, %gather3A_631, %broadcast_in_dim3A_636 : vector<16xi1>, vector<16xi32>
      %add3A_638 = arith.addi %add3A_622, %select_n3A_637 : vector<16xi32>
      %broadcast_in_dim3A_639 = arith.constant 15 : i32
      %broadcast_in_dim3A_640 = vector.broadcast %broadcast_in_dim3A_639 : i32 to vector<16xi32>
      %broadcast_in_dim3A_641 = vector.shape_cast %broadcast_in_dim3A_640 : vector<16xi32> to vector<16x1xi32>
      %gather3A_642 = vector.shape_cast %broadcast_in_dim3A_641 : vector<16x1xi32> to vector<16xi32>
      %gather3A_643 = tpu.dynamic_gather %add3A_638[%gather3A_642] in [0] : vector<16xi32>, vector<16xi32> -> vector<16xi32>
      %broadcast_in_dim3A_644 = arith.constant 3 : i32
      %broadcast_in_dim3A_645 = vector.broadcast %broadcast_in_dim3A_644 : i32 to vector<16xi32>
      %broadcast_in_dim3A_646 = vector.shape_cast %broadcast_in_dim3A_645 : vector<16xi32> to vector<16x1xi32>
      %gather3A_647 = vector.shape_cast %broadcast_in_dim3A_646 : vector<16x1xi32> to vector<16xi32>
      %gather3A_648 = tpu.dynamic_gather %scan3A_272[%gather3A_647] in [0] : vector<16xi32>, vector<16xi32> -> vector<16xi32>
      %add3A_649 = arith.addi %gather3A_648, %add3A_638 : vector<16xi32>
      %sub3A_650 = arith.constant 1 : i32
      %sub3A_651 = vector.broadcast %sub3A_650 : i32 to vector<16xi32>
      %sub3A_652 = arith.subi %add3A_649, %sub3A_651 : vector<16xi32>
      %select_n3A_653 = arith.select %eq3A_569, %sub3A_652, %select_n3A_559 : vector<16xi1>, vector<16xi32>
      %eq3A_654 = arith.constant 3 : i32
      %eq3A_655 = vector.broadcast %eq3A_654 : i32 to vector<16xi32>
      %eq3A_656 = arith.cmpi eq, %iota3A, %eq3A_655 : vector<16xi32>
      %jit3A_657 = arith.constant 0 : i32
      %broadcast_in_dim3A_658 = vector.broadcast %jit3A_657 : i32 to vector<16xi32>
      %select_n3A_659 = arith.select %eq3A_656, %gather3A_643, %broadcast_in_dim3A_658 : vector<16xi1>, vector<16xi32>
      %add3A_660 = arith.addi %add3A_566, %select_n3A_659 : vector<16xi32>
      %eq3A_661 = arith.constant 4 : i32
      %eq3A_662 = vector.broadcast %eq3A_661 : i32 to vector<16xi32>
      %eq3A_663 = arith.cmpi eq, %get3A_280, %eq3A_662 : vector<16xi32>
      %jit3A_664 = arith.constant 1 : i32
      %jit3A_665 = arith.constant 0 : i32
      %broadcast_in_dim3A_666 = vector.broadcast %jit3A_664 : i32 to vector<16xi32>
      %broadcast_in_dim3A_667 = vector.broadcast %jit3A_665 : i32 to vector<16xi32>
      %select_n3A_668 = arith.select %eq3A_663, %broadcast_in_dim3A_666, %broadcast_in_dim3A_667 : vector<16xi1>, vector<16xi32>
      %sub3A_669 = arith.constant 1 : i32
      %sub3A_670 = vector.broadcast %sub3A_669 : i32 to vector<16xi32>
      %sub3A_671 = arith.subi %iota3A, %sub3A_670 : vector<16xi32>
      %max3A_672 = arith.constant 0 : i32
      %max3A_673 = vector.broadcast %max3A_672 : i32 to vector<16xi32>
      %max3A_674 = arith.maxsi %sub3A_671, %max3A_673 : vector<16xi32>
      %broadcast_in_dim3A_675 = vector.shape_cast %max3A_674 : vector<16xi32> to vector<16x1xi32>
      %gather3A_676 = vector.shape_cast %broadcast_in_dim3A_675 : vector<16x1xi32> to vector<16xi32>
      %gather3A_677 = tpu.dynamic_gather %select_n3A_668[%gather3A_676] in [0] : vector<16xi32>, vector<16xi32> -> vector<16xi32>
      %ge3A_678 = arith.constant 1 : i32
      %ge3A_679 = vector.broadcast %ge3A_678 : i32 to vector<16xi32>
      %ge3A_680 = arith.cmpi sge, %iota3A, %ge3A_679 : vector<16xi32>
      %jit3A_681 = arith.constant 0 : i32
      %broadcast_in_dim3A_682 = vector.broadcast %jit3A_681 : i32 to vector<16xi32>
      %select_n3A_683 = arith.select %ge3A_680, %gather3A_677, %broadcast_in_dim3A_682 : vector<16xi1>, vector<16xi32>
      %add3A_684 = arith.addi %select_n3A_668, %select_n3A_683 : vector<16xi32>
      %sub3A_685 = arith.constant 2 : i32
      %sub3A_686 = vector.broadcast %sub3A_685 : i32 to vector<16xi32>
      %sub3A_687 = arith.subi %iota3A, %sub3A_686 : vector<16xi32>
      %max3A_688 = arith.constant 0 : i32
      %max3A_689 = vector.broadcast %max3A_688 : i32 to vector<16xi32>
      %max3A_690 = arith.maxsi %sub3A_687, %max3A_689 : vector<16xi32>
      %broadcast_in_dim3A_691 = vector.shape_cast %max3A_690 : vector<16xi32> to vector<16x1xi32>
      %gather3A_692 = vector.shape_cast %broadcast_in_dim3A_691 : vector<16x1xi32> to vector<16xi32>
      %gather3A_693 = tpu.dynamic_gather %add3A_684[%gather3A_692] in [0] : vector<16xi32>, vector<16xi32> -> vector<16xi32>
      %ge3A_694 = arith.constant 2 : i32
      %ge3A_695 = vector.broadcast %ge3A_694 : i32 to vector<16xi32>
      %ge3A_696 = arith.cmpi sge, %iota3A, %ge3A_695 : vector<16xi32>
      %jit3A_697 = arith.constant 0 : i32
      %broadcast_in_dim3A_698 = vector.broadcast %jit3A_697 : i32 to vector<16xi32>
      %select_n3A_699 = arith.select %ge3A_696, %gather3A_693, %broadcast_in_dim3A_698 : vector<16xi1>, vector<16xi32>
      %add3A_700 = arith.addi %add3A_684, %select_n3A_699 : vector<16xi32>
      %sub3A_701 = arith.constant 4 : i32
      %sub3A_702 = vector.broadcast %sub3A_701 : i32 to vector<16xi32>
      %sub3A_703 = arith.subi %iota3A, %sub3A_702 : vector<16xi32>
      %max3A_704 = arith.constant 0 : i32
      %max3A_705 = vector.broadcast %max3A_704 : i32 to vector<16xi32>
      %max3A_706 = arith.maxsi %sub3A_703, %max3A_705 : vector<16xi32>
      %broadcast_in_dim3A_707 = vector.shape_cast %max3A_706 : vector<16xi32> to vector<16x1xi32>
      %gather3A_708 = vector.shape_cast %broadcast_in_dim3A_707 : vector<16x1xi32> to vector<16xi32>
      %gather3A_709 = tpu.dynamic_gather %add3A_700[%gather3A_708] in [0] : vector<16xi32>, vector<16xi32> -> vector<16xi32>
      %ge3A_710 = arith.constant 4 : i32
      %ge3A_711 = vector.broadcast %ge3A_710 : i32 to vector<16xi32>
      %ge3A_712 = arith.cmpi sge, %iota3A, %ge3A_711 : vector<16xi32>
      %jit3A_713 = arith.constant 0 : i32
      %broadcast_in_dim3A_714 = vector.broadcast %jit3A_713 : i32 to vector<16xi32>
      %select_n3A_715 = arith.select %ge3A_712, %gather3A_709, %broadcast_in_dim3A_714 : vector<16xi1>, vector<16xi32>
      %add3A_716 = arith.addi %add3A_700, %select_n3A_715 : vector<16xi32>
      %sub3A_717 = arith.constant 8 : i32
      %sub3A_718 = vector.broadcast %sub3A_717 : i32 to vector<16xi32>
      %sub3A_719 = arith.subi %iota3A, %sub3A_718 : vector<16xi32>
      %max3A_720 = arith.constant 0 : i32
      %max3A_721 = vector.broadcast %max3A_720 : i32 to vector<16xi32>
      %max3A_722 = arith.maxsi %sub3A_719, %max3A_721 : vector<16xi32>
      %broadcast_in_dim3A_723 = vector.shape_cast %max3A_722 : vector<16xi32> to vector<16x1xi32>
      %gather3A_724 = vector.shape_cast %broadcast_in_dim3A_723 : vector<16x1xi32> to vector<16xi32>
      %gather3A_725 = tpu.dynamic_gather %add3A_716[%gather3A_724] in [0] : vector<16xi32>, vector<16xi32> -> vector<16xi32>
      %ge3A_726 = arith.constant 8 : i32
      %ge3A_727 = vector.broadcast %ge3A_726 : i32 to vector<16xi32>
      %ge3A_728 = arith.cmpi sge, %iota3A, %ge3A_727 : vector<16xi32>
      %jit3A_729 = arith.constant 0 : i32
      %broadcast_in_dim3A_730 = vector.broadcast %jit3A_729 : i32 to vector<16xi32>
      %select_n3A_731 = arith.select %ge3A_728, %gather3A_725, %broadcast_in_dim3A_730 : vector<16xi1>, vector<16xi32>
      %add3A_732 = arith.addi %add3A_716, %select_n3A_731 : vector<16xi32>
      %broadcast_in_dim3A_733 = arith.constant 15 : i32
      %broadcast_in_dim3A_734 = vector.broadcast %broadcast_in_dim3A_733 : i32 to vector<16xi32>
      %broadcast_in_dim3A_735 = vector.shape_cast %broadcast_in_dim3A_734 : vector<16xi32> to vector<16x1xi32>
      %gather3A_736 = vector.shape_cast %broadcast_in_dim3A_735 : vector<16x1xi32> to vector<16xi32>
      %gather3A_737 = tpu.dynamic_gather %add3A_732[%gather3A_736] in [0] : vector<16xi32>, vector<16xi32> -> vector<16xi32>
      %broadcast_in_dim3A_738 = arith.constant 4 : i32
      %broadcast_in_dim3A_739 = vector.broadcast %broadcast_in_dim3A_738 : i32 to vector<16xi32>
      %broadcast_in_dim3A_740 = vector.shape_cast %broadcast_in_dim3A_739 : vector<16xi32> to vector<16x1xi32>
      %gather3A_741 = vector.shape_cast %broadcast_in_dim3A_740 : vector<16x1xi32> to vector<16xi32>
      %gather3A_742 = tpu.dynamic_gather %scan3A_272[%gather3A_741] in [0] : vector<16xi32>, vector<16xi32> -> vector<16xi32>
      %add3A_743 = arith.addi %gather3A_742, %add3A_732 : vector<16xi32>
      %sub3A_744 = arith.constant 1 : i32
      %sub3A_745 = vector.broadcast %sub3A_744 : i32 to vector<16xi32>
      %sub3A_746 = arith.subi %add3A_743, %sub3A_745 : vector<16xi32>
      %select_n3A_747 = arith.select %eq3A_663, %sub3A_746, %select_n3A_653 : vector<16xi1>, vector<16xi32>
      %eq3A_748 = arith.constant 4 : i32
      %eq3A_749 = vector.broadcast %eq3A_748 : i32 to vector<16xi32>
      %eq3A_750 = arith.cmpi eq, %iota3A, %eq3A_749 : vector<16xi32>
      %jit3A_751 = arith.constant 0 : i32
      %broadcast_in_dim3A_752 = vector.broadcast %jit3A_751 : i32 to vector<16xi32>
      %select_n3A_753 = arith.select %eq3A_750, %gather3A_737, %broadcast_in_dim3A_752 : vector<16xi1>, vector<16xi32>
      %add3A_754 = arith.addi %add3A_660, %select_n3A_753 : vector<16xi32>
      %eq3A_755 = arith.constant 5 : i32
      %eq3A_756 = vector.broadcast %eq3A_755 : i32 to vector<16xi32>
      %eq3A_757 = arith.cmpi eq, %get3A_280, %eq3A_756 : vector<16xi32>
      %jit3A_758 = arith.constant 1 : i32
      %jit3A_759 = arith.constant 0 : i32
      %broadcast_in_dim3A_760 = vector.broadcast %jit3A_758 : i32 to vector<16xi32>
      %broadcast_in_dim3A_761 = vector.broadcast %jit3A_759 : i32 to vector<16xi32>
      %select_n3A_762 = arith.select %eq3A_757, %broadcast_in_dim3A_760, %broadcast_in_dim3A_761 : vector<16xi1>, vector<16xi32>
      %sub3A_763 = arith.constant 1 : i32
      %sub3A_764 = vector.broadcast %sub3A_763 : i32 to vector<16xi32>
      %sub3A_765 = arith.subi %iota3A, %sub3A_764 : vector<16xi32>
      %max3A_766 = arith.constant 0 : i32
      %max3A_767 = vector.broadcast %max3A_766 : i32 to vector<16xi32>
      %max3A_768 = arith.maxsi %sub3A_765, %max3A_767 : vector<16xi32>
      %broadcast_in_dim3A_769 = vector.shape_cast %max3A_768 : vector<16xi32> to vector<16x1xi32>
      %gather3A_770 = vector.shape_cast %broadcast_in_dim3A_769 : vector<16x1xi32> to vector<16xi32>
      %gather3A_771 = tpu.dynamic_gather %select_n3A_762[%gather3A_770] in [0] : vector<16xi32>, vector<16xi32> -> vector<16xi32>
      %ge3A_772 = arith.constant 1 : i32
      %ge3A_773 = vector.broadcast %ge3A_772 : i32 to vector<16xi32>
      %ge3A_774 = arith.cmpi sge, %iota3A, %ge3A_773 : vector<16xi32>
      %jit3A_775 = arith.constant 0 : i32
      %broadcast_in_dim3A_776 = vector.broadcast %jit3A_775 : i32 to vector<16xi32>
      %select_n3A_777 = arith.select %ge3A_774, %gather3A_771, %broadcast_in_dim3A_776 : vector<16xi1>, vector<16xi32>
      %add3A_778 = arith.addi %select_n3A_762, %select_n3A_777 : vector<16xi32>
      %sub3A_779 = arith.constant 2 : i32
      %sub3A_780 = vector.broadcast %sub3A_779 : i32 to vector<16xi32>
      %sub3A_781 = arith.subi %iota3A, %sub3A_780 : vector<16xi32>
      %max3A_782 = arith.constant 0 : i32
      %max3A_783 = vector.broadcast %max3A_782 : i32 to vector<16xi32>
      %max3A_784 = arith.maxsi %sub3A_781, %max3A_783 : vector<16xi32>
      %broadcast_in_dim3A_785 = vector.shape_cast %max3A_784 : vector<16xi32> to vector<16x1xi32>
      %gather3A_786 = vector.shape_cast %broadcast_in_dim3A_785 : vector<16x1xi32> to vector<16xi32>
      %gather3A_787 = tpu.dynamic_gather %add3A_778[%gather3A_786] in [0] : vector<16xi32>, vector<16xi32> -> vector<16xi32>
      %ge3A_788 = arith.constant 2 : i32
      %ge3A_789 = vector.broadcast %ge3A_788 : i32 to vector<16xi32>
      %ge3A_790 = arith.cmpi sge, %iota3A, %ge3A_789 : vector<16xi32>
      %jit3A_791 = arith.constant 0 : i32
      %broadcast_in_dim3A_792 = vector.broadcast %jit3A_791 : i32 to vector<16xi32>
      %select_n3A_793 = arith.select %ge3A_790, %gather3A_787, %broadcast_in_dim3A_792 : vector<16xi1>, vector<16xi32>
      %add3A_794 = arith.addi %add3A_778, %select_n3A_793 : vector<16xi32>
      %sub3A_795 = arith.constant 4 : i32
      %sub3A_796 = vector.broadcast %sub3A_795 : i32 to vector<16xi32>
      %sub3A_797 = arith.subi %iota3A, %sub3A_796 : vector<16xi32>
      %max3A_798 = arith.constant 0 : i32
      %max3A_799 = vector.broadcast %max3A_798 : i32 to vector<16xi32>
      %max3A_800 = arith.maxsi %sub3A_797, %max3A_799 : vector<16xi32>
      %broadcast_in_dim3A_801 = vector.shape_cast %max3A_800 : vector<16xi32> to vector<16x1xi32>
      %gather3A_802 = vector.shape_cast %broadcast_in_dim3A_801 : vector<16x1xi32> to vector<16xi32>
      %gather3A_803 = tpu.dynamic_gather %add3A_794[%gather3A_802] in [0] : vector<16xi32>, vector<16xi32> -> vector<16xi32>
      %ge3A_804 = arith.constant 4 : i32
      %ge3A_805 = vector.broadcast %ge3A_804 : i32 to vector<16xi32>
      %ge3A_806 = arith.cmpi sge, %iota3A, %ge3A_805 : vector<16xi32>
      %jit3A_807 = arith.constant 0 : i32
      %broadcast_in_dim3A_808 = vector.broadcast %jit3A_807 : i32 to vector<16xi32>
      %select_n3A_809 = arith.select %ge3A_806, %gather3A_803, %broadcast_in_dim3A_808 : vector<16xi1>, vector<16xi32>
      %add3A_810 = arith.addi %add3A_794, %select_n3A_809 : vector<16xi32>
      %sub3A_811 = arith.constant 8 : i32
      %sub3A_812 = vector.broadcast %sub3A_811 : i32 to vector<16xi32>
      %sub3A_813 = arith.subi %iota3A, %sub3A_812 : vector<16xi32>
      %max3A_814 = arith.constant 0 : i32
      %max3A_815 = vector.broadcast %max3A_814 : i32 to vector<16xi32>
      %max3A_816 = arith.maxsi %sub3A_813, %max3A_815 : vector<16xi32>
      %broadcast_in_dim3A_817 = vector.shape_cast %max3A_816 : vector<16xi32> to vector<16x1xi32>
      %gather3A_818 = vector.shape_cast %broadcast_in_dim3A_817 : vector<16x1xi32> to vector<16xi32>
      %gather3A_819 = tpu.dynamic_gather %add3A_810[%gather3A_818] in [0] : vector<16xi32>, vector<16xi32> -> vector<16xi32>
      %ge3A_820 = arith.constant 8 : i32
      %ge3A_821 = vector.broadcast %ge3A_820 : i32 to vector<16xi32>
      %ge3A_822 = arith.cmpi sge, %iota3A, %ge3A_821 : vector<16xi32>
      %jit3A_823 = arith.constant 0 : i32
      %broadcast_in_dim3A_824 = vector.broadcast %jit3A_823 : i32 to vector<16xi32>
      %select_n3A_825 = arith.select %ge3A_822, %gather3A_819, %broadcast_in_dim3A_824 : vector<16xi1>, vector<16xi32>
      %add3A_826 = arith.addi %add3A_810, %select_n3A_825 : vector<16xi32>
      %broadcast_in_dim3A_827 = arith.constant 15 : i32
      %broadcast_in_dim3A_828 = vector.broadcast %broadcast_in_dim3A_827 : i32 to vector<16xi32>
      %broadcast_in_dim3A_829 = vector.shape_cast %broadcast_in_dim3A_828 : vector<16xi32> to vector<16x1xi32>
      %gather3A_830 = vector.shape_cast %broadcast_in_dim3A_829 : vector<16x1xi32> to vector<16xi32>
      %gather3A_831 = tpu.dynamic_gather %add3A_826[%gather3A_830] in [0] : vector<16xi32>, vector<16xi32> -> vector<16xi32>
      %broadcast_in_dim3A_832 = arith.constant 5 : i32
      %broadcast_in_dim3A_833 = vector.broadcast %broadcast_in_dim3A_832 : i32 to vector<16xi32>
      %broadcast_in_dim3A_834 = vector.shape_cast %broadcast_in_dim3A_833 : vector<16xi32> to vector<16x1xi32>
      %gather3A_835 = vector.shape_cast %broadcast_in_dim3A_834 : vector<16x1xi32> to vector<16xi32>
      %gather3A_836 = tpu.dynamic_gather %scan3A_272[%gather3A_835] in [0] : vector<16xi32>, vector<16xi32> -> vector<16xi32>
      %add3A_837 = arith.addi %gather3A_836, %add3A_826 : vector<16xi32>
      %sub3A_838 = arith.constant 1 : i32
      %sub3A_839 = vector.broadcast %sub3A_838 : i32 to vector<16xi32>
      %sub3A_840 = arith.subi %add3A_837, %sub3A_839 : vector<16xi32>
      %select_n3A_841 = arith.select %eq3A_757, %sub3A_840, %select_n3A_747 : vector<16xi1>, vector<16xi32>
      %eq3A_842 = arith.constant 5 : i32
      %eq3A_843 = vector.broadcast %eq3A_842 : i32 to vector<16xi32>
      %eq3A_844 = arith.cmpi eq, %iota3A, %eq3A_843 : vector<16xi32>
      %jit3A_845 = arith.constant 0 : i32
      %broadcast_in_dim3A_846 = vector.broadcast %jit3A_845 : i32 to vector<16xi32>
      %select_n3A_847 = arith.select %eq3A_844, %gather3A_831, %broadcast_in_dim3A_846 : vector<16xi1>, vector<16xi32>
      %add3A_848 = arith.addi %add3A_754, %select_n3A_847 : vector<16xi32>
      %eq3A_849 = arith.constant 6 : i32
      %eq3A_850 = vector.broadcast %eq3A_849 : i32 to vector<16xi32>
      %eq3A_851 = arith.cmpi eq, %get3A_280, %eq3A_850 : vector<16xi32>
      %jit3A_852 = arith.constant 1 : i32
      %jit3A_853 = arith.constant 0 : i32
      %broadcast_in_dim3A_854 = vector.broadcast %jit3A_852 : i32 to vector<16xi32>
      %broadcast_in_dim3A_855 = vector.broadcast %jit3A_853 : i32 to vector<16xi32>
      %select_n3A_856 = arith.select %eq3A_851, %broadcast_in_dim3A_854, %broadcast_in_dim3A_855 : vector<16xi1>, vector<16xi32>
      %sub3A_857 = arith.constant 1 : i32
      %sub3A_858 = vector.broadcast %sub3A_857 : i32 to vector<16xi32>
      %sub3A_859 = arith.subi %iota3A, %sub3A_858 : vector<16xi32>
      %max3A_860 = arith.constant 0 : i32
      %max3A_861 = vector.broadcast %max3A_860 : i32 to vector<16xi32>
      %max3A_862 = arith.maxsi %sub3A_859, %max3A_861 : vector<16xi32>
      %broadcast_in_dim3A_863 = vector.shape_cast %max3A_862 : vector<16xi32> to vector<16x1xi32>
      %gather3A_864 = vector.shape_cast %broadcast_in_dim3A_863 : vector<16x1xi32> to vector<16xi32>
      %gather3A_865 = tpu.dynamic_gather %select_n3A_856[%gather3A_864] in [0] : vector<16xi32>, vector<16xi32> -> vector<16xi32>
      %ge3A_866 = arith.constant 1 : i32
      %ge3A_867 = vector.broadcast %ge3A_866 : i32 to vector<16xi32>
      %ge3A_868 = arith.cmpi sge, %iota3A, %ge3A_867 : vector<16xi32>
      %jit3A_869 = arith.constant 0 : i32
      %broadcast_in_dim3A_870 = vector.broadcast %jit3A_869 : i32 to vector<16xi32>
      %select_n3A_871 = arith.select %ge3A_868, %gather3A_865, %broadcast_in_dim3A_870 : vector<16xi1>, vector<16xi32>
      %add3A_872 = arith.addi %select_n3A_856, %select_n3A_871 : vector<16xi32>
      %sub3A_873 = arith.constant 2 : i32
      %sub3A_874 = vector.broadcast %sub3A_873 : i32 to vector<16xi32>
      %sub3A_875 = arith.subi %iota3A, %sub3A_874 : vector<16xi32>
      %max3A_876 = arith.constant 0 : i32
      %max3A_877 = vector.broadcast %max3A_876 : i32 to vector<16xi32>
      %max3A_878 = arith.maxsi %sub3A_875, %max3A_877 : vector<16xi32>
      %broadcast_in_dim3A_879 = vector.shape_cast %max3A_878 : vector<16xi32> to vector<16x1xi32>
      %gather3A_880 = vector.shape_cast %broadcast_in_dim3A_879 : vector<16x1xi32> to vector<16xi32>
      %gather3A_881 = tpu.dynamic_gather %add3A_872[%gather3A_880] in [0] : vector<16xi32>, vector<16xi32> -> vector<16xi32>
      %ge3A_882 = arith.constant 2 : i32
      %ge3A_883 = vector.broadcast %ge3A_882 : i32 to vector<16xi32>
      %ge3A_884 = arith.cmpi sge, %iota3A, %ge3A_883 : vector<16xi32>
      %jit3A_885 = arith.constant 0 : i32
      %broadcast_in_dim3A_886 = vector.broadcast %jit3A_885 : i32 to vector<16xi32>
      %select_n3A_887 = arith.select %ge3A_884, %gather3A_881, %broadcast_in_dim3A_886 : vector<16xi1>, vector<16xi32>
      %add3A_888 = arith.addi %add3A_872, %select_n3A_887 : vector<16xi32>
      %sub3A_889 = arith.constant 4 : i32
      %sub3A_890 = vector.broadcast %sub3A_889 : i32 to vector<16xi32>
      %sub3A_891 = arith.subi %iota3A, %sub3A_890 : vector<16xi32>
      %max3A_892 = arith.constant 0 : i32
      %max3A_893 = vector.broadcast %max3A_892 : i32 to vector<16xi32>
      %max3A_894 = arith.maxsi %sub3A_891, %max3A_893 : vector<16xi32>
      %broadcast_in_dim3A_895 = vector.shape_cast %max3A_894 : vector<16xi32> to vector<16x1xi32>
      %gather3A_896 = vector.shape_cast %broadcast_in_dim3A_895 : vector<16x1xi32> to vector<16xi32>
      %gather3A_897 = tpu.dynamic_gather %add3A_888[%gather3A_896] in [0] : vector<16xi32>, vector<16xi32> -> vector<16xi32>
      %ge3A_898 = arith.constant 4 : i32
      %ge3A_899 = vector.broadcast %ge3A_898 : i32 to vector<16xi32>
      %ge3A_900 = arith.cmpi sge, %iota3A, %ge3A_899 : vector<16xi32>
      %jit3A_901 = arith.constant 0 : i32
      %broadcast_in_dim3A_902 = vector.broadcast %jit3A_901 : i32 to vector<16xi32>
      %select_n3A_903 = arith.select %ge3A_900, %gather3A_897, %broadcast_in_dim3A_902 : vector<16xi1>, vector<16xi32>
      %add3A_904 = arith.addi %add3A_888, %select_n3A_903 : vector<16xi32>
      %sub3A_905 = arith.constant 8 : i32
      %sub3A_906 = vector.broadcast %sub3A_905 : i32 to vector<16xi32>
      %sub3A_907 = arith.subi %iota3A, %sub3A_906 : vector<16xi32>
      %max3A_908 = arith.constant 0 : i32
      %max3A_909 = vector.broadcast %max3A_908 : i32 to vector<16xi32>
      %max3A_910 = arith.maxsi %sub3A_907, %max3A_909 : vector<16xi32>
      %broadcast_in_dim3A_911 = vector.shape_cast %max3A_910 : vector<16xi32> to vector<16x1xi32>
      %gather3A_912 = vector.shape_cast %broadcast_in_dim3A_911 : vector<16x1xi32> to vector<16xi32>
      %gather3A_913 = tpu.dynamic_gather %add3A_904[%gather3A_912] in [0] : vector<16xi32>, vector<16xi32> -> vector<16xi32>
      %ge3A_914 = arith.constant 8 : i32
      %ge3A_915 = vector.broadcast %ge3A_914 : i32 to vector<16xi32>
      %ge3A_916 = arith.cmpi sge, %iota3A, %ge3A_915 : vector<16xi32>
      %jit3A_917 = arith.constant 0 : i32
      %broadcast_in_dim3A_918 = vector.broadcast %jit3A_917 : i32 to vector<16xi32>
      %select_n3A_919 = arith.select %ge3A_916, %gather3A_913, %broadcast_in_dim3A_918 : vector<16xi1>, vector<16xi32>
      %add3A_920 = arith.addi %add3A_904, %select_n3A_919 : vector<16xi32>
      %broadcast_in_dim3A_921 = arith.constant 15 : i32
      %broadcast_in_dim3A_922 = vector.broadcast %broadcast_in_dim3A_921 : i32 to vector<16xi32>
      %broadcast_in_dim3A_923 = vector.shape_cast %broadcast_in_dim3A_922 : vector<16xi32> to vector<16x1xi32>
      %gather3A_924 = vector.shape_cast %broadcast_in_dim3A_923 : vector<16x1xi32> to vector<16xi32>
      %gather3A_925 = tpu.dynamic_gather %add3A_920[%gather3A_924] in [0] : vector<16xi32>, vector<16xi32> -> vector<16xi32>
      %broadcast_in_dim3A_926 = arith.constant 6 : i32
      %broadcast_in_dim3A_927 = vector.broadcast %broadcast_in_dim3A_926 : i32 to vector<16xi32>
      %broadcast_in_dim3A_928 = vector.shape_cast %broadcast_in_dim3A_927 : vector<16xi32> to vector<16x1xi32>
      %gather3A_929 = vector.shape_cast %broadcast_in_dim3A_928 : vector<16x1xi32> to vector<16xi32>
      %gather3A_930 = tpu.dynamic_gather %scan3A_272[%gather3A_929] in [0] : vector<16xi32>, vector<16xi32> -> vector<16xi32>
      %add3A_931 = arith.addi %gather3A_930, %add3A_920 : vector<16xi32>
      %sub3A_932 = arith.constant 1 : i32
      %sub3A_933 = vector.broadcast %sub3A_932 : i32 to vector<16xi32>
      %sub3A_934 = arith.subi %add3A_931, %sub3A_933 : vector<16xi32>
      %select_n3A_935 = arith.select %eq3A_851, %sub3A_934, %select_n3A_841 : vector<16xi1>, vector<16xi32>
      %eq3A_936 = arith.constant 6 : i32
      %eq3A_937 = vector.broadcast %eq3A_936 : i32 to vector<16xi32>
      %eq3A_938 = arith.cmpi eq, %iota3A, %eq3A_937 : vector<16xi32>
      %jit3A_939 = arith.constant 0 : i32
      %broadcast_in_dim3A_940 = vector.broadcast %jit3A_939 : i32 to vector<16xi32>
      %select_n3A_941 = arith.select %eq3A_938, %gather3A_925, %broadcast_in_dim3A_940 : vector<16xi1>, vector<16xi32>
      %add3A_942 = arith.addi %add3A_848, %select_n3A_941 : vector<16xi32>
      %eq3A_943 = arith.constant 7 : i32
      %eq3A_944 = vector.broadcast %eq3A_943 : i32 to vector<16xi32>
      %eq3A_945 = arith.cmpi eq, %get3A_280, %eq3A_944 : vector<16xi32>
      %jit3A_946 = arith.constant 1 : i32
      %jit3A_947 = arith.constant 0 : i32
      %broadcast_in_dim3A_948 = vector.broadcast %jit3A_946 : i32 to vector<16xi32>
      %broadcast_in_dim3A_949 = vector.broadcast %jit3A_947 : i32 to vector<16xi32>
      %select_n3A_950 = arith.select %eq3A_945, %broadcast_in_dim3A_948, %broadcast_in_dim3A_949 : vector<16xi1>, vector<16xi32>
      %sub3A_951 = arith.constant 1 : i32
      %sub3A_952 = vector.broadcast %sub3A_951 : i32 to vector<16xi32>
      %sub3A_953 = arith.subi %iota3A, %sub3A_952 : vector<16xi32>
      %max3A_954 = arith.constant 0 : i32
      %max3A_955 = vector.broadcast %max3A_954 : i32 to vector<16xi32>
      %max3A_956 = arith.maxsi %sub3A_953, %max3A_955 : vector<16xi32>
      %broadcast_in_dim3A_957 = vector.shape_cast %max3A_956 : vector<16xi32> to vector<16x1xi32>
      %gather3A_958 = vector.shape_cast %broadcast_in_dim3A_957 : vector<16x1xi32> to vector<16xi32>
      %gather3A_959 = tpu.dynamic_gather %select_n3A_950[%gather3A_958] in [0] : vector<16xi32>, vector<16xi32> -> vector<16xi32>
      %ge3A_960 = arith.constant 1 : i32
      %ge3A_961 = vector.broadcast %ge3A_960 : i32 to vector<16xi32>
      %ge3A_962 = arith.cmpi sge, %iota3A, %ge3A_961 : vector<16xi32>
      %jit3A_963 = arith.constant 0 : i32
      %broadcast_in_dim3A_964 = vector.broadcast %jit3A_963 : i32 to vector<16xi32>
      %select_n3A_965 = arith.select %ge3A_962, %gather3A_959, %broadcast_in_dim3A_964 : vector<16xi1>, vector<16xi32>
      %add3A_966 = arith.addi %select_n3A_950, %select_n3A_965 : vector<16xi32>
      %sub3A_967 = arith.constant 2 : i32
      %sub3A_968 = vector.broadcast %sub3A_967 : i32 to vector<16xi32>
      %sub3A_969 = arith.subi %iota3A, %sub3A_968 : vector<16xi32>
      %max3A_970 = arith.constant 0 : i32
      %max3A_971 = vector.broadcast %max3A_970 : i32 to vector<16xi32>
      %max3A_972 = arith.maxsi %sub3A_969, %max3A_971 : vector<16xi32>
      %broadcast_in_dim3A_973 = vector.shape_cast %max3A_972 : vector<16xi32> to vector<16x1xi32>
      %gather3A_974 = vector.shape_cast %broadcast_in_dim3A_973 : vector<16x1xi32> to vector<16xi32>
      %gather3A_975 = tpu.dynamic_gather %add3A_966[%gather3A_974] in [0] : vector<16xi32>, vector<16xi32> -> vector<16xi32>
      %ge3A_976 = arith.constant 2 : i32
      %ge3A_977 = vector.broadcast %ge3A_976 : i32 to vector<16xi32>
      %ge3A_978 = arith.cmpi sge, %iota3A, %ge3A_977 : vector<16xi32>
      %jit3A_979 = arith.constant 0 : i32
      %broadcast_in_dim3A_980 = vector.broadcast %jit3A_979 : i32 to vector<16xi32>
      %select_n3A_981 = arith.select %ge3A_978, %gather3A_975, %broadcast_in_dim3A_980 : vector<16xi1>, vector<16xi32>
      %add3A_982 = arith.addi %add3A_966, %select_n3A_981 : vector<16xi32>
      %sub3A_983 = arith.constant 4 : i32
      %sub3A_984 = vector.broadcast %sub3A_983 : i32 to vector<16xi32>
      %sub3A_985 = arith.subi %iota3A, %sub3A_984 : vector<16xi32>
      %max3A_986 = arith.constant 0 : i32
      %max3A_987 = vector.broadcast %max3A_986 : i32 to vector<16xi32>
      %max3A_988 = arith.maxsi %sub3A_985, %max3A_987 : vector<16xi32>
      %broadcast_in_dim3A_989 = vector.shape_cast %max3A_988 : vector<16xi32> to vector<16x1xi32>
      %gather3A_990 = vector.shape_cast %broadcast_in_dim3A_989 : vector<16x1xi32> to vector<16xi32>
      %gather3A_991 = tpu.dynamic_gather %add3A_982[%gather3A_990] in [0] : vector<16xi32>, vector<16xi32> -> vector<16xi32>
      %ge3A_992 = arith.constant 4 : i32
      %ge3A_993 = vector.broadcast %ge3A_992 : i32 to vector<16xi32>
      %ge3A_994 = arith.cmpi sge, %iota3A, %ge3A_993 : vector<16xi32>
      %jit3A_995 = arith.constant 0 : i32
      %broadcast_in_dim3A_996 = vector.broadcast %jit3A_995 : i32 to vector<16xi32>
      %select_n3A_997 = arith.select %ge3A_994, %gather3A_991, %broadcast_in_dim3A_996 : vector<16xi1>, vector<16xi32>
      %add3A_998 = arith.addi %add3A_982, %select_n3A_997 : vector<16xi32>
      %sub3A_999 = arith.constant 8 : i32
      %sub3A_1000 = vector.broadcast %sub3A_999 : i32 to vector<16xi32>
      %sub3A_1001 = arith.subi %iota3A, %sub3A_1000 : vector<16xi32>
      %max3A_1002 = arith.constant 0 : i32
      %max3A_1003 = vector.broadcast %max3A_1002 : i32 to vector<16xi32>
      %max3A_1004 = arith.maxsi %sub3A_1001, %max3A_1003 : vector<16xi32>
      %broadcast_in_dim3A_1005 = vector.shape_cast %max3A_1004 : vector<16xi32> to vector<16x1xi32>
      %gather3A_1006 = vector.shape_cast %broadcast_in_dim3A_1005 : vector<16x1xi32> to vector<16xi32>
      %gather3A_1007 = tpu.dynamic_gather %add3A_998[%gather3A_1006] in [0] : vector<16xi32>, vector<16xi32> -> vector<16xi32>
      %ge3A_1008 = arith.constant 8 : i32
      %ge3A_1009 = vector.broadcast %ge3A_1008 : i32 to vector<16xi32>
      %ge3A_1010 = arith.cmpi sge, %iota3A, %ge3A_1009 : vector<16xi32>
      %jit3A_1011 = arith.constant 0 : i32
      %broadcast_in_dim3A_1012 = vector.broadcast %jit3A_1011 : i32 to vector<16xi32>
      %select_n3A_1013 = arith.select %ge3A_1010, %gather3A_1007, %broadcast_in_dim3A_1012 : vector<16xi1>, vector<16xi32>
      %add3A_1014 = arith.addi %add3A_998, %select_n3A_1013 : vector<16xi32>
      %broadcast_in_dim3A_1015 = arith.constant 15 : i32
      %broadcast_in_dim3A_1016 = vector.broadcast %broadcast_in_dim3A_1015 : i32 to vector<16xi32>
      %broadcast_in_dim3A_1017 = vector.shape_cast %broadcast_in_dim3A_1016 : vector<16xi32> to vector<16x1xi32>
      %gather3A_1018 = vector.shape_cast %broadcast_in_dim3A_1017 : vector<16x1xi32> to vector<16xi32>
      %gather3A_1019 = tpu.dynamic_gather %add3A_1014[%gather3A_1018] in [0] : vector<16xi32>, vector<16xi32> -> vector<16xi32>
      %broadcast_in_dim3A_1020 = arith.constant 7 : i32
      %broadcast_in_dim3A_1021 = vector.broadcast %broadcast_in_dim3A_1020 : i32 to vector<16xi32>
      %broadcast_in_dim3A_1022 = vector.shape_cast %broadcast_in_dim3A_1021 : vector<16xi32> to vector<16x1xi32>
      %gather3A_1023 = vector.shape_cast %broadcast_in_dim3A_1022 : vector<16x1xi32> to vector<16xi32>
      %gather3A_1024 = tpu.dynamic_gather %scan3A_272[%gather3A_1023] in [0] : vector<16xi32>, vector<16xi32> -> vector<16xi32>
      %add3A_1025 = arith.addi %gather3A_1024, %add3A_1014 : vector<16xi32>
      %sub3A_1026 = arith.constant 1 : i32
      %sub3A_1027 = vector.broadcast %sub3A_1026 : i32 to vector<16xi32>
      %sub3A_1028 = arith.subi %add3A_1025, %sub3A_1027 : vector<16xi32>
      %select_n3A_1029 = arith.select %eq3A_945, %sub3A_1028, %select_n3A_935 : vector<16xi1>, vector<16xi32>
      %eq3A_1030 = arith.constant 7 : i32
      %eq3A_1031 = vector.broadcast %eq3A_1030 : i32 to vector<16xi32>
      %eq3A_1032 = arith.cmpi eq, %iota3A, %eq3A_1031 : vector<16xi32>
      %jit3A_1033 = arith.constant 0 : i32
      %broadcast_in_dim3A_1034 = vector.broadcast %jit3A_1033 : i32 to vector<16xi32>
      %select_n3A_1035 = arith.select %eq3A_1032, %gather3A_1019, %broadcast_in_dim3A_1034 : vector<16xi1>, vector<16xi32>
      %add3A_1036 = arith.addi %add3A_942, %select_n3A_1035 : vector<16xi32>
      %add3A_1037 = arith.addi %scan3A_272, %add3A_1036 : vector<16xi32>
      %mul3A_1038 = arith.constant 16 : i32
      %mul3A_1039 = arith.muli %scan3A_271, %mul3A_1038 : i32
      %swap3A_1040 = arith.index_cast %mul3A_1039 : i32 to index
      %swap3A_1041 = tpu.vector_load %arg9[%swap3A_1040] {strides = array<i32>} : memref<64xi32, #tpu.memory_space<vmem>>, vector<16xi32>,
      %swap3A_1042 = vector.shape_cast %swap3A_1041 : vector<16xi32> to vector<16xi32>
      %swap3A_1043 = vector.shape_cast %select_n3A_1029 : vector<16xi32> to vector<16xi32>
      tpu.vector_store %arg9[%swap3A_1040], %swap3A_1043 {strides = array<i32>} : memref<64xi32, #tpu.memory_space<vmem>>, vector<16xi32>,
      scf.yield %add3A_1037 : vector<16xi32>
    }
    %scan3A_250 = arith.constant 4 : i32
    %eq3A = arith.constant 0 : i32
    %eq3A_251 = arith.cmpi eq, %arg0, %eq3A : i32
    %convert_element_type3A = arith.extui %eq3A_251 : i1 to i32
    %cond3A = arith.constant 0 : i32
    %cond3A_252 = arith.cmpi ne, %convert_element_type3A, %cond3A : i32
    scf.if %cond3A_252 {
      "tpu.region"() ({
        %run_scoped3A = tpu.sem_alloc : memref<!tpu.dma_semaphore, #tpu.memory_space<semaphore_mem>>
        %dma_start3A = tpu.memref_slice %arg5[%multiple_of3A] : memref<2048xi32, #tpu.memory_space<hbm>> -> memref<64xi32, #tpu.memory_space<hbm>>
        %dma_start3A_273 = tpu.memref_slice %arg5[%multiple_of3A] : memref<2048xi32, #tpu.memory_space<hbm>> -> memref<64xi32, #tpu.memory_space<hbm>>
        tpu.enqueue_dma source(%arg8 : memref<64xi32, #tpu.memory_space<vmem>>) target(%dma_start3A_273 : memref<64xi32, #tpu.memory_space<hbm>>) target_semaphore(%run_scoped3A : memref<!tpu.dma_semaphore, #tpu.memory_space<semaphore_mem>>)
        %dma_wait3A = tpu.memref_slice %arg5[%multiple_of3A] : memref<2048xi32, #tpu.memory_space<hbm>> -> memref<64xi32, #tpu.memory_space<hbm>>
        %dma_wait3A_274 = tpu.memref_slice %arg5[%multiple_of3A] : memref<2048xi32, #tpu.memory_space<hbm>> -> memref<64xi32, #tpu.memory_space<hbm>>
        tpu.wait_dma2 semaphore(%run_scoped3A : memref<!tpu.dma_semaphore, #tpu.memory_space<semaphore_mem>>) src(%arg8 : memref<64xi32, #tpu.memory_space<vmem>>) dst(%dma_wait3A_274 : memref<64xi32, #tpu.memory_space<hbm>>)
        tpu.yield
      }) : () -> ()
      %add3A_271 = arith.constant 64 : i32
      %add3A_272 = arith.addi %multiple_of3A, %add3A_271 : i32
      "tpu.region"() ({
        %run_scoped3A = tpu.sem_alloc : memref<!tpu.dma_semaphore, #tpu.memory_space<semaphore_mem>>
        %dma_start3A = tpu.memref_slice %arg5[%add3A_272] : memref<2048xi32, #tpu.memory_space<hbm>> -> memref<64xi32, #tpu.memory_space<hbm>>
        %dma_start3A_273 = tpu.memref_slice %arg5[%add3A_272] : memref<2048xi32, #tpu.memory_space<hbm>> -> memref<64xi32, #tpu.memory_space<hbm>>
        tpu.enqueue_dma source(%arg9 : memref<64xi32, #tpu.memory_space<vmem>>) target(%dma_start3A_273 : memref<64xi32, #tpu.memory_space<hbm>>) target_semaphore(%run_scoped3A : memref<!tpu.dma_semaphore, #tpu.memory_space<semaphore_mem>>)
        %dma_wait3A = tpu.memref_slice %arg5[%add3A_272] : memref<2048xi32, #tpu.memory_space<hbm>> -> memref<64xi32, #tpu.memory_space<hbm>>
        %dma_wait3A_274 = tpu.memref_slice %arg5[%add3A_272] : memref<2048xi32, #tpu.memory_space<hbm>> -> memref<64xi32, #tpu.memory_space<hbm>>
        tpu.wait_dma2 semaphore(%run_scoped3A : memref<!tpu.dma_semaphore, #tpu.memory_space<semaphore_mem>>) src(%arg9 : memref<64xi32, #tpu.memory_space<vmem>>) dst(%dma_wait3A_274 : memref<64xi32, #tpu.memory_space<hbm>>)
        tpu.yield
      }) : () -> ()
    } else {
    }
    %eq3A_253 = arith.constant 0 : i32
    %eq3A_254 = arith.cmpi eq, %arg0, %eq3A_253 : i32
    %eq3A_255 = arith.constant 0 : i32
    %eq3A_256 = arith.cmpi eq, %arg1, %eq3A_255 : i32
    %and3A_257 = arith.andi %eq3A_254, %eq3A_256 : i1
    %convert_element_type3A_258 = arith.extui %and3A_257 : i1 to i32
    %cond3A_259 = arith.constant 0 : i32
    %cond3A_260 = arith.cmpi ne, %convert_element_type3A_258, %cond3A_259 : i32
    scf.if %cond3A_260 {
      %broadcast_in_dim3A_271 = arith.constant 0 : i32
      %broadcast_in_dim3A_272 = vector.broadcast %broadcast_in_dim3A_271 : i32 to vector<16xi32>
      %broadcast_in_dim3A_273 = arith.constant 0 : i32
      %broadcast_in_dim3A_274 = vector.broadcast %broadcast_in_dim3A_273 : i32 to vector<16xi32>
      %broadcast_in_dim3A_275 = vector.shape_cast %broadcast_in_dim3A_274 : vector<16xi32> to vector<16x1xi32>
      %gather3A_276 = vector.shape_cast %broadcast_in_dim3A_275 : vector<16x1xi32> to vector<16xi32>
      %gather3A_277 = tpu.dynamic_gather %add3A_236[%gather3A_276] in [0] : vector<16xi32>, vector<16xi32> -> vector<16xi32>
      %add3A_278 = arith.constant 0 : i32
      %add3A_279 = vector.broadcast %add3A_278 : i32 to vector<16xi32>
      %add3A_280 = arith.addi %iota3A, %add3A_279 : vector<16xi32>
      %mul3A_281 = arith.constant 64 : i32
      %mul3A_282 = vector.broadcast %mul3A_281 : i32 to vector<16xi32>
      %mul3A_283 = arith.muli %add3A_280, %mul3A_282 : vector<16xi32>
      %ge3A_284 = arith.cmpi sge, %mul3A_283, %gather3A_277 : vector<16xi32>
      %jit3A_285 = arith.constant 1 : i32
      %jit3A_286 = arith.constant 0 : i32
      %broadcast_in_dim3A_287 = vector.broadcast %jit3A_285 : i32 to vector<16xi32>
      %broadcast_in_dim3A_288 = vector.broadcast %jit3A_286 : i32 to vector<16xi32>
      %select_n3A_289 = arith.select %ge3A_284, %broadcast_in_dim3A_287, %broadcast_in_dim3A_288 : vector<16xi1>, vector<16xi32>
      %add3A_290 = arith.addi %broadcast_in_dim3A_272, %select_n3A_289 : vector<16xi32>
      %broadcast_in_dim3A_291 = arith.constant 1 : i32
      %broadcast_in_dim3A_292 = vector.broadcast %broadcast_in_dim3A_291 : i32 to vector<16xi32>
      %broadcast_in_dim3A_293 = vector.shape_cast %broadcast_in_dim3A_292 : vector<16xi32> to vector<16x1xi32>
      %gather3A_294 = vector.shape_cast %broadcast_in_dim3A_293 : vector<16x1xi32> to vector<16xi32>
      %gather3A_295 = tpu.dynamic_gather %add3A_236[%gather3A_294] in [0] : vector<16xi32>, vector<16xi32> -> vector<16xi32>
      %add3A_296 = arith.constant 0 : i32
      %add3A_297 = vector.broadcast %add3A_296 : i32 to vector<16xi32>
      %add3A_298 = arith.addi %iota3A, %add3A_297 : vector<16xi32>
      %mul3A_299 = arith.constant 64 : i32
      %mul3A_300 = vector.broadcast %mul3A_299 : i32 to vector<16xi32>
      %mul3A_301 = arith.muli %add3A_298, %mul3A_300 : vector<16xi32>
      %ge3A_302 = arith.cmpi sge, %mul3A_301, %gather3A_295 : vector<16xi32>
      %jit3A_303 = arith.constant 1 : i32
      %jit3A_304 = arith.constant 0 : i32
      %broadcast_in_dim3A_305 = vector.broadcast %jit3A_303 : i32 to vector<16xi32>
      %broadcast_in_dim3A_306 = vector.broadcast %jit3A_304 : i32 to vector<16xi32>
      %select_n3A_307 = arith.select %ge3A_302, %broadcast_in_dim3A_305, %broadcast_in_dim3A_306 : vector<16xi1>, vector<16xi32>
      %add3A_308 = arith.addi %add3A_290, %select_n3A_307 : vector<16xi32>
      %broadcast_in_dim3A_309 = arith.constant 2 : i32
      %broadcast_in_dim3A_310 = vector.broadcast %broadcast_in_dim3A_309 : i32 to vector<16xi32>
      %broadcast_in_dim3A_311 = vector.shape_cast %broadcast_in_dim3A_310 : vector<16xi32> to vector<16x1xi32>
      %gather3A_312 = vector.shape_cast %broadcast_in_dim3A_311 : vector<16x1xi32> to vector<16xi32>
      %gather3A_313 = tpu.dynamic_gather %add3A_236[%gather3A_312] in [0] : vector<16xi32>, vector<16xi32> -> vector<16xi32>
      %add3A_314 = arith.constant 0 : i32
      %add3A_315 = vector.broadcast %add3A_314 : i32 to vector<16xi32>
      %add3A_316 = arith.addi %iota3A, %add3A_315 : vector<16xi32>
      %mul3A_317 = arith.constant 64 : i32
      %mul3A_318 = vector.broadcast %mul3A_317 : i32 to vector<16xi32>
      %mul3A_319 = arith.muli %add3A_316, %mul3A_318 : vector<16xi32>
      %ge3A_320 = arith.cmpi sge, %mul3A_319, %gather3A_313 : vector<16xi32>
      %jit3A_321 = arith.constant 1 : i32
      %jit3A_322 = arith.constant 0 : i32
      %broadcast_in_dim3A_323 = vector.broadcast %jit3A_321 : i32 to vector<16xi32>
      %broadcast_in_dim3A_324 = vector.broadcast %jit3A_322 : i32 to vector<16xi32>
      %select_n3A_325 = arith.select %ge3A_320, %broadcast_in_dim3A_323, %broadcast_in_dim3A_324 : vector<16xi1>, vector<16xi32>
      %add3A_326 = arith.addi %add3A_308, %select_n3A_325 : vector<16xi32>
      %broadcast_in_dim3A_327 = arith.constant 3 : i32
      %broadcast_in_dim3A_328 = vector.broadcast %broadcast_in_dim3A_327 : i32 to vector<16xi32>
      %broadcast_in_dim3A_329 = vector.shape_cast %broadcast_in_dim3A_328 : vector<16xi32> to vector<16x1xi32>
      %gather3A_330 = vector.shape_cast %broadcast_in_dim3A_329 : vector<16x1xi32> to vector<16xi32>
      %gather3A_331 = tpu.dynamic_gather %add3A_236[%gather3A_330] in [0] : vector<16xi32>, vector<16xi32> -> vector<16xi32>
      %add3A_332 = arith.constant 0 : i32
      %add3A_333 = vector.broadcast %add3A_332 : i32 to vector<16xi32>
      %add3A_334 = arith.addi %iota3A, %add3A_333 : vector<16xi32>
      %mul3A_335 = arith.constant 64 : i32
      %mul3A_336 = vector.broadcast %mul3A_335 : i32 to vector<16xi32>
      %mul3A_337 = arith.muli %add3A_334, %mul3A_336 : vector<16xi32>
      %ge3A_338 = arith.cmpi sge, %mul3A_337, %gather3A_331 : vector<16xi32>
      %jit3A_339 = arith.constant 1 : i32
      %jit3A_340 = arith.constant 0 : i32
      %broadcast_in_dim3A_341 = vector.broadcast %jit3A_339 : i32 to vector<16xi32>
      %broadcast_in_dim3A_342 = vector.broadcast %jit3A_340 : i32 to vector<16xi32>
      %select_n3A_343 = arith.select %ge3A_338, %broadcast_in_dim3A_341, %broadcast_in_dim3A_342 : vector<16xi1>, vector<16xi32>
      %add3A_344 = arith.addi %add3A_326, %select_n3A_343 : vector<16xi32>
      %broadcast_in_dim3A_345 = arith.constant 4 : i32
      %broadcast_in_dim3A_346 = vector.broadcast %broadcast_in_dim3A_345 : i32 to vector<16xi32>
      %broadcast_in_dim3A_347 = vector.shape_cast %broadcast_in_dim3A_346 : vector<16xi32> to vector<16x1xi32>
      %gather3A_348 = vector.shape_cast %broadcast_in_dim3A_347 : vector<16x1xi32> to vector<16xi32>
      %gather3A_349 = tpu.dynamic_gather %add3A_236[%gather3A_348] in [0] : vector<16xi32>, vector<16xi32> -> vector<16xi32>
      %add3A_350 = arith.constant 0 : i32
      %add3A_351 = vector.broadcast %add3A_350 : i32 to vector<16xi32>
      %add3A_352 = arith.addi %iota3A, %add3A_351 : vector<16xi32>
      %mul3A_353 = arith.constant 64 : i32
      %mul3A_354 = vector.broadcast %mul3A_353 : i32 to vector<16xi32>
      %mul3A_355 = arith.muli %add3A_352, %mul3A_354 : vector<16xi32>
      %ge3A_356 = arith.cmpi sge, %mul3A_355, %gather3A_349 : vector<16xi32>
      %jit3A_357 = arith.constant 1 : i32
      %jit3A_358 = arith.constant 0 : i32
      %broadcast_in_dim3A_359 = vector.broadcast %jit3A_357 : i32 to vector<16xi32>
      %broadcast_in_dim3A_360 = vector.broadcast %jit3A_358 : i32 to vector<16xi32>
      %select_n3A_361 = arith.select %ge3A_356, %broadcast_in_dim3A_359, %broadcast_in_dim3A_360 : vector<16xi1>, vector<16xi32>
      %add3A_362 = arith.addi %add3A_344, %select_n3A_361 : vector<16xi32>
      %broadcast_in_dim3A_363 = arith.constant 5 : i32
      %broadcast_in_dim3A_364 = vector.broadcast %broadcast_in_dim3A_363 : i32 to vector<16xi32>
      %broadcast_in_dim3A_365 = vector.shape_cast %broadcast_in_dim3A_364 : vector<16xi32> to vector<16x1xi32>
      %gather3A_366 = vector.shape_cast %broadcast_in_dim3A_365 : vector<16x1xi32> to vector<16xi32>
      %gather3A_367 = tpu.dynamic_gather %add3A_236[%gather3A_366] in [0] : vector<16xi32>, vector<16xi32> -> vector<16xi32>
      %add3A_368 = arith.constant 0 : i32
      %add3A_369 = vector.broadcast %add3A_368 : i32 to vector<16xi32>
      %add3A_370 = arith.addi %iota3A, %add3A_369 : vector<16xi32>
      %mul3A_371 = arith.constant 64 : i32
      %mul3A_372 = vector.broadcast %mul3A_371 : i32 to vector<16xi32>
      %mul3A_373 = arith.muli %add3A_370, %mul3A_372 : vector<16xi32>
      %ge3A_374 = arith.cmpi sge, %mul3A_373, %gather3A_367 : vector<16xi32>
      %jit3A_375 = arith.constant 1 : i32
      %jit3A_376 = arith.constant 0 : i32
      %broadcast_in_dim3A_377 = vector.broadcast %jit3A_375 : i32 to vector<16xi32>
      %broadcast_in_dim3A_378 = vector.broadcast %jit3A_376 : i32 to vector<16xi32>
      %select_n3A_379 = arith.select %ge3A_374, %broadcast_in_dim3A_377, %broadcast_in_dim3A_378 : vector<16xi1>, vector<16xi32>
      %add3A_380 = arith.addi %add3A_362, %select_n3A_379 : vector<16xi32>
      %broadcast_in_dim3A_381 = arith.constant 6 : i32
      %broadcast_in_dim3A_382 = vector.broadcast %broadcast_in_dim3A_381 : i32 to vector<16xi32>
      %broadcast_in_dim3A_383 = vector.shape_cast %broadcast_in_dim3A_382 : vector<16xi32> to vector<16x1xi32>
      %gather3A_384 = vector.shape_cast %broadcast_in_dim3A_383 : vector<16x1xi32> to vector<16xi32>
      %gather3A_385 = tpu.dynamic_gather %add3A_236[%gather3A_384] in [0] : vector<16xi32>, vector<16xi32> -> vector<16xi32>
      %add3A_386 = arith.constant 0 : i32
      %add3A_387 = vector.broadcast %add3A_386 : i32 to vector<16xi32>
      %add3A_388 = arith.addi %iota3A, %add3A_387 : vector<16xi32>
      %mul3A_389 = arith.constant 64 : i32
      %mul3A_390 = vector.broadcast %mul3A_389 : i32 to vector<16xi32>
      %mul3A_391 = arith.muli %add3A_388, %mul3A_390 : vector<16xi32>
      %ge3A_392 = arith.cmpi sge, %mul3A_391, %gather3A_385 : vector<16xi32>
      %jit3A_393 = arith.constant 1 : i32
      %jit3A_394 = arith.constant 0 : i32
      %broadcast_in_dim3A_395 = vector.broadcast %jit3A_393 : i32 to vector<16xi32>
      %broadcast_in_dim3A_396 = vector.broadcast %jit3A_394 : i32 to vector<16xi32>
      %select_n3A_397 = arith.select %ge3A_392, %broadcast_in_dim3A_395, %broadcast_in_dim3A_396 : vector<16xi1>, vector<16xi32>
      %add3A_398 = arith.addi %add3A_380, %select_n3A_397 : vector<16xi32>
      %broadcast_in_dim3A_399 = arith.constant 7 : i32
      %broadcast_in_dim3A_400 = vector.broadcast %broadcast_in_dim3A_399 : i32 to vector<16xi32>
      %broadcast_in_dim3A_401 = vector.shape_cast %broadcast_in_dim3A_400 : vector<16xi32> to vector<16x1xi32>
      %gather3A_402 = vector.shape_cast %broadcast_in_dim3A_401 : vector<16x1xi32> to vector<16xi32>
      %gather3A_403 = tpu.dynamic_gather %add3A_236[%gather3A_402] in [0] : vector<16xi32>, vector<16xi32> -> vector<16xi32>
      %add3A_404 = arith.constant 0 : i32
      %add3A_405 = vector.broadcast %add3A_404 : i32 to vector<16xi32>
      %add3A_406 = arith.addi %iota3A, %add3A_405 : vector<16xi32>
      %mul3A_407 = arith.constant 64 : i32
      %mul3A_408 = vector.broadcast %mul3A_407 : i32 to vector<16xi32>
      %mul3A_409 = arith.muli %add3A_406, %mul3A_408 : vector<16xi32>
      %ge3A_410 = arith.cmpi sge, %mul3A_409, %gather3A_403 : vector<16xi32>
      %jit3A_411 = arith.constant 1 : i32
      %jit3A_412 = arith.constant 0 : i32
      %broadcast_in_dim3A_413 = vector.broadcast %jit3A_411 : i32 to vector<16xi32>
      %broadcast_in_dim3A_414 = vector.broadcast %jit3A_412 : i32 to vector<16xi32>
      %select_n3A_415 = arith.select %ge3A_410, %broadcast_in_dim3A_413, %broadcast_in_dim3A_414 : vector<16xi1>, vector<16xi32>
      %add3A_416 = arith.addi %add3A_398, %select_n3A_415 : vector<16xi32>
      %min3A = arith.constant 7 : i32
      %min3A_417 = vector.broadcast %min3A : i32 to vector<16xi32>
      %min3A_418 = arith.minsi %add3A_416, %min3A_417 : vector<16xi32>
      %swap3A_419 = arith.constant 0 : index
      %swap3A_420 = tpu.vector_load %arg13[%swap3A_419] {strides = array<i32>} : memref<48xi32, #tpu.memory_space<vmem>>, vector<16xi32>,
      %swap3A_421 = vector.shape_cast %swap3A_420 : vector<16xi32> to vector<16xi32>
      %swap3A_422 = vector.shape_cast %min3A_418 : vector<16xi32> to vector<16xi32>
      tpu.vector_store %arg13[%swap3A_419], %swap3A_422 {strides = array<i32>} : memref<48xi32, #tpu.memory_space<vmem>>, vector<16xi32>,
      %broadcast_in_dim3A_423 = arith.constant 0 : i32
      %broadcast_in_dim3A_424 = vector.broadcast %broadcast_in_dim3A_423 : i32 to vector<16xi32>
      %broadcast_in_dim3A_425 = arith.constant 0 : i32
      %broadcast_in_dim3A_426 = vector.broadcast %broadcast_in_dim3A_425 : i32 to vector<16xi32>
      %broadcast_in_dim3A_427 = vector.shape_cast %broadcast_in_dim3A_426 : vector<16xi32> to vector<16x1xi32>
      %gather3A_428 = vector.shape_cast %broadcast_in_dim3A_427 : vector<16x1xi32> to vector<16xi32>
      %gather3A_429 = tpu.dynamic_gather %add3A_236[%gather3A_428] in [0] : vector<16xi32>, vector<16xi32> -> vector<16xi32>
      %add3A_430 = arith.constant 16 : i32
      %add3A_431 = vector.broadcast %add3A_430 : i32 to vector<16xi32>
      %add3A_432 = arith.addi %iota3A, %add3A_431 : vector<16xi32>
      %mul3A_433 = arith.constant 64 : i32
      %mul3A_434 = vector.broadcast %mul3A_433 : i32 to vector<16xi32>
      %mul3A_435 = arith.muli %add3A_432, %mul3A_434 : vector<16xi32>
      %ge3A_436 = arith.cmpi sge, %mul3A_435, %gather3A_429 : vector<16xi32>
      %jit3A_437 = arith.constant 1 : i32
      %jit3A_438 = arith.constant 0 : i32
      %broadcast_in_dim3A_439 = vector.broadcast %jit3A_437 : i32 to vector<16xi32>
      %broadcast_in_dim3A_440 = vector.broadcast %jit3A_438 : i32 to vector<16xi32>
      %select_n3A_441 = arith.select %ge3A_436, %broadcast_in_dim3A_439, %broadcast_in_dim3A_440 : vector<16xi1>, vector<16xi32>
      %add3A_442 = arith.addi %broadcast_in_dim3A_424, %select_n3A_441 : vector<16xi32>
      %broadcast_in_dim3A_443 = arith.constant 1 : i32
      %broadcast_in_dim3A_444 = vector.broadcast %broadcast_in_dim3A_443 : i32 to vector<16xi32>
      %broadcast_in_dim3A_445 = vector.shape_cast %broadcast_in_dim3A_444 : vector<16xi32> to vector<16x1xi32>
      %gather3A_446 = vector.shape_cast %broadcast_in_dim3A_445 : vector<16x1xi32> to vector<16xi32>
      %gather3A_447 = tpu.dynamic_gather %add3A_236[%gather3A_446] in [0] : vector<16xi32>, vector<16xi32> -> vector<16xi32>
      %add3A_448 = arith.constant 16 : i32
      %add3A_449 = vector.broadcast %add3A_448 : i32 to vector<16xi32>
      %add3A_450 = arith.addi %iota3A, %add3A_449 : vector<16xi32>
      %mul3A_451 = arith.constant 64 : i32
      %mul3A_452 = vector.broadcast %mul3A_451 : i32 to vector<16xi32>
      %mul3A_453 = arith.muli %add3A_450, %mul3A_452 : vector<16xi32>
      %ge3A_454 = arith.cmpi sge, %mul3A_453, %gather3A_447 : vector<16xi32>
      %jit3A_455 = arith.constant 1 : i32
      %jit3A_456 = arith.constant 0 : i32
      %broadcast_in_dim3A_457 = vector.broadcast %jit3A_455 : i32 to vector<16xi32>
      %broadcast_in_dim3A_458 = vector.broadcast %jit3A_456 : i32 to vector<16xi32>
      %select_n3A_459 = arith.select %ge3A_454, %broadcast_in_dim3A_457, %broadcast_in_dim3A_458 : vector<16xi1>, vector<16xi32>
      %add3A_460 = arith.addi %add3A_442, %select_n3A_459 : vector<16xi32>
      %broadcast_in_dim3A_461 = arith.constant 2 : i32
      %broadcast_in_dim3A_462 = vector.broadcast %broadcast_in_dim3A_461 : i32 to vector<16xi32>
      %broadcast_in_dim3A_463 = vector.shape_cast %broadcast_in_dim3A_462 : vector<16xi32> to vector<16x1xi32>
      %gather3A_464 = vector.shape_cast %broadcast_in_dim3A_463 : vector<16x1xi32> to vector<16xi32>
      %gather3A_465 = tpu.dynamic_gather %add3A_236[%gather3A_464] in [0] : vector<16xi32>, vector<16xi32> -> vector<16xi32>
      %add3A_466 = arith.constant 16 : i32
      %add3A_467 = vector.broadcast %add3A_466 : i32 to vector<16xi32>
      %add3A_468 = arith.addi %iota3A, %add3A_467 : vector<16xi32>
      %mul3A_469 = arith.constant 64 : i32
      %mul3A_470 = vector.broadcast %mul3A_469 : i32 to vector<16xi32>
      %mul3A_471 = arith.muli %add3A_468, %mul3A_470 : vector<16xi32>
      %ge3A_472 = arith.cmpi sge, %mul3A_471, %gather3A_465 : vector<16xi32>
      %jit3A_473 = arith.constant 1 : i32
      %jit3A_474 = arith.constant 0 : i32
      %broadcast_in_dim3A_475 = vector.broadcast %jit3A_473 : i32 to vector<16xi32>
      %broadcast_in_dim3A_476 = vector.broadcast %jit3A_474 : i32 to vector<16xi32>
      %select_n3A_477 = arith.select %ge3A_472, %broadcast_in_dim3A_475, %broadcast_in_dim3A_476 : vector<16xi1>, vector<16xi32>
      %add3A_478 = arith.addi %add3A_460, %select_n3A_477 : vector<16xi32>
      %broadcast_in_dim3A_479 = arith.constant 3 : i32
      %broadcast_in_dim3A_480 = vector.broadcast %broadcast_in_dim3A_479 : i32 to vector<16xi32>
      %broadcast_in_dim3A_481 = vector.shape_cast %broadcast_in_dim3A_480 : vector<16xi32> to vector<16x1xi32>
      %gather3A_482 = vector.shape_cast %broadcast_in_dim3A_481 : vector<16x1xi32> to vector<16xi32>
      %gather3A_483 = tpu.dynamic_gather %add3A_236[%gather3A_482] in [0] : vector<16xi32>, vector<16xi32> -> vector<16xi32>
      %add3A_484 = arith.constant 16 : i32
      %add3A_485 = vector.broadcast %add3A_484 : i32 to vector<16xi32>
      %add3A_486 = arith.addi %iota3A, %add3A_485 : vector<16xi32>
      %mul3A_487 = arith.constant 64 : i32
      %mul3A_488 = vector.broadcast %mul3A_487 : i32 to vector<16xi32>
      %mul3A_489 = arith.muli %add3A_486, %mul3A_488 : vector<16xi32>
      %ge3A_490 = arith.cmpi sge, %mul3A_489, %gather3A_483 : vector<16xi32>
      %jit3A_491 = arith.constant 1 : i32
      %jit3A_492 = arith.constant 0 : i32
      %broadcast_in_dim3A_493 = vector.broadcast %jit3A_491 : i32 to vector<16xi32>
      %broadcast_in_dim3A_494 = vector.broadcast %jit3A_492 : i32 to vector<16xi32>
      %select_n3A_495 = arith.select %ge3A_490, %broadcast_in_dim3A_493, %broadcast_in_dim3A_494 : vector<16xi1>, vector<16xi32>
      %add3A_496 = arith.addi %add3A_478, %select_n3A_495 : vector<16xi32>
      %broadcast_in_dim3A_497 = arith.constant 4 : i32
      %broadcast_in_dim3A_498 = vector.broadcast %broadcast_in_dim3A_497 : i32 to vector<16xi32>
      %broadcast_in_dim3A_499 = vector.shape_cast %broadcast_in_dim3A_498 : vector<16xi32> to vector<16x1xi32>
      %gather3A_500 = vector.shape_cast %broadcast_in_dim3A_499 : vector<16x1xi32> to vector<16xi32>
      %gather3A_501 = tpu.dynamic_gather %add3A_236[%gather3A_500] in [0] : vector<16xi32>, vector<16xi32> -> vector<16xi32>
      %add3A_502 = arith.constant 16 : i32
      %add3A_503 = vector.broadcast %add3A_502 : i32 to vector<16xi32>
      %add3A_504 = arith.addi %iota3A, %add3A_503 : vector<16xi32>
      %mul3A_505 = arith.constant 64 : i32
      %mul3A_506 = vector.broadcast %mul3A_505 : i32 to vector<16xi32>
      %mul3A_507 = arith.muli %add3A_504, %mul3A_506 : vector<16xi32>
      %ge3A_508 = arith.cmpi sge, %mul3A_507, %gather3A_501 : vector<16xi32>
      %jit3A_509 = arith.constant 1 : i32
      %jit3A_510 = arith.constant 0 : i32
      %broadcast_in_dim3A_511 = vector.broadcast %jit3A_509 : i32 to vector<16xi32>
      %broadcast_in_dim3A_512 = vector.broadcast %jit3A_510 : i32 to vector<16xi32>
      %select_n3A_513 = arith.select %ge3A_508, %broadcast_in_dim3A_511, %broadcast_in_dim3A_512 : vector<16xi1>, vector<16xi32>
      %add3A_514 = arith.addi %add3A_496, %select_n3A_513 : vector<16xi32>
      %broadcast_in_dim3A_515 = arith.constant 5 : i32
      %broadcast_in_dim3A_516 = vector.broadcast %broadcast_in_dim3A_515 : i32 to vector<16xi32>
      %broadcast_in_dim3A_517 = vector.shape_cast %broadcast_in_dim3A_516 : vector<16xi32> to vector<16x1xi32>
      %gather3A_518 = vector.shape_cast %broadcast_in_dim3A_517 : vector<16x1xi32> to vector<16xi32>
      %gather3A_519 = tpu.dynamic_gather %add3A_236[%gather3A_518] in [0] : vector<16xi32>, vector<16xi32> -> vector<16xi32>
      %add3A_520 = arith.constant 16 : i32
      %add3A_521 = vector.broadcast %add3A_520 : i32 to vector<16xi32>
      %add3A_522 = arith.addi %iota3A, %add3A_521 : vector<16xi32>
      %mul3A_523 = arith.constant 64 : i32
      %mul3A_524 = vector.broadcast %mul3A_523 : i32 to vector<16xi32>
      %mul3A_525 = arith.muli %add3A_522, %mul3A_524 : vector<16xi32>
      %ge3A_526 = arith.cmpi sge, %mul3A_525, %gather3A_519 : vector<16xi32>
      %jit3A_527 = arith.constant 1 : i32
      %jit3A_528 = arith.constant 0 : i32
      %broadcast_in_dim3A_529 = vector.broadcast %jit3A_527 : i32 to vector<16xi32>
      %broadcast_in_dim3A_530 = vector.broadcast %jit3A_528 : i32 to vector<16xi32>
      %select_n3A_531 = arith.select %ge3A_526, %broadcast_in_dim3A_529, %broadcast_in_dim3A_530 : vector<16xi1>, vector<16xi32>
      %add3A_532 = arith.addi %add3A_514, %select_n3A_531 : vector<16xi32>
      %broadcast_in_dim3A_533 = arith.constant 6 : i32
      %broadcast_in_dim3A_534 = vector.broadcast %broadcast_in_dim3A_533 : i32 to vector<16xi32>
      %broadcast_in_dim3A_535 = vector.shape_cast %broadcast_in_dim3A_534 : vector<16xi32> to vector<16x1xi32>
      %gather3A_536 = vector.shape_cast %broadcast_in_dim3A_535 : vector<16x1xi32> to vector<16xi32>
      %gather3A_537 = tpu.dynamic_gather %add3A_236[%gather3A_536] in [0] : vector<16xi32>, vector<16xi32> -> vector<16xi32>
      %add3A_538 = arith.constant 16 : i32
      %add3A_539 = vector.broadcast %add3A_538 : i32 to vector<16xi32>
      %add3A_540 = arith.addi %iota3A, %add3A_539 : vector<16xi32>
      %mul3A_541 = arith.constant 64 : i32
      %mul3A_542 = vector.broadcast %mul3A_541 : i32 to vector<16xi32>
      %mul3A_543 = arith.muli %add3A_540, %mul3A_542 : vector<16xi32>
      %ge3A_544 = arith.cmpi sge, %mul3A_543, %gather3A_537 : vector<16xi32>
      %jit3A_545 = arith.constant 1 : i32
      %jit3A_546 = arith.constant 0 : i32
      %broadcast_in_dim3A_547 = vector.broadcast %jit3A_545 : i32 to vector<16xi32>
      %broadcast_in_dim3A_548 = vector.broadcast %jit3A_546 : i32 to vector<16xi32>
      %select_n3A_549 = arith.select %ge3A_544, %broadcast_in_dim3A_547, %broadcast_in_dim3A_548 : vector<16xi1>, vector<16xi32>
      %add3A_550 = arith.addi %add3A_532, %select_n3A_549 : vector<16xi32>
      %broadcast_in_dim3A_551 = arith.constant 7 : i32
      %broadcast_in_dim3A_552 = vector.broadcast %broadcast_in_dim3A_551 : i32 to vector<16xi32>
      %broadcast_in_dim3A_553 = vector.shape_cast %broadcast_in_dim3A_552 : vector<16xi32> to vector<16x1xi32>
      %gather3A_554 = vector.shape_cast %broadcast_in_dim3A_553 : vector<16x1xi32> to vector<16xi32>
      %gather3A_555 = tpu.dynamic_gather %add3A_236[%gather3A_554] in [0] : vector<16xi32>, vector<16xi32> -> vector<16xi32>
      %add3A_556 = arith.constant 16 : i32
      %add3A_557 = vector.broadcast %add3A_556 : i32 to vector<16xi32>
      %add3A_558 = arith.addi %iota3A, %add3A_557 : vector<16xi32>
      %mul3A_559 = arith.constant 64 : i32
      %mul3A_560 = vector.broadcast %mul3A_559 : i32 to vector<16xi32>
      %mul3A_561 = arith.muli %add3A_558, %mul3A_560 : vector<16xi32>
      %ge3A_562 = arith.cmpi sge, %mul3A_561, %gather3A_555 : vector<16xi32>
      %jit3A_563 = arith.constant 1 : i32
      %jit3A_564 = arith.constant 0 : i32
      %broadcast_in_dim3A_565 = vector.broadcast %jit3A_563 : i32 to vector<16xi32>
      %broadcast_in_dim3A_566 = vector.broadcast %jit3A_564 : i32 to vector<16xi32>
      %select_n3A_567 = arith.select %ge3A_562, %broadcast_in_dim3A_565, %broadcast_in_dim3A_566 : vector<16xi1>, vector<16xi32>
      %add3A_568 = arith.addi %add3A_550, %select_n3A_567 : vector<16xi32>
      %min3A_569 = arith.constant 7 : i32
      %min3A_570 = vector.broadcast %min3A_569 : i32 to vector<16xi32>
      %min3A_571 = arith.minsi %add3A_568, %min3A_570 : vector<16xi32>
      %swap3A_572 = arith.constant 16 : index
      %swap3A_573 = tpu.vector_load %arg13[%swap3A_572] {strides = array<i32>} : memref<48xi32, #tpu.memory_space<vmem>>, vector<16xi32>,
      %swap3A_574 = vector.shape_cast %swap3A_573 : vector<16xi32> to vector<16xi32>
      %swap3A_575 = vector.shape_cast %min3A_571 : vector<16xi32> to vector<16xi32>
      tpu.vector_store %arg13[%swap3A_572], %swap3A_575 {strides = array<i32>} : memref<48xi32, #tpu.memory_space<vmem>>, vector<16xi32>,
      %broadcast_in_dim3A_576 = arith.constant 0 : i32
      %broadcast_in_dim3A_577 = vector.broadcast %broadcast_in_dim3A_576 : i32 to vector<16xi32>
      %broadcast_in_dim3A_578 = arith.constant 0 : i32
      %broadcast_in_dim3A_579 = vector.broadcast %broadcast_in_dim3A_578 : i32 to vector<16xi32>
      %broadcast_in_dim3A_580 = vector.shape_cast %broadcast_in_dim3A_579 : vector<16xi32> to vector<16x1xi32>
      %gather3A_581 = vector.shape_cast %broadcast_in_dim3A_580 : vector<16x1xi32> to vector<16xi32>
      %gather3A_582 = tpu.dynamic_gather %add3A_236[%gather3A_581] in [0] : vector<16xi32>, vector<16xi32> -> vector<16xi32>
      %add3A_583 = arith.constant 32 : i32
      %add3A_584 = vector.broadcast %add3A_583 : i32 to vector<16xi32>
      %add3A_585 = arith.addi %iota3A, %add3A_584 : vector<16xi32>
      %mul3A_586 = arith.constant 64 : i32
      %mul3A_587 = vector.broadcast %mul3A_586 : i32 to vector<16xi32>
      %mul3A_588 = arith.muli %add3A_585, %mul3A_587 : vector<16xi32>
      %ge3A_589 = arith.cmpi sge, %mul3A_588, %gather3A_582 : vector<16xi32>
      %jit3A_590 = arith.constant 1 : i32
      %jit3A_591 = arith.constant 0 : i32
      %broadcast_in_dim3A_592 = vector.broadcast %jit3A_590 : i32 to vector<16xi32>
      %broadcast_in_dim3A_593 = vector.broadcast %jit3A_591 : i32 to vector<16xi32>
      %select_n3A_594 = arith.select %ge3A_589, %broadcast_in_dim3A_592, %broadcast_in_dim3A_593 : vector<16xi1>, vector<16xi32>
      %add3A_595 = arith.addi %broadcast_in_dim3A_577, %select_n3A_594 : vector<16xi32>
      %broadcast_in_dim3A_596 = arith.constant 1 : i32
      %broadcast_in_dim3A_597 = vector.broadcast %broadcast_in_dim3A_596 : i32 to vector<16xi32>
      %broadcast_in_dim3A_598 = vector.shape_cast %broadcast_in_dim3A_597 : vector<16xi32> to vector<16x1xi32>
      %gather3A_599 = vector.shape_cast %broadcast_in_dim3A_598 : vector<16x1xi32> to vector<16xi32>
      %gather3A_600 = tpu.dynamic_gather %add3A_236[%gather3A_599] in [0] : vector<16xi32>, vector<16xi32> -> vector<16xi32>
      %add3A_601 = arith.constant 32 : i32
      %add3A_602 = vector.broadcast %add3A_601 : i32 to vector<16xi32>
      %add3A_603 = arith.addi %iota3A, %add3A_602 : vector<16xi32>
      %mul3A_604 = arith.constant 64 : i32
      %mul3A_605 = vector.broadcast %mul3A_604 : i32 to vector<16xi32>
      %mul3A_606 = arith.muli %add3A_603, %mul3A_605 : vector<16xi32>
      %ge3A_607 = arith.cmpi sge, %mul3A_606, %gather3A_600 : vector<16xi32>
      %jit3A_608 = arith.constant 1 : i32
      %jit3A_609 = arith.constant 0 : i32
      %broadcast_in_dim3A_610 = vector.broadcast %jit3A_608 : i32 to vector<16xi32>
      %broadcast_in_dim3A_611 = vector.broadcast %jit3A_609 : i32 to vector<16xi32>
      %select_n3A_612 = arith.select %ge3A_607, %broadcast_in_dim3A_610, %broadcast_in_dim3A_611 : vector<16xi1>, vector<16xi32>
      %add3A_613 = arith.addi %add3A_595, %select_n3A_612 : vector<16xi32>
      %broadcast_in_dim3A_614 = arith.constant 2 : i32
      %broadcast_in_dim3A_615 = vector.broadcast %broadcast_in_dim3A_614 : i32 to vector<16xi32>
      %broadcast_in_dim3A_616 = vector.shape_cast %broadcast_in_dim3A_615 : vector<16xi32> to vector<16x1xi32>
      %gather3A_617 = vector.shape_cast %broadcast_in_dim3A_616 : vector<16x1xi32> to vector<16xi32>
      %gather3A_618 = tpu.dynamic_gather %add3A_236[%gather3A_617] in [0] : vector<16xi32>, vector<16xi32> -> vector<16xi32>
      %add3A_619 = arith.constant 32 : i32
      %add3A_620 = vector.broadcast %add3A_619 : i32 to vector<16xi32>
      %add3A_621 = arith.addi %iota3A, %add3A_620 : vector<16xi32>
      %mul3A_622 = arith.constant 64 : i32
      %mul3A_623 = vector.broadcast %mul3A_622 : i32 to vector<16xi32>
      %mul3A_624 = arith.muli %add3A_621, %mul3A_623 : vector<16xi32>
      %ge3A_625 = arith.cmpi sge, %mul3A_624, %gather3A_618 : vector<16xi32>
      %jit3A_626 = arith.constant 1 : i32
      %jit3A_627 = arith.constant 0 : i32
      %broadcast_in_dim3A_628 = vector.broadcast %jit3A_626 : i32 to vector<16xi32>
      %broadcast_in_dim3A_629 = vector.broadcast %jit3A_627 : i32 to vector<16xi32>
      %select_n3A_630 = arith.select %ge3A_625, %broadcast_in_dim3A_628, %broadcast_in_dim3A_629 : vector<16xi1>, vector<16xi32>
      %add3A_631 = arith.addi %add3A_613, %select_n3A_630 : vector<16xi32>
      %broadcast_in_dim3A_632 = arith.constant 3 : i32
      %broadcast_in_dim3A_633 = vector.broadcast %broadcast_in_dim3A_632 : i32 to vector<16xi32>
      %broadcast_in_dim3A_634 = vector.shape_cast %broadcast_in_dim3A_633 : vector<16xi32> to vector<16x1xi32>
      %gather3A_635 = vector.shape_cast %broadcast_in_dim3A_634 : vector<16x1xi32> to vector<16xi32>
      %gather3A_636 = tpu.dynamic_gather %add3A_236[%gather3A_635] in [0] : vector<16xi32>, vector<16xi32> -> vector<16xi32>
      %add3A_637 = arith.constant 32 : i32
      %add3A_638 = vector.broadcast %add3A_637 : i32 to vector<16xi32>
      %add3A_639 = arith.addi %iota3A, %add3A_638 : vector<16xi32>
      %mul3A_640 = arith.constant 64 : i32
      %mul3A_641 = vector.broadcast %mul3A_640 : i32 to vector<16xi32>
      %mul3A_642 = arith.muli %add3A_639, %mul3A_641 : vector<16xi32>
      %ge3A_643 = arith.cmpi sge, %mul3A_642, %gather3A_636 : vector<16xi32>
      %jit3A_644 = arith.constant 1 : i32
      %jit3A_645 = arith.constant 0 : i32
      %broadcast_in_dim3A_646 = vector.broadcast %jit3A_644 : i32 to vector<16xi32>
      %broadcast_in_dim3A_647 = vector.broadcast %jit3A_645 : i32 to vector<16xi32>
      %select_n3A_648 = arith.select %ge3A_643, %broadcast_in_dim3A_646, %broadcast_in_dim3A_647 : vector<16xi1>, vector<16xi32>
      %add3A_649 = arith.addi %add3A_631, %select_n3A_648 : vector<16xi32>
      %broadcast_in_dim3A_650 = arith.constant 4 : i32
      %broadcast_in_dim3A_651 = vector.broadcast %broadcast_in_dim3A_650 : i32 to vector<16xi32>
      %broadcast_in_dim3A_652 = vector.shape_cast %broadcast_in_dim3A_651 : vector<16xi32> to vector<16x1xi32>
      %gather3A_653 = vector.shape_cast %broadcast_in_dim3A_652 : vector<16x1xi32> to vector<16xi32>
      %gather3A_654 = tpu.dynamic_gather %add3A_236[%gather3A_653] in [0] : vector<16xi32>, vector<16xi32> -> vector<16xi32>
      %add3A_655 = arith.constant 32 : i32
      %add3A_656 = vector.broadcast %add3A_655 : i32 to vector<16xi32>
      %add3A_657 = arith.addi %iota3A, %add3A_656 : vector<16xi32>
      %mul3A_658 = arith.constant 64 : i32
      %mul3A_659 = vector.broadcast %mul3A_658 : i32 to vector<16xi32>
      %mul3A_660 = arith.muli %add3A_657, %mul3A_659 : vector<16xi32>
      %ge3A_661 = arith.cmpi sge, %mul3A_660, %gather3A_654 : vector<16xi32>
      %jit3A_662 = arith.constant 1 : i32
      %jit3A_663 = arith.constant 0 : i32
      %broadcast_in_dim3A_664 = vector.broadcast %jit3A_662 : i32 to vector<16xi32>
      %broadcast_in_dim3A_665 = vector.broadcast %jit3A_663 : i32 to vector<16xi32>
      %select_n3A_666 = arith.select %ge3A_661, %broadcast_in_dim3A_664, %broadcast_in_dim3A_665 : vector<16xi1>, vector<16xi32>
      %add3A_667 = arith.addi %add3A_649, %select_n3A_666 : vector<16xi32>
      %broadcast_in_dim3A_668 = arith.constant 5 : i32
      %broadcast_in_dim3A_669 = vector.broadcast %broadcast_in_dim3A_668 : i32 to vector<16xi32>
      %broadcast_in_dim3A_670 = vector.shape_cast %broadcast_in_dim3A_669 : vector<16xi32> to vector<16x1xi32>
      %gather3A_671 = vector.shape_cast %broadcast_in_dim3A_670 : vector<16x1xi32> to vector<16xi32>
      %gather3A_672 = tpu.dynamic_gather %add3A_236[%gather3A_671] in [0] : vector<16xi32>, vector<16xi32> -> vector<16xi32>
      %add3A_673 = arith.constant 32 : i32
      %add3A_674 = vector.broadcast %add3A_673 : i32 to vector<16xi32>
      %add3A_675 = arith.addi %iota3A, %add3A_674 : vector<16xi32>
      %mul3A_676 = arith.constant 64 : i32
      %mul3A_677 = vector.broadcast %mul3A_676 : i32 to vector<16xi32>
      %mul3A_678 = arith.muli %add3A_675, %mul3A_677 : vector<16xi32>
      %ge3A_679 = arith.cmpi sge, %mul3A_678, %gather3A_672 : vector<16xi32>
      %jit3A_680 = arith.constant 1 : i32
      %jit3A_681 = arith.constant 0 : i32
      %broadcast_in_dim3A_682 = vector.broadcast %jit3A_680 : i32 to vector<16xi32>
      %broadcast_in_dim3A_683 = vector.broadcast %jit3A_681 : i32 to vector<16xi32>
      %select_n3A_684 = arith.select %ge3A_679, %broadcast_in_dim3A_682, %broadcast_in_dim3A_683 : vector<16xi1>, vector<16xi32>
      %add3A_685 = arith.addi %add3A_667, %select_n3A_684 : vector<16xi32>
      %broadcast_in_dim3A_686 = arith.constant 6 : i32
      %broadcast_in_dim3A_687 = vector.broadcast %broadcast_in_dim3A_686 : i32 to vector<16xi32>
      %broadcast_in_dim3A_688 = vector.shape_cast %broadcast_in_dim3A_687 : vector<16xi32> to vector<16x1xi32>
      %gather3A_689 = vector.shape_cast %broadcast_in_dim3A_688 : vector<16x1xi32> to vector<16xi32>
      %gather3A_690 = tpu.dynamic_gather %add3A_236[%gather3A_689] in [0] : vector<16xi32>, vector<16xi32> -> vector<16xi32>
      %add3A_691 = arith.constant 32 : i32
      %add3A_692 = vector.broadcast %add3A_691 : i32 to vector<16xi32>
      %add3A_693 = arith.addi %iota3A, %add3A_692 : vector<16xi32>
      %mul3A_694 = arith.constant 64 : i32
      %mul3A_695 = vector.broadcast %mul3A_694 : i32 to vector<16xi32>
      %mul3A_696 = arith.muli %add3A_693, %mul3A_695 : vector<16xi32>
      %ge3A_697 = arith.cmpi sge, %mul3A_696, %gather3A_690 : vector<16xi32>
      %jit3A_698 = arith.constant 1 : i32
      %jit3A_699 = arith.constant 0 : i32
      %broadcast_in_dim3A_700 = vector.broadcast %jit3A_698 : i32 to vector<16xi32>
      %broadcast_in_dim3A_701 = vector.broadcast %jit3A_699 : i32 to vector<16xi32>
      %select_n3A_702 = arith.select %ge3A_697, %broadcast_in_dim3A_700, %broadcast_in_dim3A_701 : vector<16xi1>, vector<16xi32>
      %add3A_703 = arith.addi %add3A_685, %select_n3A_702 : vector<16xi32>
      %broadcast_in_dim3A_704 = arith.constant 7 : i32
      %broadcast_in_dim3A_705 = vector.broadcast %broadcast_in_dim3A_704 : i32 to vector<16xi32>
      %broadcast_in_dim3A_706 = vector.shape_cast %broadcast_in_dim3A_705 : vector<16xi32> to vector<16x1xi32>
      %gather3A_707 = vector.shape_cast %broadcast_in_dim3A_706 : vector<16x1xi32> to vector<16xi32>
      %gather3A_708 = tpu.dynamic_gather %add3A_236[%gather3A_707] in [0] : vector<16xi32>, vector<16xi32> -> vector<16xi32>
      %add3A_709 = arith.constant 32 : i32
      %add3A_710 = vector.broadcast %add3A_709 : i32 to vector<16xi32>
      %add3A_711 = arith.addi %iota3A, %add3A_710 : vector<16xi32>
      %mul3A_712 = arith.constant 64 : i32
      %mul3A_713 = vector.broadcast %mul3A_712 : i32 to vector<16xi32>
      %mul3A_714 = arith.muli %add3A_711, %mul3A_713 : vector<16xi32>
      %ge3A_715 = arith.cmpi sge, %mul3A_714, %gather3A_708 : vector<16xi32>
      %jit3A_716 = arith.constant 1 : i32
      %jit3A_717 = arith.constant 0 : i32
      %broadcast_in_dim3A_718 = vector.broadcast %jit3A_716 : i32 to vector<16xi32>
      %broadcast_in_dim3A_719 = vector.broadcast %jit3A_717 : i32 to vector<16xi32>
      %select_n3A_720 = arith.select %ge3A_715, %broadcast_in_dim3A_718, %broadcast_in_dim3A_719 : vector<16xi1>, vector<16xi32>
      %add3A_721 = arith.addi %add3A_703, %select_n3A_720 : vector<16xi32>
      %min3A_722 = arith.constant 7 : i32
      %min3A_723 = vector.broadcast %min3A_722 : i32 to vector<16xi32>
      %min3A_724 = arith.minsi %add3A_721, %min3A_723 : vector<16xi32>
      %swap3A_725 = arith.constant 32 : index
      %swap3A_726 = tpu.vector_load %arg13[%swap3A_725] {strides = array<i32>} : memref<48xi32, #tpu.memory_space<vmem>>, vector<16xi32>,
      %swap3A_727 = vector.shape_cast %swap3A_726 : vector<16xi32> to vector<16xi32>
      %swap3A_728 = vector.shape_cast %min3A_724 : vector<16xi32> to vector<16xi32>
      tpu.vector_store %arg13[%swap3A_725], %swap3A_728 {strides = array<i32>} : memref<48xi32, #tpu.memory_space<vmem>>, vector<16xi32>,
      "tpu.region"() ({
        %run_scoped3A = tpu.sem_alloc : memref<!tpu.dma_semaphore, #tpu.memory_space<semaphore_mem>>
        tpu.enqueue_dma source(%arg13 : memref<48xi32, #tpu.memory_space<vmem>>) target(%arg6 : memref<48xi32, #tpu.memory_space<hbm>>) target_semaphore(%run_scoped3A : memref<!tpu.dma_semaphore, #tpu.memory_space<semaphore_mem>>)
        tpu.wait_dma2 semaphore(%run_scoped3A : memref<!tpu.dma_semaphore, #tpu.memory_space<semaphore_mem>>) src(%arg13 : memref<48xi32, #tpu.memory_space<vmem>>) dst(%arg6 : memref<48xi32, #tpu.memory_space<hbm>>)
        tpu.yield
      }) : () -> ()
    } else {
    }
    %eq3A_261 = arith.constant 0 : i32
    %eq3A_262 = arith.cmpi eq, %arg0, %eq3A_261 : i32
    %convert_element_type3A_263 = arith.extui %eq3A_262 : i1 to i32
    %cond3A_264 = arith.constant 0 : i32
    %cond3A_265 = arith.cmpi ne, %convert_element_type3A_263, %cond3A_264 : i32
    scf.if %cond3A_265 {
      "tpu.region"() ({
        %run_scoped3A = tpu.sem_alloc : memref<!tpu.dma_semaphore, #tpu.memory_space<semaphore_mem>>
        %dma_start3A_275 = arith.constant 0 : i32
        %dma_start3A_276 = tpu.memref_slice %arg3[%multiple_of3A, %dma_start3A_275] : memref<2048x1024xf32, #tpu.memory_space<hbm>> -> memref<64x1024xf32, #tpu.memory_space<hbm>>
        %dma_start3A_277 = arith.constant 0 : i32
        %dma_start3A_278 = tpu.memref_slice %arg3[%multiple_of3A, %dma_start3A_277] : memref<2048x1024xf32, #tpu.memory_space<hbm>> -> memref<64x1024xf32, #tpu.memory_space<hbm>>
        tpu.enqueue_dma source(%dma_start3A_278 : memref<64x1024xf32, #tpu.memory_space<hbm>>) target(%arg10 : memref<64x1024xf32, #tpu.memory_space<vmem>>) target_semaphore(%run_scoped3A : memref<!tpu.dma_semaphore, #tpu.memory_space<semaphore_mem>>)
        %dma_wait3A_279 = arith.constant 0 : i32
        %dma_wait3A_280 = tpu.memref_slice %arg3[%multiple_of3A, %dma_wait3A_279] : memref<2048x1024xf32, #tpu.memory_space<hbm>> -> memref<64x1024xf32, #tpu.memory_space<hbm>>
        %dma_wait3A_281 = arith.constant 0 : i32
        %dma_wait3A_282 = tpu.memref_slice %arg3[%multiple_of3A, %dma_wait3A_281] : memref<2048x1024xf32, #tpu.memory_space<hbm>> -> memref<64x1024xf32, #tpu.memory_space<hbm>>
        tpu.wait_dma2 semaphore(%run_scoped3A : memref<!tpu.dma_semaphore, #tpu.memory_space<semaphore_mem>>) src(%dma_wait3A_282 : memref<64x1024xf32, #tpu.memory_space<hbm>>) dst(%arg10 : memref<64x1024xf32, #tpu.memory_space<vmem>>)
        tpu.yield
      }) : () -> ()
      %dma_start3A = arith.constant 0 : i32
      %dma_start3A_271 = arith.constant 0 : i32
      %dma_start3A_272 = tpu.memref_slice %arg4[%dma_start3A, %dma_start3A_271] : memref<2560x1024xf32, #tpu.memory_space<hbm>> -> memref<2560x1024xf32, #tpu.memory_space<hbm>>
      tpu.enqueue_indirect_dma source(%arg10 : memref<64x1024xf32, #tpu.memory_space<vmem>>) target(%dma_start3A_272 : memref<2560x1024xf32, #tpu.memory_space<hbm>>) offsets(%arg8 : memref<64xi32, #tpu.memory_space<vmem>>) semaphore(%arg15 : memref<!tpu.dma_semaphore, #tpu.memory_space<semaphore_mem>>)
      %dma_wait3A = arith.constant 0 : i32
      %dma_wait3A_273 = arith.constant 0 : i32
      %dma_wait3A_274 = tpu.memref_slice %arg4[%dma_wait3A, %dma_wait3A_273] : memref<2560x1024xf32, #tpu.memory_space<hbm>> -> memref<2560x1024xf32, #tpu.memory_space<hbm>>
      tpu.wait_indirect_dma semaphore(%arg15 : memref<!tpu.dma_semaphore, #tpu.memory_space<semaphore_mem>>) src(%arg10 : memref<64x1024xf32, #tpu.memory_space<vmem>>) dst(%dma_wait3A_274 : memref<2560x1024xf32, #tpu.memory_space<hbm>>)
    } else {
    }
    %eq3A_266 = arith.constant 1 : i32
    %eq3A_267 = arith.cmpi eq, %arg0, %eq3A_266 : i32
    %convert_element_type3A_268 = arith.extui %eq3A_267 : i1 to i32
    %cond3A_269 = arith.constant 0 : i32
    %cond3A_270 = arith.cmpi ne, %convert_element_type3A_268, %cond3A_269 : i32
    scf.if %cond3A_270 {
      %add3A_271 = arith.constant 64 : i32
      %add3A_272 = arith.addi %multiple_of3A, %add3A_271 : i32
      "tpu.region"() ({
        %run_scoped3A = tpu.sem_alloc : memref<!tpu.dma_semaphore, #tpu.memory_space<semaphore_mem>>
        %dma_start3A_277 = arith.constant 0 : i32
        %dma_start3A_278 = tpu.memref_slice %arg3[%add3A_272, %dma_start3A_277] : memref<2048x1024xf32, #tpu.memory_space<hbm>> -> memref<64x1024xf32, #tpu.memory_space<hbm>>
        %dma_start3A_279 = arith.constant 0 : i32
        %dma_start3A_280 = tpu.memref_slice %arg3[%add3A_272, %dma_start3A_279] : memref<2048x1024xf32, #tpu.memory_space<hbm>> -> memref<64x1024xf32, #tpu.memory_space<hbm>>
        tpu.enqueue_dma source(%dma_start3A_280 : memref<64x1024xf32, #tpu.memory_space<hbm>>) target(%arg10 : memref<64x1024xf32, #tpu.memory_space<vmem>>) target_semaphore(%run_scoped3A : memref<!tpu.dma_semaphore, #tpu.memory_space<semaphore_mem>>)
        %dma_wait3A_281 = arith.constant 0 : i32
        %dma_wait3A_282 = tpu.memref_slice %arg3[%add3A_272, %dma_wait3A_281] : memref<2048x1024xf32, #tpu.memory_space<hbm>> -> memref<64x1024xf32, #tpu.memory_space<hbm>>
        %dma_wait3A_283 = arith.constant 0 : i32
        %dma_wait3A_284 = tpu.memref_slice %arg3[%add3A_272, %dma_wait3A_283] : memref<2048x1024xf32, #tpu.memory_space<hbm>> -> memref<64x1024xf32, #tpu.memory_space<hbm>>
        tpu.wait_dma2 semaphore(%run_scoped3A : memref<!tpu.dma_semaphore, #tpu.memory_space<semaphore_mem>>) src(%dma_wait3A_284 : memref<64x1024xf32, #tpu.memory_space<hbm>>) dst(%arg10 : memref<64x1024xf32, #tpu.memory_space<vmem>>)
        tpu.yield
      }) : () -> ()
      %dma_start3A = arith.constant 0 : i32
      %dma_start3A_273 = arith.constant 0 : i32
      %dma_start3A_274 = tpu.memref_slice %arg4[%dma_start3A, %dma_start3A_273] : memref<2560x1024xf32, #tpu.memory_space<hbm>> -> memref<2560x1024xf32, #tpu.memory_space<hbm>>
      tpu.enqueue_indirect_dma source(%arg10 : memref<64x1024xf32, #tpu.memory_space<vmem>>) target(%dma_start3A_274 : memref<2560x1024xf32, #tpu.memory_space<hbm>>) offsets(%arg9 : memref<64xi32, #tpu.memory_space<vmem>>) semaphore(%arg15 : memref<!tpu.dma_semaphore, #tpu.memory_space<semaphore_mem>>)
      %dma_wait3A = arith.constant 0 : i32
      %dma_wait3A_275 = arith.constant 0 : i32
      %dma_wait3A_276 = tpu.memref_slice %arg4[%dma_wait3A, %dma_wait3A_275] : memref<2560x1024xf32, #tpu.memory_space<hbm>> -> memref<2560x1024xf32, #tpu.memory_space<hbm>>
      tpu.wait_indirect_dma semaphore(%arg15 : memref<!tpu.dma_semaphore, #tpu.memory_space<semaphore_mem>>) src(%arg10 : memref<64x1024xf32, #tpu.memory_space<vmem>>) dst(%dma_wait3A_276 : memref<2560x1024xf32, #tpu.memory_space<hbm>>)
    } else {
    }
    return
  }
}

#map = affine_map<(d0, d1) -> (0, 0)>
#map1 = affine_map<(d0, d1) -> (0)>
module attributes {stable_mosaic.version = 14 : i64} {
  func.func @out_gather(%arg0: i32, %arg1: i32, %arg2: memref<2560x2048xf32, #tpu.memory_space<hbm>>, %arg3: memref<2048xi32, #tpu.memory_space<hbm>>, %arg4: memref<2048x2048xf32, #tpu.memory_space<hbm>>, %arg5: memref<16xi32, #tpu.memory_space<vmem>>, %arg6: memref<16xi32, #tpu.memory_space<vmem>>, %arg7: memref<16x2048xf32, #tpu.memory_space<vmem>>, %arg8: memref<16x2048xf32, #tpu.memory_space<vmem>>, %arg9: memref<!tpu.dma_semaphore, #tpu.memory_space<semaphore_mem>>, %arg10: memref<!tpu.dma_semaphore, #tpu.memory_space<semaphore_mem>>) attributes {dimension_semantics = [#tpu.dimension_semantics<core_parallel>, #tpu.dimension_semantics<subcore_parallel>], iteration_bounds = array<i64: 2, 16>, scalar_prefetch = 0 : i64, scratch_operands = 6 : i64, tpu.core_type = #tpu.core_type<sc_vector_subcore>, window_params = [{transform_indices = #map}, {transform_indices = #map1}, {transform_indices = #map}]} {
    %mul3A = arith.constant 2 : i32
    %mul3A_0 = arith.muli %arg1, %mul3A : i32
    %add3A = arith.addi %mul3A_0, %arg0 : i32
    %mul3A_1 = arith.constant 64 : i32
    %mul3A_2 = arith.muli %mul3A_1, %add3A : i32
    %multiple_of3A = tpu.assume_multiple %mul3A_2, 64 : i32
    "tpu.region"() ({
      %run_scoped3A = tpu.sem_alloc : memref<!tpu.dma_semaphore, #tpu.memory_space<semaphore_mem>>
      %dma_start3A_39 = tpu.memref_slice %arg3[%multiple_of3A] : memref<2048xi32, #tpu.memory_space<hbm>> -> memref<16xi32, #tpu.memory_space<hbm>>
      %dma_start3A_40 = tpu.memref_slice %arg3[%multiple_of3A] : memref<2048xi32, #tpu.memory_space<hbm>> -> memref<16xi32, #tpu.memory_space<hbm>>
      tpu.enqueue_dma source(%dma_start3A_40 : memref<16xi32, #tpu.memory_space<hbm>>) target(%arg5 : memref<16xi32, #tpu.memory_space<vmem>>) target_semaphore(%run_scoped3A : memref<!tpu.dma_semaphore, #tpu.memory_space<semaphore_mem>>)
      %dma_wait3A_41 = tpu.memref_slice %arg3[%multiple_of3A] : memref<2048xi32, #tpu.memory_space<hbm>> -> memref<16xi32, #tpu.memory_space<hbm>>
      %dma_wait3A_42 = tpu.memref_slice %arg3[%multiple_of3A] : memref<2048xi32, #tpu.memory_space<hbm>> -> memref<16xi32, #tpu.memory_space<hbm>>
      tpu.wait_dma2 semaphore(%run_scoped3A : memref<!tpu.dma_semaphore, #tpu.memory_space<semaphore_mem>>) src(%dma_wait3A_42 : memref<16xi32, #tpu.memory_space<hbm>>) dst(%arg5 : memref<16xi32, #tpu.memory_space<vmem>>)
      tpu.yield
    }) : () -> ()
    %dma_start3A = arith.constant 0 : i32
    %dma_start3A_3 = arith.constant 0 : i32
    %dma_start3A_4 = tpu.memref_slice %arg2[%dma_start3A, %dma_start3A_3] : memref<2560x2048xf32, #tpu.memory_space<hbm>> -> memref<2560x2048xf32, #tpu.memory_space<hbm>>
    tpu.enqueue_indirect_dma source(%dma_start3A_4 : memref<2560x2048xf32, #tpu.memory_space<hbm>>) target(%arg7 : memref<16x2048xf32, #tpu.memory_space<vmem>>) offsets(%arg5 : memref<16xi32, #tpu.memory_space<vmem>>) semaphore(%arg9 : memref<!tpu.dma_semaphore, #tpu.memory_space<semaphore_mem>>)
    %add3A_5 = arith.constant 16 : i32
    %add3A_6 = arith.addi %multiple_of3A, %add3A_5 : i32
    "tpu.region"() ({
      %run_scoped3A = tpu.sem_alloc : memref<!tpu.dma_semaphore, #tpu.memory_space<semaphore_mem>>
      %dma_start3A_39 = tpu.memref_slice %arg3[%add3A_6] : memref<2048xi32, #tpu.memory_space<hbm>> -> memref<16xi32, #tpu.memory_space<hbm>>
      %dma_start3A_40 = tpu.memref_slice %arg3[%add3A_6] : memref<2048xi32, #tpu.memory_space<hbm>> -> memref<16xi32, #tpu.memory_space<hbm>>
      tpu.enqueue_dma source(%dma_start3A_40 : memref<16xi32, #tpu.memory_space<hbm>>) target(%arg6 : memref<16xi32, #tpu.memory_space<vmem>>) target_semaphore(%run_scoped3A : memref<!tpu.dma_semaphore, #tpu.memory_space<semaphore_mem>>)
      %dma_wait3A_41 = tpu.memref_slice %arg3[%add3A_6] : memref<2048xi32, #tpu.memory_space<hbm>> -> memref<16xi32, #tpu.memory_space<hbm>>
      %dma_wait3A_42 = tpu.memref_slice %arg3[%add3A_6] : memref<2048xi32, #tpu.memory_space<hbm>> -> memref<16xi32, #tpu.memory_space<hbm>>
      tpu.wait_dma2 semaphore(%run_scoped3A : memref<!tpu.dma_semaphore, #tpu.memory_space<semaphore_mem>>) src(%dma_wait3A_42 : memref<16xi32, #tpu.memory_space<hbm>>) dst(%arg6 : memref<16xi32, #tpu.memory_space<vmem>>)
      tpu.yield
    }) : () -> ()
    %dma_start3A_7 = arith.constant 0 : i32
    %dma_start3A_8 = arith.constant 0 : i32
    %dma_start3A_9 = tpu.memref_slice %arg2[%dma_start3A_7, %dma_start3A_8] : memref<2560x2048xf32, #tpu.memory_space<hbm>> -> memref<2560x2048xf32, #tpu.memory_space<hbm>>
    tpu.enqueue_indirect_dma source(%dma_start3A_9 : memref<2560x2048xf32, #tpu.memory_space<hbm>>) target(%arg8 : memref<16x2048xf32, #tpu.memory_space<vmem>>) offsets(%arg6 : memref<16xi32, #tpu.memory_space<vmem>>) semaphore(%arg10 : memref<!tpu.dma_semaphore, #tpu.memory_space<semaphore_mem>>)
    %dma_wait3A = arith.constant 0 : i32
    %dma_wait3A_10 = arith.constant 0 : i32
    %dma_wait3A_11 = tpu.memref_slice %arg2[%dma_wait3A, %dma_wait3A_10] : memref<2560x2048xf32, #tpu.memory_space<hbm>> -> memref<2560x2048xf32, #tpu.memory_space<hbm>>
    tpu.wait_indirect_dma semaphore(%arg9 : memref<!tpu.dma_semaphore, #tpu.memory_space<semaphore_mem>>) src(%dma_wait3A_11 : memref<2560x2048xf32, #tpu.memory_space<hbm>>) dst(%arg7 : memref<16x2048xf32, #tpu.memory_space<vmem>>)
    %add3A_12 = arith.constant 0 : i32
    %add3A_13 = arith.addi %multiple_of3A, %add3A_12 : i32
    "tpu.region"() ({
      %run_scoped3A = tpu.sem_alloc : memref<!tpu.dma_semaphore, #tpu.memory_space<semaphore_mem>>
      %dma_start3A_39 = arith.constant 0 : i32
      %dma_start3A_40 = tpu.memref_slice %arg4[%add3A_13, %dma_start3A_39] : memref<2048x2048xf32, #tpu.memory_space<hbm>> -> memref<16x2048xf32, #tpu.memory_space<hbm>>
      %dma_start3A_41 = arith.constant 0 : i32
      %dma_start3A_42 = tpu.memref_slice %arg4[%add3A_13, %dma_start3A_41] : memref<2048x2048xf32, #tpu.memory_space<hbm>> -> memref<16x2048xf32, #tpu.memory_space<hbm>>
      tpu.enqueue_dma source(%arg7 : memref<16x2048xf32, #tpu.memory_space<vmem>>) target(%dma_start3A_42 : memref<16x2048xf32, #tpu.memory_space<hbm>>) target_semaphore(%run_scoped3A : memref<!tpu.dma_semaphore, #tpu.memory_space<semaphore_mem>>)
      %dma_wait3A_43 = arith.constant 0 : i32
      %dma_wait3A_44 = tpu.memref_slice %arg4[%add3A_13, %dma_wait3A_43] : memref<2048x2048xf32, #tpu.memory_space<hbm>> -> memref<16x2048xf32, #tpu.memory_space<hbm>>
      %dma_wait3A_45 = arith.constant 0 : i32
      %dma_wait3A_46 = tpu.memref_slice %arg4[%add3A_13, %dma_wait3A_45] : memref<2048x2048xf32, #tpu.memory_space<hbm>> -> memref<16x2048xf32, #tpu.memory_space<hbm>>
      tpu.wait_dma2 semaphore(%run_scoped3A : memref<!tpu.dma_semaphore, #tpu.memory_space<semaphore_mem>>) src(%arg7 : memref<16x2048xf32, #tpu.memory_space<vmem>>) dst(%dma_wait3A_46 : memref<16x2048xf32, #tpu.memory_space<hbm>>)
      tpu.yield
    }) : () -> ()
    %add3A_14 = arith.constant 32 : i32
    %add3A_15 = arith.addi %multiple_of3A, %add3A_14 : i32
    "tpu.region"() ({
      %run_scoped3A = tpu.sem_alloc : memref<!tpu.dma_semaphore, #tpu.memory_space<semaphore_mem>>
      %dma_start3A_39 = tpu.memref_slice %arg3[%add3A_15] : memref<2048xi32, #tpu.memory_space<hbm>> -> memref<16xi32, #tpu.memory_space<hbm>>
      %dma_start3A_40 = tpu.memref_slice %arg3[%add3A_15] : memref<2048xi32, #tpu.memory_space<hbm>> -> memref<16xi32, #tpu.memory_space<hbm>>
      tpu.enqueue_dma source(%dma_start3A_40 : memref<16xi32, #tpu.memory_space<hbm>>) target(%arg5 : memref<16xi32, #tpu.memory_space<vmem>>) target_semaphore(%run_scoped3A : memref<!tpu.dma_semaphore, #tpu.memory_space<semaphore_mem>>)
      %dma_wait3A_41 = tpu.memref_slice %arg3[%add3A_15] : memref<2048xi32, #tpu.memory_space<hbm>> -> memref<16xi32, #tpu.memory_space<hbm>>
      %dma_wait3A_42 = tpu.memref_slice %arg3[%add3A_15] : memref<2048xi32, #tpu.memory_space<hbm>> -> memref<16xi32, #tpu.memory_space<hbm>>
      tpu.wait_dma2 semaphore(%run_scoped3A : memref<!tpu.dma_semaphore, #tpu.memory_space<semaphore_mem>>) src(%dma_wait3A_42 : memref<16xi32, #tpu.memory_space<hbm>>) dst(%arg5 : memref<16xi32, #tpu.memory_space<vmem>>)
      tpu.yield
    }) : () -> ()
    %dma_start3A_16 = arith.constant 0 : i32
    %dma_start3A_17 = arith.constant 0 : i32
    %dma_start3A_18 = tpu.memref_slice %arg2[%dma_start3A_16, %dma_start3A_17] : memref<2560x2048xf32, #tpu.memory_space<hbm>> -> memref<2560x2048xf32, #tpu.memory_space<hbm>>
    tpu.enqueue_indirect_dma source(%dma_start3A_18 : memref<2560x2048xf32, #tpu.memory_space<hbm>>) target(%arg7 : memref<16x2048xf32, #tpu.memory_space<vmem>>) offsets(%arg5 : memref<16xi32, #tpu.memory_space<vmem>>) semaphore(%arg9 : memref<!tpu.dma_semaphore, #tpu.memory_space<semaphore_mem>>)
    %dma_wait3A_19 = arith.constant 0 : i32
    %dma_wait3A_20 = arith.constant 0 : i32
    %dma_wait3A_21 = tpu.memref_slice %arg2[%dma_wait3A_19, %dma_wait3A_20] : memref<2560x2048xf32, #tpu.memory_space<hbm>> -> memref<2560x2048xf32, #tpu.memory_space<hbm>>
    tpu.wait_indirect_dma semaphore(%arg10 : memref<!tpu.dma_semaphore, #tpu.memory_space<semaphore_mem>>) src(%dma_wait3A_21 : memref<2560x2048xf32, #tpu.memory_space<hbm>>) dst(%arg8 : memref<16x2048xf32, #tpu.memory_space<vmem>>)
    %add3A_22 = arith.constant 16 : i32
    %add3A_23 = arith.addi %multiple_of3A, %add3A_22 : i32
    "tpu.region"() ({
      %run_scoped3A = tpu.sem_alloc : memref<!tpu.dma_semaphore, #tpu.memory_space<semaphore_mem>>
      %dma_start3A_39 = arith.constant 0 : i32
      %dma_start3A_40 = tpu.memref_slice %arg4[%add3A_23, %dma_start3A_39] : memref<2048x2048xf32, #tpu.memory_space<hbm>> -> memref<16x2048xf32, #tpu.memory_space<hbm>>
      %dma_start3A_41 = arith.constant 0 : i32
      %dma_start3A_42 = tpu.memref_slice %arg4[%add3A_23, %dma_start3A_41] : memref<2048x2048xf32, #tpu.memory_space<hbm>> -> memref<16x2048xf32, #tpu.memory_space<hbm>>
      tpu.enqueue_dma source(%arg8 : memref<16x2048xf32, #tpu.memory_space<vmem>>) target(%dma_start3A_42 : memref<16x2048xf32, #tpu.memory_space<hbm>>) target_semaphore(%run_scoped3A : memref<!tpu.dma_semaphore, #tpu.memory_space<semaphore_mem>>)
      %dma_wait3A_43 = arith.constant 0 : i32
      %dma_wait3A_44 = tpu.memref_slice %arg4[%add3A_23, %dma_wait3A_43] : memref<2048x2048xf32, #tpu.memory_space<hbm>> -> memref<16x2048xf32, #tpu.memory_space<hbm>>
      %dma_wait3A_45 = arith.constant 0 : i32
      %dma_wait3A_46 = tpu.memref_slice %arg4[%add3A_23, %dma_wait3A_45] : memref<2048x2048xf32, #tpu.memory_space<hbm>> -> memref<16x2048xf32, #tpu.memory_space<hbm>>
      tpu.wait_dma2 semaphore(%run_scoped3A : memref<!tpu.dma_semaphore, #tpu.memory_space<semaphore_mem>>) src(%arg8 : memref<16x2048xf32, #tpu.memory_space<vmem>>) dst(%dma_wait3A_46 : memref<16x2048xf32, #tpu.memory_space<hbm>>)
      tpu.yield
    }) : () -> ()
    %add3A_24 = arith.constant 48 : i32
    %add3A_25 = arith.addi %multiple_of3A, %add3A_24 : i32
    "tpu.region"() ({
      %run_scoped3A = tpu.sem_alloc : memref<!tpu.dma_semaphore, #tpu.memory_space<semaphore_mem>>
      %dma_start3A_39 = tpu.memref_slice %arg3[%add3A_25] : memref<2048xi32, #tpu.memory_space<hbm>> -> memref<16xi32, #tpu.memory_space<hbm>>
      %dma_start3A_40 = tpu.memref_slice %arg3[%add3A_25] : memref<2048xi32, #tpu.memory_space<hbm>> -> memref<16xi32, #tpu.memory_space<hbm>>
      tpu.enqueue_dma source(%dma_start3A_40 : memref<16xi32, #tpu.memory_space<hbm>>) target(%arg6 : memref<16xi32, #tpu.memory_space<vmem>>) target_semaphore(%run_scoped3A : memref<!tpu.dma_semaphore, #tpu.memory_space<semaphore_mem>>)
      %dma_wait3A_41 = tpu.memref_slice %arg3[%add3A_25] : memref<2048xi32, #tpu.memory_space<hbm>> -> memref<16xi32, #tpu.memory_space<hbm>>
      %dma_wait3A_42 = tpu.memref_slice %arg3[%add3A_25] : memref<2048xi32, #tpu.memory_space<hbm>> -> memref<16xi32, #tpu.memory_space<hbm>>
      tpu.wait_dma2 semaphore(%run_scoped3A : memref<!tpu.dma_semaphore, #tpu.memory_space<semaphore_mem>>) src(%dma_wait3A_42 : memref<16xi32, #tpu.memory_space<hbm>>) dst(%arg6 : memref<16xi32, #tpu.memory_space<vmem>>)
      tpu.yield
    }) : () -> ()
    %dma_start3A_26 = arith.constant 0 : i32
    %dma_start3A_27 = arith.constant 0 : i32
    %dma_start3A_28 = tpu.memref_slice %arg2[%dma_start3A_26, %dma_start3A_27] : memref<2560x2048xf32, #tpu.memory_space<hbm>> -> memref<2560x2048xf32, #tpu.memory_space<hbm>>
    tpu.enqueue_indirect_dma source(%dma_start3A_28 : memref<2560x2048xf32, #tpu.memory_space<hbm>>) target(%arg8 : memref<16x2048xf32, #tpu.memory_space<vmem>>) offsets(%arg6 : memref<16xi32, #tpu.memory_space<vmem>>) semaphore(%arg10 : memref<!tpu.dma_semaphore, #tpu.memory_space<semaphore_mem>>)
    %dma_wait3A_29 = arith.constant 0 : i32
    %dma_wait3A_30 = arith.constant 0 : i32
    %dma_wait3A_31 = tpu.memref_slice %arg2[%dma_wait3A_29, %dma_wait3A_30] : memref<2560x2048xf32, #tpu.memory_space<hbm>> -> memref<2560x2048xf32, #tpu.memory_space<hbm>>
    tpu.wait_indirect_dma semaphore(%arg9 : memref<!tpu.dma_semaphore, #tpu.memory_space<semaphore_mem>>) src(%dma_wait3A_31 : memref<2560x2048xf32, #tpu.memory_space<hbm>>) dst(%arg7 : memref<16x2048xf32, #tpu.memory_space<vmem>>)
    %add3A_32 = arith.constant 32 : i32
    %add3A_33 = arith.addi %multiple_of3A, %add3A_32 : i32
    "tpu.region"() ({
      %run_scoped3A = tpu.sem_alloc : memref<!tpu.dma_semaphore, #tpu.memory_space<semaphore_mem>>
      %dma_start3A_39 = arith.constant 0 : i32
      %dma_start3A_40 = tpu.memref_slice %arg4[%add3A_33, %dma_start3A_39] : memref<2048x2048xf32, #tpu.memory_space<hbm>> -> memref<16x2048xf32, #tpu.memory_space<hbm>>
      %dma_start3A_41 = arith.constant 0 : i32
      %dma_start3A_42 = tpu.memref_slice %arg4[%add3A_33, %dma_start3A_41] : memref<2048x2048xf32, #tpu.memory_space<hbm>> -> memref<16x2048xf32, #tpu.memory_space<hbm>>
      tpu.enqueue_dma source(%arg7 : memref<16x2048xf32, #tpu.memory_space<vmem>>) target(%dma_start3A_42 : memref<16x2048xf32, #tpu.memory_space<hbm>>) target_semaphore(%run_scoped3A : memref<!tpu.dma_semaphore, #tpu.memory_space<semaphore_mem>>)
      %dma_wait3A_43 = arith.constant 0 : i32
      %dma_wait3A_44 = tpu.memref_slice %arg4[%add3A_33, %dma_wait3A_43] : memref<2048x2048xf32, #tpu.memory_space<hbm>> -> memref<16x2048xf32, #tpu.memory_space<hbm>>
      %dma_wait3A_45 = arith.constant 0 : i32
      %dma_wait3A_46 = tpu.memref_slice %arg4[%add3A_33, %dma_wait3A_45] : memref<2048x2048xf32, #tpu.memory_space<hbm>> -> memref<16x2048xf32, #tpu.memory_space<hbm>>
      tpu.wait_dma2 semaphore(%run_scoped3A : memref<!tpu.dma_semaphore, #tpu.memory_space<semaphore_mem>>) src(%arg7 : memref<16x2048xf32, #tpu.memory_space<vmem>>) dst(%dma_wait3A_46 : memref<16x2048xf32, #tpu.memory_space<hbm>>)
      tpu.yield
    }) : () -> ()
    %dma_wait3A_34 = arith.constant 0 : i32
    %dma_wait3A_35 = arith.constant 0 : i32
    %dma_wait3A_36 = tpu.memref_slice %arg2[%dma_wait3A_34, %dma_wait3A_35] : memref<2560x2048xf32, #tpu.memory_space<hbm>> -> memref<2560x2048xf32, #tpu.memory_space<hbm>>
    tpu.wait_indirect_dma semaphore(%arg10 : memref<!tpu.dma_semaphore, #tpu.memory_space<semaphore_mem>>) src(%dma_wait3A_36 : memref<2560x2048xf32, #tpu.memory_space<hbm>>) dst(%arg8 : memref<16x2048xf32, #tpu.memory_space<vmem>>)
    %add3A_37 = arith.constant 48 : i32
    %add3A_38 = arith.addi %multiple_of3A, %add3A_37 : i32
    "tpu.region"() ({
      %run_scoped3A = tpu.sem_alloc : memref<!tpu.dma_semaphore, #tpu.memory_space<semaphore_mem>>
      %dma_start3A_39 = arith.constant 0 : i32
      %dma_start3A_40 = tpu.memref_slice %arg4[%add3A_38, %dma_start3A_39] : memref<2048x2048xf32, #tpu.memory_space<hbm>> -> memref<16x2048xf32, #tpu.memory_space<hbm>>
      %dma_start3A_41 = arith.constant 0 : i32
      %dma_start3A_42 = tpu.memref_slice %arg4[%add3A_38, %dma_start3A_41] : memref<2048x2048xf32, #tpu.memory_space<hbm>> -> memref<16x2048xf32, #tpu.memory_space<hbm>>
      tpu.enqueue_dma source(%arg8 : memref<16x2048xf32, #tpu.memory_space<vmem>>) target(%dma_start3A_42 : memref<16x2048xf32, #tpu.memory_space<hbm>>) target_semaphore(%run_scoped3A : memref<!tpu.dma_semaphore, #tpu.memory_space<semaphore_mem>>)
      %dma_wait3A_43 = arith.constant 0 : i32
      %dma_wait3A_44 = tpu.memref_slice %arg4[%add3A_38, %dma_wait3A_43] : memref<2048x2048xf32, #tpu.memory_space<hbm>> -> memref<16x2048xf32, #tpu.memory_space<hbm>>
      %dma_wait3A_45 = arith.constant 0 : i32
      %dma_wait3A_46 = tpu.memref_slice %arg4[%add3A_38, %dma_wait3A_45] : memref<2048x2048xf32, #tpu.memory_space<hbm>> -> memref<16x2048xf32, #tpu.memory_space<hbm>>
      tpu.wait_dma2 semaphore(%run_scoped3A : memref<!tpu.dma_semaphore, #tpu.memory_space<semaphore_mem>>) src(%arg8 : memref<16x2048xf32, #tpu.memory_space<vmem>>) dst(%dma_wait3A_46 : memref<16x2048xf32, #tpu.memory_space<hbm>>)
      tpu.yield
    }) : () -> ()
    return
  }
}

module attributes {stable_mosaic.version = 14 : i64} {
  func.func @_gmm_body(%arg0: i32, %arg1: memref<48xi32, #tpu.memory_space<smem>>, %arg2: memref<64x1024xf32, #tpu.memory_space<vmem>>, %arg3: memref<2048x1024xf32, #tpu.memory_space<vmem>>, %arg4: memref<1x1024x32xbf16, #tpu.memory_space<vmem>>, %arg5: memref<1x32x2048xbf16, #tpu.memory_space<vmem>>, %arg6: memref<1x1024x2048xf32, #tpu.memory_space<vmem>>, %arg7: memref<1x1x2048xf32, #tpu.memory_space<vmem>>, %arg8: memref<1x1x2048xf32, #tpu.memory_space<vmem>>, %arg9: memref<64x2048xf32, #tpu.memory_space<vmem>>) attributes {dimension_semantics = [#tpu.dimension_semantics<arbitrary>], iteration_bounds = array<i64: 40>, scalar_prefetch = 1 : i64, scratch_operands = 0 : i64, tpu.core_type = #tpu.core_type<tc>, window_params = [{transform_indices = @transform_0, window_bounds = array<i64: 64, 1024>}, {pipeline_mode = #tpu.pipeline_mode<synchronous>, transform_indices = @transform_1, window_bounds = array<i64: 2048, 1024>}, {transform_indices = @transform_2, window_bounds = array<i64: 1, 1024, 32>}, {transform_indices = @transform_3, window_bounds = array<i64: 1, 32, 2048>}, {transform_indices = @transform_4, window_bounds = array<i64: 1, 1024, 2048>}, {transform_indices = @transform_5, window_bounds = array<i64: 1, 1, 2048>}, {transform_indices = @transform_6, window_bounds = array<i64: 1, 1, 2048>}, {transform_indices = @transform_7, window_bounds = array<i64: 64, 2048>}]} {
    %get3A = arith.constant 0 : index
    %get3A_0 = arith.constant 0 : index
    %get3A_1 = vector.load %arg2[%get3A, %get3A_0] : memref<64x1024xf32, #tpu.memory_space<vmem>>, vector<64x1024xf32>
    %convert_element_type3A = arith.truncf %get3A_1 : vector<64x1024xf32> to vector<64x1024xbf16>
    %get3A_2 = arith.constant 0 : index
    %get3A_3 = arith.constant 0 : index
    %get3A_4 = vector.load %arg3[%get3A_2, %get3A_3] : memref<2048x1024xf32, #tpu.memory_space<vmem>>, vector<2048x1024xf32>
    %convert_element_type3A_5 = arith.truncf %get3A_4 : vector<2048x1024xf32> to vector<2048x1024xbf16>
    %dot_general3A = arith.constant dense<0.000000e+00> : vector<64x2048xf32>
    %dot_general3A_6 = tpu.matmul %convert_element_type3A, %convert_element_type3A_5, %dot_general3A {dimension_numbers = #tpu.dot_dimension_numbers<[1], [1], [0], [0], [0, 0, 1, 0], [], []>, transpose_lhs_hint = false} : vector<64x1024xbf16>, vector<2048x1024xbf16>, vector<64x2048xf32> -> vector<64x2048xf32>
    %get3A_7 = arith.constant 0 : index
    %get3A_8 = arith.constant 0 : index
    %get3A_9 = arith.constant 0 : index
    %get3A_10 = vector.load %arg4[%get3A_7, %get3A_8, %get3A_9] : memref<1x1024x32xbf16, #tpu.memory_space<vmem>>, vector<1x1024x32xbf16>
    %get3A_11 = vector.shape_cast %get3A_10 : vector<1x1024x32xbf16> to vector<1024x32xbf16>
    %dot_general3A_12 = arith.constant dense<0.000000e+00> : vector<64x32xf32>
    %dot_general3A_13 = tpu.matmul %convert_element_type3A, %get3A_11, %dot_general3A_12 {dimension_numbers = #tpu.dot_dimension_numbers<[1], [0], [0], [1], [0, 0, 1, 1], [], []>, transpose_lhs_hint = false} : vector<64x1024xbf16>, vector<1024x32xbf16>, vector<64x32xf32> -> vector<64x32xf32>
    %convert_element_type3A_14 = arith.truncf %dot_general3A_13 : vector<64x32xf32> to vector<64x32xbf16>
    %get3A_15 = arith.constant 0 : index
    %get3A_16 = arith.constant 0 : index
    %get3A_17 = arith.constant 0 : index
    %get3A_18 = vector.load %arg5[%get3A_15, %get3A_16, %get3A_17] : memref<1x32x2048xbf16, #tpu.memory_space<vmem>>, vector<1x32x2048xbf16>
    %get3A_19 = vector.shape_cast %get3A_18 : vector<1x32x2048xbf16> to vector<32x2048xbf16>
    %dot_general3A_20 = arith.constant dense<0.000000e+00> : vector<64x2048xf32>
    %dot_general3A_21 = tpu.matmul %convert_element_type3A_14, %get3A_19, %dot_general3A_20 {dimension_numbers = #tpu.dot_dimension_numbers<[1], [0], [0], [1], [0, 0, 1, 1], [], []>, transpose_lhs_hint = false} : vector<64x32xbf16>, vector<32x2048xbf16>, vector<64x2048xf32> -> vector<64x2048xf32>
    %get3A_22 = arith.constant 0 : index
    %get3A_23 = arith.constant 0 : index
    %get3A_24 = arith.constant 0 : index
    %get3A_25 = vector.load %arg6[%get3A_22, %get3A_23, %get3A_24] : memref<1x1024x2048xf32, #tpu.memory_space<vmem>>, vector<1x1024x2048xf32>
    %get3A_26 = vector.shape_cast %get3A_25 : vector<1x1024x2048xf32> to vector<1024x2048xf32>
    %convert_element_type3A_27 = arith.truncf %get3A_26 : vector<1024x2048xf32> to vector<1024x2048xbf16>
    %dot_general3A_28 = arith.constant dense<0.000000e+00> : vector<64x2048xf32>
    %dot_general3A_29 = tpu.matmul %convert_element_type3A, %convert_element_type3A_27, %dot_general3A_28 {dimension_numbers = #tpu.dot_dimension_numbers<[1], [0], [0], [1], [0, 0, 1, 1], [], []>, transpose_lhs_hint = false} : vector<64x1024xbf16>, vector<1024x2048xbf16>, vector<64x2048xf32> -> vector<64x2048xf32>
    %reduce_sum3A = arith.constant dense<0.000000e+00> : vector<64xf32>
    %reduce_sum3A_30 = vector.multi_reduction <add>, %get3A_1, %reduce_sum3A [1] : vector<64x1024xf32> to vector<64xf32>
    %broadcast_in_dim3A = vector.shape_cast %reduce_sum3A_30 : vector<64xf32> to vector<64x1xf32>
    %add3A = arith.addf %dot_general3A_6, %dot_general3A_21 : vector<64x2048xf32>
    %get3A_31 = arith.constant 0 : index
    %get3A_32 = arith.constant 0 : index
    %get3A_33 = arith.constant 0 : index
    %get3A_34 = vector.load %arg8[%get3A_31, %get3A_32, %get3A_33] : memref<1x1x2048xf32, #tpu.memory_space<vmem>>, vector<1x1x2048xf32>
    %get3A_35 = vector.shape_cast %get3A_34 : vector<1x1x2048xf32> to vector<1x2048xf32>
    %mul3A = vector.broadcast %get3A_35 : vector<1x2048xf32> to vector<64x2048xf32>
    %mul3A_36 = arith.mulf %dot_general3A_29, %mul3A : vector<64x2048xf32>
    %add3A_37 = arith.addf %add3A, %mul3A_36 : vector<64x2048xf32>
    %get3A_38 = arith.constant 0 : index
    %get3A_39 = arith.constant 0 : index
    %get3A_40 = arith.constant 0 : index
    %get3A_41 = vector.load %arg7[%get3A_38, %get3A_39, %get3A_40] : memref<1x1x2048xf32, #tpu.memory_space<vmem>>, vector<1x1x2048xf32>
    %get3A_42 = vector.shape_cast %get3A_41 : vector<1x1x2048xf32> to vector<1x2048xf32>
    %mul3A_43 = vector.broadcast %broadcast_in_dim3A : vector<64x1xf32> to vector<64x2048xf32>
    %mul3A_44 = vector.broadcast %get3A_42 : vector<1x2048xf32> to vector<64x2048xf32>
    %mul3A_45 = arith.mulf %mul3A_43, %mul3A_44 : vector<64x2048xf32>
    %add3A_46 = arith.addf %add3A_37, %mul3A_45 : vector<64x2048xf32>
    %swap3A = arith.constant 0 : index
    %swap3A_47 = arith.constant 0 : index
    %swap3A_48 = vector.load %arg9[%swap3A, %swap3A_47] : memref<64x2048xf32, #tpu.memory_space<vmem>>, vector<64x2048xf32>
    tpu.vector_store %arg9[%swap3A, %swap3A_47], %add3A_46 {strides = array<i32>} : memref<64x2048xf32, #tpu.memory_space<vmem>>, vector<64x2048xf32>,
    return
  }
  func.func @transform_0(%arg0: i32, %arg1: memref<48xi32, #tpu.memory_space<smem>>) -> (i32, i32) {
    %c0_i32 = arith.constant 0 : i32
    %c0_i32_0 = arith.constant 0 : i32
    return %arg0, %c0_i32 : i32, i32
  }
  func.func @transform_1(%arg0: i32, %arg1: memref<48xi32, #tpu.memory_space<smem>>) -> (i32, i32) {
    %c0_i32 = arith.constant 0 : i32
    %c0_i32_0 = arith.constant 0 : i32
    %c0_i32_1 = arith.constant 0 : i32
    return %c0_i32, %c0_i32_0 : i32, i32
  }
  func.func @transform_2(%arg0: i32, %arg1: memref<48xi32, #tpu.memory_space<smem>>) -> (i32, i32, i32) {
    %get3A = arith.index_cast %arg0 : i32 to index
    %get3A_0 = memref.load %arg1[%get3A] : memref<48xi32, #tpu.memory_space<smem>>
    %c0_i32 = arith.constant 0 : i32
    %c0_i32_1 = arith.constant 0 : i32
    %c0_i32_2 = arith.constant 0 : i32
    return %get3A_0, %c0_i32, %c0_i32_1 : i32, i32, i32
  }
  func.func @transform_3(%arg0: i32, %arg1: memref<48xi32, #tpu.memory_space<smem>>) -> (i32, i32, i32) {
    %get3A = arith.index_cast %arg0 : i32 to index
    %get3A_0 = memref.load %arg1[%get3A] : memref<48xi32, #tpu.memory_space<smem>>
    %c0_i32 = arith.constant 0 : i32
    %c0_i32_1 = arith.constant 0 : i32
    %c0_i32_2 = arith.constant 0 : i32
    return %get3A_0, %c0_i32, %c0_i32_1 : i32, i32, i32
  }
  func.func @transform_4(%arg0: i32, %arg1: memref<48xi32, #tpu.memory_space<smem>>) -> (i32, i32, i32) {
    %get3A = arith.index_cast %arg0 : i32 to index
    %get3A_0 = memref.load %arg1[%get3A] : memref<48xi32, #tpu.memory_space<smem>>
    %c0_i32 = arith.constant 0 : i32
    %c0_i32_1 = arith.constant 0 : i32
    %c0_i32_2 = arith.constant 0 : i32
    return %get3A_0, %c0_i32, %c0_i32_1 : i32, i32, i32
  }
  func.func @transform_5(%arg0: i32, %arg1: memref<48xi32, #tpu.memory_space<smem>>) -> (i32, i32, i32) {
    %get3A = arith.index_cast %arg0 : i32 to index
    %get3A_0 = memref.load %arg1[%get3A] : memref<48xi32, #tpu.memory_space<smem>>
    %c0_i32 = arith.constant 0 : i32
    %c0_i32_1 = arith.constant 0 : i32
    %c0_i32_2 = arith.constant 0 : i32
    return %get3A_0, %c0_i32, %c0_i32_1 : i32, i32, i32
  }
  func.func @transform_6(%arg0: i32, %arg1: memref<48xi32, #tpu.memory_space<smem>>) -> (i32, i32, i32) {
    %get3A = arith.index_cast %arg0 : i32 to index
    %get3A_0 = memref.load %arg1[%get3A] : memref<48xi32, #tpu.memory_space<smem>>
    %c0_i32 = arith.constant 0 : i32
    %c0_i32_1 = arith.constant 0 : i32
    %c0_i32_2 = arith.constant 0 : i32
    return %get3A_0, %c0_i32, %c0_i32_1 : i32, i32, i32
  }
  func.func @transform_7(%arg0: i32, %arg1: memref<48xi32, #tpu.memory_space<smem>>) -> (i32, i32) {
    %c0_i32 = arith.constant 0 : i32
    %c0_i32_0 = arith.constant 0 : i32
    return %arg0, %c0_i32 : i32, i32
  }
}

</mosaic_0001>

<sc_bundles>
// kernel: kernel.5.cloned.1.call-start
scs
__scs_entry_jumppad:
0x0: {  	(pc) =	sbr.rel $0x88, $3  }
0x1: {  	(tag) =	ssettag $0x0;
	lr =	simm.s32 $0x1  }
0x2: {  	[smem:$0x3F99] =	sst lr;
	_ =	strace $0xD0000000  }
0x3: {  	_ = 	snop  }
0x4: {  	_ = 	snop  }
0x5: {  	_ = 	snop  }
0x6: {  	_ = 	snop  }
0x7: {  	_ = 	snop  }
__scs_overlays_trampoline_lowered:
0x8: {  	[smem:$0x3FA8] =	sst s0  }
0x9: {  	[smem:$0x3FA9] =	sst s1  }
0xa: {  	[smem:$0x3FAA] =	sst s2  }
0xb: {  	[smem:$0x3FAB] =	sst s3  }
0xc: {  	[smem:$0x3FAC] =	sst s4  }
0xd: {  	[smem:$0x3FAD] =	sst s5  }
0xe: {  	[smem:$0x3FAE] =	sst s6  }
0xf: {  	[smem:$0x3FAF] =	sst s7  }
0x10: {  	[smem:$0x3FB0] =	sst s8  }
0x11: {  	[smem:$0x3FB1] =	sst s9;
	s0 =	simm.s32 @!p0 $0x0  }
0x12: {  	s1 =	sld [smem:$0x3F97];
	s0 =	simm.s32 @p0 $0x1  }
0x13: {  	[smem:$0x3FB2] =	sst s0;
	s0 =	simm.s32 @!p1 $0x0  }
0x14: {  	s2 =	sld [smem:$0x3F96];
	s0 =	simm.s32 @p1 $0x1  }
0x15: {  	[smem:$0x3FB3] =	sst s0;
	s0 =	simm.s32 @!p2 $0x0  }
0x16: {  	s3 =	sld [smem:$0x3FDB];
	s0 =	simm.s32 @p2 $0x1  }
0x17: {  	s4 =	simm.s32 $0x1BF5;
	[smem:$0x3FB5] =	sst s0  }
0x18: {  	s0 =	sld [smem:$0x3F98];
	_ =	swait.ge [sflag:s4], $0x0  }
0x19: {  	s7 =	sld [smem:$0x3F99]  }
0x1a: {  	s8 =	sadd.s32 $0xFFFFE003, lr  }
0x1b: {  	s9 =	sadd.s32 $0xFFFFFEF7, lr;
	s5 =	simm.s32 $0xFFFFFFFF;
	p2 =	slt.u32 s8, $0xFFFFF086  }
0x1c: {  	p1 =	slt.u32 s9, $0xF7A;
	s5 =	simm.s32 @!p2 $0x0  }
0x1d: {  	s5 =	simm.s32 @p1 $0x1;
	p0 =	seq.s32 s7, s2  }
0x1e: {  	s7 =	smul.u32 @!p0 $0xF7A, s2;
	p2 =	seq.s32 @!p0 s5, $0x0  }
0x1f: {  	s9 =	smul.u32 $0xF7A, s1;
	s8 =	simm.s32 @!p0 $0x1BF5;
	p2 =	por !p2, p0  }
0x20: {  	[sflag:s8] =	ssyncset.s32 @!p0 $0xFFFFF086;
	s6 =	sadd.s32 @!p0 s3, s7;
	s7 =	simm.s32 @!p0 $0x108  }
0x21: {  	s3 =	sadd.s32 s3, s9;
	s6 =	sadd.s32 @!p0 $0x88, s6;
	s7 =	simm.s32 @p2 $0x1082  }
0x22: {  	[simem:s7], [sflag:s8] =	dma.local @!p0 [hbm:s6], $0xF7A  }
0x23: {  	s9 =	sor.u32 $0xD0000000, s2;
	s6 =	simm.s32 $0x108;
	_ =	swait.ge @!p0 [sflag:s8], $0x0  }
0x24: {  	s3 =	sadd.s32 $0x88, s3;
	s6 =	simm.s32 @!p1 $0x1082;
	[sflag:s4] =	ssyncset.s32 $0xFFFFF086  }
0x25: {  	[simem:s6], [sflag:s4] =	dma.local [hbm:s3], $0xF7A  }
0x26: {  	[smem:$0x3F99] =	sst s1;
	(tag) =	ssettag s2;
	_ =	strace s9  }
0x27: {  	s1 =	sld [smem:$0x3FA9]  }
0x28: {  	s2 =	sld [smem:$0x3FAA]  }
0x29: {  	s4 =	sld [smem:$0x3FAC]  }
0x2a: {  	p0 =	seq.s32 s5, $0x0;
	s5 =	sld [smem:$0x3FAD]  }
0x2b: {  	s6 =	sld [smem:$0x3FAE]  }
0x2c: {  	s7 =	sld [smem:$0x3FAF]  }
0x2d: {  	s3 =	simm.s32 $0x108;
	s8 =	sld [smem:$0x3FB0]  }
0x2e: {  	s3 =	simm.s32 @!p0 $0x1082;
	s9 =	sld [smem:$0x3FB1]  }
0x2f: {  	lr =	sadd.s32 s0, s3;
	s0 =	sld [smem:$0x3FA8]  }
0x30: {  	s3 =	sld [smem:$0x3FAB]  }
0x31: {  	[smem:$0x3FB4] =	sst s10  }
0x32: {  	s10 =	sld [smem:$0x3FB2];
	_ =	sdelay $0x3  }
0x33: {  	p0 =	seq.s32 s10, $0x1;
	s10 =	sld [smem:$0x3FB4];
	_ =	sdelay $0x3  }
0x34: {  	[smem:$0x3FB4] =	sst s10  }
0x35: {  	s10 =	sld [smem:$0x3FB3];
	_ =	sdelay $0x3  }
0x36: {  	p1 =	seq.s32 s10, $0x1;
	s10 =	sld [smem:$0x3FB4];
	_ =	sdelay $0x3  }
0x37: {  	[smem:$0x3FB4] =	sst s10  }
0x38: {  	s10 =	sld [smem:$0x3FB5]  }
0x39: {  	_ = 	snop;
	(pc) =	sbr.ind lr, $3  }
0x3a: {  	_ = 	snop  }
0x3b: {  	_ = 	snop  }
0x3c: {  	p2 =	seq.s32 s10, $0x1;
	s10 =	sld [smem:$0x3FB4]  }
0x3d: {  	_ =	shalt  }
0x3e: {  	_ =	shalt  }
0x3f: {  	_ =	shalt  }
0x40: {  	_ =	shalt  }
0x41: {  	_ =	shalt  }
0x42: {  	_ =	shalt  }
0x43: {  	_ =	shalt  }
0x44: {  	_ =	shalt  }
0x45: {  	_ =	shalt  }
0x46: {  	_ =	shalt  }
0x47: {  	_ =	shalt  }
0x48: {  	_ =	shalt  }
0x49: {  	_ =	shalt  }
0x4a: {  	_ =	shalt  }
0x4b: {  	_ =	shalt  }
0x4c: {  	_ =	shalt  }
0x4d: {  	_ =	shalt  }
0x4e: {  	_ =	shalt  }
0x4f: {  	_ =	shalt  }
0x50: {  	_ =	shalt  }
0x51: {  	_ =	shalt  }
0x52: {  	_ =	shalt  }
0x53: {  	_ =	shalt  }
0x54: {  	_ =	shalt  }
0x55: {  	_ =	shalt  }
0x56: {  	_ =	shalt  }
0x57: {  	_ =	shalt  }
0x58: {  	_ =	shalt  }
0x59: {  	_ =	shalt  }
0x5a: {  	_ =	shalt  }
0x5b: {  	_ =	shalt  }
0x5c: {  	_ =	shalt  }
0x5d: {  	_ =	shalt  }
0x5e: {  	_ =	shalt  }
0x5f: {  	_ =	shalt  }
0x60: {  	_ =	shalt  }
0x61: {  	_ =	shalt  }
0x62: {  	_ =	shalt  }
0x63: {  	_ =	shalt  }
0x64: {  	_ =	shalt  }
0x65: {  	_ =	shalt  }
0x66: {  	_ =	shalt  }
0x67: {  	_ =	shalt  }
0x68: {  	_ =	shalt  }
0x69: {  	_ =	shalt  }
0x6a: {  	_ =	shalt  }
0x6b: {  	_ =	shalt  }
0x6c: {  	_ =	shalt  }
0x6d: {  	_ =	shalt  }
0x6e: {  	_ =	shalt  }
0x6f: {  	_ =	shalt  }
0x70: {  	_ =	shalt  }
0x71: {  	_ =	shalt  }
0x72: {  	_ =	shalt  }
0x73: {  	_ =	shalt  }
0x74: {  	_ =	shalt  }
0x75: {  	_ =	shalt  }
0x76: {  	_ =	shalt  }
0x77: {  	_ =	shalt  }
0x78: {  	_ =	shalt  }
0x79: {  	_ =	shalt  }
0x7a: {  	_ =	shalt  }
0x7b: {  	_ =	shalt  }
0x7c: {  	_ =	shalt  }
0x7d: {  	_ =	shalt  }
0x7e: {  	_ =	shalt  }
0x7f: {  	_ =	shalt  }
0x80: {  	_ =	shalt  }
0x81: {  	_ =	shalt  }
0x82: {  	_ =	shalt  }
0x83: {  	_ =	shalt  }
0x84: {  	_ =	shalt  }
0x85: {  	_ =	shalt  }
0x86: {  	_ =	shalt  }
0x87: {  	_ =	shalt  }
.Lfunc_end0:
.L_simem_size_0:
called_computation_lowered:
.L_overlay_start_0:
0x88: {  	s2 =	sld [smem:$0x3FD9]  }
0x89: {  	s3 =	sld [smem:$0x3FFE];
	_ =	sdelay $0x1  }
0x8a: {  	s1 =	srdreg.scid  }
0x8b: {  	s0 =	sand.u32 $0x1, s1  }
0x8c: {  	s17 =	sshll.u32 s0, $0xA;
	s2 =	sadd.s32 s3, s2  }
0x8d: {  	s2 =	sadd.s32 s2, s17  }
0x8e: {  	[smem:$0x3FC0] =	sst s2  }
0x8f: {  	_ = 	snop  }
0x90: {  	s2 =	sld [smem:$0x3FC9]  }
0x91: {  	s18 =	sld [smem:$0x3FC8]  }
0x92: {  	s4 =	sld [smem:$0x3FD0];
	(tm) =	ssettm $0x1  }
0x93: {  	s5 =	sld [smem:$0x3FFB];
	_ =	sdelay $0x3  }
0x94: {  	_ =	strace s5  }
0x95: {  	s5 =	sld [smem:$0x3FFC];
	_ =	sdelay $0x3  }
0x96: {  	_ =	strace s5  }
0x97: {  	s5 =	sld [smem:$0x3FFD];
	_ =	sdelay $0x3  }
0x98: {  	_ =	strace s5  }
0x99: {  	_ =	strace $0x8FFFFFFF  }
0x9a: {  	s19 =	sld [smem:$0x3FDB];
	_ =	sdelay $0x1  }
0x9b: {  	s6 =	simm.s32 $_scs_section_size  }
0x9c: {  	s7 =	simm.s32 $_size__tile_overlayer_lowered;
	s8 =	simm.s32 $_tile_overlayer_lowered  }
0x9d: {  	s22 =	simm.s32 $0x1BFF;
	s21 =	sshll.u32 s8, $0x1;
	s5 =	sadd.s32 s6, s19  }
0x9e: {  	s9 =	simm.s32 $0x0;
	s20 =	sshll.u32 s7, $0x1;
	s7 =	sadd.s32 s21, s5  }
0x9f: {  	[timem:s9], [sflag:s22] =	dma.local [hbm:s7], s20  }
0xa0: {  	_ =	swait.ge [sflag:s22], s20  }
0xa1: {  	s6 =	ssub.s32 $0x0, s20;
	[sflag:s22] =	ssyncset.done $0x0  }
0xa2: {  	[sflag:s22] =	ssyncadd.s32 s6;
	_ =	sdelay $0x1  }
0xa3: {  	s23 =	simm.s32 $0x1B8B  }
0xa4: {  	_ =	swait.ge [sflag:s23], $0x1  }
0xa5: {  	[sflag:s23] =	ssyncset.done $0x0  }
0xa6: {  	s25 =	simm.s32 $0x1B8E;
	s24 =	sld [smem:$0x3FFE];
	[sflag:s23] =	ssyncadd.s32 $0xFFFFFFFF  }
0xa7: {  	s26 =	simm.s32 $execute0_lowered;
	[smem:$0x3FD2] =	sst s25  }
0xa8: {  	s7 =	sshll.u32 s26, $0x1;
	_ =	strace $0x80000046;
	[dreg:$0x1] =	wrdreg $0xFFFFFFFF  }
0xa9: {  	s28 =	simm.s32 $_size_execute0_lowered;
	s5 =	sadd.s32 s5, s7;
	[dreg:$0x0] =	wrdreg $0x0  }
0xaa: {  	s7 =	sshll.u32 s28, $0x1;
	[dreg:$0x2] =	wrdreg s5  }
0xab: {  	[dreg:$0x3] =	wrdreg s7  }
0xac: {  	[dreg:$0x4] =	wrdreg $0xC0  }
0xad: {  	_ =	task [dreg:s9], $0x5FFFF  }
0xae: {  	[dreg:$0x1] =	wrdreg $0xFFFFFFFF  }
0xaf: {  	[dreg:$0x0] =	wrdreg $0x60  }
0xb0: {  	[dreg:$0x2] =	wrdreg s18  }
0xb1: {  	[dreg:$0x3] =	wrdreg s2  }
0xb2: {  	[dreg:$0x4] =	wrdreg s4  }
0xb3: {  	[dreg:$0x5] =	wrdreg s24  }
0xb4: {  	[dreg:$0x6] =	wrdreg $0x103800  }
0xb5: {  	[dreg:$0x7] =	wrdreg $0x9  }
0xb6: {  	_ =	task.clear_ibuf [dreg:s9], $0x8FFFF;
	_ =	strace $0x90000046  }
0xb7: {  	s29 =	simm.s32 $0x9;
	_ =	strace $0x80000048  }
0xb8: {  	_ =	swait.ge [sflag:s29], $0x1  }
0xb9: {  	[sflag:s29] =	ssyncadd.s32 $0xFFFFFFFF  }
0xba: {  	_ =	strace $0x90000048  }
0xbb: {  	_ =	sfence  }
0xbc: {  	s30 =	sld [smem:$0x0];
	_ =	sdelay $0x2  }
0xbd: {  	s31 =	sshll.u32 s1, $0xD;
	s1 =	sshrl.u32 s1, $0x2  }
0xbe: {  	s3 =	sand.u32 $0x4000, s31;
	s1 =	sadd.s32 s1, s30  }
0xbf: {  	s0 =	sor.u32 s3, s0;
	s1 =	sshll.u32 s1, $0x11  }
0xc0: {  	s0 =	sor.u32 s1, s0  }
0xc1: {  	s0 =	sadd.s32 $0x8F2B, s0  }
0xc2: {  	[sflag:s0] =	ssyncadd.remote.s32 $0x1  }
0xc3: {  	_ =	sfence.sel $0xFFFF  }
0xc4: {  	[dreg:$0x0] =	wrdreg $0xFFFFFFFF;
	(pc) =	sbr.abs _section_cstart, $3  }
0xc5: {  	[dreg:$0x1] =	wrdreg $0xFFFFFFFF  }
0xc6: {  	_ =	task.clear_ibuf [dreg:s9], $0x2FFFF;
	_ =	strace $0x9FFFFFFF  }
0xc7: {  	(tm) =	ssettm $0x7FFFFFFF  }
tec
execute0_lowered:
.L_overlay_start_1:
0x0: {  	(tag) =	ssettag $0x1  }
0x1: {  	s0 =	rddreg [dreg:$0x0]  }
0x2: {  	s2 =	rddreg [dreg:$0x1]  }
0x3: {  	s1 =	rddreg [dreg:$0x2]  }
0x4: {  	s3 =	rddreg [dreg:$0x3]  }
0x5: {  	s10 =	rddreg [dreg:$0x4];
	s5 =	srdreg.scid  }
0x6: {  	s4 =	simm.s32 $0x0;
	s17 =	stileid.u32;
	s16 =	simm.s32 $0x2  }
0x7: {  	s20 =	simm.s32 $0x180;
	s28 =	simm.s32 $0xC980;
	s5 =	sand.u32 $0x1, s5  }
0x8: {  	s29 =	simm.s32 $0xD180;
	s30 =	simm.s32 $0xD980;
	s6 =	ssub.s32 $0x2, s5  }
0x9: {  	s31 =	simm.s32 $0xE180;
	s7 =	sshll.u32 s17, $0x4;
	s8 =	sshrl.u32 s6, $0x1  }
0xa: {  	s26 =	sshll.u32 s17, $0xE;
	s9 =	sadd.s32 s7, s3;
	s25 =	ssub.s32 s6, s8  }
0xb: {  	s6 =	sadd.s32 s0, s7;
	s7 =	sadd.s32 s7, s10;
	s10 =	sadd.s32 s2, s26  }
0xc: {  	[smem:$0x7FF] =	sst s4;
	p0 =	seq.s32 s17, $0xF;
	s0 =	sadd.s32 $0x2000, s10  }
0xd: {  	_ =	strace $0x80000047;
	[dreg:$0x7] =	wrdreg s0;
	s0 =	simm.s32 @!p0 $0x0  }
0xe: {  	s19 =	simm.s32 $0xF180;
	s0 =	simm.s32 @p0 $0x1;
	p0 =	sgt.u32 s17, $0xD  }
0xf: {  	s12 =	sadd.s32 $0x100, s1;
	[smem:$0x7F3] =	sst s0;
	s0 =	simm.s32 @!p0 $0x0  }
0x10: {  	s13 =	sadd.s32 $0x200, s1;
	s0 =	simm.s32 @p0 $0x1;
	p0 =	sgt.u32 s17, $0xC  }
0x11: {  	s14 =	sadd.s32 $0x300, s1;
	[smem:$0x7F4] =	sst s0;
	s0 =	simm.s32 @!p0 $0x0  }
0x12: {  	v0 =	vimm.s32 $0xEDCBA987;
	v1 =	vimm.s32 $0x65432100;
	p6 =	sgt.u32 s17, $0x4;
	s0 =	simm.s32 @p0 $0x1;
	p0 =	sgt.u32 s17, $0xB  }
0x13: {  	v3 =	vimm.s32 $0xDCBA9876;
	v4 =	vimm.s32 $0x54321000;
	v5 =	vimm.s32 $0xBA987654;
	p1 =	sgt.u32 s17, $0x2;
	[smem:$0x7F5] =	sst s0;
	s0 =	simm.s32 @!p0 $0x0  }
0x14: {  	v6 =	vimm.s32 $0xE40000;
	v7 =	vimm.s32 $0x32100000;
	vm0 =	vmmov $0x3;
	p2 =	sgt.u32 s17, $0x1;
	s0 =	simm.s32 @p0 $0x1;
	p0 =	sgt.u32 s17, $0xA  }
0x15: {  	vm1 =	vmmov $0xf;
	vm2 =	vcmask $0x3F30;
	vm3 =	vmmov $0x1;
	s11 =	sor.u32 s17, s5;
	[smem:$0x7F6] =	sst s0;
	s0 =	simm.s32 @!p0 $0x0  }
0x16: {  	vm10 =	vcmask $0x308;
	vm15 =	vcmask $0x70C;
	vm14 =	vcmask $0xB10;
	p3 =	seq.s32 s17, $0x0;
	s0 =	simm.s32 @p0 $0x1;
	p0 =	sne.s32 s11, $0x0  }
0x17: {  	vm13 =	vcmask $0xF14;
	v8 =	vimm.s32 $0x2;
	v9 =	vimm.s32 $0x3;
	s3 =	sadd.s32 $0x2000, s3;
	[smem:$0x7F7] =	sst s0;
	s0 =	simm.s32 @!p0 $0x0  }
0x18: {  	v10 =	vimm.s32 $0x4;
	v11 =	vimm.s32 $0x5;
	v12 =	vimm.s32 $0x6;
	p5 =	sne.s32 s5, $0x0;
	s0 =	simm.s32 @p0 $0x1;
	p0 =	sgt.u32 s17, $0x9  }
0x19: {  	v13 =	vimm.s32 $0x7;
	v14 =	vimm.s32 $0x0;
	v0 =	vunpack.c.l.s4.s8 v0;
	s5 =	simm.s32 $0x1;
	[smem:$0x7F8] =	sst s0;
	s0 =	simm.s32 @!p0 $0x0  }
0x1a: {  	v1 =	vunpack.c.l.s4.s8 v1;
	v3 =	vunpack.c.l.s4.s8 v3;
	v4 =	vunpack.c.l.s4.s8 v4;
	[dreg:$0x6] =	wrdreg s3;
	s0 =	simm.s32 @p0 $0x1;
	p0 =	sgt.u32 s17, $0x8  }
0x1b: {  	v5 =	vunpack.c.l.s4.s8 v5;
	v6 =	vunpack.c.l.s2.s4 v6;
	v7 =	vunpack.c.l.s4.s8 v7;
	s3 =	simm.s32 $0xF980;
	[smem:$0x7F9] =	sst s0;
	s0 =	simm.s32 @!p0 $0x0  }
0x1c: {  	v14 =	vsel vm3, $0xFFFFFFFF, v14;
	v2 =	vunpack.c.0.s8.s32 v0;
	v3 =	vunpack.c.0.s8.s32 v3;
	s8 =	sadd.s32 $0x2200, s9;
	s0 =	simm.s32 @p0 $0x1;
	p0 =	sgt.u32 s17, $0x7  }
0x1d: {  	v0 =	vimm.s32 $0x0;
	v1 =	vunpack.c.0.s8.s32 v1;
	v4 =	vunpack.c.0.s8.s32 v4;
	s9 =	sadd.s32 $0x2208, s9;
	[smem:$0x7FA] =	sst s0;
	s0 =	simm.s32 @!p0 $0x0  }
0x1e: {  	v5 =	vunpack.c.0.s8.s32 v5;
	v6 =	vunpack.c.l.s4.s8 v6;
	s26 =	simm.s32 $0xC180;
	v3 =	vand.u32 $0xF, v3;
	s0 =	simm.s32 @p0 $0x1;
	p0 =	sgt.u32 s17, $0x6  }
.Ltmp0:
0x1f: {  	v2 =	vand.u32 $0xF, v2;
	v3 =	vcombine.low v4, v3;
	v4 =	vunpack.c.0.s8.s32 v7;
	[smem:$0x7FB] =	sst s0;
	s0 =	simm.s32 @!p0 $0x0;
	(pc) =	sbr.rel .LBB2_1-.Ltmp0, $4  }
0x20: {  	s15 =	smax.u32 s25, $0x1;
	v5 =	vand.u32 $0xF, v5;
	v6 =	vunpack.c.0.s8.s32 v6;
	v7 =	vimm.s32 $0x7060504;
	s0 =	simm.s32 @p0 $0x1;
	p0 =	sgt.u32 s17, $0x5  }
0x21: {  	s25 =	simm.s32 $0xB180;
	v1 =	vcombine.low v1, v2;
	v4 =	vcombine.low v4, v5;
	v5 =	vunpack.c.0.s8.s32 v7;
	[smem:$0x7FC] =	sst s0;
	s0 =	simm.s32 @!p0 $0x0  }
0x22: {  	v2 =	vlaneseq.u32;
	v6 =	vand.u32 $0x3, v6;
	v7 =	vimm.s32 $0x1;
	s11 =	simm.s32 $0xB980;
	s0 =	simm.s32 @p0 $0x1;
	p0 =	sgt.u32 s17, $0x3  }
0x23: {  	[tilespmem:$0x1FFF0] =	vst v14;
	v5 =	vsel vm2, v5, v6;
	vm2 =	vmmov $0xff;
	v6 =	vimm.s32 $0xF;
	s17 =	simm.s32 $0x0;
	[smem:$0x7FD] =	sst s0;
	s0 =	simm.s32 $0xE980  }
.LBB2_11:
0x24: {  	s2 =	rddreg [dreg:$0x7]  }
0x25: {  	[tilespmem:s20], [sflag:$0x2] =	stream.linear.gather [hbm4b:s2+s4], $0x10000, $0x38;
	[tilespmem:$0x10390] =	vst v63  }
0x26: {  	_ =	swait.ge [sflag:s16], $0x10000  }
0x27: {  	[sflag:s16] =	ssyncset.done $0x0  }
0x28: {  	[sflag:s16] =	ssyncadd.s32 $0xFFFF0000  }
0x29: {  	v14 =	vld [tilespmem:$0x100];
	_ =	sdelay $0x4  }
0x2a: {  	v15 =	vshll.u32 v14, $0x3  }
0x2b: {  	v14 =	vand.u32 $0x7, v14;
	v15 =	vand.u32 $0xFFFFFFC0, v15  }
0x2c: {  	v16 =	vshrl.u32 v2, $0x3;
	v14 =	vor.u32 v14, v15;
	v15 =	vand.u32 $0x7, v2  }
0x2d: {  	v16 =	vmul.u32 $0x8, v16;
	v17 =	vperm.xlane v14, v15;
	_ =	sdelay $0x1  }
0x2e: {  	v17 =	vadd.s32 v16, v17;
	_ =	sdelay $0x3  }
0x2f: {  	vm4 =	vmmov $0xffff  }
0x30: {  	v18 =	vor.u32 $0x8, v2;
	[hbm4b:s1+s4] =	stream.indirect_vreg.scatter [tilespmem:s20], [sflag:$0x1], $0x80, v17, vm4, $0xb8;
	[tilespmem:$0x10390] =	vst v63  }
0x31: {  	s18 =	simm.s32 $0x980;
	v14 =	vperm.xlane v14, v18  }
0x32: {  	[hbm4b:s12+s4] =	stream.indirect_vreg.scatter [tilespmem:s18], [sflag:$0x1], $0x80, v17, vm4, $0xb8;
	[tilespmem:$0x10390] =	vst v63  }
0x33: {  	s21 =	simm.s32 $0x1180;
	v14 =	vadd.s32 v16, v14  }
0x34: {  	[hbm4b:s13+s4] =	stream.indirect_vreg.scatter [tilespmem:s21], [sflag:$0x1], $0x80, v17, vm4, $0xb8;
	[tilespmem:$0x10390] =	vst v63  }
0x35: {  	s22 =	simm.s32 $0x1980  }
0x36: {  	[hbm4b:s14+s4] =	stream.indirect_vreg.scatter [tilespmem:s22], [sflag:$0x1], $0x80, v17, vm4, $0xb8;
	[tilespmem:$0x10390] =	vst v63  }
0x37: {  	s23 =	simm.s32 $0x2180  }
0x38: {  	[hbm4b:s1+s4] =	stream.indirect_vreg.scatter [tilespmem:s23], [sflag:$0x1], $0x80, v14, vm4, $0xb8;
	[tilespmem:$0x10390] =	vst v63  }
0x39: {  	s24 =	simm.s32 $0x2980  }
0x3a: {  	[hbm4b:s12+s4] =	stream.indirect_vreg.scatter [tilespmem:s24], [sflag:$0x1], $0x80, v14, vm4, $0xb8;
	[tilespmem:$0x10390] =	vst v63  }
0x3b: {  	s18 =	simm.s32 $0x3180  }
0x3c: {  	[hbm4b:s13+s4] =	stream.indirect_vreg.scatter [tilespmem:s18], [sflag:$0x1], $0x80, v14, vm4, $0xb8;
	[tilespmem:$0x10390] =	vst v63  }
0x3d: {  	s21 =	simm.s32 $0x3980  }
0x3e: {  	[hbm4b:s14+s4] =	stream.indirect_vreg.scatter [tilespmem:s21], [sflag:$0x1], $0x80, v14, vm4, $0xb8;
	[tilespmem:$0x10390] =	vst v63  }
0x3f: {  	v14 =	vld [tilespmem:$0x110];
	_ =	sdelay $0x4  }
0x40: {  	v63 =	vshll.u32 v14, $0x3  }
0x41: {  	v14 =	vand.u32 $0x7, v14;
	v17 =	vand.u32 $0xFFFFFFC0, v63  }
0x42: {  	v14 =	vor.u32 v14, v17  }
0x43: {  	v15 =	vperm.xlane v14, v15;
	_ =	sdelay $0x1  }
0x44: {  	v15 =	vadd.s32 v16, v15;
	_ =	sdelay $0x3  }
0x45: {  	s22 =	simm.s32 $0x4180  }
0x46: {  	[hbm4b:s1+s4] =	stream.indirect_vreg.scatter [tilespmem:s22], [sflag:$0x1], $0x80, v15, vm4, $0xb8;
	[tilespmem:$0x10390] =	vst v63  }
0x47: {  	s23 =	simm.s32 $0x4980;
	v14 =	vperm.xlane v14, v18  }
0x48: {  	[hbm4b:s12+s4] =	stream.indirect_vreg.scatter [tilespmem:s23], [sflag:$0x1], $0x80, v15, vm4, $0xb8;
	[tilespmem:$0x10390] =	vst v63  }
0x49: {  	s24 =	simm.s32 $0x5180;
	v14 =	vadd.s32 v16, v14  }
0x4a: {  	[hbm4b:s13+s4] =	stream.indirect_vreg.scatter [tilespmem:s24], [sflag:$0x1], $0x80, v15, vm4, $0xb8;
	[tilespmem:$0x10390] =	vst v63  }
0x4b: {  	s18 =	simm.s32 $0x5980  }
0x4c: {  	[hbm4b:s14+s4] =	stream.indirect_vreg.scatter [tilespmem:s18], [sflag:$0x1], $0x80, v15, vm4, $0xb8;
	[tilespmem:$0x10390] =	vst v63  }
0x4d: {  	s21 =	simm.s32 $0x6180  }
0x4e: {  	[hbm4b:s1+s4] =	stream.indirect_vreg.scatter [tilespmem:s21], [sflag:$0x1], $0x80, v14, vm4, $0xb8;
	[tilespmem:$0x10390] =	vst v63  }
0x4f: {  	s22 =	simm.s32 $0x6980  }
0x50: {  	[hbm4b:s12+s4] =	stream.indirect_vreg.scatter [tilespmem:s22], [sflag:$0x1], $0x80, v14, vm4, $0xb8;
	[tilespmem:$0x10390] =	vst v63  }
0x51: {  	s23 =	simm.s32 $0x7180  }
0x52: {  	[hbm4b:s13+s4] =	stream.indirect_vreg.scatter [tilespmem:s23], [sflag:$0x1], $0x80, v14, vm4, $0xb8;
	[tilespmem:$0x10390] =	vst v63  }
0x53: {  	s24 =	simm.s32 $0x7980;
	s18 =	simm.s32 $0x100  }
0x54: {  	[hbm4b:s14+s4] =	stream.indirect_vreg.scatter [tilespmem:s24], [sflag:$0x1], $0x80, v14, vm4, $0xb8;
	[tilespmem:$0x10390] =	vst v63  }
.LBB2_12:
0x55: {  	v14 =	vld [tilespmem:s18+$0x20];
	_ =	sdelay $0x4  }
0x56: {  	v15 =	vshll.u32 v14, $0x3  }
0x57: {  	v14 =	vand.u32 $0x7, v14;
	v15 =	vand.u32 $0xFFFFFFC0, v15  }
0x58: {  	v16 =	vshrl.u32 v2, $0x3;
	v14 =	vor.u32 v14, v15;
	v15 =	vand.u32 $0x7, v2  }
0x59: {  	v16 =	vmul.u32 $0x8, v16;
	v17 =	vperm.xlane v14, v15;
	_ =	sdelay $0x1  }
0x5a: {  	v17 =	vadd.s32 v16, v17;
	_ =	sdelay $0x3  }
0x5b: {  	vm4 =	vmmov $0xffff;
	s2 =	simm.s32 $0x8180  }
0x5c: {  	v18 =	vor.u32 $0x8, v2;
	[hbm4b:s1+s4] =	stream.indirect_vreg.scatter [tilespmem:s2], [sflag:$0x1], $0x80, v17, vm4, $0xb8;
	[tilespmem:$0x10390] =	vst v63  }
0x5d: {  	s24 =	simm.s32 $0x8980;
	v14 =	vperm.xlane v14, v18  }
0x5e: {  	[hbm4b:s12+s4] =	stream.indirect_vreg.scatter [tilespmem:s24], [sflag:$0x1], $0x80, v17, vm4, $0xb8;
	[tilespmem:$0x10390] =	vst v63  }
0x5f: {  	s21 =	simm.s32 $0x9180;
	v14 =	vadd.s32 v16, v14  }
0x60: {  	[hbm4b:s13+s4] =	stream.indirect_vreg.scatter [tilespmem:s21], [sflag:$0x1], $0x80, v17, vm4, $0xb8;
	[tilespmem:$0x10390] =	vst v63  }
0x61: {  	s22 =	simm.s32 $0x9980  }
0x62: {  	[hbm4b:s14+s4] =	stream.indirect_vreg.scatter [tilespmem:s22], [sflag:$0x1], $0x80, v17, vm4, $0xb8;
	[tilespmem:$0x10390] =	vst v63  }
0x63: {  	s23 =	simm.s32 $0xA180  }
0x64: {  	[hbm4b:s1+s4] =	stream.indirect_vreg.scatter [tilespmem:s23], [sflag:$0x1], $0x80, v14, vm4, $0xb8;
	[tilespmem:$0x10390] =	vst v63  }
0x65: {  	s24 =	simm.s32 $0xA980  }
0x66: {  	[hbm4b:s12+s4] =	stream.indirect_vreg.scatter [tilespmem:s24], [sflag:$0x1], $0x80, v14, vm4, $0xb8;
	[tilespmem:$0x10390] =	vst v63  }
0x67: {  	_ = 	snop  }
0x68: {  	[hbm4b:s13+s4] =	stream.indirect_vreg.scatter [tilespmem:s25], [sflag:$0x1], $0x80, v14, vm4, $0xb8;
	[tilespmem:$0x10390] =	vst v63  }
0x69: {  	_ = 	snop  }
0x6a: {  	[hbm4b:s14+s4] =	stream.indirect_vreg.scatter [tilespmem:s11], [sflag:$0x1], $0x80, v14, vm4, $0xb8;
	[tilespmem:$0x10390] =	vst v63  }
0x6b: {  	v14 =	vld [tilespmem:s18+$0x30];
	_ =	sdelay $0x4  }
0x6c: {  	v63 =	vshll.u32 v14, $0x3  }
0x6d: {  	v14 =	vand.u32 $0x7, v14;
	v17 =	vand.u32 $0xFFFFFFC0, v63  }
0x6e: {  	v14 =	vor.u32 v14, v17  }
0x6f: {  	v15 =	vperm.xlane v14, v15;
	_ =	sdelay $0x1  }
0x70: {  	v15 =	vadd.s32 v16, v15;
	_ =	sdelay $0x4  }
0x71: {  	[hbm4b:s1+s4] =	stream.indirect_vreg.scatter [tilespmem:s26], [sflag:$0x1], $0x80, v15, vm4, $0xb8;
	[tilespmem:$0x10390] =	vst v63  }
0x72: {  	v14 =	vperm.xlane v14, v18  }
0x73: {  	[hbm4b:s12+s4] =	stream.indirect_vreg.scatter [tilespmem:s28], [sflag:$0x1], $0x80, v15, vm4, $0xb8;
	[tilespmem:$0x10390] =	vst v63  }
0x74: {  	v14 =	vadd.s32 v16, v14  }
0x75: {  	[hbm4b:s13+s4] =	stream.indirect_vreg.scatter [tilespmem:s29], [sflag:$0x1], $0x80, v15, vm4, $0xb8;
	[tilespmem:$0x10390] =	vst v63  }
0x76: {  	_ = 	snop  }
0x77: {  	[hbm4b:s14+s4] =	stream.indirect_vreg.scatter [tilespmem:s30], [sflag:$0x1], $0x80, v15, vm4, $0xb8;
	[tilespmem:$0x10390] =	vst v63  }
0x78: {  	_ = 	snop  }
0x79: {  	[hbm4b:s1+s4] =	stream.indirect_vreg.scatter [tilespmem:s31], [sflag:$0x1], $0x80, v14, vm4, $0xb8;
	[tilespmem:$0x10390] =	vst v63  }
0x7a: {  	s17 =	sadd.s32 $0x1, s17  }
0x7b: {  	[hbm4b:s12+s4] =	stream.indirect_vreg.scatter [tilespmem:s0], [sflag:$0x1], $0x80, v14, vm4, $0xb8;
	[tilespmem:$0x10390] =	vst v63  }
0x7c: {  	p4 =	sne.s32 s17, s15  }
0x7d: {  	[hbm4b:s13+s4] =	stream.indirect_vreg.scatter [tilespmem:s19], [sflag:$0x1], $0x80, v14, vm4, $0xb8;
	[tilespmem:$0x10390] =	vst v63  }
.Ltmp1:
0x7e: {  	_ = 	snop;
	(pc) =	sbr.rel @!p4 .LBB2_13-.Ltmp1, $4  }
0x7f: {  	[hbm4b:s14+s4] =	stream.indirect_vreg.scatter [tilespmem:s3], [sflag:$0x1], $0x80, v14, vm4, $0xb8;
	[tilespmem:$0x10390] =	vst v63  }
0x80: {  	_ =	swait.ge [sflag:s5], $0x10000  }
0x81: {  	[sflag:s5] =	ssyncset.done $0x0  }
0x82: {  	[sflag:s5] =	ssyncadd.s32 $0xFFFF0000  }
.LBB2_1:
0x83: {  	[tilespmem:s4], [sflag:$0x2] =	stream.linear.gather [hbm4b:s6+s4], $0x80, $0x38;
	[tilespmem:$0x10390] =	vst v63  }
0x84: {  	_ =	swait.ge [sflag:s16], $0x80  }
0x85: {  	[sflag:s16] =	ssyncset.done $0x0  }
0x86: {  	s18 =	simm.s32 $0x0;
	[sflag:s16] =	ssyncadd.s32 $0xFFFFFF80  }
0x87: {  	v14 =	vld [tilespmem:s18+$0x0];
	_ =	sdelay $0x4  }
0x88: {  	vm4 =	veq.s32 v14, $0x6  }
0x89: {  	vm5 =	veq.s32 v14, $0x7;
	vm6 =	veq.s32 v14, $0x3;
	vm7 =	veq.s32 v14, $0x4  }
0x8a: {  	vm8 =	veq.s32 v14, $0x5;
	vm9 =	veq.s32 v14, $0x0;
	vm11 =	veq.s32 v14, $0x1  }
0x8b: {  	vm12 =	veq.s32 v14, $0x2;
	v14 =	vsel vm8, $0x1, v0;
	v19 =	vsel vm4, $0x1, v0  }
0x8c: {  	v20 =	vsel vm5, $0x1, v0;
	v21 =	vsel vm6, $0x1, v0;
	v24 =	vsel vm7, $0x1, v0  }
0x8d: {  	v15 =	vsel vm12, $0x1, v0;
	v18 =	vperm.xlane v20, v1;
	v22 =	vperm.xlane v14, v1  }
0x8e: {  	v16 =	vsel vm11, $0x1, v0;
	v23 =	vperm.xlane v19, v1;
	v25 =	vperm.xlane v21, v1  }
0x8f: {  	v17 =	vsel vm9, $0x1, v0;
	v26 =	vperm.xlane v24, v1;
	v27 =	vperm.xlane v16, v1  }
0x90: {  	vm11 =	veq.s32 v2, $0x0;
	v28 =	vperm.xlane v15, v1;
	v29 =	vperm.xlane v17, v1  }
0x91: {  	v30 =	vsel vm11, $0x0, v23;
	v31 =	vsel vm11, $0x0, v18;
	v32 =	vsel vm11, $0x0, v25  }
0x92: {  	v33 =	vsel vm11, $0x0, v26;
	v18 =	vsel vm11, $0x0, v22;
	v23 =	vsel vm11, $0x0, v29  }
0x93: {  	v25 =	vsel vm11, $0x0, v27;
	v26 =	vsel vm11, $0x0, v28;
	v18 =	vadd.s32 v14, v18  }
0x94: {  	v19 =	vadd.s32 v19, v30;
	v22 =	vadd.s32 v20, v31;
	v20 =	vadd.s32 v21, v32  }
0x95: {  	s18 =	simm.s32 $0x40;
	v21 =	vadd.s32 v24, v33;
	v14 =	vimm.s32 $0x0;
	v24 =	vperm.xlane v22, v3  }
.LBB2_2:
0x96: {  	v15 =	vadd.s32 v15, v26;
	v26 =	vperm.xlane v18, v3  }
0x97: {  	v27 =	vperm.xlane v19, v3;
	v16 =	vadd.s32 v16, v25;
	v25 =	vperm.xlane v20, v3  }
0x98: {  	p4 =	sne.s32 s18, $0x1C0;
	v28 =	vperm.xlane v21, v3;
	v17 =	vadd.s32 v17, v23;
	v23 =	vperm.xlane v16, v3  }
0x99: {  	v29 =	vperm.xlane v15, v3;
	v30 =	vperm.xlane v17, v3;
	v24 =	vsel vm0, $0x0, v24  }
0x9a: {  	v27 =	vsel vm0, $0x0, v27;
	v25 =	vsel vm0, $0x0, v25;
	v28 =	vsel vm0, $0x0, v28  }
0x9b: {  	v26 =	vsel vm0, $0x0, v26;
	v22 =	vadd.s32 v24, v22;
	v30 =	vsel vm0, $0x0, v30  }
0x9c: {  	v23 =	vsel vm0, $0x0, v23;
	v29 =	vsel vm0, $0x0, v29;
	v18 =	vadd.s32 v26, v18  }
0x9d: {  	v19 =	vadd.s32 v27, v19;
	v20 =	vadd.s32 v25, v20;
	v21 =	vadd.s32 v28, v21  }
0x9e: {  	v24 =	vperm.xlane v22, v4;
	v15 =	vadd.s32 v29, v15;
	v25 =	vperm.xlane v18, v4  }
0x9f: {  	v26 =	vperm.xlane v19, v4;
	v16 =	vadd.s32 v23, v16;
	v23 =	vperm.xlane v20, v4  }
0xa0: {  	v27 =	vperm.xlane v21, v4;
	v17 =	vadd.s32 v30, v17;
	v28 =	vperm.xlane v16, v4  }
0xa1: {  	v29 =	vperm.xlane v15, v4;
	v30 =	vperm.xlane v17, v4;
	v24 =	vsel vm1, $0x0, v24  }
0xa2: {  	v26 =	vsel vm1, $0x0, v26;
	v23 =	vsel vm1, $0x0, v23;
	v27 =	vsel vm1, $0x0, v27  }
0xa3: {  	v25 =	vsel vm1, $0x0, v25;
	v22 =	vadd.s32 v24, v22;
	v30 =	vsel vm1, $0x0, v30  }
0xa4: {  	v28 =	vsel vm1, $0x0, v28;
	v29 =	vsel vm1, $0x0, v29;
	v18 =	vadd.s32 v25, v18  }
0xa5: {  	v19 =	vadd.s32 v26, v19;
	v20 =	vadd.s32 v23, v20;
	v21 =	vadd.s32 v27, v21  }
0xa6: {  	v23 =	vperm.xlane v22, v5;
	v15 =	vadd.s32 v29, v15;
	v24 =	vperm.xlane v18, v5  }
0xa7: {  	v25 =	vperm.xlane v19, v5;
	v16 =	vadd.s32 v28, v16;
	v26 =	vperm.xlane v20, v5  }
0xa8: {  	v27 =	vperm.xlane v21, v5;
	v17 =	vadd.s32 v30, v17;
	v28 =	vperm.xlane v16, v5  }
0xa9: {  	vm4 =	vcmask $0x1318;
	v29 =	vperm.xlane v15, v5;
	v30 =	vperm.xlane v17, v5  }
0xaa: {  	v23 =	vsel vm2, $0x0, v23;
	v25 =	vsel vm2, $0x0, v25;
	v26 =	vsel vm2, $0x0, v26  }
0xab: {  	v27 =	vsel vm2, $0x0, v27;
	v24 =	vsel vm2, $0x0, v24;
	v22 =	vadd.s32 v23, v22  }
0xac: {  	v30 =	vsel vm2, $0x0, v30;
	v28 =	vsel vm2, $0x0, v28;
	v29 =	vsel vm2, $0x0, v29  }
0xad: {  	v19 =	vadd.s32 v25, v19;
	v18 =	vadd.s32 v24, v18;
	v17 =	vadd.s32 v30, v17  }
0xae: {  	v21 =	vadd.s32 v27, v21;
	v16 =	vadd.s32 v28, v16;
	v17 =	vperm.xlane v17, v6  }
0xaf: {  	v20 =	vadd.s32 v26, v20;
	v15 =	vadd.s32 v29, v15;
	v16 =	vperm.xlane v16, v6  }
0xb0: {  	v20 =	vperm.xlane v20, v6;
	v15 =	vperm.xlane v15, v6;
	v17 =	vnsel vm3, $0x0, v17  }
0xb1: {  	v18 =	vperm.xlane v18, v6;
	v16 =	vsel vm10, $0x0, v16;
	v14 =	vadd.s32 v14, v17  }
0xb2: {  	v15 =	vsel vm15, $0x0, v15;
	v17 =	vperm.xlane v21, v6;
	v14 =	vadd.s32 v16, v14  }
0xb3: {  	s21 =	sshra.s32 s18, $0x2;
	v20 =	vsel vm14, $0x0, v20;
	v18 =	vsel vm4, $0x0, v18;
	v14 =	vadd.s32 v15, v14  }
0xb4: {  	v15 =	vsel vm13, $0x0, v17;
	v17 =	vperm.xlane v19, v6;
	v14 =	vadd.s32 v20, v14;
	v16 =	vld [tilespmem:s21+$0x0]  }
0xb5: {  	vm4 =	vcmask $0x171C;
	v19 =	vperm.xlane v22, v6;
	v14 =	vadd.s32 v15, v14  }
0xb6: {  	v15 =	vsel vm4, $0x0, v17;
	vm4 =	vcmask $0x1B20;
	v14 =	vadd.s32 v18, v14  }
0xb7: {  	v17 =	vsel vm4, $0x0, v19;
	v14 =	vadd.s32 v15, v14  }
0xb8: {  	v14 =	vadd.s32 v17, v14  }
0xb9: {  	vm4 =	veq.s32 v16, $0x6;
	vm5 =	veq.s32 v16, $0x7;
	vm6 =	veq.s32 v16, $0x3  }
0xba: {  	vm7 =	veq.s32 v16, $0x4;
	vm8 =	veq.s32 v16, $0x5;
	vm9 =	veq.s32 v16, $0x0  }
0xbb: {  	vm12 =	veq.s32 v16, $0x1;
	vm13 =	veq.s32 v16, $0x2;
	v18 =	vsel vm8, $0x1, v0  }
0xbc: {  	v19 =	vsel vm4, $0x1, v0;
	v20 =	vsel vm5, $0x1, v0;
	v21 =	vsel vm6, $0x1, v0  }
0xbd: {  	v24 =	vsel vm7, $0x1, v0;
	v15 =	vsel vm13, $0x1, v0;
	v22 =	vperm.xlane v20, v1  }
0xbe: {  	vm13 =	vcmask $0xF14;
	v23 =	vperm.xlane v18, v1;
	v25 =	vperm.xlane v19, v1  }
0xbf: {  	v16 =	vsel vm12, $0x1, v0;
	v26 =	vperm.xlane v21, v1;
	v27 =	vperm.xlane v24, v1  }
0xc0: {  	v17 =	vsel vm9, $0x1, v0;
	v28 =	vperm.xlane v16, v1;
	v29 =	vperm.xlane v15, v1  }
.Ltmp2:
0xc1: {  	v30 =	vperm.xlane v17, v1;
	v31 =	vsel vm11, $0x0, v25;
	v22 =	vsel vm11, $0x0, v22;
	(pc) =	sbr.rel @p4 .LBB2_2-.Ltmp2, $4  }
0xc2: {  	v32 =	vsel vm11, $0x0, v26;
	v27 =	vsel vm11, $0x0, v27;
	v33 =	vsel vm11, $0x0, v23  }
0xc3: {  	v23 =	vsel vm11, $0x0, v30;
	v25 =	vsel vm11, $0x0, v28;
	v26 =	vsel vm11, $0x0, v29  }
0xc4: {  	v18 =	vadd.s32 v18, v33;
	v19 =	vadd.s32 v19, v31;
	v22 =	vadd.s32 v20, v22  }
0xc5: {  	s18 =	sadd.s32 $0x40, s18;
	v20 =	vadd.s32 v21, v32;
	v21 =	vadd.s32 v24, v27;
	v24 =	vperm.xlane v22, v3  }
0xc6: {  	v15 =	vadd.s32 v15, v26;
	v26 =	vperm.xlane v18, v3  }
0xc7: {  	v27 =	vperm.xlane v19, v3;
	v16 =	vadd.s32 v16, v25;
	v25 =	vperm.xlane v20, v3  }
0xc8: {  	v28 =	vperm.xlane v21, v3;
	v17 =	vadd.s32 v17, v23;
	v23 =	vperm.xlane v16, v3  }
0xc9: {  	v29 =	vperm.xlane v15, v3;
	v30 =	vperm.xlane v17, v3;
	v24 =	vsel vm0, $0x0, v24  }
0xca: {  	v27 =	vsel vm0, $0x0, v27;
	v25 =	vsel vm0, $0x0, v25;
	v28 =	vsel vm0, $0x0, v28  }
0xcb: {  	v26 =	vsel vm0, $0x0, v26;
	v22 =	vadd.s32 v24, v22;
	v30 =	vsel vm0, $0x0, v30  }
0xcc: {  	v23 =	vsel vm0, $0x0, v23;
	v29 =	vsel vm0, $0x0, v29;
	v18 =	vadd.s32 v26, v18  }
0xcd: {  	v19 =	vadd.s32 v27, v19;
	v20 =	vadd.s32 v25, v20;
	v21 =	vadd.s32 v28, v21  }
0xce: {  	v24 =	vperm.xlane v22, v4;
	v15 =	vadd.s32 v29, v15;
	v25 =	vperm.xlane v18, v4  }
0xcf: {  	v26 =	vperm.xlane v19, v4;
	v16 =	vadd.s32 v23, v16;
	v23 =	vperm.xlane v20, v4  }
0xd0: {  	v27 =	vperm.xlane v21, v4;
	v17 =	vadd.s32 v30, v17;
	v28 =	vperm.xlane v16, v4  }
0xd1: {  	v29 =	vperm.xlane v15, v4;
	v30 =	vperm.xlane v17, v4;
	v24 =	vsel vm1, $0x0, v24  }
0xd2: {  	v26 =	vsel vm1, $0x0, v26;
	v23 =	vsel vm1, $0x0, v23;
	v27 =	vsel vm1, $0x0, v27  }
0xd3: {  	v25 =	vsel vm1, $0x0, v25;
	v22 =	vadd.s32 v24, v22;
	v30 =	vsel vm1, $0x0, v30  }
0xd4: {  	v28 =	vsel vm1, $0x0, v28;
	v29 =	vsel vm1, $0x0, v29;
	v18 =	vadd.s32 v25, v18  }
0xd5: {  	v19 =	vadd.s32 v26, v19;
	v20 =	vadd.s32 v23, v20;
	v21 =	vadd.s32 v27, v21  }
0xd6: {  	v23 =	vperm.xlane v22, v5;
	v15 =	vadd.s32 v29, v15;
	v24 =	vperm.xlane v18, v5  }
0xd7: {  	v25 =	vperm.xlane v19, v5;
	v16 =	vadd.s32 v28, v16;
	v26 =	vperm.xlane v20, v5  }
0xd8: {  	v27 =	vperm.xlane v21, v5;
	v17 =	vadd.s32 v30, v17;
	v28 =	vperm.xlane v16, v5  }
0xd9: {  	vm4 =	vcmask $0x1318;
	v29 =	vperm.xlane v15, v5;
	v30 =	vperm.xlane v17, v5  }
0xda: {  	v23 =	vsel vm2, $0x0, v23;
	v25 =	vsel vm2, $0x0, v25;
	v26 =	vsel vm2, $0x0, v26  }
0xdb: {  	v27 =	vsel vm2, $0x0, v27;
	v24 =	vsel vm2, $0x0, v24;
	v22 =	vadd.s32 v23, v22  }
0xdc: {  	v30 =	vsel vm2, $0x0, v30;
	v28 =	vsel vm2, $0x0, v28;
	v29 =	vsel vm2, $0x0, v29  }
0xdd: {  	v19 =	vadd.s32 v25, v19;
	v18 =	vadd.s32 v24, v18;
	v17 =	vadd.s32 v30, v17  }
0xde: {  	v21 =	vadd.s32 v27, v21;
	v16 =	vadd.s32 v28, v16;
	v17 =	vperm.xlane v17, v6  }
0xdf: {  	v20 =	vadd.s32 v26, v20;
	v15 =	vadd.s32 v29, v15;
	v16 =	vperm.xlane v16, v6  }
0xe0: {  	v20 =	vperm.xlane v20, v6;
	v15 =	vperm.xlane v15, v6;
	v17 =	vnsel vm3, $0x0, v17  }
0xe1: {  	v16 =	vsel vm10, $0x0, v16;
	v14 =	vadd.s32 v14, v17;
	v17 =	vperm.xlane v21, v6  }
0xe2: {  	v18 =	vperm.xlane v18, v6;
	v15 =	vsel vm15, $0x0, v15;
	v14 =	vadd.s32 v16, v14  }
0xe3: {  	v16 =	vsel vm14, $0x0, v20;
	v14 =	vadd.s32 v15, v14;
	v15 =	vsel vm13, $0x0, v17  }
0xe4: {  	v17 =	vperm.xlane v19, v6;
	v14 =	vadd.s32 v16, v14;
	v16 =	vsel vm4, $0x0, v18  }
0xe5: {  	v18 =	vperm.xlane v22, v6;
	vm4 =	vcmask $0x171C;
	v14 =	vadd.s32 v15, v14  }
0xe6: {  	v15 =	vsel vm4, $0x0, v17;
	vm4 =	vcmask $0x1B20;
	v14 =	vadd.s32 v16, v14  }
0xe7: {  	v16 =	vsel vm4, $0x0, v18;
	v14 =	vadd.s32 v15, v14  }
0xe8: {  	v14 =	vadd.s32 v16, v14  }
0xe9: {  	s2 =	simm.s32 $0x10180;
	[tilespmem:$0x10180] =	vst v14  }
0xea: {  	[spmem:s7] =	stream.linear.scatter [tilespmem:s2], [sflag:$0x2], $0x10, $0x38;
	[tilespmem:$0x10390] =	vst v63  }
0xeb: {  	_ =	swait.ge [sflag:s16], $0x10  }
0xec: {  	[sflag:s16] =	ssyncset.done $0x0  }
0xed: {  	[sflag:s16] =	ssyncadd.s32 $0xFFFFFFF0  }
0xee: {  	[bflag:$0x0] =	sbarrier.arrive $0xFFFF  }
0xef: {  	s18 =	simm.s32 $0x10200;
	s24 =	rddreg [dreg:$0x4]  }
0xf0: {  	[tilespmem:s18], [sflag:$0x2] =	stream.linear.gather [spmem:s24], $0x100, $0x38;
	[tilespmem:$0x10390] =	vst v63  }
0xf1: {  	_ =	swait.ge [sflag:s16], $0x100  }
0xf2: {  	[sflag:s16] =	ssyncset.done $0x0  }
0xf3: {  	[sflag:s16] =	ssyncadd.s32 $0xFFFFFF00  }
0xf4: {  	v14 =	vld [tilespmem:$0x10200]  }
0xf5: {  	v15 =	vld [tilespmem:$0x10210]  }
0xf6: {  	v16 =	vld [tilespmem:$0x10220]  }
0xf7: {  	v17 =	vld [tilespmem:$0x10230]  }
0xf8: {  	v18 =	vld [tilespmem:$0x10240]  }
0xf9: {  	v19 =	vld [tilespmem:$0x10250]  }
0xfa: {  	s18 =	sld [smem:$0x7FD];
	v20 =	vld [tilespmem:$0x10260];
	v21 =	vadd.s32 v15, v14;
	v14 =	vpsel p3, $0x0, v14;
	v15 =	vpsel !p2, $0x0, v15  }
0xfb: {  	s21 =	sld [smem:$0x7FC];
	v22 =	vld [tilespmem:$0x10270];
	v21 =	vadd.s32 v16, v21;
	v16 =	vpsel !p1, $0x0, v16;
	v14 =	vadd.s32 v14, v15  }
0xfc: {  	s22 =	sld [smem:$0x7FB];
	v23 =	vld [tilespmem:$0x10280];
	v15 =	vpsel !p0, $0x0, v17;
	v21 =	vadd.s32 v17, v21;
	v14 =	vadd.s32 v16, v14  }
0xfd: {  	s23 =	sld [smem:$0x7FA];
	v24 =	vld [tilespmem:$0x10290];
	p4 =	seq.s32 s18, $0x1;
	v16 =	vpsel !p6, $0x0, v18;
	v21 =	vadd.s32 v18, v21;
	v14 =	vadd.s32 v15, v14  }
0xfe: {  	s24 =	sld [smem:$0x7F9];
	v25 =	vld [tilespmem:$0x102A0];
	v15 =	vpsel !p4, $0x0, v19;
	p4 =	seq.s32 s21, $0x1;
	v21 =	vadd.s32 v19, v21;
	v14 =	vadd.s32 v16, v14  }
0xff: {  	v26 =	vld [tilespmem:$0x102B0];
	s18 =	sld [smem:$0x7F7];
	v16 =	vpsel !p4, $0x0, v20;
	p4 =	seq.s32 s22, $0x1;
	v21 =	vadd.s32 v20, v21;
	v14 =	vadd.s32 v15, v14  }
0x100: {  	v27 =	vld [tilespmem:$0x102C0];
	s21 =	sld [smem:$0x7F6];
	v15 =	vpsel !p4, $0x0, v22;
	p4 =	seq.s32 s23, $0x1;
	v21 =	vadd.s32 v22, v21;
	v14 =	vadd.s32 v16, v14  }
0x101: {  	v28 =	vld [tilespmem:$0x102D0];
	s22 =	sld [smem:$0x7F5];
	v16 =	vpsel !p4, $0x0, v23;
	p4 =	seq.s32 s24, $0x1;
	v21 =	vadd.s32 v23, v21;
	v14 =	vadd.s32 v15, v14  }
0x102: {  	v29 =	vld [tilespmem:$0x102E0];
	s23 =	sld [smem:$0x7F4];
	v15 =	vpsel !p4, $0x0, v24;
	p4 =	seq.s32 s18, $0x1;
	s18 =	simm.s32 $0x0;
	v21 =	vadd.s32 v24, v21;
	v14 =	vadd.s32 v16, v14  }
0x103: {  	s24 =	sld [smem:$0x7F3];
	v16 =	vpsel !p4, $0x0, v25;
	p4 =	seq.s32 s21, $0x1;
	v20 =	vld [tilespmem:s18+$0x0];
	v24 =	vimm.s32 $0x0;
	v21 =	vadd.s32 v25, v21  }
0x104: {  	v14 =	vadd.s32 v15, v14;
	v15 =	vpsel !p4, $0x0, v26;
	p4 =	seq.s32 s22, $0x1;
	v21 =	vadd.s32 v26, v21  }
0x105: {  	v30 =	vld [tilespmem:$0x102F0];
	v14 =	vadd.s32 v16, v14;
	v16 =	vpsel !p4, $0x0, v27;
	p4 =	seq.s32 s23, $0x1;
	v21 =	vadd.s32 v27, v21  }
0x106: {  	v14 =	vadd.s32 v15, v14;
	v15 =	vpsel !p4, $0x0, v28;
	p4 =	seq.s32 s24, $0x1;
	v21 =	vadd.s32 v28, v21  }
0x107: {  	v14 =	vadd.s32 v16, v14;
	v16 =	vpsel !p4, $0x0, v29;
	v21 =	vadd.s32 v29, v21  }
0x108: {  	v14 =	vadd.s32 v15, v14;
	vm6 =	veq.s32 v20, $0x7;
	vm8 =	veq.s32 v20, $0x3  }
0x109: {  	vm7 =	veq.s32 v20, $0x4;
	vm5 =	veq.s32 v20, $0x5;
	vm4 =	veq.s32 v20, $0x0  }
0x10a: {  	vm12 =	veq.s32 v20, $0x1;
	vm9 =	veq.s32 v20, $0x2;
	v21 =	vadd.s32 v30, v21  }
0x10b: {  	v16 =	vadd.s32 v16, v14;
	v25 =	vsel vm6, $0x1, v0;
	v21 =	vadd.s32 $0x3F, v21  }
0x10c: {  	v27 =	vsel vm8, $0x1, v0;
	v28 =	vsel vm7, $0x1, v0;
	v21 =	vand.u32 $0xFFFFFFC0, v21  }
0x10d: {  	v33 =	vsel vm12, $0x1, v0;
	v29 =	vperm.xlane v25, v1;
	v30 =	vperm.xlane v21, v1  }
0x10e: {  	v36 =	vsel vm4, $0x1, v0;
	v34 =	vperm.xlane v27, v1;
	v35 =	vperm.xlane v28, v1  }
0x10f: {  	v37 =	vperm.xlane v33, v1;
	v39 =	vperm.xlane v36, v1;
	v17 =	vsel vm11, $0x0, v30  }
0x110: {  	vm11 =	veq.s32 v20, $0x6;
	v20 =	vsel vm5, $0x1, v0;
	v30 =	vsel vm9, $0x1, v0  }
0x111: {  	v17 =	vadd.s32 v17, v21;
	v24 =	vsel vm11, $0xFFFFFFFF, v24;
	v31 =	vperm.xlane v20, v1  }
0x112: {  	v38 =	vperm.xlane v30, v1;
	[tilespmem:$0x1FFE0] =	vst v24;
	v24 =	vsel vm11, $0x1, v0;
	vm11 =	veq.s32 v2, $0x0  }
0x113: {  	v18 =	vperm.xlane v17, v3;
	v32 =	vperm.xlane v24, v1;
	v29 =	vsel vm11, $0x0, v29  }
0x114: {  	v34 =	vsel vm11, $0x0, v34;
	v35 =	vsel vm11, $0x0, v35;
	v31 =	vsel vm11, $0x0, v31  }
0x115: {  	v39 =	vsel vm11, $0x0, v39;
	v37 =	vsel vm11, $0x0, v37;
	v38 =	vsel vm11, $0x0, v38  }
0x116: {  	v18 =	vsel vm0, $0x0, v18;
	v20 =	vadd.s32 v20, v31;
	v25 =	vadd.s32 v25, v29  }
0x117: {  	v27 =	vadd.s32 v27, v34;
	v28 =	vadd.s32 v28, v35;
	v30 =	vadd.s32 v30, v38  }
0x118: {  	v33 =	vadd.s32 v33, v37;
	v36 =	vadd.s32 v36, v39;
	v29 =	vperm.xlane v25, v3  }
0x119: {  	v17 =	vadd.s32 v18, v17;
	v31 =	vperm.xlane v20, v3;
	v34 =	vperm.xlane v27, v3  }
0x11a: {  	v32 =	vsel vm11, $0x0, v32;
	v35 =	vperm.xlane v28, v3;
	v37 =	vperm.xlane v33, v3  }
0x11b: {  	v38 =	vperm.xlane v30, v3;
	v39 =	vperm.xlane v36, v3;
	v24 =	vadd.s32 v24, v32  }
0x11c: {  	v18 =	vperm.xlane v17, v4;
	v32 =	vperm.xlane v24, v3;
	v29 =	vsel vm0, $0x0, v29  }
0x11d: {  	v34 =	vsel vm0, $0x0, v34;
	v35 =	vsel vm0, $0x0, v35;
	v31 =	vsel vm0, $0x0, v31  }
0x11e: {  	v39 =	vsel vm0, $0x0, v39;
	v37 =	vsel vm0, $0x0, v37;
	v38 =	vsel vm0, $0x0, v38  }
0x11f: {  	v18 =	vsel vm1, $0x0, v18;
	v20 =	vadd.s32 v31, v20;
	v25 =	vadd.s32 v29, v25  }
0x120: {  	v27 =	vadd.s32 v34, v27;
	v28 =	vadd.s32 v35, v28;
	v30 =	vadd.s32 v38, v30  }
0x121: {  	v33 =	vadd.s32 v37, v33;
	v36 =	vadd.s32 v39, v36;
	v29 =	vperm.xlane v25, v4  }
0x122: {  	v17 =	vadd.s32 v18, v17;
	v31 =	vperm.xlane v20, v4;
	v34 =	vperm.xlane v27, v4  }
0x123: {  	v32 =	vsel vm0, $0x0, v32;
	v35 =	vperm.xlane v28, v4;
	v37 =	vperm.xlane v33, v4  }
0x124: {  	v38 =	vperm.xlane v30, v4;
	v39 =	vperm.xlane v36, v4;
	v24 =	vadd.s32 v32, v24  }
0x125: {  	v18 =	vperm.xlane v17, v5;
	v32 =	vperm.xlane v24, v4;
	v29 =	vsel vm1, $0x0, v29  }
0x126: {  	v34 =	vsel vm1, $0x0, v34;
	v35 =	vsel vm1, $0x0, v35;
	v31 =	vsel vm1, $0x0, v31  }
0x127: {  	v39 =	vsel vm1, $0x0, v39;
	v37 =	vsel vm1, $0x0, v37;
	v38 =	vsel vm1, $0x0, v38  }
0x128: {  	v15 =	vsel vm2, $0x0, v18;
	v20 =	vadd.s32 v31, v20;
	v25 =	vadd.s32 v29, v25  }
0x129: {  	v27 =	vadd.s32 v34, v27;
	v28 =	vadd.s32 v35, v28;
	v30 =	vadd.s32 v38, v30  }
0x12a: {  	v33 =	vadd.s32 v37, v33;
	v36 =	vadd.s32 v39, v36;
	v29 =	vperm.xlane v25, v5  }
0x12b: {  	v14 =	vadd.s32 v15, v17;
	v31 =	vperm.xlane v20, v5;
	v34 =	vperm.xlane v27, v5  }
0x12c: {  	v15 =	vsub.s32 v16, v21;
	v35 =	vperm.xlane v28, v5;
	v37 =	vperm.xlane v33, v5  }
0x12d: {  	v38 =	vperm.xlane v30, v5;
	v39 =	vperm.xlane v36, v5;
	v19 =	vadd.s32 v14, v15  }
0x12e: {  	v17 =	vperm.xlane v19, v0;
	v16 =	vperm.xlane v19, v7  }
0x12f: {  	vm6 =	vmmov vm6;
	v15 =	vperm.xlane v19, v8;
	v26 =	vperm.xlane v19, v9  }
0x130: {  	v32 =	vsel vm1, $0x0, v32;
	v18 =	vperm.xlane v19, v10;
	v22 =	vperm.xlane v19, v11  }
0x131: {  	v24 =	vadd.s32 v32, v24;
	v21 =	vperm.xlane v19, v12;
	v23 =	vperm.xlane v19, v13  }
0x132: {  	v32 =	vperm.xlane v24, v5;
	v29 =	vsel vm2, $0x0, v29;
	v34 =	vsel vm2, $0x0, v34  }
0x133: {  	v35 =	vsel vm2, $0x0, v35;
	v31 =	vsel vm2, $0x0, v31;
	v39 =	vsel vm2, $0x0, v39  }
0x134: {  	v37 =	vsel vm2, $0x0, v37;
	v38 =	vsel vm2, $0x0, v38;
	v36 =	vadd.s32 v39, v36  }
0x135: {  	v29 =	vadd.s32 v29, v25;
	v33 =	vadd.s32 v37, v33;
	v31 =	vadd.s32 v31, v20  }
0x136: {  	v30 =	vadd.s32 v38, v30;
	v27 =	vadd.s32 v34, v27;
	v20 =	vperm.xlane v33, v6  }
0x137: {  	v28 =	vadd.s32 v35, v28;
	v25 =	vperm.xlane v30, v6;
	v34 =	vperm.xlane v27, v6  }
0x138: {  	v32 =	vsel vm2, $0x0, v32;
	v53 =	vperm.xlane v31, v6;
	v54 =	vperm.xlane v29, v6  }
0x139: {  	v17 =	vadd.s32 v17, v36;
	v16 =	vadd.s32 v16, v33;
	v15 =	vadd.s32 v15, v30  }
0x13a: {  	v26 =	vadd.s32 v26, v27;
	v23 =	vadd.s32 v23, v29;
	v32 =	vadd.s32 v32, v24  }
0x13b: {  	v24 =	vperm.xlane v36, v6;
	v17 =	vadd.s32 $0xFFFFFFFF, v17;
	v33 =	vadd.s32 $0xFFFFFFFF, v16  }
0x13c: {  	v56 =	vadd.s32 $0xFFFFFFFF, v15;
	v26 =	vadd.s32 $0xFFFFFFFF, v26;
	v20 =	vsel vm10, $0x0, v20  }
0x13d: {  	vm10 =	vcmask $0x1318;
	v55 =	vnsel vm4, $0x0, v17;
	v24 =	vnsel vm3, $0x0, v24  }
0x13e: {  	v21 =	vadd.s32 v21, v32;
	v30 =	vsel vm12, v33, v55;
	v19 =	vadd.s32 v19, v24  }
0x13f: {  	v24 =	vsel vm15, $0x0, v25;
	v25 =	vperm.xlane v28, v6;
	v27 =	vsel vm9, v56, v30  }
0x140: {  	v28 =	vadd.s32 v18, v28;
	v19 =	vadd.s32 v20, v19;
	v20 =	vsel vm14, $0x0, v34  }
0x141: {  	s21 =	simm.s32 $0x10;
	v26 =	vsel vm8, v26, v27;
	v27 =	vadd.s32 $0xFFFFFFFF, v28;
	v28 =	vadd.s32 v22, v31  }
0x142: {  	v30 =	vld [tilespmem:s21+$0x0];
	v19 =	vadd.s32 v24, v19;
	v24 =	vsel vm13, $0x0, v25;
	v25 =	vperm.xlane v32, v6  }
0x143: {  	v26 =	vsel vm7, v27, v26;
	v27 =	vadd.s32 $0xFFFFFFFF, v28;
	v19 =	vadd.s32 v20, v19  }
0x144: {  	v20 =	vsel vm10, $0x0, v53;
	vm10 =	vcmask $0x171C;
	v26 =	vsel vm5, v27, v26  }
0x145: {  	v27 =	vadd.s32 $0xFFFFFFFF, v21;
	v21 =	vadd.s32 $0xFFFFFFFF, v23;
	v19 =	vadd.s32 v24, v19  }
0x146: {  	v24 =	vsel vm10, $0x0, v25;
	vm10 =	vcmask $0x1B20;
	v19 =	vadd.s32 v20, v19  }
0x147: {  	v20 =	vsel vm10, $0x0, v54;
	vm9 =	veq.s32 v30, $0x7;
	vm14 =	veq.s32 v30, $0x4  }
0x148: {  	vm7 =	veq.s32 v30, $0x0;
	vm5 =	veq.s32 v30, $0x1;
	v19 =	vadd.s32 v24, v19  }
0x149: {  	v29 =	vsel vm9, $0x1, v0;
	v57 =	vsel vm14, $0x1, v0;
	v28 =	vsel vm5, $0x1, v0  }
0x14a: {  	v23 =	vld [tilespmem:$0x1FFE0];
	v31 =	vsel vm7, $0x1, v0;
	v58 =	vperm.xlane v29, v1;
	v62 =	vperm.xlane v57, v1  }
0x14b: {  	v25 =	vadd.s32 v20, v19;
	v63 =	vperm.xlane v28, v1;
	v41 =	vperm.xlane v31, v1  }
0x14c: {  	vm12 =	veq.s32 v30, $0x6;
	v24 =	vperm.xlane v25, v0;
	v20 =	vperm.xlane v25, v7  }
0x14d: {  	vm15 =	veq.s32 v30, $0x3;
	v19 =	vperm.xlane v25, v8;
	v17 =	vperm.xlane v25, v9  }
0x14e: {  	vm13 =	veq.s32 v30, $0x5;
	v16 =	vperm.xlane v25, v10;
	v15 =	vperm.xlane v25, v11  }
0x14f: {  	v18 =	vperm.xlane v25, v12;
	v22 =	vperm.xlane v25, v13;
	vm4 =	vnez.u8 v23  }
0x150: {  	v23 =	vsel vm4, v27, v26;
	vm4 =	veq.s32 v30, $0x2;
	v26 =	vsel vm13, $0x1, v0  }
0x151: {  	v27 =	vsel vm12, $0x1, v0;
	v30 =	vsel vm15, $0x1, v0;
	v32 =	vsel vm11, $0x0, v58  }
0x152: {  	v38 =	vsel vm11, $0x0, v62;
	v34 =	vsel vm11, $0x0, v41;
	v36 =	vsel vm11, $0x0, v63  }
0x153: {  	v33 =	vsel vm4, $0x1, v0;
	v59 =	vperm.xlane v26, v1;
	v60 =	vperm.xlane v27, v1  }
0x154: {  	v61 =	vperm.xlane v30, v1;
	v32 =	vadd.s32 v29, v32;
	v40 =	vperm.xlane v33, v1  }
0x155: {  	v35 =	vperm.xlane v32, v3;
	v42 =	vsel vm11, $0x0, v60;
	v44 =	vsel vm11, $0x0, v59  }
0x156: {  	v43 =	vsel vm11, $0x0, v61;
	v37 =	vsel vm11, $0x0, v40;
	v26 =	vadd.s32 v26, v44  }
0x157: {  	s22 =	simm.s32 $0x10;
	s23 =	simm.s32 $0x0;
	s24 =	simm.s32 $0x80;
	v27 =	vadd.s32 v27, v42;
	v29 =	vadd.s32 v30, v43;
	v30 =	vadd.s32 v57, v38  }
.LBB2_4:
0x158: {  	v33 =	vadd.s32 v33, v37;
	v37 =	vperm.xlane v26, v3;
	v38 =	vperm.xlane v27, v3  }
0x159: {  	vm8 =	vmmov vm6;
	vm6 =	vmmov vm9;
	v28 =	vadd.s32 v28, v36  }
0x15a: {  	v36 =	vperm.xlane v29, v3;
	v39 =	vperm.xlane v30, v3;
	v31 =	vadd.s32 v31, v34  }
0x15b: {  	p4 =	sne.s32 s24, $0xC0;
	vm9 =	vcmask $0x308;
	v34 =	vperm.xlane v28, v3;
	v40 =	vperm.xlane v33, v3  }
0x15c: {  	v41 =	vperm.xlane v31, v3;
	v35 =	vsel vm0, $0x0, v35;
	v38 =	vsel vm0, $0x0, v38  }
0x15d: {  	v36 =	vsel vm0, $0x0, v36;
	v39 =	vsel vm0, $0x0, v39;
	v37 =	vsel vm0, $0x0, v37  }
0x15e: {  	v32 =	vadd.s32 v35, v32;
	v41 =	vsel vm0, $0x0, v41;
	v34 =	vsel vm0, $0x0, v34  }
0x15f: {  	v40 =	vsel vm0, $0x0, v40;
	v26 =	vadd.s32 v37, v26;
	v27 =	vadd.s32 v38, v27  }
0x160: {  	v29 =	vadd.s32 v36, v29;
	v30 =	vadd.s32 v39, v30;
	v35 =	vperm.xlane v32, v4  }
0x161: {  	v33 =	vadd.s32 v40, v33;
	v36 =	vperm.xlane v26, v4;
	v37 =	vperm.xlane v27, v4  }
0x162: {  	v28 =	vadd.s32 v34, v28;
	v34 =	vperm.xlane v29, v4;
	v38 =	vperm.xlane v30, v4  }
0x163: {  	v31 =	vadd.s32 v41, v31;
	v39 =	vperm.xlane v28, v4;
	v40 =	vperm.xlane v33, v4  }
0x164: {  	v41 =	vperm.xlane v31, v4;
	v35 =	vsel vm1, $0x0, v35;
	v37 =	vsel vm1, $0x0, v37  }
0x165: {  	v34 =	vsel vm1, $0x0, v34;
	v38 =	vsel vm1, $0x0, v38;
	v36 =	vsel vm1, $0x0, v36  }
0x166: {  	v32 =	vadd.s32 v35, v32;
	v41 =	vsel vm1, $0x0, v41;
	v39 =	vsel vm1, $0x0, v39  }
0x167: {  	v40 =	vsel vm1, $0x0, v40;
	v26 =	vadd.s32 v36, v26;
	v27 =	vadd.s32 v37, v27  }
0x168: {  	v29 =	vadd.s32 v34, v29;
	v30 =	vadd.s32 v38, v30;
	v34 =	vperm.xlane v32, v5  }
0x169: {  	v33 =	vadd.s32 v40, v33;
	v35 =	vperm.xlane v26, v5;
	v36 =	vperm.xlane v27, v5  }
0x16a: {  	v28 =	vadd.s32 v39, v28;
	v37 =	vperm.xlane v29, v5;
	v38 =	vperm.xlane v30, v5  }
0x16b: {  	v31 =	vadd.s32 v41, v31;
	v39 =	vperm.xlane v28, v5;
	v40 =	vperm.xlane v33, v5  }
0x16c: {  	v41 =	vperm.xlane v31, v5;
	v34 =	vsel vm2, $0x0, v34;
	v36 =	vsel vm2, $0x0, v36  }
0x16d: {  	v37 =	vsel vm2, $0x0, v37;
	v38 =	vsel vm2, $0x0, v38;
	v35 =	vsel vm2, $0x0, v35  }
0x16e: {  	v32 =	vadd.s32 v34, v32;
	v41 =	vsel vm2, $0x0, v41;
	v39 =	vsel vm2, $0x0, v39  }
0x16f: {  	v40 =	vsel vm2, $0x0, v40;
	v27 =	vadd.s32 v36, v27;
	v26 =	vadd.s32 v35, v26  }
0x170: {  	v29 =	vadd.s32 v37, v29;
	v31 =	vadd.s32 v41, v31;
	v28 =	vadd.s32 v39, v28  }
0x171: {  	v33 =	vadd.s32 v40, v33;
	v34 =	vperm.xlane v31, v6;
	v35 =	vperm.xlane v28, v6  }
0x172: {  	v30 =	vadd.s32 v38, v30;
	v37 =	vperm.xlane v29, v6;
	v36 =	vperm.xlane v33, v6  }
0x173: {  	v34 =	vnsel vm3, $0x0, v34;
	v35 =	vsel vm9, $0x0, v35;
	vm9 =	vcmask $0x70C  }
0x174: {  	v24 =	vadd.s32 v24, v31;
	v25 =	vadd.s32 v25, v34;
	v34 =	vsel vm9, $0x0, v36  }
0x175: {  	v36 =	vperm.xlane v30, v6;
	vm9 =	vcmask $0xB10;
	v25 =	vadd.s32 v35, v25  }
0x176: {  	v35 =	vsel vm9, $0x0, v37;
	v37 =	vperm.xlane v26, v6;
	vm9 =	vcmask $0xF14  }
0x177: {  	v25 =	vadd.s32 v34, v25;
	v34 =	vsel vm9, $0x0, v36;
	vm9 =	vcmask $0x1318  }
0x178: {  	v36 =	vperm.xlane v27, v6;
	v25 =	vadd.s32 v35, v25;
	v35 =	vsel vm9, $0x0, v37  }
0x179: {  	v37 =	vperm.xlane v32, v6;
	vm9 =	vcmask $0x171C;
	v25 =	vadd.s32 v34, v25  }
0x17a: {  	v31 =	vsel vm9, $0x0, v36;
	vm9 =	vcmask $0x1B20;
	v25 =	vadd.s32 v35, v25  }
0x17b: {  	v24 =	vadd.s32 $0xFFFFFFFF, v24;
	v34 =	vsel vm9, $0x0, v37;
	v25 =	vadd.s32 v31, v25  }
0x17c: {  	v28 =	vadd.s32 v20, v28;
	v31 =	vnsel vm7, $0x0, v24;
	v25 =	vadd.s32 v34, v25  }
0x17d: {  	v28 =	vadd.s32 $0xFFFFFFFF, v28;
	v24 =	vperm.xlane v25, v0;
	v20 =	vperm.xlane v25, v7  }
0x17e: {  	v33 =	vadd.s32 v19, v33;
	v34 =	vperm.xlane v25, v9;
	v19 =	vperm.xlane v25, v8  }
0x17f: {  	v28 =	vsel vm5, v28, v31;
	v31 =	vadd.s32 $0xFFFFFFFF, v33;
	v35 =	vperm.xlane v25, v10  }
0x180: {  	s2 =	sshra.s32 s24, $0x2;
	v29 =	vadd.s32 v17, v29;
	v33 =	vperm.xlane v25, v11;
	v28 =	vsel vm4, v31, v28;
	v17 =	vmovc v34  }
0x181: {  	v29 =	vadd.s32 $0xFFFFFFFF, v29;
	v30 =	vadd.s32 v16, v30;
	v34 =	vperm.xlane v25, v12;
	v16 =	vmovc v35;
	v31 =	vld [tilespmem:s2+$0x0]  }
0x182: {  	v26 =	vadd.s32 v15, v26;
	v28 =	vsel vm15, v29, v28;
	v29 =	vadd.s32 $0xFFFFFFFF, v30;
	v15 =	vmovc v33  }
0x183: {  	v26 =	vadd.s32 $0xFFFFFFFF, v26;
	v30 =	vperm.xlane v25, v13;
	v28 =	vsel vm14, v29, v28  }
0x184: {  	v27 =	vadd.s32 v18, v27;
	v29 =	vadd.s32 v22, v32;
	v26 =	vsel vm13, v26, v28;
	v18 =	vmovc v34  }
0x185: {  	v27 =	vadd.s32 $0xFFFFFFFF, v27;
	v28 =	vsel vm8, v21, v23;
	v21 =	vadd.s32 $0xFFFFFFFF, v29;
	v22 =	vmovc v30  }
0x186: {  	v23 =	vsel vm12, v27, v26;
	vm9 =	veq.s32 v31, $0x7;
	vm12 =	veq.s32 v31, $0x6;
	[tilespmem:s23+$0x80] =	vst v28;
	s23 =	smov.u32 s22;
	s22 =	smov.u32 s2  }
0x187: {  	vm15 =	veq.s32 v31, $0x3;
	vm14 =	veq.s32 v31, $0x4;
	vm13 =	veq.s32 v31, $0x5  }
0x188: {  	vm7 =	veq.s32 v31, $0x0;
	vm5 =	veq.s32 v31, $0x1;
	vm4 =	veq.s32 v31, $0x2  }
0x189: {  	v26 =	vsel vm13, $0x1, v0;
	v27 =	vsel vm12, $0x1, v0;
	v29 =	vsel vm9, $0x1, v0  }
0x18a: {  	v30 =	vsel vm15, $0x1, v0;
	v35 =	vsel vm14, $0x1, v0;
	v32 =	vperm.xlane v29, v1  }
0x18b: {  	v33 =	vsel vm4, $0x1, v0;
	v34 =	vperm.xlane v26, v1;
	v36 =	vperm.xlane v27, v1  }
0x18c: {  	v28 =	vsel vm5, $0x1, v0;
	v37 =	vperm.xlane v30, v1;
	v38 =	vperm.xlane v35, v1  }
0x18d: {  	v31 =	vsel vm7, $0x1, v0;
	v39 =	vperm.xlane v28, v1;
	v40 =	vperm.xlane v33, v1  }
.Ltmp3:
0x18e: {  	v41 =	vperm.xlane v31, v1;
	v42 =	vsel vm11, $0x0, v36;
	v32 =	vsel vm11, $0x0, v32;
	(pc) =	sbr.rel @p4 .LBB2_4-.Ltmp3, $4  }
0x18f: {  	v43 =	vsel vm11, $0x0, v37;
	v38 =	vsel vm11, $0x0, v38;
	v44 =	vsel vm11, $0x0, v34  }
0x190: {  	v34 =	vsel vm11, $0x0, v41;
	v36 =	vsel vm11, $0x0, v39;
	v37 =	vsel vm11, $0x0, v40  }
0x191: {  	v26 =	vadd.s32 v26, v44;
	v27 =	vadd.s32 v27, v42;
	v32 =	vadd.s32 v29, v32  }
0x192: {  	s24 =	sadd.s32 $0x40, s24;
	v29 =	vadd.s32 v30, v43;
	v30 =	vadd.s32 v35, v38;
	v35 =	vperm.xlane v32, v3  }
0x193: {  	v33 =	vadd.s32 v33, v37  }
0x194: {  	v48 =	vperm.xlane v26, v3;
	v38 =	vperm.xlane v27, v3;
	vm6 =	vmmov vm6  }
0x195: {  	v28 =	vadd.s32 v28, v36;
	v49 =	vperm.xlane v29, v3;
	v39 =	vperm.xlane v30, v3  }
0x196: {  	v31 =	vadd.s32 v31, v34;
	vm8 =	vmmov vm9;
	v50 =	vperm.xlane v28, v3  }
0x197: {  	v40 =	vperm.xlane v33, v3;
	v41 =	vperm.xlane v31, v3;
	v35 =	vsel vm0, $0x0, v35  }
0x198: {  	v38 =	vsel vm0, $0x0, v38;
	v36 =	vsel vm0, $0x0, v49;
	v39 =	vsel vm0, $0x0, v39  }
0x199: {  	v37 =	vsel vm0, $0x0, v48;
	v32 =	vadd.s32 v35, v32;
	v41 =	vsel vm0, $0x0, v41  }
0x19a: {  	v34 =	vsel vm0, $0x0, v50;
	v40 =	vsel vm0, $0x0, v40;
	v26 =	vadd.s32 v37, v26  }
0x19b: {  	v27 =	vadd.s32 v38, v27;
	v29 =	vadd.s32 v36, v29;
	v30 =	vadd.s32 v39, v30  }
0x19c: {  	v35 =	vperm.xlane v32, v4;
	v33 =	vadd.s32 v40, v33;
	v51 =	vperm.xlane v26, v4  }
0x19d: {  	v52 =	vperm.xlane v27, v4;
	v28 =	vadd.s32 v34, v28;
	v53 =	vperm.xlane v29, v4  }
0x19e: {  	v54 =	vperm.xlane v30, v4;
	v31 =	vadd.s32 v41, v31;
	v55 =	vperm.xlane v28, v4  }
0x19f: {  	v40 =	vperm.xlane v33, v4;
	v41 =	vperm.xlane v31, v4;
	v35 =	vsel vm1, $0x0, v35  }
0x1a0: {  	v37 =	vsel vm1, $0x0, v52;
	v34 =	vsel vm1, $0x0, v53;
	v38 =	vsel vm1, $0x0, v54  }
0x1a1: {  	v36 =	vsel vm1, $0x0, v51;
	v32 =	vadd.s32 v35, v32;
	v41 =	vsel vm1, $0x0, v41  }
0x1a2: {  	v39 =	vsel vm1, $0x0, v55;
	v40 =	vsel vm1, $0x0, v40;
	v26 =	vadd.s32 v36, v26  }
0x1a3: {  	v27 =	vadd.s32 v37, v27;
	v29 =	vadd.s32 v34, v29;
	v30 =	vadd.s32 v38, v30  }
0x1a4: {  	v56 =	vperm.xlane v32, v5;
	v33 =	vadd.s32 v40, v33;
	v57 =	vperm.xlane v26, v5  }
0x1a5: {  	v58 =	vperm.xlane v27, v5;
	v28 =	vadd.s32 v39, v28;
	v59 =	vperm.xlane v29, v5  }
0x1a6: {  	v38 =	vperm.xlane v30, v5;
	v31 =	vadd.s32 v41, v31;
	v39 =	vperm.xlane v28, v5  }
0x1a7: {  	vm9 =	vcmask $0x308;
	v40 =	vperm.xlane v33, v5;
	v41 =	vperm.xlane v31, v5  }
0x1a8: {  	v34 =	vsel vm2, $0x0, v56;
	v36 =	vsel vm2, $0x0, v58;
	v37 =	vsel vm2, $0x0, v59  }
0x1a9: {  	v38 =	vsel vm2, $0x0, v38;
	v35 =	vsel vm2, $0x0, v57;
	v32 =	vadd.s32 v34, v32  }
0x1aa: {  	v41 =	vsel vm2, $0x0, v41;
	v39 =	vsel vm2, $0x0, v39;
	v40 =	vsel vm2, $0x0, v40  }
0x1ab: {  	v27 =	vadd.s32 v36, v27;
	v26 =	vadd.s32 v35, v26;
	v30 =	vadd.s32 v38, v30  }
0x1ac: {  	v29 =	vadd.s32 v37, v29;
	v31 =	vadd.s32 v41, v31;
	v28 =	vadd.s32 v39, v28  }
0x1ad: {  	v33 =	vadd.s32 v40, v33;
	v37 =	vperm.xlane v29, v6;
	v63 =	vperm.xlane v30, v6  }
0x1ae: {  	v41 =	vperm.xlane v26, v6;
	v42 =	vperm.xlane v27, v6;
	v17 =	vadd.s32 v17, v29  }
0x1af: {  	v16 =	vadd.s32 v16, v30;
	v15 =	vadd.s32 v15, v26;
	v60 =	vperm.xlane v31, v6  }
0x1b0: {  	v61 =	vperm.xlane v28, v6;
	v62 =	vperm.xlane v33, v6;
	v24 =	vadd.s32 v24, v31  }
0x1b1: {  	v20 =	vadd.s32 v20, v28;
	v19 =	vadd.s32 v19, v33;
	v17 =	vadd.s32 $0xFFFFFFFF, v17  }
0x1b2: {  	v16 =	vadd.s32 $0xFFFFFFFF, v16;
	v15 =	vadd.s32 $0xFFFFFFFF, v15;
	v24 =	vadd.s32 $0xFFFFFFFF, v24  }
0x1b3: {  	v20 =	vadd.s32 $0xFFFFFFFF, v20;
	v19 =	vadd.s32 $0xFFFFFFFF, v19;
	v34 =	vnsel vm3, $0x0, v60  }
0x1b4: {  	v35 =	vsel vm9, $0x0, v61;
	vm9 =	vcmask $0x70C;
	v24 =	vnsel vm7, $0x0, v24  }
0x1b5: {  	v25 =	vadd.s32 v25, v34;
	v36 =	vsel vm9, $0x0, v62;
	vm9 =	vcmask $0xB10  }
0x1b6: {  	v20 =	vsel vm5, v20, v24;
	v25 =	vadd.s32 v35, v25;
	v40 =	vsel vm9, $0x0, v37  }
0x1b7: {  	vm9 =	vcmask $0xF14;
	v19 =	vsel vm4, v19, v20;
	v20 =	vperm.xlane v32, v6  }
0x1b8: {  	vm4 =	vmmov vm8;
	v25 =	vadd.s32 v36, v25;
	v34 =	vsel vm9, $0x0, v63  }
0x1b9: {  	vm9 =	vcmask $0x1318;
	v17 =	vsel vm15, v17, v19;
	vm15 =	vcmask $0x171C  }
0x1ba: {  	v25 =	vadd.s32 v40, v25;
	v31 =	vsel vm9, $0x0, v41;
	v16 =	vsel vm14, v16, v17  }
0x1bb: {  	v17 =	vadd.s32 v18, v27;
	v18 =	vadd.s32 v22, v32;
	vm14 =	vcmask $0x1B20  }
0x1bc: {  	v19 =	vadd.s32 v34, v25;
	v15 =	vsel vm13, v15, v16;
	v16 =	vadd.s32 $0xFFFFFFFF, v17  }
0x1bd: {  	v17 =	vadd.s32 $0xFFFFFFFF, v18;
	v18 =	vsel vm6, v21, v23;
	v15 =	vsel vm12, v16, v15  }
0x1be: {  	v16 =	vsel vm15, $0x0, v42;
	v19 =	vadd.s32 v31, v19;
	[tilespmem:s23+$0x80] =	vst v18;
	v15 =	vsel vm4, v17, v15  }
0x1bf: {  	v17 =	vsel vm14, $0x0, v20;
	v16 =	vadd.s32 v16, v19;
	[tilespmem:s22+$0x80] =	vst v15  }
0x1c0: {  	v19 =	vadd.s32 v17, v16;
	v20 =	vld [tilespmem:s18+$0x40]  }
0x1c1: {  	v17 =	vperm.xlane v19, v0;
	v16 =	vperm.xlane v19, v7  }
0x1c2: {  	v15 =	vperm.xlane v19, v8;
	v26 =	vperm.xlane v19, v9  }
0x1c3: {  	v18 =	vperm.xlane v19, v10;
	v22 =	vperm.xlane v19, v11  }
0x1c4: {  	vm10 =	vcmask $0x308;
	v21 =	vperm.xlane v19, v12;
	v23 =	vperm.xlane v19, v13  }
0x1c5: {  	vm5 =	veq.s32 v20, $0x6;
	vm4 =	veq.s32 v20, $0x7;
	vm8 =	veq.s32 v20, $0x3  }
0x1c6: {  	vm7 =	veq.s32 v20, $0x4;
	vm6 =	veq.s32 v20, $0x5;
	vm13 =	veq.s32 v20, $0x0  }
0x1c7: {  	vm12 =	veq.s32 v20, $0x1;
	vm9 =	veq.s32 v20, $0x2;
	v20 =	vsel vm6, $0x1, v0  }
0x1c8: {  	v24 =	vsel vm5, $0x1, v0;
	v25 =	vsel vm4, $0x1, v0;
	v27 =	vsel vm8, $0x1, v0  }
0x1c9: {  	v28 =	vsel vm7, $0x1, v0;
	v30 =	vsel vm9, $0x1, v0;
	v29 =	vperm.xlane v25, v1  }
0x1ca: {  	v44 =	vsel vm12, $0x1, v0;
	v31 =	vperm.xlane v20, v1;
	v43 =	vperm.xlane v24, v1  }
0x1cb: {  	v47 =	vsel vm13, $0x1, v0;
	v45 =	vperm.xlane v27, v1;
	v46 =	vperm.xlane v28, v1  }
0x1cc: {  	vm4 =	vmmov vm4;
	v48 =	vperm.xlane v44, v1;
	v49 =	vperm.xlane v30, v1  }
0x1cd: {  	v50 =	vperm.xlane v47, v1;
	v32 =	vsel vm11, $0x0, v43;
	v29 =	vsel vm11, $0x0, v29  }
0x1ce: {  	v34 =	vsel vm11, $0x0, v45;
	v35 =	vsel vm11, $0x0, v46;
	v31 =	vsel vm11, $0x0, v31  }
0x1cf: {  	v39 =	vsel vm11, $0x0, v50;
	v37 =	vsel vm11, $0x0, v48;
	v38 =	vsel vm11, $0x0, v49  }
0x1d0: {  	v20 =	vadd.s32 v20, v31;
	v24 =	vadd.s32 v24, v32;
	v25 =	vadd.s32 v25, v29  }
0x1d1: {  	v27 =	vadd.s32 v27, v34;
	v28 =	vadd.s32 v28, v35;
	v29 =	vperm.xlane v25, v3  }
0x1d2: {  	v30 =	vadd.s32 v30, v38;
	v31 =	vperm.xlane v20, v3;
	v32 =	vperm.xlane v24, v3  }
0x1d3: {  	v33 =	vadd.s32 v44, v37;
	v34 =	vperm.xlane v27, v3;
	v35 =	vperm.xlane v28, v3  }
0x1d4: {  	v36 =	vadd.s32 v47, v39;
	v37 =	vperm.xlane v33, v3;
	v38 =	vperm.xlane v30, v3  }
0x1d5: {  	v39 =	vperm.xlane v36, v3;
	v32 =	vsel vm0, $0x0, v32;
	v29 =	vsel vm0, $0x0, v29  }
0x1d6: {  	v34 =	vsel vm0, $0x0, v34;
	v35 =	vsel vm0, $0x0, v35;
	v31 =	vsel vm0, $0x0, v31  }
0x1d7: {  	v39 =	vsel vm0, $0x0, v39;
	v37 =	vsel vm0, $0x0, v37;
	v38 =	vsel vm0, $0x0, v38  }
0x1d8: {  	v20 =	vadd.s32 v31, v20;
	v24 =	vadd.s32 v32, v24;
	v25 =	vadd.s32 v29, v25  }
0x1d9: {  	v27 =	vadd.s32 v34, v27;
	v28 =	vadd.s32 v35, v28;
	v29 =	vperm.xlane v25, v4  }
0x1da: {  	v30 =	vadd.s32 v38, v30;
	v31 =	vperm.xlane v20, v4;
	v32 =	vperm.xlane v24, v4  }
0x1db: {  	v33 =	vadd.s32 v37, v33;
	v34 =	vperm.xlane v27, v4;
	v35 =	vperm.xlane v28, v4  }
0x1dc: {  	v36 =	vadd.s32 v39, v36;
	v37 =	vperm.xlane v33, v4;
	v38 =	vperm.xlane v30, v4  }
0x1dd: {  	v39 =	vperm.xlane v36, v4;
	v32 =	vsel vm1, $0x0, v32;
	v29 =	vsel vm1, $0x0, v29  }
0x1de: {  	v34 =	vsel vm1, $0x0, v34;
	v35 =	vsel vm1, $0x0, v35;
	v31 =	vsel vm1, $0x0, v31  }
0x1df: {  	v39 =	vsel vm1, $0x0, v39;
	v37 =	vsel vm1, $0x0, v37;
	v38 =	vsel vm1, $0x0, v38  }
0x1e0: {  	v20 =	vadd.s32 v31, v20;
	v24 =	vadd.s32 v32, v24;
	v25 =	vadd.s32 v29, v25  }
0x1e1: {  	v27 =	vadd.s32 v34, v27;
	v28 =	vadd.s32 v35, v28;
	v29 =	vperm.xlane v25, v5  }
0x1e2: {  	v30 =	vadd.s32 v38, v30;
	v31 =	vperm.xlane v20, v5;
	v32 =	vperm.xlane v24, v5  }
0x1e3: {  	v33 =	vadd.s32 v37, v33;
	v34 =	vperm.xlane v27, v5;
	v35 =	vperm.xlane v28, v5  }
0x1e4: {  	v36 =	vadd.s32 v39, v36;
	v37 =	vperm.xlane v33, v5;
	v38 =	vperm.xlane v30, v5  }
0x1e5: {  	v39 =	vperm.xlane v36, v5;
	v32 =	vsel vm2, $0x0, v32;
	v29 =	vsel vm2, $0x0, v29  }
0x1e6: {  	v34 =	vsel vm2, $0x0, v34;
	v35 =	vsel vm2, $0x0, v35;
	v31 =	vsel vm2, $0x0, v31  }
0x1e7: {  	v39 =	vsel vm2, $0x0, v39;
	v37 =	vsel vm2, $0x0, v37;
	v38 =	vsel vm2, $0x0, v38  }
0x1e8: {  	v36 =	vadd.s32 v39, v36;
	v32 =	vadd.s32 v32, v24;
	v29 =	vadd.s32 v29, v25  }
0x1e9: {  	v33 =	vadd.s32 v37, v33;
	v31 =	vadd.s32 v31, v20;
	v30 =	vadd.s32 v38, v30  }
0x1ea: {  	v27 =	vadd.s32 v34, v27;
	v24 =	vperm.xlane v36, v6;
	v20 =	vperm.xlane v33, v6  }
0x1eb: {  	v28 =	vadd.s32 v35, v28;
	v25 =	vperm.xlane v30, v6;
	v34 =	vperm.xlane v27, v6  }
0x1ec: {  	v51 =	vperm.xlane v31, v6;
	v52 =	vperm.xlane v29, v6;
	v17 =	vadd.s32 v17, v36  }
0x1ed: {  	v16 =	vadd.s32 v16, v33;
	v15 =	vadd.s32 v15, v30;
	v26 =	vadd.s32 v26, v27  }
0x1ee: {  	v21 =	vadd.s32 v21, v32;
	v23 =	vadd.s32 v23, v29;
	v17 =	vadd.s32 $0xFFFFFFFF, v17  }
0x1ef: {  	v33 =	vadd.s32 $0xFFFFFFFF, v16;
	v54 =	vadd.s32 $0xFFFFFFFF, v15;
	v26 =	vadd.s32 $0xFFFFFFFF, v26  }
0x1f0: {  	v24 =	vnsel vm3, $0x0, v24;
	v20 =	vsel vm10, $0x0, v20;
	vm10 =	vcmask $0x70C  }
0x1f1: {  	v53 =	vnsel vm13, $0x0, v17;
	v19 =	vadd.s32 v19, v24;
	v24 =	vsel vm10, $0x0, v25  }
0x1f2: {  	v25 =	vperm.xlane v28, v6;
	vm10 =	vcmask $0xB10;
	v30 =	vsel vm12, v33, v53  }
0x1f3: {  	v28 =	vadd.s32 v18, v28;
	v19 =	vadd.s32 v20, v19;
	v20 =	vsel vm10, $0x0, v34  }
0x1f4: {  	vm10 =	vcmask $0xF14;
	v27 =	vsel vm9, v54, v30;
	v19 =	vadd.s32 v24, v19  }
0x1f5: {  	v24 =	vsel vm10, $0x0, v25;
	v25 =	vperm.xlane v32, v6;
	vm10 =	vcmask $0x1318  }
0x1f6: {  	v30 =	vld [tilespmem:s21+$0x40];
	v26 =	vsel vm8, v26, v27;
	v27 =	vadd.s32 $0xFFFFFFFF, v28;
	v28 =	vadd.s32 v22, v31  }
0x1f7: {  	v19 =	vadd.s32 v20, v19;
	v20 =	vsel vm10, $0x0, v51;
	v26 =	vsel vm7, v27, v26  }
0x1f8: {  	v27 =	vadd.s32 $0xFFFFFFFF, v28;
	v19 =	vadd.s32 v24, v19;
	v24 =	vsel vm15, $0x0, v25  }
0x1f9: {  	v26 =	vsel vm6, v27, v26;
	v27 =	vadd.s32 $0xFFFFFFFF, v21;
	v21 =	vadd.s32 $0xFFFFFFFF, v23  }
0x1fa: {  	v19 =	vadd.s32 v20, v19;
	v20 =	vsel vm14, $0x0, v52;
	v23 =	vsel vm5, v27, v26  }
0x1fb: {  	v19 =	vadd.s32 v24, v19;
	vm12 =	veq.s32 v30, $0x6;
	vm9 =	veq.s32 v30, $0x7  }
0x1fc: {  	vm15 =	veq.s32 v30, $0x3;
	vm14 =	veq.s32 v30, $0x4;
	vm13 =	veq.s32 v30, $0x5  }
0x1fd: {  	vm7 =	veq.s32 v30, $0x0;
	vm6 =	veq.s32 v30, $0x1;
	v25 =	vadd.s32 v20, v19  }
0x1fe: {  	vm5 =	veq.s32 v30, $0x2;
	v26 =	vsel vm13, $0x1, v0;
	v24 =	vperm.xlane v25, v0  }
0x1ff: {  	v27 =	vsel vm12, $0x1, v0;
	v20 =	vperm.xlane v25, v7;
	v19 =	vperm.xlane v25, v8  }
0x200: {  	v29 =	vsel vm9, $0x1, v0;
	v17 =	vperm.xlane v25, v9;
	v16 =	vperm.xlane v25, v10  }
0x201: {  	v30 =	vsel vm15, $0x1, v0;
	v15 =	vperm.xlane v25, v11;
	v18 =	vperm.xlane v25, v12  }
0x202: {  	v55 =	vsel vm14, $0x1, v0;
	v22 =	vperm.xlane v25, v13;
	v56 =	vperm.xlane v29, v1  }
0x203: {  	v33 =	vsel vm5, $0x1, v0;
	v57 =	vperm.xlane v26, v1;
	v58 =	vperm.xlane v27, v1  }
0x204: {  	v28 =	vsel vm6, $0x1, v0;
	v59 =	vperm.xlane v30, v1;
	v60 =	vperm.xlane v55, v1  }
0x205: {  	v31 =	vsel vm7, $0x1, v0;
	v61 =	vperm.xlane v28, v1;
	v62 =	vperm.xlane v33, v1  }
0x206: {  	v63 =	vperm.xlane v31, v1;
	v42 =	vsel vm11, $0x0, v58;
	v32 =	vsel vm11, $0x0, v56  }
0x207: {  	v43 =	vsel vm11, $0x0, v59;
	v38 =	vsel vm11, $0x0, v60;
	v44 =	vsel vm11, $0x0, v57  }
0x208: {  	v34 =	vsel vm11, $0x0, v63;
	v36 =	vsel vm11, $0x0, v61;
	v37 =	vsel vm11, $0x0, v62  }
0x209: {  	v26 =	vadd.s32 v26, v44;
	v27 =	vadd.s32 v27, v42;
	v32 =	vadd.s32 v29, v32  }
0x20a: {  	s22 =	simm.s32 $0x80;
	v29 =	vadd.s32 v30, v43;
	v30 =	vadd.s32 v55, v38;
	v35 =	vperm.xlane v32, v3  }
.LBB2_6:
0x20b: {  	v33 =	vadd.s32 v33, v37;
	v37 =	vperm.xlane v26, v3;
	v38 =	vperm.xlane v27, v3  }
0x20c: {  	vm8 =	vmmov vm4;
	vm4 =	vmmov vm9;
	v28 =	vadd.s32 v28, v36  }
0x20d: {  	v36 =	vperm.xlane v29, v3;
	v39 =	vperm.xlane v30, v3;
	v31 =	vadd.s32 v31, v34  }
0x20e: {  	p4 =	sne.s32 s22, $0xC0;
	vm9 =	vcmask $0x308;
	v34 =	vperm.xlane v28, v3;
	v40 =	vperm.xlane v33, v3  }
0x20f: {  	v41 =	vperm.xlane v31, v3;
	v35 =	vsel vm0, $0x0, v35;
	v38 =	vsel vm0, $0x0, v38  }
0x210: {  	v36 =	vsel vm0, $0x0, v36;
	v39 =	vsel vm0, $0x0, v39;
	v37 =	vsel vm0, $0x0, v37  }
0x211: {  	v32 =	vadd.s32 v35, v32;
	v41 =	vsel vm0, $0x0, v41;
	v34 =	vsel vm0, $0x0, v34  }
0x212: {  	v40 =	vsel vm0, $0x0, v40;
	v26 =	vadd.s32 v37, v26;
	v27 =	vadd.s32 v38, v27  }
0x213: {  	v29 =	vadd.s32 v36, v29;
	v30 =	vadd.s32 v39, v30;
	v35 =	vperm.xlane v32, v4  }
0x214: {  	v33 =	vadd.s32 v40, v33;
	v36 =	vperm.xlane v26, v4;
	v37 =	vperm.xlane v27, v4  }
0x215: {  	v28 =	vadd.s32 v34, v28;
	v34 =	vperm.xlane v29, v4;
	v38 =	vperm.xlane v30, v4  }
0x216: {  	v31 =	vadd.s32 v41, v31;
	v39 =	vperm.xlane v28, v4;
	v40 =	vperm.xlane v33, v4  }
0x217: {  	v41 =	vperm.xlane v31, v4;
	v35 =	vsel vm1, $0x0, v35;
	v37 =	vsel vm1, $0x0, v37  }
0x218: {  	v34 =	vsel vm1, $0x0, v34;
	v38 =	vsel vm1, $0x0, v38;
	v36 =	vsel vm1, $0x0, v36  }
0x219: {  	v32 =	vadd.s32 v35, v32;
	v41 =	vsel vm1, $0x0, v41;
	v39 =	vsel vm1, $0x0, v39  }
0x21a: {  	v40 =	vsel vm1, $0x0, v40;
	v26 =	vadd.s32 v36, v26;
	v27 =	vadd.s32 v37, v27  }
0x21b: {  	v29 =	vadd.s32 v34, v29;
	v30 =	vadd.s32 v38, v30;
	v34 =	vperm.xlane v32, v5  }
0x21c: {  	v33 =	vadd.s32 v40, v33;
	v35 =	vperm.xlane v26, v5;
	v36 =	vperm.xlane v27, v5  }
0x21d: {  	v28 =	vadd.s32 v39, v28;
	v37 =	vperm.xlane v29, v5;
	v38 =	vperm.xlane v30, v5  }
0x21e: {  	v31 =	vadd.s32 v41, v31;
	v39 =	vperm.xlane v28, v5;
	v40 =	vperm.xlane v33, v5  }
0x21f: {  	v41 =	vperm.xlane v31, v5;
	v34 =	vsel vm2, $0x0, v34;
	v36 =	vsel vm2, $0x0, v36  }
0x220: {  	v37 =	vsel vm2, $0x0, v37;
	v38 =	vsel vm2, $0x0, v38;
	v35 =	vsel vm2, $0x0, v35  }
0x221: {  	v32 =	vadd.s32 v34, v32;
	v41 =	vsel vm2, $0x0, v41;
	v39 =	vsel vm2, $0x0, v39  }
0x222: {  	v40 =	vsel vm2, $0x0, v40;
	v27 =	vadd.s32 v36, v27;
	v26 =	vadd.s32 v35, v26  }
0x223: {  	v29 =	vadd.s32 v37, v29;
	v31 =	vadd.s32 v41, v31;
	v28 =	vadd.s32 v39, v28  }
0x224: {  	v33 =	vadd.s32 v40, v33;
	v34 =	vperm.xlane v31, v6;
	v35 =	vperm.xlane v28, v6  }
0x225: {  	v30 =	vadd.s32 v38, v30;
	v37 =	vperm.xlane v29, v6;
	v36 =	vperm.xlane v33, v6  }
0x226: {  	v34 =	vnsel vm3, $0x0, v34;
	v35 =	vsel vm9, $0x0, v35;
	vm9 =	vcmask $0x70C  }
0x227: {  	v24 =	vadd.s32 v24, v31;
	v25 =	vadd.s32 v25, v34;
	v34 =	vsel vm9, $0x0, v36  }
0x228: {  	v36 =	vperm.xlane v30, v6;
	vm9 =	vcmask $0xB10;
	v25 =	vadd.s32 v35, v25  }
0x229: {  	v35 =	vsel vm9, $0x0, v37;
	v37 =	vperm.xlane v26, v6;
	vm9 =	vcmask $0xF14  }
0x22a: {  	v25 =	vadd.s32 v34, v25;
	v34 =	vsel vm9, $0x0, v36;
	vm9 =	vcmask $0x1318  }
0x22b: {  	v36 =	vperm.xlane v27, v6;
	v25 =	vadd.s32 v35, v25;
	v35 =	vsel vm9, $0x0, v37  }
0x22c: {  	v37 =	vperm.xlane v32, v6;
	vm9 =	vcmask $0x171C;
	v25 =	vadd.s32 v34, v25  }
0x22d: {  	v31 =	vsel vm9, $0x0, v36;
	vm9 =	vcmask $0x1B20;
	v25 =	vadd.s32 v35, v25  }
0x22e: {  	v24 =	vadd.s32 $0xFFFFFFFF, v24;
	v34 =	vsel vm9, $0x0, v37;
	v25 =	vadd.s32 v31, v25  }
0x22f: {  	v28 =	vadd.s32 v20, v28;
	v31 =	vnsel vm7, $0x0, v24;
	v25 =	vadd.s32 v34, v25  }
0x230: {  	v28 =	vadd.s32 $0xFFFFFFFF, v28;
	v24 =	vperm.xlane v25, v0;
	v20 =	vperm.xlane v25, v7  }
0x231: {  	v33 =	vadd.s32 v19, v33;
	v34 =	vperm.xlane v25, v9;
	v19 =	vperm.xlane v25, v8  }
0x232: {  	v28 =	vsel vm6, v28, v31;
	v31 =	vadd.s32 $0xFFFFFFFF, v33;
	v35 =	vperm.xlane v25, v10  }
0x233: {  	s2 =	sshra.s32 s22, $0x2;
	v29 =	vadd.s32 v17, v29;
	v33 =	vperm.xlane v25, v11;
	v28 =	vsel vm5, v31, v28;
	v17 =	vmovc v34  }
0x234: {  	v29 =	vadd.s32 $0xFFFFFFFF, v29;
	v30 =	vadd.s32 v16, v30;
	v34 =	vperm.xlane v25, v12;
	v16 =	vmovc v35;
	v31 =	vld [tilespmem:s2+$0x40]  }
0x235: {  	v26 =	vadd.s32 v15, v26;
	v28 =	vsel vm15, v29, v28;
	v29 =	vadd.s32 $0xFFFFFFFF, v30;
	v15 =	vmovc v33  }
0x236: {  	v26 =	vadd.s32 $0xFFFFFFFF, v26;
	v30 =	vperm.xlane v25, v13;
	v28 =	vsel vm14, v29, v28  }
0x237: {  	v27 =	vadd.s32 v18, v27;
	v29 =	vadd.s32 v22, v32;
	v26 =	vsel vm13, v26, v28;
	v18 =	vmovc v34  }
0x238: {  	v27 =	vadd.s32 $0xFFFFFFFF, v27;
	v28 =	vsel vm8, v21, v23;
	v21 =	vadd.s32 $0xFFFFFFFF, v29;
	v22 =	vmovc v30  }
0x239: {  	v23 =	vsel vm12, v27, v26;
	vm9 =	veq.s32 v31, $0x7;
	vm12 =	veq.s32 v31, $0x6;
	[tilespmem:s18+$0x100] =	vst v28;
	s18 =	smov.u32 s21;
	s21 =	smov.u32 s2  }
0x23a: {  	vm15 =	veq.s32 v31, $0x3;
	vm14 =	veq.s32 v31, $0x4;
	vm13 =	veq.s32 v31, $0x5  }
0x23b: {  	vm7 =	veq.s32 v31, $0x0;
	vm6 =	veq.s32 v31, $0x1;
	vm5 =	veq.s32 v31, $0x2  }
0x23c: {  	v26 =	vsel vm13, $0x1, v0;
	v27 =	vsel vm12, $0x1, v0;
	v29 =	vsel vm9, $0x1, v0  }
0x23d: {  	v30 =	vsel vm15, $0x1, v0;
	v35 =	vsel vm14, $0x1, v0;
	v32 =	vperm.xlane v29, v1  }
0x23e: {  	v33 =	vsel vm5, $0x1, v0;
	v34 =	vperm.xlane v26, v1;
	v36 =	vperm.xlane v27, v1  }
0x23f: {  	v28 =	vsel vm6, $0x1, v0;
	v37 =	vperm.xlane v30, v1;
	v38 =	vperm.xlane v35, v1  }
0x240: {  	v31 =	vsel vm7, $0x1, v0;
	v39 =	vperm.xlane v28, v1;
	v40 =	vperm.xlane v33, v1  }
.Ltmp4:
0x241: {  	v41 =	vperm.xlane v31, v1;
	v42 =	vsel vm11, $0x0, v36;
	v32 =	vsel vm11, $0x0, v32;
	(pc) =	sbr.rel @p4 .LBB2_6-.Ltmp4, $4  }
0x242: {  	v43 =	vsel vm11, $0x0, v37;
	v38 =	vsel vm11, $0x0, v38;
	v44 =	vsel vm11, $0x0, v34  }
0x243: {  	v34 =	vsel vm11, $0x0, v41;
	v36 =	vsel vm11, $0x0, v39;
	v37 =	vsel vm11, $0x0, v40  }
0x244: {  	v26 =	vadd.s32 v26, v44;
	v27 =	vadd.s32 v27, v42;
	v32 =	vadd.s32 v29, v32  }
0x245: {  	s22 =	sadd.s32 $0x40, s22;
	v29 =	vadd.s32 v30, v43;
	v30 =	vadd.s32 v35, v38;
	v35 =	vperm.xlane v32, v3  }
0x246: {  	v25 =	vadd.s32 v33, v37;
	v60 =	vperm.xlane v26, v3  }
0x247: {  	v61 =	vperm.xlane v27, v3;
	vm8 =	vmmov vm4;
	vm4 =	vmmov vm9  }
0x248: {  	v28 =	vadd.s32 v28, v36;
	v62 =	vperm.xlane v29, v3;
	v38 =	vperm.xlane v30, v3  }
0x249: {  	v31 =	vadd.s32 v31, v34;
	v63 =	vperm.xlane v28, v3;
	v39 =	vperm.xlane v25, v3  }
0x24a: {  	v40 =	vperm.xlane v31, v3;
	v35 =	vsel vm0, $0x0, v35;
	vm4 =	vmmov vm4  }
0x24b: {  	v37 =	vsel vm0, $0x0, v61;
	v36 =	vsel vm0, $0x0, v62;
	v38 =	vsel vm0, $0x0, v38  }
0x24c: {  	v33 =	vsel vm0, $0x0, v60;
	v32 =	vadd.s32 v35, v32;
	v40 =	vsel vm0, $0x0, v40  }
0x24d: {  	v34 =	vsel vm0, $0x0, v63;
	v39 =	vsel vm0, $0x0, v39;
	v44 =	vadd.s32 v33, v26  }
0x24e: {  	v45 =	vadd.s32 v37, v27;
	v46 =	vadd.s32 v36, v29;
	v47 =	vadd.s32 v38, v30  }
0x24f: {  	v48 =	vperm.xlane v32, v4;
	v25 =	vadd.s32 v39, v25;
	v49 =	vperm.xlane v44, v4  }
0x250: {  	v50 =	vperm.xlane v45, v4;
	v28 =	vadd.s32 v34, v28;
	v51 =	vperm.xlane v46, v4  }
0x251: {  	v52 =	vperm.xlane v47, v4;
	v31 =	vadd.s32 v40, v31;
	v53 =	vperm.xlane v28, v4  }
0x252: {  	v39 =	vperm.xlane v25, v4;
	v40 =	vperm.xlane v31, v4;
	v33 =	vsel vm1, $0x0, v48  }
0x253: {  	v36 =	vsel vm1, $0x0, v50;
	v34 =	vsel vm1, $0x0, v51;
	v37 =	vsel vm1, $0x0, v52  }
0x254: {  	v35 =	vsel vm1, $0x0, v49;
	v32 =	vadd.s32 v33, v32;
	v40 =	vsel vm1, $0x0, v40  }
0x255: {  	v38 =	vsel vm1, $0x0, v53;
	v39 =	vsel vm1, $0x0, v39;
	v26 =	vadd.s32 v35, v44  }
0x256: {  	v27 =	vadd.s32 v36, v45;
	v29 =	vadd.s32 v34, v46;
	v30 =	vadd.s32 v37, v47  }
0x257: {  	v33 =	vperm.xlane v32, v5;
	v25 =	vadd.s32 v39, v25;
	v54 =	vperm.xlane v26, v5  }
0x258: {  	v55 =	vperm.xlane v27, v5;
	v28 =	vadd.s32 v38, v28;
	v56 =	vperm.xlane v29, v5  }
0x259: {  	v37 =	vperm.xlane v30, v5;
	v31 =	vadd.s32 v40, v31;
	v38 =	vperm.xlane v28, v5  }
0x25a: {  	v39 =	vperm.xlane v25, v5;
	v40 =	vperm.xlane v31, v5;
	v33 =	vsel vm2, $0x0, v33  }
0x25b: {  	v35 =	vsel vm2, $0x0, v55;
	v36 =	vsel vm2, $0x0, v56;
	v37 =	vsel vm2, $0x0, v37  }
0x25c: {  	v34 =	vsel vm2, $0x0, v54;
	v58 =	vadd.s32 v33, v32;
	v40 =	vsel vm2, $0x0, v40  }
0x25d: {  	v38 =	vsel vm2, $0x0, v38;
	v39 =	vsel vm2, $0x0, v39;
	v27 =	vadd.s32 v35, v27  }
0x25e: {  	v30 =	vadd.s32 v37, v30;
	v29 =	vadd.s32 v36, v29;
	v31 =	vadd.s32 v40, v31  }
0x25f: {  	v57 =	vadd.s32 v34, v26;
	v28 =	vadd.s32 v38, v28;
	v24 =	vadd.s32 v24, v31  }
0x260: {  	v25 =	vadd.s32 v39, v25;
	v20 =	vadd.s32 v20, v28;
	v24 =	vadd.s32 $0xFFFFFFFF, v24  }
0x261: {  	v19 =	vadd.s32 v19, v25;
	v20 =	vadd.s32 $0xFFFFFFFF, v20;
	v24 =	vnsel vm7, $0x0, v24  }
0x262: {  	v17 =	vadd.s32 v17, v29;
	v19 =	vadd.s32 $0xFFFFFFFF, v19;
	v20 =	vsel vm6, v20, v24  }
0x263: {  	v16 =	vadd.s32 v16, v30;
	v17 =	vadd.s32 $0xFFFFFFFF, v17;
	v19 =	vsel vm5, v19, v20  }
0x264: {  	v15 =	vadd.s32 v15, v57;
	v16 =	vadd.s32 $0xFFFFFFFF, v16;
	v17 =	vsel vm15, v17, v19  }
0x265: {  	v59 =	vadd.s32 v18, v27;
	v15 =	vadd.s32 $0xFFFFFFFF, v15;
	v16 =	vsel vm14, v16, v17  }
0x266: {  	v60 =	vadd.s32 v22, v58;
	v61 =	vadd.s32 $0xFFFFFFFF, v59;
	v15 =	vsel vm13, v15, v16  }
0x267: {  	v63 =	vsel vm8, v21, v23;
	v62 =	vadd.s32 $0xFFFFFFFF, v60;
	v15 =	vsel vm12, v61, v15  }
0x268: {  	[tilespmem:s18+$0x100] =	vst v63;
	v15 =	vsel vm4, v62, v15  }
0x269: {  	s2 =	simm.s32 @!p5 $0x0;
	s18 =	simm.s32 @!p5 $0x80;
	[tilespmem:s21+$0x100] =	vst v15  }
0x26a: {  	[hbm4b:s8+s2] =	stream.linear.scatter @!p5 [tilespmem:s18], [sflag:$0x2], $0x40, $0x38;
	[tilespmem:$0x10390] =	vst v63  }
0x26b: {  	s18 =	simm.s32 @!p5 $0x2  }
0x26c: {  	_ =	swait.ge @!p5 [sflag:s18], $0x40  }
0x26d: {  	[sflag:s18] =	ssyncset.done @!p5 $0x0  }
0x26e: {  	s21 =	simm.s32 @!p5 $0x100;
	[sflag:s18] =	ssyncadd.s32 @!p5 $0xFFFFFFC0  }
0x26f: {  	[hbm4b:s9+s2] =	stream.linear.scatter @!p5 [tilespmem:s21], [sflag:$0x2], $0x40, $0x38;
	[tilespmem:$0x10390] =	vst v63  }
0x270: {  	_ =	swait.ge @!p5 [sflag:s18], $0x40  }
0x271: {  	s24 =	sld [smem:$0x7F8];
	_ =	sdelay $0x2  }
0x272: {  	p4 =	seq.s32 s24, $0x1  }
.Ltmp5:
0x273: {  	_ = 	snop;
	(pc) =	sbr.rel @p4 .LBB2_9-.Ltmp5, $3  }
0x274: {  	_ =	sdelay $0x1  }
0x275: {  	[sflag:s18] =	ssyncset.done @!p5 $0x0  }
0x276: {  	vm3 =	vcmask $0x70C;
	vm10 =	vcmask $0x308;
	[sflag:s18] =	ssyncadd.s32 @!p5 $0xFFFFFFC0  }
0x277: {  	v16 =	vperm.xlane v14, v0  }
0x278: {  	v15 =	vmul.u32 $0x40, v2;
	v17 =	vperm.xlane v14, v7;
	v19 =	vperm.xlane v14, v8  }
0x279: {  	v22 =	vperm.xlane v14, v9;
	v23 =	vperm.xlane v14, v10  }
0x27a: {  	v24 =	vperm.xlane v14, v11;
	v43 =	vperm.xlane v14, v12;
	v18 =	vor.u32 $0x1, v15  }
0x27b: {  	v14 =	vperm.xlane v14, v13;
	v45 =	vor.u32 $0x401, v15;
	vm4 =	vlt.s32 v16, v18  }
0x27c: {  	v15 =	vor.u32 $0x801, v15;
	v20 =	vsel vm4, $0x1, v0;
	vm4 =	vlt.s32 v19, v18  }
0x27d: {  	vm5 =	vlt.s32 v17, v18;
	v41 =	vsel vm4, $0x1, v0;
	vm4 =	vlt.s32 v22, v18  }
0x27e: {  	v21 =	vsel vm5, $0x1, v0;
	v42 =	vsel vm4, $0x1, v0;
	vm4 =	vlt.s32 v23, v18  }
0x27f: {  	v20 =	vadd.s32 v20, v21;
	v25 =	vsel vm4, $0x1, v0;
	vm4 =	vlt.s32 v24, v18  }
0x280: {  	v20 =	vadd.s32 v41, v20;
	v44 =	vsel vm4, $0x1, v0;
	vm4 =	vlt.s32 v43, v18  }
0x281: {  	v20 =	vadd.s32 v42, v20;
	v26 =	vsel vm4, $0x1, v0;
	vm4 =	vlt.s32 v14, v18  }
0x282: {  	v20 =	vadd.s32 v25, v20;
	v46 =	vsel vm4, $0x1, v0;
	vm4 =	vlt.s32 v16, v45  }
0x283: {  	v20 =	vadd.s32 v44, v20;
	v47 =	vsel vm4, $0x1, v0;
	vm4 =	vlt.s32 v17, v45  }
0x284: {  	v20 =	vadd.s32 v26, v20;
	v48 =	vsel vm4, $0x1, v0;
	vm4 =	vlt.s32 v19, v45  }
0x285: {  	v20 =	vadd.s32 v46, v20;
	v49 =	vsel vm4, $0x1, v0;
	vm4 =	vlt.s32 v22, v45  }
0x286: {  	v57 =	vmin.u32 v20, $0x7;
	v50 =	vsel vm4, $0x1, v0;
	vm4 =	vlt.s32 v23, v45  }
0x287: {  	v25 =	vadd.s32 v47, v48;
	v51 =	vsel vm4, $0x1, v0;
	vm4 =	vlt.s32 v24, v45  }
0x288: {  	v25 =	vadd.s32 v49, v25;
	v52 =	vsel vm4, $0x1, v0;
	vm4 =	vlt.s32 v43, v45  }
0x289: {  	v25 =	vadd.s32 v50, v25;
	v27 =	vsel vm4, $0x1, v0;
	vm4 =	vlt.s32 v14, v45  }
0x28a: {  	v25 =	vadd.s32 v51, v25;
	v54 =	vsel vm4, $0x1, v0;
	vm4 =	vlt.s32 v16, v15  }
0x28b: {  	v53 =	vadd.s32 v52, v25;
	v56 =	vsel vm4, $0x1, v0;
	vm4 =	vlt.s32 v17, v15  }
0x28c: {  	v55 =	vadd.s32 v27, v53;
	v58 =	vsel vm4, $0x1, v0;
	vm4 =	vlt.s32 v19, v15  }
0x28d: {  	v18 =	vadd.s32 v56, v58;
	v19 =	vsel vm4, $0x1, v0;
	vm4 =	vlt.s32 v22, v15  }
0x28e: {  	v18 =	vadd.s32 v19, v18;
	v59 =	vsel vm4, $0x1, v0;
	vm4 =	vlt.s32 v23, v15  }
0x28f: {  	v18 =	vadd.s32 v59, v18;
	v60 =	vsel vm4, $0x1, v0;
	vm4 =	vlt.s32 v24, v15  }
0x290: {  	v18 =	vadd.s32 v60, v18;
	v61 =	vsel vm4, $0x1, v0;
	vm4 =	vlt.s32 v43, v15  }
0x291: {  	v18 =	vadd.s32 v61, v18;
	v62 =	vsel vm4, $0x1, v0;
	vm4 =	vlt.s32 v14, v15  }
0x292: {  	v14 =	vadd.s32 v54, v55;
	v15 =	vadd.s32 v62, v18;
	v63 =	vsel vm4, $0x1, v0  }
0x293: {  	[tilespmem:$0x10300] =	vst v57;
	v14 =	vmin.u32 v14, $0x7;
	v15 =	vadd.s32 v63, v15  }
0x294: {  	[tilespmem:$0x10310] =	vst v14;
	v14 =	vmin.u32 v15, $0x7  }
0x295: {  	s2 =	rddreg [dreg:$0x6];
	s18 =	simm.s32 $0x10300;
	[tilespmem:$0x10320] =	vst v14  }
0x296: {  	[hbm4b:s2+s4] =	stream.linear.scatter [tilespmem:s18], [sflag:$0x2], $0x80, $0x38;
	[tilespmem:$0x10390] =	vst v63  }
0x297: {  	_ =	swait.ge [sflag:s16], $0x80  }
0x298: {  	[sflag:s16] =	ssyncset.done $0x0  }
0x299: {  	[sflag:s16] =	ssyncadd.s32 $0xFFFFFF80  }
.LBB2_9:
0x29a: {  	v14 =	vld [tilespmem:$0x1FFF0]  }
.Ltmp6:
0x29b: {  	_ = 	snop;
	(pc) =	sbr.rel @p5 .LBB2_11-.Ltmp6, $3  }
0x29c: {  	_ =	sdelay $0x1  }
0x29d: {  	vm15 =	vmmov vm3  }
0x29e: {  	vm14 =	vcmask $0xB10;
	vm13 =	vcmask $0xF14;
	vm3 =	vnez.u8 v14  }
0x29f: {  	[tilespmem:s20], [sflag:$0x2] =	stream.linear.gather [hbm4b:s10+s4], $0x10000, $0x38;
	[tilespmem:$0x10390] =	vst v63  }
0x2a0: {  	_ =	swait.ge [sflag:s16], $0x10000  }
0x2a1: {  	[sflag:s16] =	ssyncset.done $0x0  }
0x2a2: {  	[sflag:s16] =	ssyncadd.s32 $0xFFFF0000  }
0x2a3: {  	v14 =	vld [tilespmem:$0x80];
	_ =	sdelay $0x4  }
0x2a4: {  	v15 =	vshll.u32 v14, $0x3  }
0x2a5: {  	v14 =	vand.u32 $0x7, v14;
	v15 =	vand.u32 $0xFFFFFFC0, v15  }
0x2a6: {  	v16 =	vshrl.u32 v2, $0x3;
	v14 =	vor.u32 v14, v15;
	v15 =	vand.u32 $0x7, v2  }
0x2a7: {  	v16 =	vmul.u32 $0x8, v16;
	v17 =	vperm.xlane v14, v15;
	_ =	sdelay $0x1  }
0x2a8: {  	v17 =	vadd.s32 v16, v17;
	_ =	sdelay $0x3  }
0x2a9: {  	vm4 =	vmmov $0xffff  }
0x2aa: {  	v18 =	vor.u32 $0x8, v2;
	[hbm4b:s1+s4] =	stream.indirect_vreg.scatter [tilespmem:s20], [sflag:$0x1], $0x80, v17, vm4, $0xb8;
	[tilespmem:$0x10390] =	vst v63  }
0x2ab: {  	s2 =	simm.s32 $0x980;
	v14 =	vperm.xlane v14, v18  }
0x2ac: {  	[hbm4b:s12+s4] =	stream.indirect_vreg.scatter [tilespmem:s2], [sflag:$0x1], $0x80, v17, vm4, $0xb8;
	[tilespmem:$0x10390] =	vst v63  }
0x2ad: {  	s21 =	simm.s32 $0x1180;
	v14 =	vadd.s32 v16, v14  }
0x2ae: {  	[hbm4b:s13+s4] =	stream.indirect_vreg.scatter [tilespmem:s21], [sflag:$0x1], $0x80, v17, vm4, $0xb8;
	[tilespmem:$0x10390] =	vst v63  }
0x2af: {  	s22 =	simm.s32 $0x1980  }
0x2b0: {  	[hbm4b:s14+s4] =	stream.indirect_vreg.scatter [tilespmem:s22], [sflag:$0x1], $0x80, v17, vm4, $0xb8;
	[tilespmem:$0x10390] =	vst v63  }
0x2b1: {  	s23 =	simm.s32 $0x2180  }
0x2b2: {  	[hbm4b:s1+s4] =	stream.indirect_vreg.scatter [tilespmem:s23], [sflag:$0x1], $0x80, v14, vm4, $0xb8;
	[tilespmem:$0x10390] =	vst v63  }
0x2b3: {  	s24 =	simm.s32 $0x2980  }
0x2b4: {  	[hbm4b:s12+s4] =	stream.indirect_vreg.scatter [tilespmem:s24], [sflag:$0x1], $0x80, v14, vm4, $0xb8;
	[tilespmem:$0x10390] =	vst v63  }
0x2b5: {  	s18 =	simm.s32 $0x3180  }
0x2b6: {  	[hbm4b:s13+s4] =	stream.indirect_vreg.scatter [tilespmem:s18], [sflag:$0x1], $0x80, v14, vm4, $0xb8;
	[tilespmem:$0x10390] =	vst v63  }
0x2b7: {  	s21 =	simm.s32 $0x3980  }
0x2b8: {  	[hbm4b:s14+s4] =	stream.indirect_vreg.scatter [tilespmem:s21], [sflag:$0x1], $0x80, v14, vm4, $0xb8;
	[tilespmem:$0x10390] =	vst v63  }
0x2b9: {  	v14 =	vld [tilespmem:$0x90];
	_ =	sdelay $0x4  }
0x2ba: {  	v63 =	vshll.u32 v14, $0x3  }
0x2bb: {  	v14 =	vand.u32 $0x7, v14;
	v17 =	vand.u32 $0xFFFFFFC0, v63  }
0x2bc: {  	v14 =	vor.u32 v14, v17  }
0x2bd: {  	v15 =	vperm.xlane v14, v15;
	_ =	sdelay $0x1  }
0x2be: {  	v15 =	vadd.s32 v16, v15;
	_ =	sdelay $0x3  }
0x2bf: {  	s22 =	simm.s32 $0x4180  }
0x2c0: {  	[hbm4b:s1+s4] =	stream.indirect_vreg.scatter [tilespmem:s22], [sflag:$0x1], $0x80, v15, vm4, $0xb8;
	[tilespmem:$0x10390] =	vst v63  }
0x2c1: {  	s23 =	simm.s32 $0x4980;
	v14 =	vperm.xlane v14, v18  }
0x2c2: {  	[hbm4b:s12+s4] =	stream.indirect_vreg.scatter [tilespmem:s23], [sflag:$0x1], $0x80, v15, vm4, $0xb8;
	[tilespmem:$0x10390] =	vst v63  }
0x2c3: {  	s24 =	simm.s32 $0x5180;
	v14 =	vadd.s32 v16, v14  }
0x2c4: {  	[hbm4b:s13+s4] =	stream.indirect_vreg.scatter [tilespmem:s24], [sflag:$0x1], $0x80, v15, vm4, $0xb8;
	[tilespmem:$0x10390] =	vst v63  }
0x2c5: {  	s18 =	simm.s32 $0x5980  }
0x2c6: {  	[hbm4b:s14+s4] =	stream.indirect_vreg.scatter [tilespmem:s18], [sflag:$0x1], $0x80, v15, vm4, $0xb8;
	[tilespmem:$0x10390] =	vst v63  }
0x2c7: {  	s21 =	simm.s32 $0x6180  }
0x2c8: {  	[hbm4b:s1+s4] =	stream.indirect_vreg.scatter [tilespmem:s21], [sflag:$0x1], $0x80, v14, vm4, $0xb8;
	[tilespmem:$0x10390] =	vst v63  }
0x2c9: {  	s22 =	simm.s32 $0x6980  }
0x2ca: {  	[hbm4b:s12+s4] =	stream.indirect_vreg.scatter [tilespmem:s22], [sflag:$0x1], $0x80, v14, vm4, $0xb8;
	[tilespmem:$0x10390] =	vst v63  }
.Ltmp7:
0x2cb: {  	_ = 	snop;
	(pc) =	sbr.rel .LBB2_12-.Ltmp7, $4  }
0x2cc: {  	s23 =	simm.s32 $0x7180  }
0x2cd: {  	[hbm4b:s13+s4] =	stream.indirect_vreg.scatter [tilespmem:s23], [sflag:$0x1], $0x80, v14, vm4, $0xb8;
	[tilespmem:$0x10390] =	vst v63  }
0x2ce: {  	s24 =	simm.s32 $0x7980;
	s18 =	simm.s32 $0x80  }
0x2cf: {  	[hbm4b:s14+s4] =	stream.indirect_vreg.scatter [tilespmem:s24], [sflag:$0x1], $0x80, v14, vm4, $0xb8;
	[tilespmem:$0x10390] =	vst v63  }
.LBB2_13:
0x2d0: {  	_ =	sfence.sel $0x180000  }
0x2d1: {  	[bflag:$0x0] =	sbarrier.arrive $0xFFFF  }
0x2d2: {  	_ =	strace $0x90000047  }
0x2d3: {  	s0 =	stileid.u32;
	[bflag:$0x2] =	sbarrier.arrive $0xFFFF  }
0x2d4: {  	p0 =	sne.s32 s0, $0x0;
	s0 =	rddreg [dreg:$0x5]  }
0x2d5: {  	s0 =	sadd.s32 @!p0 $0x100000, s0  }
0x2d6: {  	[sflag:s0] =	ssyncadd.tile.s32 @!p0 $0x1;
	_ =	shalt  }
.Lfunc_end2:
_tile_overlayer_lowered:
.L_overlay_start_2:
0x2d7: {  	(tag) =	ssettag $0x2  }
0x2d8: {  	s0 =	rddreg [dreg:$0x0];
	s2 =	stileid.u32  }
0x2d9: {  	s1 =	rddreg [dreg:$0x1];
	p0 =	sne.s32 s2, $0x0  }
0x2da: {  	s3 =	rddreg [dreg:$0x2];
	[bflag:$0x3] =	sbarrier.arrive $0xFFFF;
	s2 =	simm.s32 @!p0 $0x1C02  }
0x2db: {  	[timem:s3], [sflag:s2] =	dma.local @!p0 [hbm:s0], s1  }
0x2dc: {  	s0 =	simm.s32 @!p0 $0x2  }
0x2dd: {  	_ =	swait.ge @!p0 [sflag:s0], s1  }
0x2de: {  	s1 =	ssub.s32 @!p0 $0x0, s1;
	[sflag:s0] =	ssyncset.done @!p0 $0x0  }
0x2df: {  	[sflag:s0] =	ssyncadd.s32 @!p0 s1  }
0x2e0: {  	[bflag:$0x3] =	sbarrier.arrive $0xFFFF  }
0x2e1: {  	_ =	shalt  }

// kernel: kernel.8.cloned.1.call-start
scs
__scs_entry_jumppad:
0x0: {  	(pc) =	sbr.rel $0x88, $3  }
0x1: {  	(tag) =	ssettag $0x0;
	lr =	simm.s32 $0x1  }
0x2: {  	[smem:$0x3F99] =	sst lr;
	_ =	strace $0xD0000000  }
0x3: {  	_ = 	snop  }
0x4: {  	_ = 	snop  }
0x5: {  	_ = 	snop  }
0x6: {  	_ = 	snop  }
0x7: {  	_ = 	snop  }
__scs_overlays_trampoline_lowered:
0x8: {  	[smem:$0x3FA8] =	sst s0  }
0x9: {  	[smem:$0x3FA9] =	sst s1  }
0xa: {  	[smem:$0x3FAA] =	sst s2  }
0xb: {  	[smem:$0x3FAB] =	sst s3  }
0xc: {  	[smem:$0x3FAC] =	sst s4  }
0xd: {  	[smem:$0x3FAD] =	sst s5  }
0xe: {  	[smem:$0x3FAE] =	sst s6  }
0xf: {  	[smem:$0x3FAF] =	sst s7  }
0x10: {  	[smem:$0x3FB0] =	sst s8  }
0x11: {  	[smem:$0x3FB1] =	sst s9;
	s0 =	simm.s32 @!p0 $0x0  }
0x12: {  	s1 =	sld [smem:$0x3F97];
	s0 =	simm.s32 @p0 $0x1  }
0x13: {  	[smem:$0x3FB2] =	sst s0;
	s0 =	simm.s32 @!p1 $0x0  }
0x14: {  	s2 =	sld [smem:$0x3F96];
	s0 =	simm.s32 @p1 $0x1  }
0x15: {  	[smem:$0x3FB3] =	sst s0;
	s0 =	simm.s32 @!p2 $0x0  }
0x16: {  	s3 =	sld [smem:$0x3FDB];
	s0 =	simm.s32 @p2 $0x1  }
0x17: {  	s4 =	simm.s32 $0x1BF5;
	[smem:$0x3FB5] =	sst s0  }
0x18: {  	s0 =	sld [smem:$0x3F98];
	_ =	swait.ge [sflag:s4], $0x0  }
0x19: {  	s7 =	sld [smem:$0x3F99]  }
0x1a: {  	s8 =	sadd.s32 $0xFFFFE003, lr  }
0x1b: {  	s9 =	sadd.s32 $0xFFFFFEF7, lr;
	s5 =	simm.s32 $0xFFFFFFFF;
	p2 =	slt.u32 s8, $0xFFFFF086  }
0x1c: {  	p1 =	slt.u32 s9, $0xF7A;
	s5 =	simm.s32 @!p2 $0x0  }
0x1d: {  	s5 =	simm.s32 @p1 $0x1;
	p0 =	seq.s32 s7, s2  }
0x1e: {  	s7 =	smul.u32 @!p0 $0xF7A, s2;
	p2 =	seq.s32 @!p0 s5, $0x0  }
0x1f: {  	s9 =	smul.u32 $0xF7A, s1;
	s8 =	simm.s32 @!p0 $0x1BF5;
	p2 =	por !p2, p0  }
0x20: {  	[sflag:s8] =	ssyncset.s32 @!p0 $0xFFFFF086;
	s6 =	sadd.s32 @!p0 s3, s7;
	s7 =	simm.s32 @!p0 $0x108  }
0x21: {  	s3 =	sadd.s32 s3, s9;
	s6 =	sadd.s32 @!p0 $0x88, s6;
	s7 =	simm.s32 @p2 $0x1082  }
0x22: {  	[simem:s7], [sflag:s8] =	dma.local @!p0 [hbm:s6], $0xF7A  }
0x23: {  	s9 =	sor.u32 $0xD0000000, s2;
	s6 =	simm.s32 $0x108;
	_ =	swait.ge @!p0 [sflag:s8], $0x0  }
0x24: {  	s3 =	sadd.s32 $0x88, s3;
	s6 =	simm.s32 @!p1 $0x1082;
	[sflag:s4] =	ssyncset.s32 $0xFFFFF086  }
0x25: {  	[simem:s6], [sflag:s4] =	dma.local [hbm:s3], $0xF7A  }
0x26: {  	[smem:$0x3F99] =	sst s1;
	(tag) =	ssettag s2;
	_ =	strace s9  }
0x27: {  	s1 =	sld [smem:$0x3FA9]  }
0x28: {  	s2 =	sld [smem:$0x3FAA]  }
0x29: {  	s4 =	sld [smem:$0x3FAC]  }
0x2a: {  	p0 =	seq.s32 s5, $0x0;
	s5 =	sld [smem:$0x3FAD]  }
0x2b: {  	s6 =	sld [smem:$0x3FAE]  }
0x2c: {  	s7 =	sld [smem:$0x3FAF]  }
0x2d: {  	s3 =	simm.s32 $0x108;
	s8 =	sld [smem:$0x3FB0]  }
0x2e: {  	s3 =	simm.s32 @!p0 $0x1082;
	s9 =	sld [smem:$0x3FB1]  }
0x2f: {  	lr =	sadd.s32 s0, s3;
	s0 =	sld [smem:$0x3FA8]  }
0x30: {  	s3 =	sld [smem:$0x3FAB]  }
0x31: {  	[smem:$0x3FB4] =	sst s10  }
0x32: {  	s10 =	sld [smem:$0x3FB2];
	_ =	sdelay $0x3  }
0x33: {  	p0 =	seq.s32 s10, $0x1;
	s10 =	sld [smem:$0x3FB4];
	_ =	sdelay $0x3  }
0x34: {  	[smem:$0x3FB4] =	sst s10  }
0x35: {  	s10 =	sld [smem:$0x3FB3];
	_ =	sdelay $0x3  }
0x36: {  	p1 =	seq.s32 s10, $0x1;
	s10 =	sld [smem:$0x3FB4];
	_ =	sdelay $0x3  }
0x37: {  	[smem:$0x3FB4] =	sst s10  }
0x38: {  	s10 =	sld [smem:$0x3FB5]  }
0x39: {  	_ = 	snop;
	(pc) =	sbr.ind lr, $3  }
0x3a: {  	_ = 	snop  }
0x3b: {  	_ = 	snop  }
0x3c: {  	p2 =	seq.s32 s10, $0x1;
	s10 =	sld [smem:$0x3FB4]  }
0x3d: {  	_ =	shalt  }
0x3e: {  	_ =	shalt  }
0x3f: {  	_ =	shalt  }
0x40: {  	_ =	shalt  }
0x41: {  	_ =	shalt  }
0x42: {  	_ =	shalt  }
0x43: {  	_ =	shalt  }
0x44: {  	_ =	shalt  }
0x45: {  	_ =	shalt  }
0x46: {  	_ =	shalt  }
0x47: {  	_ =	shalt  }
0x48: {  	_ =	shalt  }
0x49: {  	_ =	shalt  }
0x4a: {  	_ =	shalt  }
0x4b: {  	_ =	shalt  }
0x4c: {  	_ =	shalt  }
0x4d: {  	_ =	shalt  }
0x4e: {  	_ =	shalt  }
0x4f: {  	_ =	shalt  }
0x50: {  	_ =	shalt  }
0x51: {  	_ =	shalt  }
0x52: {  	_ =	shalt  }
0x53: {  	_ =	shalt  }
0x54: {  	_ =	shalt  }
0x55: {  	_ =	shalt  }
0x56: {  	_ =	shalt  }
0x57: {  	_ =	shalt  }
0x58: {  	_ =	shalt  }
0x59: {  	_ =	shalt  }
0x5a: {  	_ =	shalt  }
0x5b: {  	_ =	shalt  }
0x5c: {  	_ =	shalt  }
0x5d: {  	_ =	shalt  }
0x5e: {  	_ =	shalt  }
0x5f: {  	_ =	shalt  }
0x60: {  	_ =	shalt  }
0x61: {  	_ =	shalt  }
0x62: {  	_ =	shalt  }
0x63: {  	_ =	shalt  }
0x64: {  	_ =	shalt  }
0x65: {  	_ =	shalt  }
0x66: {  	_ =	shalt  }
0x67: {  	_ =	shalt  }
0x68: {  	_ =	shalt  }
0x69: {  	_ =	shalt  }
0x6a: {  	_ =	shalt  }
0x6b: {  	_ =	shalt  }
0x6c: {  	_ =	shalt  }
0x6d: {  	_ =	shalt  }
0x6e: {  	_ =	shalt  }
0x6f: {  	_ =	shalt  }
0x70: {  	_ =	shalt  }
0x71: {  	_ =	shalt  }
0x72: {  	_ =	shalt  }
0x73: {  	_ =	shalt  }
0x74: {  	_ =	shalt  }
0x75: {  	_ =	shalt  }
0x76: {  	_ =	shalt  }
0x77: {  	_ =	shalt  }
0x78: {  	_ =	shalt  }
0x79: {  	_ =	shalt  }
0x7a: {  	_ =	shalt  }
0x7b: {  	_ =	shalt  }
0x7c: {  	_ =	shalt  }
0x7d: {  	_ =	shalt  }
0x7e: {  	_ =	shalt  }
0x7f: {  	_ =	shalt  }
0x80: {  	_ =	shalt  }
0x81: {  	_ =	shalt  }
0x82: {  	_ =	shalt  }
0x83: {  	_ =	shalt  }
0x84: {  	_ =	shalt  }
0x85: {  	_ =	shalt  }
0x86: {  	_ =	shalt  }
0x87: {  	_ =	shalt  }
.Lfunc_end0:
.L_simem_size_0:
called_computation.1_lowered:
.L_overlay_start_0:
0x88: {  	s2 =	sld [smem:$0x3FD9]  }
0x89: {  	s3 =	sld [smem:$0x3FFE];
	_ =	sdelay $0x1  }
0x8a: {  	s1 =	srdreg.scid  }
0x8b: {  	s0 =	sand.u32 $0x1, s1  }
0x8c: {  	s17 =	sshll.u32 s0, $0xA;
	s2 =	sadd.s32 s3, s2  }
0x8d: {  	s2 =	sadd.s32 s2, s17  }
0x8e: {  	[smem:$0x3FC0] =	sst s2  }
0x8f: {  	_ = 	snop  }
0x90: {  	s2 =	sld [smem:$0x3FD0];
	(tm) =	ssettm $0x1  }
0x91: {  	s18 =	sld [smem:$0x3FFB];
	_ =	sdelay $0x3  }
0x92: {  	_ =	strace s18  }
0x93: {  	s3 =	sld [smem:$0x3FFC];
	_ =	sdelay $0x3  }
0x94: {  	_ =	strace s3  }
0x95: {  	s3 =	sld [smem:$0x3FFD];
	_ =	sdelay $0x3  }
0x96: {  	_ =	strace s3  }
0x97: {  	_ =	strace $0x8FFFFFFF  }
0x98: {  	s19 =	sld [smem:$0x3FDB];
	_ =	sdelay $0x1  }
0x99: {  	s4 =	simm.s32 $_scs_section_size  }
0x9a: {  	s5 =	simm.s32 $_size__tile_overlayer_lowered;
	s6 =	simm.s32 $_tile_overlayer_lowered  }
0x9b: {  	s22 =	simm.s32 $0x1BFF;
	s21 =	sshll.u32 s6, $0x1;
	s3 =	sadd.s32 s4, s19  }
0x9c: {  	s7 =	simm.s32 $0x0;
	s20 =	sshll.u32 s5, $0x1;
	s5 =	sadd.s32 s21, s3  }
0x9d: {  	[timem:s7], [sflag:s22] =	dma.local [hbm:s5], s20  }
0x9e: {  	_ =	swait.ge [sflag:s22], s20  }
0x9f: {  	s4 =	ssub.s32 $0x0, s20;
	[sflag:s22] =	ssyncset.done $0x0  }
0xa0: {  	[sflag:s22] =	ssyncadd.s32 s4;
	_ =	sdelay $0x1  }
0xa1: {  	s23 =	simm.s32 $0x1B8B  }
0xa2: {  	_ =	swait.ge [sflag:s23], $0x1  }
0xa3: {  	[sflag:s23] =	ssyncset.done $0x0  }
0xa4: {  	s25 =	simm.s32 $0x1B8E;
	s24 =	sld [smem:$0x3FFE];
	[sflag:s23] =	ssyncadd.s32 $0xFFFFFFFF  }
0xa5: {  	s26 =	simm.s32 $execute0_lowered;
	[smem:$0x3FD2] =	sst s25  }
0xa6: {  	s5 =	sshll.u32 s26, $0x1;
	_ =	strace $0x80000049;
	[dreg:$0x1] =	wrdreg $0xFFFFFFFF  }
0xa7: {  	s28 =	simm.s32 $_size_execute0_lowered;
	s3 =	sadd.s32 s3, s5;
	[dreg:$0x0] =	wrdreg $0x0  }
0xa8: {  	s5 =	sshll.u32 s28, $0x1;
	[dreg:$0x2] =	wrdreg s3  }
0xa9: {  	[dreg:$0x3] =	wrdreg s5  }
0xaa: {  	[dreg:$0x4] =	wrdreg $0xC0  }
0xab: {  	_ =	task [dreg:s7], $0x5FFFF  }
0xac: {  	[dreg:$0x1] =	wrdreg $0xFFFFFFFF  }
0xad: {  	[dreg:$0x0] =	wrdreg $0x60  }
0xae: {  	[dreg:$0x2] =	wrdreg s24  }
0xaf: {  	[dreg:$0x3] =	wrdreg s2  }
0xb0: {  	[dreg:$0x4] =	wrdreg $0x9  }
0xb1: {  	_ =	task.clear_ibuf [dreg:s7], $0x5FFFF;
	_ =	strace $0x90000049  }
0xb2: {  	s29 =	simm.s32 $0x9;
	_ =	strace $0x8000004B  }
0xb3: {  	_ =	swait.ge [sflag:s29], $0x1  }
0xb4: {  	[sflag:s29] =	ssyncadd.s32 $0xFFFFFFFF  }
0xb5: {  	_ =	strace $0x9000004B  }
0xb6: {  	_ =	sfence  }
0xb7: {  	s30 =	sld [smem:$0x0];
	_ =	sdelay $0x2  }
0xb8: {  	s31 =	sshll.u32 s1, $0xD;
	s1 =	sshrl.u32 s1, $0x2  }
0xb9: {  	s3 =	sand.u32 $0x4000, s31;
	s1 =	sadd.s32 s1, s30  }
0xba: {  	s0 =	sor.u32 s3, s0;
	s1 =	sshll.u32 s1, $0x11  }
0xbb: {  	s0 =	sor.u32 s1, s0  }
0xbc: {  	s0 =	sadd.s32 $0x8F2B, s0  }
0xbd: {  	[sflag:s0] =	ssyncadd.remote.s32 $0x1  }
0xbe: {  	_ =	sfence.sel $0xFFFF  }
0xbf: {  	[dreg:$0x0] =	wrdreg $0xFFFFFFFF;
	(pc) =	sbr.abs _section_cstart, $3  }
0xc0: {  	[dreg:$0x1] =	wrdreg $0xFFFFFFFF  }
0xc1: {  	_ =	task.clear_ibuf [dreg:s7], $0x2FFFF;
	_ =	strace $0x9FFFFFFF  }
0xc2: {  	(tm) =	ssettm $0x7FFFFFFF  }
0xc3: {  	_ =	shalt  }
tec
execute0_lowered:
.L_overlay_start_1:
0x0: {  	(tag) =	ssettag $0x1  }
0x1: {  	s0 =	rddreg [dreg:$0x0]  }
0x2: {  	s1 =	rddreg [dreg:$0x1];
	s3 =	srdreg.scid  }
0x3: {  	s2 =	simm.s32 $0x0;
	s4 =	stileid.u32;
	s28 =	simm.s32 $0x1  }
0x4: {  	s29 =	simm.s32 $0x2;
	s31 =	simm.s32 $0x100;
	s15 =	simm.s32 $0x2100  }
0x5: {  	s16 =	simm.s32 $0x2900;
	s17 =	simm.s32 $0x3100;
	s18 =	simm.s32 $0x3900  }
0x6: {  	s19 =	simm.s32 $0x4100;
	s20 =	simm.s32 $0x4900;
	s3 =	sand.u32 $0x1, s3  }
0x7: {  	[smem:$0x7FF] =	sst s2;
	s4 =	sshll.u32 s4, $0x7;
	s10 =	sadd.s32 $0x2200, s0  }
0x8: {  	s7 =	sadd.s32 $0x2800, s0;
	s5 =	sshll.u32 s3, $0x6;
	_ =	strace $0x8000004A  }
0x9: {  	s6 =	ssub.s32 $0x2, s3;
	s3 =	sadd.s32 $0x2400, s0;
	s9 =	sor.u32 s5, s4  }
0xa: {  	s21 =	sshrl.u32 s6, $0x1;
	s4 =	sadd.s32 $0x2500, s0;
	s5 =	sshrl.u32 s9, $0x3  }
0xb: {  	s11 =	ssub.s32 s6, s21;
	s12 =	sor.u32 $0x10, s9;
	s6 =	sadd.s32 $0x2700, s0  }
0xc: {  	s13 =	sshll.u32 s9, $0x8;
	s14 =	sor.u32 $0x20, s9;
	s9 =	sor.u32 $0x30, s9  }
0xd: {  	s21 =	simm.s32 $0x5100;
	s22 =	sadd.s32 s10, s5;
	s5 =	sadd.s32 $0x2600, s0  }
0xe: {  	s8 =	sshrl.u32 s12, $0x3;
	s13 =	sadd.s32 s1, s13;
	s23 =	sshrl.u32 s14, $0x3  }
0xf: {  	s12 =	sshll.u32 s12, $0x8;
	s24 =	sshrl.u32 s9, $0x3;
	s25 =	sshll.u32 s14, $0x8  }
0x10: {  	s30 =	sshll.u32 s9, $0x8;
	s9 =	sadd.s32 $0x2A00, s0;
	[dreg:$0x3] =	wrdreg s22  }
0x11: {  	s11 =	smax.u32 s11, $0x1;
	s8 =	sadd.s32 s10, s8;
	[dreg:$0x5] =	wrdreg s13  }
0x12: {  	s14 =	simm.s32 $0x1900;
	s13 =	sadd.s32 s10, s23;
	[dreg:$0x4] =	wrdreg s8  }
0x13: {  	s12 =	sadd.s32 s1, s12;
	s10 =	sadd.s32 s10, s24;
	[dreg:$0x6] =	wrdreg s13  }
0x14: {  	s26 =	sadd.s32 s1, s25;
	s1 =	sadd.s32 s1, s30;
	[dreg:$0x7] =	wrdreg s12  }
0x15: {  	s22 =	simm.s32 $0x5900;
	s23 =	simm.s32 $0x6100;
	[dreg:$0x8] =	wrdreg s10  }
0x16: {  	v2 =	vlaneseq.u32;
	s24 =	simm.s32 $0x6900;
	s25 =	simm.s32 $0x7100;
	[dreg:$0x9] =	wrdreg s26  }
0x17: {  	vm0 =	vmmov $0xffff;
	v1 =	vshrl.u32 v2, $0x3;
	s8 =	sadd.s32 $0x2900, s0;
	s10 =	sadd.s32 $0x2B00, s0;
	[dreg:$0xa] =	wrdreg s1  }
0x18: {  	v0 =	vand.u32 $0x7, v2;
	v2 =	vor.u32 $0x8, v2;
	v1 =	vmul.u32 $0x8, v1;
	s12 =	simm.s32 $0x3;
	s13 =	simm.s32 $0x900;
	s26 =	simm.s32 $0x7900  }
.LBB2_1:
0x19: {  	s30 =	rddreg [dreg:$0x3]  }
0x1a: {  	[tilespmem:s2], [sflag:$0x3] =	stream.linear.gather [hbm4b:s30+s2], $0x10, $0x38;
	[tilespmem:$0x10100] =	vst v63  }
0x1b: {  	_ =	swait.ge [sflag:s12], $0x10  }
0x1c: {  	[sflag:s12] =	ssyncset.done $0x0  }
0x1d: {  	[sflag:s12] =	ssyncadd.s32 $0xFFFFFFF0  }
0x1e: {  	v3 =	vld [tilespmem:$0x0];
	_ =	sdelay $0x4  }
0x1f: {  	v4 =	vshll.u32 v3, $0x4  }
0x20: {  	v3 =	vand.u32 $0x7, v3;
	v4 =	vand.u32 $0xFFFFFF80, v4  }
0x21: {  	v3 =	vor.u32 v3, v4  }
0x22: {  	v4 =	vperm.xlane v3, v0;
	_ =	sdelay $0x1  }
0x23: {  	v4 =	vadd.s32 v1, v4;
	_ =	sdelay $0x4  }
0x24: {  	[tilespmem:s31], [sflag:$0x1] =	stream.indirect_vreg.gather [hbm4b:s3+s2], $0x80, v4, vm0, $0xb8;
	[tilespmem:$0x10100] =	vst v63  }
0x25: {  	_ = 	snop  }
0x26: {  	[tilespmem:s13], [sflag:$0x1] =	stream.indirect_vreg.gather [hbm4b:s4+s2], $0x80, v4, vm0, $0xb8;
	[tilespmem:$0x10100] =	vst v63  }
0x27: {  	s1 =	simm.s32 $0x1100  }
0x28: {  	[tilespmem:s1], [sflag:$0x1] =	stream.indirect_vreg.gather [hbm4b:s5+s2], $0x80, v4, vm0, $0xb8;
	[tilespmem:$0x10100] =	vst v63  }
0x29: {  	_ = 	snop  }
0x2a: {  	[tilespmem:s14], [sflag:$0x1] =	stream.indirect_vreg.gather [hbm4b:s6+s2], $0x80, v4, vm0, $0xb8;
	[tilespmem:$0x10100] =	vst v63  }
0x2b: {  	_ = 	snop  }
0x2c: {  	[tilespmem:s15], [sflag:$0x1] =	stream.indirect_vreg.gather [hbm4b:s7+s2], $0x80, v4, vm0, $0xb8;
	[tilespmem:$0x10100] =	vst v63  }
0x2d: {  	v3 =	vperm.xlane v3, v2  }
0x2e: {  	[tilespmem:s16], [sflag:$0x1] =	stream.indirect_vreg.gather [hbm4b:s8+s2], $0x80, v4, vm0, $0xb8;
	[tilespmem:$0x10100] =	vst v63  }
0x2f: {  	v3 =	vadd.s32 v1, v3  }
0x30: {  	[tilespmem:s17], [sflag:$0x1] =	stream.indirect_vreg.gather [hbm4b:s9+s2], $0x80, v4, vm0, $0xb8;
	[tilespmem:$0x10100] =	vst v63  }
0x31: {  	_ = 	snop  }
0x32: {  	[tilespmem:s18], [sflag:$0x1] =	stream.indirect_vreg.gather [hbm4b:s10+s2], $0x80, v4, vm0, $0xb8;
	[tilespmem:$0x10100] =	vst v63  }
0x33: {  	_ = 	snop  }
0x34: {  	[tilespmem:s19], [sflag:$0x1] =	stream.indirect_vreg.gather [hbm4b:s3+s2], $0x80, v3, vm0, $0xb8;
	[tilespmem:$0x10100] =	vst v63  }
0x35: {  	_ = 	snop  }
0x36: {  	[tilespmem:s20], [sflag:$0x1] =	stream.indirect_vreg.gather [hbm4b:s4+s2], $0x80, v3, vm0, $0xb8;
	[tilespmem:$0x10100] =	vst v63  }
0x37: {  	_ = 	snop  }
0x38: {  	[tilespmem:s21], [sflag:$0x1] =	stream.indirect_vreg.gather [hbm4b:s5+s2], $0x80, v3, vm0, $0xb8;
	[tilespmem:$0x10100] =	vst v63  }
0x39: {  	_ = 	snop  }
0x3a: {  	[tilespmem:s22], [sflag:$0x1] =	stream.indirect_vreg.gather [hbm4b:s6+s2], $0x80, v3, vm0, $0xb8;
	[tilespmem:$0x10100] =	vst v63  }
0x3b: {  	_ = 	snop  }
0x3c: {  	[tilespmem:s23], [sflag:$0x1] =	stream.indirect_vreg.gather [hbm4b:s7+s2], $0x80, v3, vm0, $0xb8;
	[tilespmem:$0x10100] =	vst v63  }
0x3d: {  	_ = 	snop  }
0x3e: {  	[tilespmem:s24], [sflag:$0x1] =	stream.indirect_vreg.gather [hbm4b:s8+s2], $0x80, v3, vm0, $0xb8;
	[tilespmem:$0x10100] =	vst v63  }
0x3f: {  	_ = 	snop  }
0x40: {  	[tilespmem:s25], [sflag:$0x1] =	stream.indirect_vreg.gather [hbm4b:s9+s2], $0x80, v3, vm0, $0xb8;
	[tilespmem:$0x10100] =	vst v63  }
0x41: {  	_ = 	snop  }
0x42: {  	[tilespmem:s26], [sflag:$0x1] =	stream.indirect_vreg.gather [hbm4b:s10+s2], $0x80, v3, vm0, $0xb8;
	[tilespmem:$0x10100] =	vst v63  }
0x43: {  	s0 =	simm.s32 $0x80;
	s30 =	rddreg [dreg:$0x4]  }
0x44: {  	[tilespmem:s0], [sflag:$0x3] =	stream.linear.gather [hbm4b:s30+s2], $0x10, $0x38;
	[tilespmem:$0x10100] =	vst v63  }
0x45: {  	_ =	swait.ge [sflag:s12], $0x10  }
0x46: {  	[sflag:s12] =	ssyncset.done $0x0  }
0x47: {  	[sflag:s12] =	ssyncadd.s32 $0xFFFFFFF0  }
0x48: {  	v3 =	vld [tilespmem:$0x80];
	_ =	sdelay $0x4  }
0x49: {  	v61 =	vshll.u32 v3, $0x4  }
0x4a: {  	v3 =	vand.u32 $0x7, v3;
	v4 =	vand.u32 $0xFFFFFF80, v61  }
0x4b: {  	v3 =	vor.u32 v3, v4  }
0x4c: {  	v4 =	vperm.xlane v3, v0;
	_ =	sdelay $0x1  }
0x4d: {  	v4 =	vadd.s32 v1, v4;
	_ =	sdelay $0x3  }
0x4e: {  	s0 =	simm.s32 $0x8100  }
0x4f: {  	[tilespmem:s0], [sflag:$0x2] =	stream.indirect_vreg.gather [hbm4b:s3+s2], $0x80, v4, vm0, $0xb8;
	[tilespmem:$0x10100] =	vst v63  }
0x50: {  	s30 =	simm.s32 $0x8900  }
0x51: {  	[tilespmem:s30], [sflag:$0x2] =	stream.indirect_vreg.gather [hbm4b:s4+s2], $0x80, v4, vm0, $0xb8;
	[tilespmem:$0x10100] =	vst v63  }
0x52: {  	s30 =	simm.s32 $0x9100  }
0x53: {  	[tilespmem:s30], [sflag:$0x2] =	stream.indirect_vreg.gather [hbm4b:s5+s2], $0x80, v4, vm0, $0xb8;
	[tilespmem:$0x10100] =	vst v63  }
0x54: {  	s30 =	simm.s32 $0x9900  }
0x55: {  	[tilespmem:s30], [sflag:$0x2] =	stream.indirect_vreg.gather [hbm4b:s6+s2], $0x80, v4, vm0, $0xb8;
	[tilespmem:$0x10100] =	vst v63  }
0x56: {  	s30 =	simm.s32 $0xA100  }
0x57: {  	[tilespmem:s30], [sflag:$0x2] =	stream.indirect_vreg.gather [hbm4b:s7+s2], $0x80, v4, vm0, $0xb8;
	[tilespmem:$0x10100] =	vst v63  }
0x58: {  	v3 =	vperm.xlane v3, v2;
	s30 =	simm.s32 $0xA900  }
0x59: {  	[tilespmem:s30], [sflag:$0x2] =	stream.indirect_vreg.gather [hbm4b:s8+s2], $0x80, v4, vm0, $0xb8;
	[tilespmem:$0x10100] =	vst v63  }
0x5a: {  	v3 =	vadd.s32 v1, v3;
	s30 =	simm.s32 $0xB100  }
0x5b: {  	[tilespmem:s30], [sflag:$0x2] =	stream.indirect_vreg.gather [hbm4b:s9+s2], $0x80, v4, vm0, $0xb8;
	[tilespmem:$0x10100] =	vst v63  }
0x5c: {  	s30 =	simm.s32 $0xB900  }
0x5d: {  	[tilespmem:s30], [sflag:$0x2] =	stream.indirect_vreg.gather [hbm4b:s10+s2], $0x80, v4, vm0, $0xb8;
	[tilespmem:$0x10100] =	vst v63  }
0x5e: {  	s30 =	simm.s32 $0xC100  }
0x5f: {  	[tilespmem:s30], [sflag:$0x2] =	stream.indirect_vreg.gather [hbm4b:s3+s2], $0x80, v3, vm0, $0xb8;
	[tilespmem:$0x10100] =	vst v63  }
0x60: {  	s30 =	simm.s32 $0xC900  }
0x61: {  	[tilespmem:s30], [sflag:$0x2] =	stream.indirect_vreg.gather [hbm4b:s4+s2], $0x80, v3, vm0, $0xb8;
	[tilespmem:$0x10100] =	vst v63  }
0x62: {  	s30 =	simm.s32 $0xD100  }
0x63: {  	[tilespmem:s30], [sflag:$0x2] =	stream.indirect_vreg.gather [hbm4b:s5+s2], $0x80, v3, vm0, $0xb8;
	[tilespmem:$0x10100] =	vst v63  }
0x64: {  	s30 =	simm.s32 $0xD900  }
0x65: {  	[tilespmem:s30], [sflag:$0x2] =	stream.indirect_vreg.gather [hbm4b:s6+s2], $0x80, v3, vm0, $0xb8;
	[tilespmem:$0x10100] =	vst v63  }
0x66: {  	s30 =	simm.s32 $0xE100  }
0x67: {  	[tilespmem:s30], [sflag:$0x2] =	stream.indirect_vreg.gather [hbm4b:s7+s2], $0x80, v3, vm0, $0xb8;
	[tilespmem:$0x10100] =	vst v63  }
0x68: {  	s30 =	simm.s32 $0xE900  }
0x69: {  	[tilespmem:s30], [sflag:$0x2] =	stream.indirect_vreg.gather [hbm4b:s8+s2], $0x80, v3, vm0, $0xb8;
	[tilespmem:$0x10100] =	vst v63  }
0x6a: {  	s30 =	simm.s32 $0xF100  }
0x6b: {  	[tilespmem:s30], [sflag:$0x2] =	stream.indirect_vreg.gather [hbm4b:s9+s2], $0x80, v3, vm0, $0xb8;
	[tilespmem:$0x10100] =	vst v63  }
0x6c: {  	s30 =	simm.s32 $0xF900  }
0x6d: {  	[tilespmem:s30], [sflag:$0x2] =	stream.indirect_vreg.gather [hbm4b:s10+s2], $0x80, v3, vm0, $0xb8;
	[tilespmem:$0x10100] =	vst v63  }
0x6e: {  	_ =	swait.ge [sflag:s28], $0x8000  }
0x6f: {  	[sflag:s28] =	ssyncset.done $0x0  }
0x70: {  	s30 =	rddreg [dreg:$0x5];
	[sflag:s28] =	ssyncadd.s32 $0xFFFF8000  }
0x71: {  	[hbm4b:s30+s2] =	stream.linear.scatter [tilespmem:s31], [sflag:$0x3], $0x8000, $0x38;
	[tilespmem:$0x10100] =	vst v63  }
0x72: {  	_ =	swait.ge [sflag:s12], $0x8000  }
0x73: {  	[sflag:s12] =	ssyncset.done $0x0  }
0x74: {  	s30 =	rddreg [dreg:$0x6];
	[sflag:s12] =	ssyncadd.s32 $0xFFFF8000  }
0x75: {  	[tilespmem:s2], [sflag:$0x3] =	stream.linear.gather [hbm4b:s30+s2], $0x10, $0x38;
	[tilespmem:$0x10100] =	vst v63  }
0x76: {  	_ =	swait.ge [sflag:s12], $0x10  }
0x77: {  	[sflag:s12] =	ssyncset.done $0x0  }
0x78: {  	[sflag:s12] =	ssyncadd.s32 $0xFFFFFFF0  }
0x79: {  	v3 =	vld [tilespmem:$0x0];
	_ =	sdelay $0x4  }
0x7a: {  	v62 =	vshll.u32 v3, $0x4  }
0x7b: {  	v3 =	vand.u32 $0x7, v3;
	v4 =	vand.u32 $0xFFFFFF80, v62  }
0x7c: {  	v3 =	vor.u32 v3, v4  }
0x7d: {  	v4 =	vperm.xlane v3, v0;
	_ =	sdelay $0x1  }
0x7e: {  	v4 =	vadd.s32 v1, v4;
	_ =	sdelay $0x4  }
0x7f: {  	[tilespmem:s31], [sflag:$0x1] =	stream.indirect_vreg.gather [hbm4b:s3+s2], $0x80, v4, vm0, $0xb8;
	[tilespmem:$0x10100] =	vst v63  }
0x80: {  	_ = 	snop  }
0x81: {  	[tilespmem:s13], [sflag:$0x1] =	stream.indirect_vreg.gather [hbm4b:s4+s2], $0x80, v4, vm0, $0xb8;
	[tilespmem:$0x10100] =	vst v63  }
0x82: {  	_ = 	snop  }
0x83: {  	[tilespmem:s1], [sflag:$0x1] =	stream.indirect_vreg.gather [hbm4b:s5+s2], $0x80, v4, vm0, $0xb8;
	[tilespmem:$0x10100] =	vst v63  }
0x84: {  	_ = 	snop  }
0x85: {  	[tilespmem:s14], [sflag:$0x1] =	stream.indirect_vreg.gather [hbm4b:s6+s2], $0x80, v4, vm0, $0xb8;
	[tilespmem:$0x10100] =	vst v63  }
0x86: {  	_ = 	snop  }
0x87: {  	[tilespmem:s15], [sflag:$0x1] =	stream.indirect_vreg.gather [hbm4b:s7+s2], $0x80, v4, vm0, $0xb8;
	[tilespmem:$0x10100] =	vst v63  }
0x88: {  	v3 =	vperm.xlane v3, v2  }
0x89: {  	[tilespmem:s16], [sflag:$0x1] =	stream.indirect_vreg.gather [hbm4b:s8+s2], $0x80, v4, vm0, $0xb8;
	[tilespmem:$0x10100] =	vst v63  }
0x8a: {  	v3 =	vadd.s32 v1, v3  }
0x8b: {  	[tilespmem:s17], [sflag:$0x1] =	stream.indirect_vreg.gather [hbm4b:s9+s2], $0x80, v4, vm0, $0xb8;
	[tilespmem:$0x10100] =	vst v63  }
0x8c: {  	_ = 	snop  }
0x8d: {  	[tilespmem:s18], [sflag:$0x1] =	stream.indirect_vreg.gather [hbm4b:s10+s2], $0x80, v4, vm0, $0xb8;
	[tilespmem:$0x10100] =	vst v63  }
0x8e: {  	_ = 	snop  }
0x8f: {  	[tilespmem:s19], [sflag:$0x1] =	stream.indirect_vreg.gather [hbm4b:s3+s2], $0x80, v3, vm0, $0xb8;
	[tilespmem:$0x10100] =	vst v63  }
0x90: {  	_ = 	snop  }
0x91: {  	[tilespmem:s20], [sflag:$0x1] =	stream.indirect_vreg.gather [hbm4b:s4+s2], $0x80, v3, vm0, $0xb8;
	[tilespmem:$0x10100] =	vst v63  }
0x92: {  	_ = 	snop  }
0x93: {  	[tilespmem:s21], [sflag:$0x1] =	stream.indirect_vreg.gather [hbm4b:s5+s2], $0x80, v3, vm0, $0xb8;
	[tilespmem:$0x10100] =	vst v63  }
0x94: {  	_ = 	snop  }
0x95: {  	[tilespmem:s22], [sflag:$0x1] =	stream.indirect_vreg.gather [hbm4b:s6+s2], $0x80, v3, vm0, $0xb8;
	[tilespmem:$0x10100] =	vst v63  }
0x96: {  	_ = 	snop  }
0x97: {  	[tilespmem:s23], [sflag:$0x1] =	stream.indirect_vreg.gather [hbm4b:s7+s2], $0x80, v3, vm0, $0xb8;
	[tilespmem:$0x10100] =	vst v63  }
0x98: {  	_ = 	snop  }
0x99: {  	[tilespmem:s24], [sflag:$0x1] =	stream.indirect_vreg.gather [hbm4b:s8+s2], $0x80, v3, vm0, $0xb8;
	[tilespmem:$0x10100] =	vst v63  }
0x9a: {  	_ = 	snop  }
0x9b: {  	[tilespmem:s25], [sflag:$0x1] =	stream.indirect_vreg.gather [hbm4b:s9+s2], $0x80, v3, vm0, $0xb8;
	[tilespmem:$0x10100] =	vst v63  }
0x9c: {  	_ = 	snop  }
0x9d: {  	[tilespmem:s26], [sflag:$0x1] =	stream.indirect_vreg.gather [hbm4b:s10+s2], $0x80, v3, vm0, $0xb8;
	[tilespmem:$0x10100] =	vst v63  }
0x9e: {  	_ =	swait.ge [sflag:s29], $0x8000  }
0x9f: {  	[sflag:s29] =	ssyncset.done $0x0  }
0xa0: {  	s1 =	rddreg [dreg:$0x7];
	[sflag:s29] =	ssyncadd.s32 $0xFFFF8000  }
0xa1: {  	[hbm4b:s1+s2] =	stream.linear.scatter [tilespmem:s0], [sflag:$0x3], $0x8000, $0x38;
	[tilespmem:$0x10100] =	vst v63  }
0xa2: {  	_ =	swait.ge [sflag:s12], $0x8000  }
0xa3: {  	[sflag:s12] =	ssyncset.done $0x0  }
0xa4: {  	s1 =	simm.s32 $0x80;
	s30 =	rddreg [dreg:$0x8];
	[sflag:s12] =	ssyncadd.s32 $0xFFFF8000  }
0xa5: {  	[tilespmem:s1], [sflag:$0x3] =	stream.linear.gather [hbm4b:s30+s2], $0x10, $0x38;
	[tilespmem:$0x10100] =	vst v63  }
0xa6: {  	_ =	swait.ge [sflag:s12], $0x10  }
0xa7: {  	[sflag:s12] =	ssyncset.done $0x0  }
0xa8: {  	[sflag:s12] =	ssyncadd.s32 $0xFFFFFFF0  }
0xa9: {  	v3 =	vld [tilespmem:$0x80];
	_ =	sdelay $0x4  }
0xaa: {  	v63 =	vshll.u32 v3, $0x4  }
0xab: {  	v3 =	vand.u32 $0x7, v3;
	v4 =	vand.u32 $0xFFFFFF80, v63  }
0xac: {  	v3 =	vor.u32 v3, v4  }
0xad: {  	v4 =	vperm.xlane v3, v0;
	_ =	sdelay $0x1  }
0xae: {  	v4 =	vadd.s32 v1, v4;
	_ =	sdelay $0x4  }
0xaf: {  	[tilespmem:s0], [sflag:$0x2] =	stream.indirect_vreg.gather [hbm4b:s3+s2], $0x80, v4, vm0, $0xb8;
	[tilespmem:$0x10100] =	vst v63  }
0xb0: {  	s30 =	simm.s32 $0x8900  }
0xb1: {  	[tilespmem:s30], [sflag:$0x2] =	stream.indirect_vreg.gather [hbm4b:s4+s2], $0x80, v4, vm0, $0xb8;
	[tilespmem:$0x10100] =	vst v63  }
0xb2: {  	s30 =	simm.s32 $0x9100  }
0xb3: {  	[tilespmem:s30], [sflag:$0x2] =	stream.indirect_vreg.gather [hbm4b:s5+s2], $0x80, v4, vm0, $0xb8;
	[tilespmem:$0x10100] =	vst v63  }
0xb4: {  	s30 =	simm.s32 $0x9900  }
0xb5: {  	[tilespmem:s30], [sflag:$0x2] =	stream.indirect_vreg.gather [hbm4b:s6+s2], $0x80, v4, vm0, $0xb8;
	[tilespmem:$0x10100] =	vst v63  }
0xb6: {  	s30 =	simm.s32 $0xA100  }
0xb7: {  	[tilespmem:s30], [sflag:$0x2] =	stream.indirect_vreg.gather [hbm4b:s7+s2], $0x80, v4, vm0, $0xb8;
	[tilespmem:$0x10100] =	vst v63  }
0xb8: {  	v3 =	vperm.xlane v3, v2;
	s30 =	simm.s32 $0xA900  }
0xb9: {  	[tilespmem:s30], [sflag:$0x2] =	stream.indirect_vreg.gather [hbm4b:s8+s2], $0x80, v4, vm0, $0xb8;
	[tilespmem:$0x10100] =	vst v63  }
0xba: {  	v3 =	vadd.s32 v1, v3;
	s30 =	simm.s32 $0xB100  }
0xbb: {  	[tilespmem:s30], [sflag:$0x2] =	stream.indirect_vreg.gather [hbm4b:s9+s2], $0x80, v4, vm0, $0xb8;
	[tilespmem:$0x10100] =	vst v63  }
0xbc: {  	s30 =	simm.s32 $0xB900  }
0xbd: {  	[tilespmem:s30], [sflag:$0x2] =	stream.indirect_vreg.gather [hbm4b:s10+s2], $0x80, v4, vm0, $0xb8;
	[tilespmem:$0x10100] =	vst v63  }
0xbe: {  	s30 =	simm.s32 $0xC100  }
0xbf: {  	[tilespmem:s30], [sflag:$0x2] =	stream.indirect_vreg.gather [hbm4b:s3+s2], $0x80, v3, vm0, $0xb8;
	[tilespmem:$0x10100] =	vst v63  }
0xc0: {  	s30 =	simm.s32 $0xC900  }
0xc1: {  	[tilespmem:s30], [sflag:$0x2] =	stream.indirect_vreg.gather [hbm4b:s4+s2], $0x80, v3, vm0, $0xb8;
	[tilespmem:$0x10100] =	vst v63  }
0xc2: {  	s30 =	simm.s32 $0xD100  }
0xc3: {  	[tilespmem:s30], [sflag:$0x2] =	stream.indirect_vreg.gather [hbm4b:s5+s2], $0x80, v3, vm0, $0xb8;
	[tilespmem:$0x10100] =	vst v63  }
0xc4: {  	s30 =	simm.s32 $0xD900  }
0xc5: {  	[tilespmem:s30], [sflag:$0x2] =	stream.indirect_vreg.gather [hbm4b:s6+s2], $0x80, v3, vm0, $0xb8;
	[tilespmem:$0x10100] =	vst v63  }
0xc6: {  	s30 =	simm.s32 $0xE100  }
0xc7: {  	[tilespmem:s30], [sflag:$0x2] =	stream.indirect_vreg.gather [hbm4b:s7+s2], $0x80, v3, vm0, $0xb8;
	[tilespmem:$0x10100] =	vst v63  }
0xc8: {  	s30 =	simm.s32 $0xE900  }
0xc9: {  	[tilespmem:s30], [sflag:$0x2] =	stream.indirect_vreg.gather [hbm4b:s8+s2], $0x80, v3, vm0, $0xb8;
	[tilespmem:$0x10100] =	vst v63  }
0xca: {  	s30 =	simm.s32 $0xF100  }
0xcb: {  	[tilespmem:s30], [sflag:$0x2] =	stream.indirect_vreg.gather [hbm4b:s9+s2], $0x80, v3, vm0, $0xb8;
	[tilespmem:$0x10100] =	vst v63  }
0xcc: {  	s30 =	simm.s32 $0xF900  }
0xcd: {  	[tilespmem:s30], [sflag:$0x2] =	stream.indirect_vreg.gather [hbm4b:s10+s2], $0x80, v3, vm0, $0xb8;
	[tilespmem:$0x10100] =	vst v63  }
0xce: {  	_ =	swait.ge [sflag:s28], $0x8000  }
0xcf: {  	[sflag:s28] =	ssyncset.done $0x0  }
0xd0: {  	s1 =	rddreg [dreg:$0x9];
	[sflag:s28] =	ssyncadd.s32 $0xFFFF8000  }
0xd1: {  	[hbm4b:s1+s2] =	stream.linear.scatter [tilespmem:s31], [sflag:$0x3], $0x8000, $0x38;
	[tilespmem:$0x10100] =	vst v63  }
0xd2: {  	_ =	swait.ge [sflag:s12], $0x8000  }
0xd3: {  	[sflag:s12] =	ssyncset.done $0x0  }
0xd4: {  	[sflag:s12] =	ssyncadd.s32 $0xFFFF8000  }
0xd5: {  	_ =	swait.ge [sflag:s29], $0x8000  }
0xd6: {  	p0 =	sne.s32 s11, $0x1;
	[sflag:s29] =	ssyncset.done $0x0  }
.Ltmp0:
0xd7: {  	s1 =	rddreg [dreg:$0xa];
	[sflag:s29] =	ssyncadd.s32 $0xFFFF8000;
	(pc) =	sbr.rel @p0 .LBB2_1-.Ltmp0, $4  }
0xd8: {  	[hbm4b:s1+s2] =	stream.linear.scatter [tilespmem:s0], [sflag:$0x3], $0x8000, $0x38;
	[tilespmem:$0x10100] =	vst v63  }
0xd9: {  	_ =	swait.ge [sflag:s12], $0x8000  }
0xda: {  	[sflag:s12] =	ssyncset.done $0x0  }
0xdb: {  	s11 =	sadd.s32 $0xFFFFFFFF, s11;
	[sflag:s12] =	ssyncadd.s32 $0xFFFF8000  }
0xdc: {  	_ =	sfence.sel $0x180000  }
0xdd: {  	[bflag:$0x0] =	sbarrier.arrive $0xFFFF  }
0xde: {  	_ =	strace $0x9000004A  }
0xdf: {  	s0 =	stileid.u32;
	[bflag:$0x2] =	sbarrier.arrive $0xFFFF  }
0xe0: {  	p0 =	sne.s32 s0, $0x0;
	s0 =	rddreg [dreg:$0x2]  }
0xe1: {  	s0 =	sadd.s32 @!p0 $0x100000, s0  }
0xe2: {  	[sflag:s0] =	ssyncadd.tile.s32 @!p0 $0x1;
	_ =	shalt  }
.Lfunc_end2:
_tile_overlayer_lowered:
.L_overlay_start_2:
0xe3: {  	(tag) =	ssettag $0x2  }
0xe4: {  	s0 =	rddreg [dreg:$0x0];
	s2 =	stileid.u32  }
0xe5: {  	s1 =	rddreg [dreg:$0x1];
	p0 =	sne.s32 s2, $0x0  }
0xe6: {  	s3 =	rddreg [dreg:$0x2];
	[bflag:$0x3] =	sbarrier.arrive $0xFFFF;
	s2 =	simm.s32 @!p0 $0x1C03  }
0xe7: {  	[timem:s3], [sflag:s2] =	dma.local @!p0 [hbm:s0], s1  }
0xe8: {  	s0 =	simm.s32 @!p0 $0x3  }
0xe9: {  	_ =	swait.ge @!p0 [sflag:s0], s1  }
0xea: {  	s1 =	ssub.s32 @!p0 $0x0, s1;
	[sflag:s0] =	ssyncset.done @!p0 $0x0  }
0xeb: {  	[sflag:s0] =	ssyncadd.s32 @!p0 s1  }
0xec: {  	[bflag:$0x3] =	sbarrier.arrive $0xFFFF  }
0xed: {  	_ =	shalt  }

</sc_bundles>
